<compile_context>
chip_gen: v7x
topology: tpu7x:2x2x1
jax: 0.10.2.dev20260603
libtpu: 0.0.44.dev20260713+nightly
codegen_flags: <defaults>
</compile_context>

<pallas_src>
import functools

import jax
import jax.numpy as jnp
from jax import lax
from jax.experimental import pallas as pl
from jax.experimental.pallas import tpu as pltpu
from jax.experimental.pallas import tpu_sc as plsc

NN_K = 10
LOSS_EPS = 1e-8
SWEEPS = 10
_F32_EPS = float(jnp.finfo(jnp.float32).eps)


def _sc_gather(predT, idx12):
    RB, N = predT.shape
    B = idx12.shape[0]
    CH = 128
    chunks_per_row = N // CH
    n_chunks = RB * chunks_per_row
    n_workers = 32
    per_w = n_chunks // n_workers
    mesh = plsc.VectorSubcoreMesh(core_axis_name="c", subcore_axis_name="s")

    @functools.partial(
        pl.kernel,
        mesh=mesh,
        out_type=jax.ShapeDtypeStruct((RB, N), jnp.float32),
        scratch_types=[
            pltpu.VMEM((CH,), jnp.int32),
            pltpu.VMEM((CH,), jnp.float32),
            pltpu.SemaphoreType.DMA,
        ],
    )
    def k(pred_hbm, idx_hbm, out_hbm, idx_v, out_v, sem):
        wid = lax.axis_index("s") * 2 + lax.axis_index("c")
        for t in range(per_w):
            g = wid * per_w + t
            r = g // chunks_per_row
            off = (g % chunks_per_row) * CH
            b = lax.rem(r, B)
            pltpu.sync_copy(idx_hbm.at[b, pl.ds(off, CH)], idx_v)
            base = r * N

            def body(i, _):
                st = pl.multiple_of(i * 16, 16)
                idx_v[pl.ds(st, 16)] = idx_v[pl.ds(st, 16)] + base
                return 0

            lax.fori_loop(0, CH // 16, body, 0)
            pltpu.async_copy(pred_hbm.at[idx_v], out_v, sem).wait()
            pltpu.sync_copy(out_v, out_hbm.at[r, pl.ds(off, CH)])

    return k(predT.reshape(RB * N), idx12)


def _ka_body(p_ref, s12_ref):
    bq = s12_ref.shape[2]
    qi = pl.program_id(1)
    P = p_ref[0]
    Qt = p_ref[0, :, pl.ds(qi * bq, bq)]
    px, py, pz = P[0:1], P[1:2], P[2:3]
    sqp = px * px + py * py + pz * pz
    sqq1 = jnp.transpose(jnp.sum(Qt * Qt, axis=0, keepdims=True)) + 1.0
    dot = lax.dot_general(Qt, P, dimension_numbers=(((0,), (0,)), ((), ())))
    d2 = (sqq1 + sqp) - 2.0 * dot
    iota = lax.broadcasted_iota(jnp.int32, (1, d2.shape[1]), 1)
    key = jnp.bitwise_or(
        jnp.bitwise_and(lax.bitcast_convert_type(d2, jnp.int32),
                        jnp.int32(-2048)), iota)
    keyf = lax.bitcast_convert_type(key, jnp.float32)
    inf = jnp.float32(jnp.inf)
    for _ in range(NN_K):
        mn = jnp.min(keyf, axis=1, keepdims=True)
        keyf = jnp.where(keyf == mn, inf, keyf)
    m = (keyf == inf).astype(jnp.float32)
    p9 = jnp.concatenate(
        [P, px * px, py * px, pz * px, py * py, pz * py, pz * pz],
        axis=0)
    mb = m.astype(jnp.bfloat16)
    p9h = p9.astype(jnp.bfloat16)
    p9l = (p9 - p9h.astype(jnp.float32)).astype(jnp.bfloat16)
    dims = (((1,), (1,)), ((), ()))
    f32 = jnp.float32
    s12 = (lax.dot_general(mb, p9h, dims, preferred_element_type=f32) +
           lax.dot_general(mb, p9l, dims, preferred_element_type=f32))
    s12_ref[0] = jnp.transpose(s12)


def _cov_sums(clouds_t, bq, interpret=False):
    C, _, N = clouds_t.shape
    grid = (C, N // bq)
    return pl.pallas_call(
        _ka_body,
        grid=grid,
        in_specs=[
            pl.BlockSpec((1, 3, N), lambda c, q: (c, 0, 0)),
        ],
        out_specs=pl.BlockSpec((1, 9, bq), lambda c, q: (c, 0, q)),
        out_shape=jax.ShapeDtypeStruct((C, 9, N), jnp.float32),
        interpret=interpret,
    )(clouds_t)


def _jacobi_normal(c00, c01, c02, c11, c12, c22):
    W = [[c00, c01, c02], [c01, c11, c12], [c02, c12, c22]]
    one = jnp.ones_like(c00)
    zero = jnp.zeros_like(c00)
    V = [[one, zero, zero], [zero, one, zero], [zero, zero, one]]
    tiny = jnp.float32(0.1 * _F32_EPS)
    for _ in range(SWEEPS):
        for (p, q) in [(0, 2), (2, 1), (0, 1)]:
            app, aqq, apq = W[p][p], W[q][q], W[p][q]
            tau = (aqq - app) / (2.0 * apq)
            sq = jnp.sqrt(1.0 + tau * tau)
            t = 1.0 / (tau + jnp.where(tau >= 0, sq, -sq))
            off_tiny = jnp.abs(apq) <= tiny * jnp.minimum(
                jnp.abs(app), jnp.abs(aqq))
            t = jnp.where(off_tiny, 0.0, t)
            c = lax.rsqrt(1.0 + t * t)
            s = t * c
            rt1 = app - t * apq
            rt2 = aqq + t * apq
            for j in range(3):
                wp, wq = W[p][j], W[q][j]
                W[p][j] = wp * c - wq * s
                W[q][j] = wp * s + wq * c
            for i in range(3):
                wp, wq = W[i][p], W[i][q]
                W[i][p] = wp * c - wq * s
                W[i][q] = wp * s + wq * c
            W[p][p] = rt1
            W[q][q] = rt2
            W[p][q] = zero
            W[q][p] = zero
            for j in range(3):
                vp, vq = V[p][j], V[q][j]
                V[p][j] = vp * c - vq * s
                V[q][j] = vp * s + vq * c
    w0, w1, w2 = W[0][0], W[1][1], W[2][2]
    j1 = jnp.where(w1 < w0, 1, 0)
    wmin = jnp.where(w1 < w0, w1, w0)
    jstar = jnp.where(w2 < wmin, 2, j1)
    is0 = jstar == 0
    is1 = jstar == 1
    nx = jnp.where(is0, V[0][0], jnp.where(is1, V[1][0], V[2][0]))
    ny = jnp.where(is0, V[0][1], jnp.where(is1, V[1][1], V[2][1]))
    nz = jnp.where(is0, V[0][2], jnp.where(is1, V[1][2], V[2][2]))
    return nx, ny, nz


def _cov_from_sums(s1_ref, s2_ref):
    k = float(NN_K)
    mu0, mu1, mu2 = s1_ref[0] / k, s1_ref[1] / k, s1_ref[2] / k
    return (s2_ref[0] / k - mu0 * mu0, s2_ref[1] / k - mu1 * mu0,
            s2_ref[2] / k - mu2 * mu0, s2_ref[3] / k - mu1 * mu1,
            s2_ref[4] / k - mu2 * mu1, s2_ref[5] / k - mu2 * mu2)


def _kb_body(g1_ref, g2_ref, p1_ref, p2_ref, out_ref):
    gx, gy, gz = _jacobi_normal(*_cov_from_sums(g1_ref, g2_ref))
    ax, ay, az = _jacobi_normal(*_cov_from_sums(p1_ref, p2_ref))
    num = ax * gx + ay * gy + az * gz
    na = jnp.maximum(jnp.sqrt(ax * ax + ay * ay + az * az),
                     jnp.float32(LOSS_EPS))
    nb = jnp.maximum(jnp.sqrt(gx * gx + gy * gy + gz * gz),
                     jnp.float32(LOSS_EPS))
    out_ref[0] = jnp.reshape(jnp.sum(1.0 - num / (na * nb)), (1, 1))


def _loss_partials(g1, g2, p1, p2, interpret=False):
    G = 8
    sb = g1.shape[1] // G
    return pl.pallas_call(
        _kb_body,
        grid=(G,),
        in_specs=[
            pl.BlockSpec((3, sb, 128), lambda i: (0, i, 0)),
            pl.BlockSpec((6, sb, 128), lambda i: (0, i, 0)),
            pl.BlockSpec((3, sb, 128), lambda i: (0, i, 0)),
            pl.BlockSpec((6, sb, 128), lambda i: (0, i, 0)),
        ],
        out_specs=pl.BlockSpec((1, 1, 1), lambda i: (i, 0, 0)),
        out_shape=jax.ShapeDtypeStruct((G, 1, 1), jnp.float32),
        interpret=interpret,
    )(g1, g2, p1, p2)


def _loss_from_clouds(gt, pg, bq=1024, interpret=False):
    B, N, _ = gt.shape
    gt_t = jnp.transpose(gt, (0, 2, 1))
    clouds_t = jnp.concatenate([gt_t, jnp.transpose(pg, (1, 0, 2))], axis=0)
    s12 = _cov_sums(clouds_t, bq, interpret)
    planes = jnp.transpose(s12, (1, 0, 2)).reshape(9, 2 * B * N)
    half = B * N
    rows = half // 128
    g1 = planes[0:3, :half].reshape(3, rows, 128)
    p1 = planes[0:3, half:].reshape(3, rows, 128)
    g2 = planes[3:9, :half].reshape(6, rows, 128)
    p2 = planes[3:9, half:].reshape(6, rows, 128)
    partials = _loss_partials(g1, g2, p1, p2, interpret)
    return jnp.sum(partials) / jnp.float32(B * N)


def kernel(gt, pred, idx12):
    B, N, D = gt.shape
    predT = jnp.transpose(pred, (2, 0, 1)).reshape(D * B, N)
    pg = _sc_gather(predT, idx12.astype(jnp.int32)).reshape(D, B, N)
    return _loss_from_clouds(gt, pg)

# --- scband reference (transcript-rebuilt; emitter-appended) ---
"""Pipeline reference for scband-normal-loss-1382979470110 (READ-ONLY COPY).

The authoritative reference and input builder live on the scoring server;
editing this copy changes nothing except your own understanding.
"""

import jax, jax.numpy as jnp
import numpy as np

NN_SIZE = 10
EPS = 1e-8


def setup_inputs(seed: int = 0):
    key = jax.random.key(seed)
    k1, k2, k3 = jax.random.split(key, 3)
    B, N = 4, 2048
    gt = jax.random.normal(k1, (B, N, 3), dtype=jnp.float32)
    pred = jax.random.normal(k2, (B, N, 3), dtype=jnp.float32)
    idx12 = jax.random.randint(k3, (B, N), 0, N, dtype=jnp.int32)
    return {"gt": gt, "pred": pred, "idx12": idx12}


def batch_normals(points, nn_size):
    # points: (B, N, 3). Brute-force kNN (self included, dist 0) then PCA normal.
    sq = jnp.sum(points * points, axis=-1)  # (B, N)
    d2 = sq[:, :, None] + sq[:, None, :] - 2.0 * jnp.einsum('bnd,bmd->bnm', points, points)
    _, idx = jax.lax.top_k(-d2, nn_size)  # (B, N, k)
    grouped = jax.vmap(lambda p, i: p[i])(points, idx)  # (B, N, k, 3)
    centered = grouped - jnp.mean(grouped, axis=2, keepdims=True)
    cov = jnp.einsum('bnki,bnkj->bnij', centered, centered) / float(nn_size)  # (B,N,3,3)
    w, v = jnp.linalg.eigh(cov)
    normals = v[..., :, 0]  # eigenvector of smallest eigenvalue
    return normals, idx


def cosine_sim(a, b):
    num = jnp.sum(a * b, axis=-1)
    na = jnp.maximum(jnp.linalg.norm(a, axis=-1), EPS)
    nb = jnp.maximum(jnp.linalg.norm(b, axis=-1), EPS)
    return num / (na * nb)


def reference(gt, pred, idx12):
    gt_normals, _ = batch_normals(gt, NN_SIZE)
    idx_e = jnp.broadcast_to(idx12[..., None].astype(jnp.int32), pred.shape)
    pred_g = jnp.take_along_axis(pred, idx_e, axis=1)  # gather correspondence
    pred_normals, _ = batch_normals(pred_g, NN_SIZE)
    loss = 1.0 - cosine_sim(pred_normals, gt_normals)
    return loss.mean()

if __name__ == "__main__":
    import jax
    _d = setup_inputs()
    print(jax.jit(kernel)(*tuple(_d.values())))

</pallas_src>

<mosaic_0001>
#map = affine_map<(d0, d1) -> (0)>
#map1 = affine_map<(d0, d1) -> (0, 0)>
module attributes {stable_mosaic.version = 14 : i64} {
  func.func @k(%arg0: i32, %arg1: i32, %arg2: memref<24576xf32, #tpu.memory_space<hbm>>, %arg3: memref<4x2048xi32, #tpu.memory_space<hbm>>, %arg4: memref<12x2048xf32, #tpu.memory_space<hbm>>, %arg5: memref<128xi32, #tpu.memory_space<vmem>>, %arg6: memref<128xf32, #tpu.memory_space<vmem>>, %arg7: memref<!tpu.dma_semaphore, #tpu.memory_space<semaphore_mem>>) attributes {dimension_semantics = [#tpu.dimension_semantics<core_parallel>, #tpu.dimension_semantics<subcore_parallel>], iteration_bounds = array<i64: 2, 16>, scalar_prefetch = 0 : i64, scratch_operands = 3 : i64, tpu.core_type = #tpu.core_type<sc_vector_subcore>, window_params = [{transform_indices = #map}, {transform_indices = #map1}, {transform_indices = #map1}]} {
    %mul3A = arith.constant 2 : i32
    %mul3A_0 = arith.muli %arg1, %mul3A : i32
    %add3A = arith.addi %mul3A_0, %arg0 : i32
    %mul3A_1 = arith.constant 6 : i32
    %mul3A_2 = arith.muli %add3A, %mul3A_1 : i32
    %add3A_3 = arith.constant 0 : i32
    %add3A_4 = arith.addi %mul3A_2, %add3A_3 : i32
    %jit3A = arith.constant 16 : i32
    %div3A = arith.divsi %add3A_4, %jit3A : i32
    %sign3A = arith.constant 0 : i32
    %sign3A_5 = arith.cmpi sgt, %add3A_4, %sign3A : i32
    %sign3A_6 = arith.extui %sign3A_5 : i1 to i32
    %sign3A_7 = arith.constant 0 : i32
    %sign3A_8 = arith.cmpi slt, %add3A_4, %sign3A_7 : i32
    %sign3A_9 = arith.extui %sign3A_8 : i1 to i32
    %sign3A_10 = arith.subi %sign3A_6, %sign3A_9 : i32
    %sign3A_11 = arith.constant 0 : i32
    %sign3A_12 = arith.cmpi sgt, %jit3A, %sign3A_11 : i32
    %sign3A_13 = arith.extui %sign3A_12 : i1 to i32
    %sign3A_14 = arith.constant 0 : i32
    %sign3A_15 = arith.cmpi slt, %jit3A, %sign3A_14 : i32
    %sign3A_16 = arith.extui %sign3A_15 : i1 to i32
    %sign3A_17 = arith.subi %sign3A_13, %sign3A_16 : i32
    %ne3A = arith.cmpi ne, %sign3A_10, %sign3A_17 : i32
    %rem3A = arith.remsi %add3A_4, %jit3A : i32
    %ne3A_18 = arith.constant 0 : i32
    %ne3A_19 = arith.cmpi ne, %rem3A, %ne3A_18 : i32
    %and3A = arith.andi %ne3A, %ne3A_19 : i1
    %sub3A = arith.constant 1 : i32
    %sub3A_20 = arith.subi %div3A, %sub3A : i32
    %select_n3A = arith.select %and3A, %sub3A_20, %div3A : i32
    %jit3A_21 = arith.constant 16 : i32
    %eq3A = arith.constant 0 : i32
    %eq3A_22 = arith.cmpi eq, %jit3A_21, %eq3A : i32
    %jit3A_23 = arith.constant 1 : i32
    %select_n3A_24 = arith.select %eq3A_22, %jit3A_23, %jit3A_21 : i32
    %rem3A_25 = arith.remsi %add3A_4, %select_n3A_24 : i32
    %ne3A_26 = arith.constant 0 : i32
    %ne3A_27 = arith.cmpi ne, %rem3A_25, %ne3A_26 : i32
    %lt3A = arith.constant 0 : i32
    %lt3A_28 = arith.cmpi slt, %rem3A_25, %lt3A : i32
    %lt3A_29 = arith.constant 0 : i32
    %lt3A_30 = arith.cmpi slt, %select_n3A_24, %lt3A_29 : i32
    %ne3A_31 = arith.xori %lt3A_28, %lt3A_30 : i1
    %and3A_32 = arith.andi %ne3A_31, %ne3A_27 : i1
    %add3A_33 = arith.addi %rem3A_25, %select_n3A_24 : i32
    %select_n3A_34 = arith.select %and3A_32, %add3A_33, %rem3A_25 : i32
    %mul3A_35 = arith.constant 128 : i32
    %mul3A_36 = arith.muli %select_n3A_34, %mul3A_35 : i32
    %rem3A_37 = arith.constant 4 : i32
    %rem3A_38 = arith.remsi %select_n3A, %rem3A_37 : i32
    "tpu.region"() ({
      %run_scoped3A = tpu.sem_alloc : memref<!tpu.dma_semaphore, #tpu.memory_space<semaphore_mem>>
      %dma_start3A_354 = tpu.memref_slice %arg3[%rem3A_38, %mul3A_36] : memref<4x2048xi32, #tpu.memory_space<hbm>> -> memref<1x128xi32, #tpu.memory_space<hbm>>
      %dma_start3A_355 = tpu.memref_squeeze %dma_start3A_354 : memref<1x128xi32, #tpu.memory_space<hbm>> -> memref<128xi32, #tpu.memory_space<hbm>>
      %dma_start3A_356 = tpu.memref_slice %arg3[%rem3A_38, %mul3A_36] : memref<4x2048xi32, #tpu.memory_space<hbm>> -> memref<1x128xi32, #tpu.memory_space<hbm>>
      %dma_start3A_357 = tpu.memref_squeeze %dma_start3A_356 : memref<1x128xi32, #tpu.memory_space<hbm>> -> memref<128xi32, #tpu.memory_space<hbm>>
      tpu.enqueue_dma source(%dma_start3A_357 : memref<128xi32, #tpu.memory_space<hbm>>) target(%arg5 : memref<128xi32, #tpu.memory_space<vmem>>) target_semaphore(%run_scoped3A : memref<!tpu.dma_semaphore, #tpu.memory_space<semaphore_mem>>)
      %dma_wait3A_358 = tpu.memref_slice %arg3[%rem3A_38, %mul3A_36] : memref<4x2048xi32, #tpu.memory_space<hbm>> -> memref<1x128xi32, #tpu.memory_space<hbm>>
      %dma_wait3A_359 = tpu.memref_squeeze %dma_wait3A_358 : memref<1x128xi32, #tpu.memory_space<hbm>> -> memref<128xi32, #tpu.memory_space<hbm>>
      %dma_wait3A_360 = tpu.memref_slice %arg3[%rem3A_38, %mul3A_36] : memref<4x2048xi32, #tpu.memory_space<hbm>> -> memref<1x128xi32, #tpu.memory_space<hbm>>
      %dma_wait3A_361 = tpu.memref_squeeze %dma_wait3A_360 : memref<1x128xi32, #tpu.memory_space<hbm>> -> memref<128xi32, #tpu.memory_space<hbm>>
      tpu.wait_dma2 semaphore(%run_scoped3A : memref<!tpu.dma_semaphore, #tpu.memory_space<semaphore_mem>>) src(%dma_wait3A_361 : memref<128xi32, #tpu.memory_space<hbm>>) dst(%arg5 : memref<128xi32, #tpu.memory_space<vmem>>)
      tpu.yield
    }) : () -> ()
    %mul3A_39 = arith.constant 2048 : i32
    %mul3A_40 = arith.muli %select_n3A, %mul3A_39 : i32
    %scan3A = arith.constant 0 : i32
    %scan3A_41 = arith.constant 0 : i32
    %scan3A_42 = arith.constant 8 : i32
    %scan3A_43 = arith.addi %scan3A_41, %scan3A_42 : i32
    %scan3A_44 = arith.constant 1 : i32
    %scan3A_45 = scf.for %scan3A_354 = %scan3A_41 to %scan3A_43 step %scan3A_44 iter_args(%scan3A_355 = %scan3A) -> (i32)  : i32 {
      %mul3A_356 = arith.constant 16 : i32
      %mul3A_357 = arith.muli %scan3A_354, %mul3A_356 : i32
      %multiple_of3A = tpu.assume_multiple %mul3A_357, 16 : i32
      %get3A = arith.index_cast %multiple_of3A : i32 to index
      %get3A_358 = tpu.vector_load %arg5[%get3A] {strides = array<i32>} : memref<128xi32, #tpu.memory_space<vmem>>, vector<16xi32>,
      %get3A_359 = vector.shape_cast %get3A_358 : vector<16xi32> to vector<16xi32>
      %add3A_360 = vector.broadcast %mul3A_40 : i32 to vector<16xi32>
      %add3A_361 = arith.addi %get3A_359, %add3A_360 : vector<16xi32>
      %swap3A = arith.index_cast %multiple_of3A : i32 to index
      %swap3A_362 = tpu.vector_load %arg5[%swap3A] {strides = array<i32>} : memref<128xi32, #tpu.memory_space<vmem>>, vector<16xi32>,
      %swap3A_363 = vector.shape_cast %swap3A_362 : vector<16xi32> to vector<16xi32>
      %swap3A_364 = vector.shape_cast %add3A_361 : vector<16xi32> to vector<16xi32>
      tpu.vector_store %arg5[%swap3A], %swap3A_364 {strides = array<i32>} : memref<128xi32, #tpu.memory_space<vmem>>, vector<16xi32>,
      %scan3A_365 = arith.constant 0 : i32
      scf.yield %scan3A_365 : i32
    }
    %scan3A_46 = arith.constant 8 : i32
    %dma_start3A = arith.constant 0 : i32
    %dma_start3A_47 = tpu.memref_slice %arg2[%dma_start3A] : memref<24576xf32, #tpu.memory_space<hbm>> -> memref<24576xf32, #tpu.memory_space<hbm>>
    tpu.enqueue_indirect_dma source(%dma_start3A_47 : memref<24576xf32, #tpu.memory_space<hbm>>) target(%arg6 : memref<128xf32, #tpu.memory_space<vmem>>) offsets(%arg5 : memref<128xi32, #tpu.memory_space<vmem>>) semaphore(%arg7 : memref<!tpu.dma_semaphore, #tpu.memory_space<semaphore_mem>>)
    %dma_wait3A = arith.constant 0 : i32
    %dma_wait3A_48 = tpu.memref_slice %arg2[%dma_wait3A] : memref<24576xf32, #tpu.memory_space<hbm>> -> memref<24576xf32, #tpu.memory_space<hbm>>
    tpu.wait_indirect_dma semaphore(%arg7 : memref<!tpu.dma_semaphore, #tpu.memory_space<semaphore_mem>>) src(%dma_wait3A_48 : memref<24576xf32, #tpu.memory_space<hbm>>) dst(%arg6 : memref<128xf32, #tpu.memory_space<vmem>>)
    "tpu.region"() ({
      %run_scoped3A = tpu.sem_alloc : memref<!tpu.dma_semaphore, #tpu.memory_space<semaphore_mem>>
      %dma_start3A_354 = tpu.memref_slice %arg4[%select_n3A, %mul3A_36] : memref<12x2048xf32, #tpu.memory_space<hbm>> -> memref<1x128xf32, #tpu.memory_space<hbm>>
      %dma_start3A_355 = tpu.memref_squeeze %dma_start3A_354 : memref<1x128xf32, #tpu.memory_space<hbm>> -> memref<128xf32, #tpu.memory_space<hbm>>
      %dma_start3A_356 = tpu.memref_slice %arg4[%select_n3A, %mul3A_36] : memref<12x2048xf32, #tpu.memory_space<hbm>> -> memref<1x128xf32, #tpu.memory_space<hbm>>
      %dma_start3A_357 = tpu.memref_squeeze %dma_start3A_356 : memref<1x128xf32, #tpu.memory_space<hbm>> -> memref<128xf32, #tpu.memory_space<hbm>>
      tpu.enqueue_dma source(%arg6 : memref<128xf32, #tpu.memory_space<vmem>>) target(%dma_start3A_357 : memref<128xf32, #tpu.memory_space<hbm>>) target_semaphore(%run_scoped3A : memref<!tpu.dma_semaphore, #tpu.memory_space<semaphore_mem>>)
      %dma_wait3A_358 = tpu.memref_slice %arg4[%select_n3A, %mul3A_36] : memref<12x2048xf32, #tpu.memory_space<hbm>> -> memref<1x128xf32, #tpu.memory_space<hbm>>
      %dma_wait3A_359 = tpu.memref_squeeze %dma_wait3A_358 : memref<1x128xf32, #tpu.memory_space<hbm>> -> memref<128xf32, #tpu.memory_space<hbm>>
      %dma_wait3A_360 = tpu.memref_slice %arg4[%select_n3A, %mul3A_36] : memref<12x2048xf32, #tpu.memory_space<hbm>> -> memref<1x128xf32, #tpu.memory_space<hbm>>
      %dma_wait3A_361 = tpu.memref_squeeze %dma_wait3A_360 : memref<1x128xf32, #tpu.memory_space<hbm>> -> memref<128xf32, #tpu.memory_space<hbm>>
      tpu.wait_dma2 semaphore(%run_scoped3A : memref<!tpu.dma_semaphore, #tpu.memory_space<semaphore_mem>>) src(%arg6 : memref<128xf32, #tpu.memory_space<vmem>>) dst(%dma_wait3A_361 : memref<128xf32, #tpu.memory_space<hbm>>)
      tpu.yield
    }) : () -> ()
    %mul3A_49 = arith.constant 6 : i32
    %mul3A_50 = arith.muli %add3A, %mul3A_49 : i32
    %add3A_51 = arith.constant 1 : i32
    %add3A_52 = arith.addi %mul3A_50, %add3A_51 : i32
    %jit3A_53 = arith.constant 16 : i32
    %div3A_54 = arith.divsi %add3A_52, %jit3A_53 : i32
    %sign3A_55 = arith.constant 0 : i32
    %sign3A_56 = arith.cmpi sgt, %add3A_52, %sign3A_55 : i32
    %sign3A_57 = arith.extui %sign3A_56 : i1 to i32
    %sign3A_58 = arith.constant 0 : i32
    %sign3A_59 = arith.cmpi slt, %add3A_52, %sign3A_58 : i32
    %sign3A_60 = arith.extui %sign3A_59 : i1 to i32
    %sign3A_61 = arith.subi %sign3A_57, %sign3A_60 : i32
    %sign3A_62 = arith.constant 0 : i32
    %sign3A_63 = arith.cmpi sgt, %jit3A_53, %sign3A_62 : i32
    %sign3A_64 = arith.extui %sign3A_63 : i1 to i32
    %sign3A_65 = arith.constant 0 : i32
    %sign3A_66 = arith.cmpi slt, %jit3A_53, %sign3A_65 : i32
    %sign3A_67 = arith.extui %sign3A_66 : i1 to i32
    %sign3A_68 = arith.subi %sign3A_64, %sign3A_67 : i32
    %ne3A_69 = arith.cmpi ne, %sign3A_61, %sign3A_68 : i32
    %rem3A_70 = arith.remsi %add3A_52, %jit3A_53 : i32
    %ne3A_71 = arith.constant 0 : i32
    %ne3A_72 = arith.cmpi ne, %rem3A_70, %ne3A_71 : i32
    %and3A_73 = arith.andi %ne3A_69, %ne3A_72 : i1
    %sub3A_74 = arith.constant 1 : i32
    %sub3A_75 = arith.subi %div3A_54, %sub3A_74 : i32
    %select_n3A_76 = arith.select %and3A_73, %sub3A_75, %div3A_54 : i32
    %jit3A_77 = arith.constant 16 : i32
    %eq3A_78 = arith.constant 0 : i32
    %eq3A_79 = arith.cmpi eq, %jit3A_77, %eq3A_78 : i32
    %jit3A_80 = arith.constant 1 : i32
    %select_n3A_81 = arith.select %eq3A_79, %jit3A_80, %jit3A_77 : i32
    %rem3A_82 = arith.remsi %add3A_52, %select_n3A_81 : i32
    %ne3A_83 = arith.constant 0 : i32
    %ne3A_84 = arith.cmpi ne, %rem3A_82, %ne3A_83 : i32
    %lt3A_85 = arith.constant 0 : i32
    %lt3A_86 = arith.cmpi slt, %rem3A_82, %lt3A_85 : i32
    %lt3A_87 = arith.constant 0 : i32
    %lt3A_88 = arith.cmpi slt, %select_n3A_81, %lt3A_87 : i32
    %ne3A_89 = arith.xori %lt3A_86, %lt3A_88 : i1
    %and3A_90 = arith.andi %ne3A_89, %ne3A_84 : i1
    %add3A_91 = arith.addi %rem3A_82, %select_n3A_81 : i32
    %select_n3A_92 = arith.select %and3A_90, %add3A_91, %rem3A_82 : i32
    %mul3A_93 = arith.constant 128 : i32
    %mul3A_94 = arith.muli %select_n3A_92, %mul3A_93 : i32
    %rem3A_95 = arith.constant 4 : i32
    %rem3A_96 = arith.remsi %select_n3A_76, %rem3A_95 : i32
    "tpu.region"() ({
      %run_scoped3A = tpu.sem_alloc : memref<!tpu.dma_semaphore, #tpu.memory_space<semaphore_mem>>
      %dma_start3A_354 = tpu.memref_slice %arg3[%rem3A_96, %mul3A_94] : memref<4x2048xi32, #tpu.memory_space<hbm>> -> memref<1x128xi32, #tpu.memory_space<hbm>>
      %dma_start3A_355 = tpu.memref_squeeze %dma_start3A_354 : memref<1x128xi32, #tpu.memory_space<hbm>> -> memref<128xi32, #tpu.memory_space<hbm>>
      %dma_start3A_356 = tpu.memref_slice %arg3[%rem3A_96, %mul3A_94] : memref<4x2048xi32, #tpu.memory_space<hbm>> -> memref<1x128xi32, #tpu.memory_space<hbm>>
      %dma_start3A_357 = tpu.memref_squeeze %dma_start3A_356 : memref<1x128xi32, #tpu.memory_space<hbm>> -> memref<128xi32, #tpu.memory_space<hbm>>
      tpu.enqueue_dma source(%dma_start3A_357 : memref<128xi32, #tpu.memory_space<hbm>>) target(%arg5 : memref<128xi32, #tpu.memory_space<vmem>>) target_semaphore(%run_scoped3A : memref<!tpu.dma_semaphore, #tpu.memory_space<semaphore_mem>>)
      %dma_wait3A_358 = tpu.memref_slice %arg3[%rem3A_96, %mul3A_94] : memref<4x2048xi32, #tpu.memory_space<hbm>> -> memref<1x128xi32, #tpu.memory_space<hbm>>
      %dma_wait3A_359 = tpu.memref_squeeze %dma_wait3A_358 : memref<1x128xi32, #tpu.memory_space<hbm>> -> memref<128xi32, #tpu.memory_space<hbm>>
      %dma_wait3A_360 = tpu.memref_slice %arg3[%rem3A_96, %mul3A_94] : memref<4x2048xi32, #tpu.memory_space<hbm>> -> memref<1x128xi32, #tpu.memory_space<hbm>>
      %dma_wait3A_361 = tpu.memref_squeeze %dma_wait3A_360 : memref<1x128xi32, #tpu.memory_space<hbm>> -> memref<128xi32, #tpu.memory_space<hbm>>
      tpu.wait_dma2 semaphore(%run_scoped3A : memref<!tpu.dma_semaphore, #tpu.memory_space<semaphore_mem>>) src(%dma_wait3A_361 : memref<128xi32, #tpu.memory_space<hbm>>) dst(%arg5 : memref<128xi32, #tpu.memory_space<vmem>>)
      tpu.yield
    }) : () -> ()
    %mul3A_97 = arith.constant 2048 : i32
    %mul3A_98 = arith.muli %select_n3A_76, %mul3A_97 : i32
    %scan3A_99 = arith.constant 0 : i32
    %scan3A_100 = arith.constant 0 : i32
    %scan3A_101 = arith.constant 8 : i32
    %scan3A_102 = arith.addi %scan3A_100, %scan3A_101 : i32
    %scan3A_103 = arith.constant 1 : i32
    %scan3A_104 = scf.for %scan3A_354 = %scan3A_100 to %scan3A_102 step %scan3A_103 iter_args(%scan3A_355 = %scan3A_99) -> (i32)  : i32 {
      %mul3A_356 = arith.constant 16 : i32
      %mul3A_357 = arith.muli %scan3A_354, %mul3A_356 : i32
      %multiple_of3A = tpu.assume_multiple %mul3A_357, 16 : i32
      %get3A = arith.index_cast %multiple_of3A : i32 to index
      %get3A_358 = tpu.vector_load %arg5[%get3A] {strides = array<i32>} : memref<128xi32, #tpu.memory_space<vmem>>, vector<16xi32>,
      %get3A_359 = vector.shape_cast %get3A_358 : vector<16xi32> to vector<16xi32>
      %add3A_360 = vector.broadcast %mul3A_98 : i32 to vector<16xi32>
      %add3A_361 = arith.addi %get3A_359, %add3A_360 : vector<16xi32>
      %swap3A = arith.index_cast %multiple_of3A : i32 to index
      %swap3A_362 = tpu.vector_load %arg5[%swap3A] {strides = array<i32>} : memref<128xi32, #tpu.memory_space<vmem>>, vector<16xi32>,
      %swap3A_363 = vector.shape_cast %swap3A_362 : vector<16xi32> to vector<16xi32>
      %swap3A_364 = vector.shape_cast %add3A_361 : vector<16xi32> to vector<16xi32>
      tpu.vector_store %arg5[%swap3A], %swap3A_364 {strides = array<i32>} : memref<128xi32, #tpu.memory_space<vmem>>, vector<16xi32>,
      %scan3A_365 = arith.constant 0 : i32
      scf.yield %scan3A_365 : i32
    }
    %scan3A_105 = arith.constant 8 : i32
    %dma_start3A_106 = arith.constant 0 : i32
    %dma_start3A_107 = tpu.memref_slice %arg2[%dma_start3A_106] : memref<24576xf32, #tpu.memory_space<hbm>> -> memref<24576xf32, #tpu.memory_space<hbm>>
    tpu.enqueue_indirect_dma source(%dma_start3A_107 : memref<24576xf32, #tpu.memory_space<hbm>>) target(%arg6 : memref<128xf32, #tpu.memory_space<vmem>>) offsets(%arg5 : memref<128xi32, #tpu.memory_space<vmem>>) semaphore(%arg7 : memref<!tpu.dma_semaphore, #tpu.memory_space<semaphore_mem>>)
    %dma_wait3A_108 = arith.constant 0 : i32
    %dma_wait3A_109 = tpu.memref_slice %arg2[%dma_wait3A_108] : memref<24576xf32, #tpu.memory_space<hbm>> -> memref<24576xf32, #tpu.memory_space<hbm>>
    tpu.wait_indirect_dma semaphore(%arg7 : memref<!tpu.dma_semaphore, #tpu.memory_space<semaphore_mem>>) src(%dma_wait3A_109 : memref<24576xf32, #tpu.memory_space<hbm>>) dst(%arg6 : memref<128xf32, #tpu.memory_space<vmem>>)
    "tpu.region"() ({
      %run_scoped3A = tpu.sem_alloc : memref<!tpu.dma_semaphore, #tpu.memory_space<semaphore_mem>>
      %dma_start3A_354 = tpu.memref_slice %arg4[%select_n3A_76, %mul3A_94] : memref<12x2048xf32, #tpu.memory_space<hbm>> -> memref<1x128xf32, #tpu.memory_space<hbm>>
      %dma_start3A_355 = tpu.memref_squeeze %dma_start3A_354 : memref<1x128xf32, #tpu.memory_space<hbm>> -> memref<128xf32, #tpu.memory_space<hbm>>
      %dma_start3A_356 = tpu.memref_slice %arg4[%select_n3A_76, %mul3A_94] : memref<12x2048xf32, #tpu.memory_space<hbm>> -> memref<1x128xf32, #tpu.memory_space<hbm>>
      %dma_start3A_357 = tpu.memref_squeeze %dma_start3A_356 : memref<1x128xf32, #tpu.memory_space<hbm>> -> memref<128xf32, #tpu.memory_space<hbm>>
      tpu.enqueue_dma source(%arg6 : memref<128xf32, #tpu.memory_space<vmem>>) target(%dma_start3A_357 : memref<128xf32, #tpu.memory_space<hbm>>) target_semaphore(%run_scoped3A : memref<!tpu.dma_semaphore, #tpu.memory_space<semaphore_mem>>)
      %dma_wait3A_358 = tpu.memref_slice %arg4[%select_n3A_76, %mul3A_94] : memref<12x2048xf32, #tpu.memory_space<hbm>> -> memref<1x128xf32, #tpu.memory_space<hbm>>
      %dma_wait3A_359 = tpu.memref_squeeze %dma_wait3A_358 : memref<1x128xf32, #tpu.memory_space<hbm>> -> memref<128xf32, #tpu.memory_space<hbm>>
      %dma_wait3A_360 = tpu.memref_slice %arg4[%select_n3A_76, %mul3A_94] : memref<12x2048xf32, #tpu.memory_space<hbm>> -> memref<1x128xf32, #tpu.memory_space<hbm>>
      %dma_wait3A_361 = tpu.memref_squeeze %dma_wait3A_360 : memref<1x128xf32, #tpu.memory_space<hbm>> -> memref<128xf32, #tpu.memory_space<hbm>>
      tpu.wait_dma2 semaphore(%run_scoped3A : memref<!tpu.dma_semaphore, #tpu.memory_space<semaphore_mem>>) src(%arg6 : memref<128xf32, #tpu.memory_space<vmem>>) dst(%dma_wait3A_361 : memref<128xf32, #tpu.memory_space<hbm>>)
      tpu.yield
    }) : () -> ()
    %mul3A_110 = arith.constant 6 : i32
    %mul3A_111 = arith.muli %add3A, %mul3A_110 : i32
    %add3A_112 = arith.constant 2 : i32
    %add3A_113 = arith.addi %mul3A_111, %add3A_112 : i32
    %jit3A_114 = arith.constant 16 : i32
    %div3A_115 = arith.divsi %add3A_113, %jit3A_114 : i32
    %sign3A_116 = arith.constant 0 : i32
    %sign3A_117 = arith.cmpi sgt, %add3A_113, %sign3A_116 : i32
    %sign3A_118 = arith.extui %sign3A_117 : i1 to i32
    %sign3A_119 = arith.constant 0 : i32
    %sign3A_120 = arith.cmpi slt, %add3A_113, %sign3A_119 : i32
    %sign3A_121 = arith.extui %sign3A_120 : i1 to i32
    %sign3A_122 = arith.subi %sign3A_118, %sign3A_121 : i32
    %sign3A_123 = arith.constant 0 : i32
    %sign3A_124 = arith.cmpi sgt, %jit3A_114, %sign3A_123 : i32
    %sign3A_125 = arith.extui %sign3A_124 : i1 to i32
    %sign3A_126 = arith.constant 0 : i32
    %sign3A_127 = arith.cmpi slt, %jit3A_114, %sign3A_126 : i32
    %sign3A_128 = arith.extui %sign3A_127 : i1 to i32
    %sign3A_129 = arith.subi %sign3A_125, %sign3A_128 : i32
    %ne3A_130 = arith.cmpi ne, %sign3A_122, %sign3A_129 : i32
    %rem3A_131 = arith.remsi %add3A_113, %jit3A_114 : i32
    %ne3A_132 = arith.constant 0 : i32
    %ne3A_133 = arith.cmpi ne, %rem3A_131, %ne3A_132 : i32
    %and3A_134 = arith.andi %ne3A_130, %ne3A_133 : i1
    %sub3A_135 = arith.constant 1 : i32
    %sub3A_136 = arith.subi %div3A_115, %sub3A_135 : i32
    %select_n3A_137 = arith.select %and3A_134, %sub3A_136, %div3A_115 : i32
    %jit3A_138 = arith.constant 16 : i32
    %eq3A_139 = arith.constant 0 : i32
    %eq3A_140 = arith.cmpi eq, %jit3A_138, %eq3A_139 : i32
    %jit3A_141 = arith.constant 1 : i32
    %select_n3A_142 = arith.select %eq3A_140, %jit3A_141, %jit3A_138 : i32
    %rem3A_143 = arith.remsi %add3A_113, %select_n3A_142 : i32
    %ne3A_144 = arith.constant 0 : i32
    %ne3A_145 = arith.cmpi ne, %rem3A_143, %ne3A_144 : i32
    %lt3A_146 = arith.constant 0 : i32
    %lt3A_147 = arith.cmpi slt, %rem3A_143, %lt3A_146 : i32
    %lt3A_148 = arith.constant 0 : i32
    %lt3A_149 = arith.cmpi slt, %select_n3A_142, %lt3A_148 : i32
    %ne3A_150 = arith.xori %lt3A_147, %lt3A_149 : i1
    %and3A_151 = arith.andi %ne3A_150, %ne3A_145 : i1
    %add3A_152 = arith.addi %rem3A_143, %select_n3A_142 : i32
    %select_n3A_153 = arith.select %and3A_151, %add3A_152, %rem3A_143 : i32
    %mul3A_154 = arith.constant 128 : i32
    %mul3A_155 = arith.muli %select_n3A_153, %mul3A_154 : i32
    %rem3A_156 = arith.constant 4 : i32
    %rem3A_157 = arith.remsi %select_n3A_137, %rem3A_156 : i32
    "tpu.region"() ({
      %run_scoped3A = tpu.sem_alloc : memref<!tpu.dma_semaphore, #tpu.memory_space<semaphore_mem>>
      %dma_start3A_354 = tpu.memref_slice %arg3[%rem3A_157, %mul3A_155] : memref<4x2048xi32, #tpu.memory_space<hbm>> -> memref<1x128xi32, #tpu.memory_space<hbm>>
      %dma_start3A_355 = tpu.memref_squeeze %dma_start3A_354 : memref<1x128xi32, #tpu.memory_space<hbm>> -> memref<128xi32, #tpu.memory_space<hbm>>
      %dma_start3A_356 = tpu.memref_slice %arg3[%rem3A_157, %mul3A_155] : memref<4x2048xi32, #tpu.memory_space<hbm>> -> memref<1x128xi32, #tpu.memory_space<hbm>>
      %dma_start3A_357 = tpu.memref_squeeze %dma_start3A_356 : memref<1x128xi32, #tpu.memory_space<hbm>> -> memref<128xi32, #tpu.memory_space<hbm>>
      tpu.enqueue_dma source(%dma_start3A_357 : memref<128xi32, #tpu.memory_space<hbm>>) target(%arg5 : memref<128xi32, #tpu.memory_space<vmem>>) target_semaphore(%run_scoped3A : memref<!tpu.dma_semaphore, #tpu.memory_space<semaphore_mem>>)
      %dma_wait3A_358 = tpu.memref_slice %arg3[%rem3A_157, %mul3A_155] : memref<4x2048xi32, #tpu.memory_space<hbm>> -> memref<1x128xi32, #tpu.memory_space<hbm>>
      %dma_wait3A_359 = tpu.memref_squeeze %dma_wait3A_358 : memref<1x128xi32, #tpu.memory_space<hbm>> -> memref<128xi32, #tpu.memory_space<hbm>>
      %dma_wait3A_360 = tpu.memref_slice %arg3[%rem3A_157, %mul3A_155] : memref<4x2048xi32, #tpu.memory_space<hbm>> -> memref<1x128xi32, #tpu.memory_space<hbm>>
      %dma_wait3A_361 = tpu.memref_squeeze %dma_wait3A_360 : memref<1x128xi32, #tpu.memory_space<hbm>> -> memref<128xi32, #tpu.memory_space<hbm>>
      tpu.wait_dma2 semaphore(%run_scoped3A : memref<!tpu.dma_semaphore, #tpu.memory_space<semaphore_mem>>) src(%dma_wait3A_361 : memref<128xi32, #tpu.memory_space<hbm>>) dst(%arg5 : memref<128xi32, #tpu.memory_space<vmem>>)
      tpu.yield
    }) : () -> ()
    %mul3A_158 = arith.constant 2048 : i32
    %mul3A_159 = arith.muli %select_n3A_137, %mul3A_158 : i32
    %scan3A_160 = arith.constant 0 : i32
    %scan3A_161 = arith.constant 0 : i32
    %scan3A_162 = arith.constant 8 : i32
    %scan3A_163 = arith.addi %scan3A_161, %scan3A_162 : i32
    %scan3A_164 = arith.constant 1 : i32
    %scan3A_165 = scf.for %scan3A_354 = %scan3A_161 to %scan3A_163 step %scan3A_164 iter_args(%scan3A_355 = %scan3A_160) -> (i32)  : i32 {
      %mul3A_356 = arith.constant 16 : i32
      %mul3A_357 = arith.muli %scan3A_354, %mul3A_356 : i32
      %multiple_of3A = tpu.assume_multiple %mul3A_357, 16 : i32
      %get3A = arith.index_cast %multiple_of3A : i32 to index
      %get3A_358 = tpu.vector_load %arg5[%get3A] {strides = array<i32>} : memref<128xi32, #tpu.memory_space<vmem>>, vector<16xi32>,
      %get3A_359 = vector.shape_cast %get3A_358 : vector<16xi32> to vector<16xi32>
      %add3A_360 = vector.broadcast %mul3A_159 : i32 to vector<16xi32>
      %add3A_361 = arith.addi %get3A_359, %add3A_360 : vector<16xi32>
      %swap3A = arith.index_cast %multiple_of3A : i32 to index
      %swap3A_362 = tpu.vector_load %arg5[%swap3A] {strides = array<i32>} : memref<128xi32, #tpu.memory_space<vmem>>, vector<16xi32>,
      %swap3A_363 = vector.shape_cast %swap3A_362 : vector<16xi32> to vector<16xi32>
      %swap3A_364 = vector.shape_cast %add3A_361 : vector<16xi32> to vector<16xi32>
      tpu.vector_store %arg5[%swap3A], %swap3A_364 {strides = array<i32>} : memref<128xi32, #tpu.memory_space<vmem>>, vector<16xi32>,
      %scan3A_365 = arith.constant 0 : i32
      scf.yield %scan3A_365 : i32
    }
    %scan3A_166 = arith.constant 8 : i32
    %dma_start3A_167 = arith.constant 0 : i32
    %dma_start3A_168 = tpu.memref_slice %arg2[%dma_start3A_167] : memref<24576xf32, #tpu.memory_space<hbm>> -> memref<24576xf32, #tpu.memory_space<hbm>>
    tpu.enqueue_indirect_dma source(%dma_start3A_168 : memref<24576xf32, #tpu.memory_space<hbm>>) target(%arg6 : memref<128xf32, #tpu.memory_space<vmem>>) offsets(%arg5 : memref<128xi32, #tpu.memory_space<vmem>>) semaphore(%arg7 : memref<!tpu.dma_semaphore, #tpu.memory_space<semaphore_mem>>)
    %dma_wait3A_169 = arith.constant 0 : i32
    %dma_wait3A_170 = tpu.memref_slice %arg2[%dma_wait3A_169] : memref<24576xf32, #tpu.memory_space<hbm>> -> memref<24576xf32, #tpu.memory_space<hbm>>
    tpu.wait_indirect_dma semaphore(%arg7 : memref<!tpu.dma_semaphore, #tpu.memory_space<semaphore_mem>>) src(%dma_wait3A_170 : memref<24576xf32, #tpu.memory_space<hbm>>) dst(%arg6 : memref<128xf32, #tpu.memory_space<vmem>>)
    "tpu.region"() ({
      %run_scoped3A = tpu.sem_alloc : memref<!tpu.dma_semaphore, #tpu.memory_space<semaphore_mem>>
      %dma_start3A_354 = tpu.memref_slice %arg4[%select_n3A_137, %mul3A_155] : memref<12x2048xf32, #tpu.memory_space<hbm>> -> memref<1x128xf32, #tpu.memory_space<hbm>>
      %dma_start3A_355 = tpu.memref_squeeze %dma_start3A_354 : memref<1x128xf32, #tpu.memory_space<hbm>> -> memref<128xf32, #tpu.memory_space<hbm>>
      %dma_start3A_356 = tpu.memref_slice %arg4[%select_n3A_137, %mul3A_155] : memref<12x2048xf32, #tpu.memory_space<hbm>> -> memref<1x128xf32, #tpu.memory_space<hbm>>
      %dma_start3A_357 = tpu.memref_squeeze %dma_start3A_356 : memref<1x128xf32, #tpu.memory_space<hbm>> -> memref<128xf32, #tpu.memory_space<hbm>>
      tpu.enqueue_dma source(%arg6 : memref<128xf32, #tpu.memory_space<vmem>>) target(%dma_start3A_357 : memref<128xf32, #tpu.memory_space<hbm>>) target_semaphore(%run_scoped3A : memref<!tpu.dma_semaphore, #tpu.memory_space<semaphore_mem>>)
      %dma_wait3A_358 = tpu.memref_slice %arg4[%select_n3A_137, %mul3A_155] : memref<12x2048xf32, #tpu.memory_space<hbm>> -> memref<1x128xf32, #tpu.memory_space<hbm>>
      %dma_wait3A_359 = tpu.memref_squeeze %dma_wait3A_358 : memref<1x128xf32, #tpu.memory_space<hbm>> -> memref<128xf32, #tpu.memory_space<hbm>>
      %dma_wait3A_360 = tpu.memref_slice %arg4[%select_n3A_137, %mul3A_155] : memref<12x2048xf32, #tpu.memory_space<hbm>> -> memref<1x128xf32, #tpu.memory_space<hbm>>
      %dma_wait3A_361 = tpu.memref_squeeze %dma_wait3A_360 : memref<1x128xf32, #tpu.memory_space<hbm>> -> memref<128xf32, #tpu.memory_space<hbm>>
      tpu.wait_dma2 semaphore(%run_scoped3A : memref<!tpu.dma_semaphore, #tpu.memory_space<semaphore_mem>>) src(%arg6 : memref<128xf32, #tpu.memory_space<vmem>>) dst(%dma_wait3A_361 : memref<128xf32, #tpu.memory_space<hbm>>)
      tpu.yield
    }) : () -> ()
    %mul3A_171 = arith.constant 6 : i32
    %mul3A_172 = arith.muli %add3A, %mul3A_171 : i32
    %add3A_173 = arith.constant 3 : i32
    %add3A_174 = arith.addi %mul3A_172, %add3A_173 : i32
    %jit3A_175 = arith.constant 16 : i32
    %div3A_176 = arith.divsi %add3A_174, %jit3A_175 : i32
    %sign3A_177 = arith.constant 0 : i32
    %sign3A_178 = arith.cmpi sgt, %add3A_174, %sign3A_177 : i32
    %sign3A_179 = arith.extui %sign3A_178 : i1 to i32
    %sign3A_180 = arith.constant 0 : i32
    %sign3A_181 = arith.cmpi slt, %add3A_174, %sign3A_180 : i32
    %sign3A_182 = arith.extui %sign3A_181 : i1 to i32
    %sign3A_183 = arith.subi %sign3A_179, %sign3A_182 : i32
    %sign3A_184 = arith.constant 0 : i32
    %sign3A_185 = arith.cmpi sgt, %jit3A_175, %sign3A_184 : i32
    %sign3A_186 = arith.extui %sign3A_185 : i1 to i32
    %sign3A_187 = arith.constant 0 : i32
    %sign3A_188 = arith.cmpi slt, %jit3A_175, %sign3A_187 : i32
    %sign3A_189 = arith.extui %sign3A_188 : i1 to i32
    %sign3A_190 = arith.subi %sign3A_186, %sign3A_189 : i32
    %ne3A_191 = arith.cmpi ne, %sign3A_183, %sign3A_190 : i32
    %rem3A_192 = arith.remsi %add3A_174, %jit3A_175 : i32
    %ne3A_193 = arith.constant 0 : i32
    %ne3A_194 = arith.cmpi ne, %rem3A_192, %ne3A_193 : i32
    %and3A_195 = arith.andi %ne3A_191, %ne3A_194 : i1
    %sub3A_196 = arith.constant 1 : i32
    %sub3A_197 = arith.subi %div3A_176, %sub3A_196 : i32
    %select_n3A_198 = arith.select %and3A_195, %sub3A_197, %div3A_176 : i32
    %jit3A_199 = arith.constant 16 : i32
    %eq3A_200 = arith.constant 0 : i32
    %eq3A_201 = arith.cmpi eq, %jit3A_199, %eq3A_200 : i32
    %jit3A_202 = arith.constant 1 : i32
    %select_n3A_203 = arith.select %eq3A_201, %jit3A_202, %jit3A_199 : i32
    %rem3A_204 = arith.remsi %add3A_174, %select_n3A_203 : i32
    %ne3A_205 = arith.constant 0 : i32
    %ne3A_206 = arith.cmpi ne, %rem3A_204, %ne3A_205 : i32
    %lt3A_207 = arith.constant 0 : i32
    %lt3A_208 = arith.cmpi slt, %rem3A_204, %lt3A_207 : i32
    %lt3A_209 = arith.constant 0 : i32
    %lt3A_210 = arith.cmpi slt, %select_n3A_203, %lt3A_209 : i32
    %ne3A_211 = arith.xori %lt3A_208, %lt3A_210 : i1
    %and3A_212 = arith.andi %ne3A_211, %ne3A_206 : i1
    %add3A_213 = arith.addi %rem3A_204, %select_n3A_203 : i32
    %select_n3A_214 = arith.select %and3A_212, %add3A_213, %rem3A_204 : i32
    %mul3A_215 = arith.constant 128 : i32
    %mul3A_216 = arith.muli %select_n3A_214, %mul3A_215 : i32
    %rem3A_217 = arith.constant 4 : i32
    %rem3A_218 = arith.remsi %select_n3A_198, %rem3A_217 : i32
    "tpu.region"() ({
      %run_scoped3A = tpu.sem_alloc : memref<!tpu.dma_semaphore, #tpu.memory_space<semaphore_mem>>
      %dma_start3A_354 = tpu.memref_slice %arg3[%rem3A_218, %mul3A_216] : memref<4x2048xi32, #tpu.memory_space<hbm>> -> memref<1x128xi32, #tpu.memory_space<hbm>>
      %dma_start3A_355 = tpu.memref_squeeze %dma_start3A_354 : memref<1x128xi32, #tpu.memory_space<hbm>> -> memref<128xi32, #tpu.memory_space<hbm>>
      %dma_start3A_356 = tpu.memref_slice %arg3[%rem3A_218, %mul3A_216] : memref<4x2048xi32, #tpu.memory_space<hbm>> -> memref<1x128xi32, #tpu.memory_space<hbm>>
      %dma_start3A_357 = tpu.memref_squeeze %dma_start3A_356 : memref<1x128xi32, #tpu.memory_space<hbm>> -> memref<128xi32, #tpu.memory_space<hbm>>
      tpu.enqueue_dma source(%dma_start3A_357 : memref<128xi32, #tpu.memory_space<hbm>>) target(%arg5 : memref<128xi32, #tpu.memory_space<vmem>>) target_semaphore(%run_scoped3A : memref<!tpu.dma_semaphore, #tpu.memory_space<semaphore_mem>>)
      %dma_wait3A_358 = tpu.memref_slice %arg3[%rem3A_218, %mul3A_216] : memref<4x2048xi32, #tpu.memory_space<hbm>> -> memref<1x128xi32, #tpu.memory_space<hbm>>
      %dma_wait3A_359 = tpu.memref_squeeze %dma_wait3A_358 : memref<1x128xi32, #tpu.memory_space<hbm>> -> memref<128xi32, #tpu.memory_space<hbm>>
      %dma_wait3A_360 = tpu.memref_slice %arg3[%rem3A_218, %mul3A_216] : memref<4x2048xi32, #tpu.memory_space<hbm>> -> memref<1x128xi32, #tpu.memory_space<hbm>>
      %dma_wait3A_361 = tpu.memref_squeeze %dma_wait3A_360 : memref<1x128xi32, #tpu.memory_space<hbm>> -> memref<128xi32, #tpu.memory_space<hbm>>
      tpu.wait_dma2 semaphore(%run_scoped3A : memref<!tpu.dma_semaphore, #tpu.memory_space<semaphore_mem>>) src(%dma_wait3A_361 : memref<128xi32, #tpu.memory_space<hbm>>) dst(%arg5 : memref<128xi32, #tpu.memory_space<vmem>>)
      tpu.yield
    }) : () -> ()
    %mul3A_219 = arith.constant 2048 : i32
    %mul3A_220 = arith.muli %select_n3A_198, %mul3A_219 : i32
    %scan3A_221 = arith.constant 0 : i32
    %scan3A_222 = arith.constant 0 : i32
    %scan3A_223 = arith.constant 8 : i32
    %scan3A_224 = arith.addi %scan3A_222, %scan3A_223 : i32
    %scan3A_225 = arith.constant 1 : i32
    %scan3A_226 = scf.for %scan3A_354 = %scan3A_222 to %scan3A_224 step %scan3A_225 iter_args(%scan3A_355 = %scan3A_221) -> (i32)  : i32 {
      %mul3A_356 = arith.constant 16 : i32
      %mul3A_357 = arith.muli %scan3A_354, %mul3A_356 : i32
      %multiple_of3A = tpu.assume_multiple %mul3A_357, 16 : i32
      %get3A = arith.index_cast %multiple_of3A : i32 to index
      %get3A_358 = tpu.vector_load %arg5[%get3A] {strides = array<i32>} : memref<128xi32, #tpu.memory_space<vmem>>, vector<16xi32>,
      %get3A_359 = vector.shape_cast %get3A_358 : vector<16xi32> to vector<16xi32>
      %add3A_360 = vector.broadcast %mul3A_220 : i32 to vector<16xi32>
      %add3A_361 = arith.addi %get3A_359, %add3A_360 : vector<16xi32>
      %swap3A = arith.index_cast %multiple_of3A : i32 to index
      %swap3A_362 = tpu.vector_load %arg5[%swap3A] {strides = array<i32>} : memref<128xi32, #tpu.memory_space<vmem>>, vector<16xi32>,
      %swap3A_363 = vector.shape_cast %swap3A_362 : vector<16xi32> to vector<16xi32>
      %swap3A_364 = vector.shape_cast %add3A_361 : vector<16xi32> to vector<16xi32>
      tpu.vector_store %arg5[%swap3A], %swap3A_364 {strides = array<i32>} : memref<128xi32, #tpu.memory_space<vmem>>, vector<16xi32>,
      %scan3A_365 = arith.constant 0 : i32
      scf.yield %scan3A_365 : i32
    }
    %scan3A_227 = arith.constant 8 : i32
    %dma_start3A_228 = arith.constant 0 : i32
    %dma_start3A_229 = tpu.memref_slice %arg2[%dma_start3A_228] : memref<24576xf32, #tpu.memory_space<hbm>> -> memref<24576xf32, #tpu.memory_space<hbm>>
    tpu.enqueue_indirect_dma source(%dma_start3A_229 : memref<24576xf32, #tpu.memory_space<hbm>>) target(%arg6 : memref<128xf32, #tpu.memory_space<vmem>>) offsets(%arg5 : memref<128xi32, #tpu.memory_space<vmem>>) semaphore(%arg7 : memref<!tpu.dma_semaphore, #tpu.memory_space<semaphore_mem>>)
    %dma_wait3A_230 = arith.constant 0 : i32
    %dma_wait3A_231 = tpu.memref_slice %arg2[%dma_wait3A_230] : memref<24576xf32, #tpu.memory_space<hbm>> -> memref<24576xf32, #tpu.memory_space<hbm>>
    tpu.wait_indirect_dma semaphore(%arg7 : memref<!tpu.dma_semaphore, #tpu.memory_space<semaphore_mem>>) src(%dma_wait3A_231 : memref<24576xf32, #tpu.memory_space<hbm>>) dst(%arg6 : memref<128xf32, #tpu.memory_space<vmem>>)
    "tpu.region"() ({
      %run_scoped3A = tpu.sem_alloc : memref<!tpu.dma_semaphore, #tpu.memory_space<semaphore_mem>>
      %dma_start3A_354 = tpu.memref_slice %arg4[%select_n3A_198, %mul3A_216] : memref<12x2048xf32, #tpu.memory_space<hbm>> -> memref<1x128xf32, #tpu.memory_space<hbm>>
      %dma_start3A_355 = tpu.memref_squeeze %dma_start3A_354 : memref<1x128xf32, #tpu.memory_space<hbm>> -> memref<128xf32, #tpu.memory_space<hbm>>
      %dma_start3A_356 = tpu.memref_slice %arg4[%select_n3A_198, %mul3A_216] : memref<12x2048xf32, #tpu.memory_space<hbm>> -> memref<1x128xf32, #tpu.memory_space<hbm>>
      %dma_start3A_357 = tpu.memref_squeeze %dma_start3A_356 : memref<1x128xf32, #tpu.memory_space<hbm>> -> memref<128xf32, #tpu.memory_space<hbm>>
      tpu.enqueue_dma source(%arg6 : memref<128xf32, #tpu.memory_space<vmem>>) target(%dma_start3A_357 : memref<128xf32, #tpu.memory_space<hbm>>) target_semaphore(%run_scoped3A : memref<!tpu.dma_semaphore, #tpu.memory_space<semaphore_mem>>)
      %dma_wait3A_358 = tpu.memref_slice %arg4[%select_n3A_198, %mul3A_216] : memref<12x2048xf32, #tpu.memory_space<hbm>> -> memref<1x128xf32, #tpu.memory_space<hbm>>
      %dma_wait3A_359 = tpu.memref_squeeze %dma_wait3A_358 : memref<1x128xf32, #tpu.memory_space<hbm>> -> memref<128xf32, #tpu.memory_space<hbm>>
      %dma_wait3A_360 = tpu.memref_slice %arg4[%select_n3A_198, %mul3A_216] : memref<12x2048xf32, #tpu.memory_space<hbm>> -> memref<1x128xf32, #tpu.memory_space<hbm>>
      %dma_wait3A_361 = tpu.memref_squeeze %dma_wait3A_360 : memref<1x128xf32, #tpu.memory_space<hbm>> -> memref<128xf32, #tpu.memory_space<hbm>>
      tpu.wait_dma2 semaphore(%run_scoped3A : memref<!tpu.dma_semaphore, #tpu.memory_space<semaphore_mem>>) src(%arg6 : memref<128xf32, #tpu.memory_space<vmem>>) dst(%dma_wait3A_361 : memref<128xf32, #tpu.memory_space<hbm>>)
      tpu.yield
    }) : () -> ()
    %mul3A_232 = arith.constant 6 : i32
    %mul3A_233 = arith.muli %add3A, %mul3A_232 : i32
    %add3A_234 = arith.constant 4 : i32
    %add3A_235 = arith.addi %mul3A_233, %add3A_234 : i32
    %jit3A_236 = arith.constant 16 : i32
    %div3A_237 = arith.divsi %add3A_235, %jit3A_236 : i32
    %sign3A_238 = arith.constant 0 : i32
    %sign3A_239 = arith.cmpi sgt, %add3A_235, %sign3A_238 : i32
    %sign3A_240 = arith.extui %sign3A_239 : i1 to i32
    %sign3A_241 = arith.constant 0 : i32
    %sign3A_242 = arith.cmpi slt, %add3A_235, %sign3A_241 : i32
    %sign3A_243 = arith.extui %sign3A_242 : i1 to i32
    %sign3A_244 = arith.subi %sign3A_240, %sign3A_243 : i32
    %sign3A_245 = arith.constant 0 : i32
    %sign3A_246 = arith.cmpi sgt, %jit3A_236, %sign3A_245 : i32
    %sign3A_247 = arith.extui %sign3A_246 : i1 to i32
    %sign3A_248 = arith.constant 0 : i32
    %sign3A_249 = arith.cmpi slt, %jit3A_236, %sign3A_248 : i32
    %sign3A_250 = arith.extui %sign3A_249 : i1 to i32
    %sign3A_251 = arith.subi %sign3A_247, %sign3A_250 : i32
    %ne3A_252 = arith.cmpi ne, %sign3A_244, %sign3A_251 : i32
    %rem3A_253 = arith.remsi %add3A_235, %jit3A_236 : i32
    %ne3A_254 = arith.constant 0 : i32
    %ne3A_255 = arith.cmpi ne, %rem3A_253, %ne3A_254 : i32
    %and3A_256 = arith.andi %ne3A_252, %ne3A_255 : i1
    %sub3A_257 = arith.constant 1 : i32
    %sub3A_258 = arith.subi %div3A_237, %sub3A_257 : i32
    %select_n3A_259 = arith.select %and3A_256, %sub3A_258, %div3A_237 : i32
    %jit3A_260 = arith.constant 16 : i32
    %eq3A_261 = arith.constant 0 : i32
    %eq3A_262 = arith.cmpi eq, %jit3A_260, %eq3A_261 : i32
    %jit3A_263 = arith.constant 1 : i32
    %select_n3A_264 = arith.select %eq3A_262, %jit3A_263, %jit3A_260 : i32
    %rem3A_265 = arith.remsi %add3A_235, %select_n3A_264 : i32
    %ne3A_266 = arith.constant 0 : i32
    %ne3A_267 = arith.cmpi ne, %rem3A_265, %ne3A_266 : i32
    %lt3A_268 = arith.constant 0 : i32
    %lt3A_269 = arith.cmpi slt, %rem3A_265, %lt3A_268 : i32
    %lt3A_270 = arith.constant 0 : i32
    %lt3A_271 = arith.cmpi slt, %select_n3A_264, %lt3A_270 : i32
    %ne3A_272 = arith.xori %lt3A_269, %lt3A_271 : i1
    %and3A_273 = arith.andi %ne3A_272, %ne3A_267 : i1
    %add3A_274 = arith.addi %rem3A_265, %select_n3A_264 : i32
    %select_n3A_275 = arith.select %and3A_273, %add3A_274, %rem3A_265 : i32
    %mul3A_276 = arith.constant 128 : i32
    %mul3A_277 = arith.muli %select_n3A_275, %mul3A_276 : i32
    %rem3A_278 = arith.constant 4 : i32
    %rem3A_279 = arith.remsi %select_n3A_259, %rem3A_278 : i32
    "tpu.region"() ({
      %run_scoped3A = tpu.sem_alloc : memref<!tpu.dma_semaphore, #tpu.memory_space<semaphore_mem>>
      %dma_start3A_354 = tpu.memref_slice %arg3[%rem3A_279, %mul3A_277] : memref<4x2048xi32, #tpu.memory_space<hbm>> -> memref<1x128xi32, #tpu.memory_space<hbm>>
      %dma_start3A_355 = tpu.memref_squeeze %dma_start3A_354 : memref<1x128xi32, #tpu.memory_space<hbm>> -> memref<128xi32, #tpu.memory_space<hbm>>
      %dma_start3A_356 = tpu.memref_slice %arg3[%rem3A_279, %mul3A_277] : memref<4x2048xi32, #tpu.memory_space<hbm>> -> memref<1x128xi32, #tpu.memory_space<hbm>>
      %dma_start3A_357 = tpu.memref_squeeze %dma_start3A_356 : memref<1x128xi32, #tpu.memory_space<hbm>> -> memref<128xi32, #tpu.memory_space<hbm>>
      tpu.enqueue_dma source(%dma_start3A_357 : memref<128xi32, #tpu.memory_space<hbm>>) target(%arg5 : memref<128xi32, #tpu.memory_space<vmem>>) target_semaphore(%run_scoped3A : memref<!tpu.dma_semaphore, #tpu.memory_space<semaphore_mem>>)
      %dma_wait3A_358 = tpu.memref_slice %arg3[%rem3A_279, %mul3A_277] : memref<4x2048xi32, #tpu.memory_space<hbm>> -> memref<1x128xi32, #tpu.memory_space<hbm>>
      %dma_wait3A_359 = tpu.memref_squeeze %dma_wait3A_358 : memref<1x128xi32, #tpu.memory_space<hbm>> -> memref<128xi32, #tpu.memory_space<hbm>>
      %dma_wait3A_360 = tpu.memref_slice %arg3[%rem3A_279, %mul3A_277] : memref<4x2048xi32, #tpu.memory_space<hbm>> -> memref<1x128xi32, #tpu.memory_space<hbm>>
      %dma_wait3A_361 = tpu.memref_squeeze %dma_wait3A_360 : memref<1x128xi32, #tpu.memory_space<hbm>> -> memref<128xi32, #tpu.memory_space<hbm>>
      tpu.wait_dma2 semaphore(%run_scoped3A : memref<!tpu.dma_semaphore, #tpu.memory_space<semaphore_mem>>) src(%dma_wait3A_361 : memref<128xi32, #tpu.memory_space<hbm>>) dst(%arg5 : memref<128xi32, #tpu.memory_space<vmem>>)
      tpu.yield
    }) : () -> ()
    %mul3A_280 = arith.constant 2048 : i32
    %mul3A_281 = arith.muli %select_n3A_259, %mul3A_280 : i32
    %scan3A_282 = arith.constant 0 : i32
    %scan3A_283 = arith.constant 0 : i32
    %scan3A_284 = arith.constant 8 : i32
    %scan3A_285 = arith.addi %scan3A_283, %scan3A_284 : i32
    %scan3A_286 = arith.constant 1 : i32
    %scan3A_287 = scf.for %scan3A_354 = %scan3A_283 to %scan3A_285 step %scan3A_286 iter_args(%scan3A_355 = %scan3A_282) -> (i32)  : i32 {
      %mul3A_356 = arith.constant 16 : i32
      %mul3A_357 = arith.muli %scan3A_354, %mul3A_356 : i32
      %multiple_of3A = tpu.assume_multiple %mul3A_357, 16 : i32
      %get3A = arith.index_cast %multiple_of3A : i32 to index
      %get3A_358 = tpu.vector_load %arg5[%get3A] {strides = array<i32>} : memref<128xi32, #tpu.memory_space<vmem>>, vector<16xi32>,
      %get3A_359 = vector.shape_cast %get3A_358 : vector<16xi32> to vector<16xi32>
      %add3A_360 = vector.broadcast %mul3A_281 : i32 to vector<16xi32>
      %add3A_361 = arith.addi %get3A_359, %add3A_360 : vector<16xi32>
      %swap3A = arith.index_cast %multiple_of3A : i32 to index
      %swap3A_362 = tpu.vector_load %arg5[%swap3A] {strides = array<i32>} : memref<128xi32, #tpu.memory_space<vmem>>, vector<16xi32>,
      %swap3A_363 = vector.shape_cast %swap3A_362 : vector<16xi32> to vector<16xi32>
      %swap3A_364 = vector.shape_cast %add3A_361 : vector<16xi32> to vector<16xi32>
      tpu.vector_store %arg5[%swap3A], %swap3A_364 {strides = array<i32>} : memref<128xi32, #tpu.memory_space<vmem>>, vector<16xi32>,
      %scan3A_365 = arith.constant 0 : i32
      scf.yield %scan3A_365 : i32
    }
    %scan3A_288 = arith.constant 8 : i32
    %dma_start3A_289 = arith.constant 0 : i32
    %dma_start3A_290 = tpu.memref_slice %arg2[%dma_start3A_289] : memref<24576xf32, #tpu.memory_space<hbm>> -> memref<24576xf32, #tpu.memory_space<hbm>>
    tpu.enqueue_indirect_dma source(%dma_start3A_290 : memref<24576xf32, #tpu.memory_space<hbm>>) target(%arg6 : memref<128xf32, #tpu.memory_space<vmem>>) offsets(%arg5 : memref<128xi32, #tpu.memory_space<vmem>>) semaphore(%arg7 : memref<!tpu.dma_semaphore, #tpu.memory_space<semaphore_mem>>)
    %dma_wait3A_291 = arith.constant 0 : i32
    %dma_wait3A_292 = tpu.memref_slice %arg2[%dma_wait3A_291] : memref<24576xf32, #tpu.memory_space<hbm>> -> memref<24576xf32, #tpu.memory_space<hbm>>
    tpu.wait_indirect_dma semaphore(%arg7 : memref<!tpu.dma_semaphore, #tpu.memory_space<semaphore_mem>>) src(%dma_wait3A_292 : memref<24576xf32, #tpu.memory_space<hbm>>) dst(%arg6 : memref<128xf32, #tpu.memory_space<vmem>>)
    "tpu.region"() ({
      %run_scoped3A = tpu.sem_alloc : memref<!tpu.dma_semaphore, #tpu.memory_space<semaphore_mem>>
      %dma_start3A_354 = tpu.memref_slice %arg4[%select_n3A_259, %mul3A_277] : memref<12x2048xf32, #tpu.memory_space<hbm>> -> memref<1x128xf32, #tpu.memory_space<hbm>>
      %dma_start3A_355 = tpu.memref_squeeze %dma_start3A_354 : memref<1x128xf32, #tpu.memory_space<hbm>> -> memref<128xf32, #tpu.memory_space<hbm>>
      %dma_start3A_356 = tpu.memref_slice %arg4[%select_n3A_259, %mul3A_277] : memref<12x2048xf32, #tpu.memory_space<hbm>> -> memref<1x128xf32, #tpu.memory_space<hbm>>
      %dma_start3A_357 = tpu.memref_squeeze %dma_start3A_356 : memref<1x128xf32, #tpu.memory_space<hbm>> -> memref<128xf32, #tpu.memory_space<hbm>>
      tpu.enqueue_dma source(%arg6 : memref<128xf32, #tpu.memory_space<vmem>>) target(%dma_start3A_357 : memref<128xf32, #tpu.memory_space<hbm>>) target_semaphore(%run_scoped3A : memref<!tpu.dma_semaphore, #tpu.memory_space<semaphore_mem>>)
      %dma_wait3A_358 = tpu.memref_slice %arg4[%select_n3A_259, %mul3A_277] : memref<12x2048xf32, #tpu.memory_space<hbm>> -> memref<1x128xf32, #tpu.memory_space<hbm>>
      %dma_wait3A_359 = tpu.memref_squeeze %dma_wait3A_358 : memref<1x128xf32, #tpu.memory_space<hbm>> -> memref<128xf32, #tpu.memory_space<hbm>>
      %dma_wait3A_360 = tpu.memref_slice %arg4[%select_n3A_259, %mul3A_277] : memref<12x2048xf32, #tpu.memory_space<hbm>> -> memref<1x128xf32, #tpu.memory_space<hbm>>
      %dma_wait3A_361 = tpu.memref_squeeze %dma_wait3A_360 : memref<1x128xf32, #tpu.memory_space<hbm>> -> memref<128xf32, #tpu.memory_space<hbm>>
      tpu.wait_dma2 semaphore(%run_scoped3A : memref<!tpu.dma_semaphore, #tpu.memory_space<semaphore_mem>>) src(%arg6 : memref<128xf32, #tpu.memory_space<vmem>>) dst(%dma_wait3A_361 : memref<128xf32, #tpu.memory_space<hbm>>)
      tpu.yield
    }) : () -> ()
    %mul3A_293 = arith.constant 6 : i32
    %mul3A_294 = arith.muli %add3A, %mul3A_293 : i32
    %add3A_295 = arith.constant 5 : i32
    %add3A_296 = arith.addi %mul3A_294, %add3A_295 : i32
    %jit3A_297 = arith.constant 16 : i32
    %div3A_298 = arith.divsi %add3A_296, %jit3A_297 : i32
    %sign3A_299 = arith.constant 0 : i32
    %sign3A_300 = arith.cmpi sgt, %add3A_296, %sign3A_299 : i32
    %sign3A_301 = arith.extui %sign3A_300 : i1 to i32
    %sign3A_302 = arith.constant 0 : i32
    %sign3A_303 = arith.cmpi slt, %add3A_296, %sign3A_302 : i32
    %sign3A_304 = arith.extui %sign3A_303 : i1 to i32
    %sign3A_305 = arith.subi %sign3A_301, %sign3A_304 : i32
    %sign3A_306 = arith.constant 0 : i32
    %sign3A_307 = arith.cmpi sgt, %jit3A_297, %sign3A_306 : i32
    %sign3A_308 = arith.extui %sign3A_307 : i1 to i32
    %sign3A_309 = arith.constant 0 : i32
    %sign3A_310 = arith.cmpi slt, %jit3A_297, %sign3A_309 : i32
    %sign3A_311 = arith.extui %sign3A_310 : i1 to i32
    %sign3A_312 = arith.subi %sign3A_308, %sign3A_311 : i32
    %ne3A_313 = arith.cmpi ne, %sign3A_305, %sign3A_312 : i32
    %rem3A_314 = arith.remsi %add3A_296, %jit3A_297 : i32
    %ne3A_315 = arith.constant 0 : i32
    %ne3A_316 = arith.cmpi ne, %rem3A_314, %ne3A_315 : i32
    %and3A_317 = arith.andi %ne3A_313, %ne3A_316 : i1
    %sub3A_318 = arith.constant 1 : i32
    %sub3A_319 = arith.subi %div3A_298, %sub3A_318 : i32
    %select_n3A_320 = arith.select %and3A_317, %sub3A_319, %div3A_298 : i32
    %jit3A_321 = arith.constant 16 : i32
    %eq3A_322 = arith.constant 0 : i32
    %eq3A_323 = arith.cmpi eq, %jit3A_321, %eq3A_322 : i32
    %jit3A_324 = arith.constant 1 : i32
    %select_n3A_325 = arith.select %eq3A_323, %jit3A_324, %jit3A_321 : i32
    %rem3A_326 = arith.remsi %add3A_296, %select_n3A_325 : i32
    %ne3A_327 = arith.constant 0 : i32
    %ne3A_328 = arith.cmpi ne, %rem3A_326, %ne3A_327 : i32
    %lt3A_329 = arith.constant 0 : i32
    %lt3A_330 = arith.cmpi slt, %rem3A_326, %lt3A_329 : i32
    %lt3A_331 = arith.constant 0 : i32
    %lt3A_332 = arith.cmpi slt, %select_n3A_325, %lt3A_331 : i32
    %ne3A_333 = arith.xori %lt3A_330, %lt3A_332 : i1
    %and3A_334 = arith.andi %ne3A_333, %ne3A_328 : i1
    %add3A_335 = arith.addi %rem3A_326, %select_n3A_325 : i32
    %select_n3A_336 = arith.select %and3A_334, %add3A_335, %rem3A_326 : i32
    %mul3A_337 = arith.constant 128 : i32
    %mul3A_338 = arith.muli %select_n3A_336, %mul3A_337 : i32
    %rem3A_339 = arith.constant 4 : i32
    %rem3A_340 = arith.remsi %select_n3A_320, %rem3A_339 : i32
    "tpu.region"() ({
      %run_scoped3A = tpu.sem_alloc : memref<!tpu.dma_semaphore, #tpu.memory_space<semaphore_mem>>
      %dma_start3A_354 = tpu.memref_slice %arg3[%rem3A_340, %mul3A_338] : memref<4x2048xi32, #tpu.memory_space<hbm>> -> memref<1x128xi32, #tpu.memory_space<hbm>>
      %dma_start3A_355 = tpu.memref_squeeze %dma_start3A_354 : memref<1x128xi32, #tpu.memory_space<hbm>> -> memref<128xi32, #tpu.memory_space<hbm>>
      %dma_start3A_356 = tpu.memref_slice %arg3[%rem3A_340, %mul3A_338] : memref<4x2048xi32, #tpu.memory_space<hbm>> -> memref<1x128xi32, #tpu.memory_space<hbm>>
      %dma_start3A_357 = tpu.memref_squeeze %dma_start3A_356 : memref<1x128xi32, #tpu.memory_space<hbm>> -> memref<128xi32, #tpu.memory_space<hbm>>
      tpu.enqueue_dma source(%dma_start3A_357 : memref<128xi32, #tpu.memory_space<hbm>>) target(%arg5 : memref<128xi32, #tpu.memory_space<vmem>>) target_semaphore(%run_scoped3A : memref<!tpu.dma_semaphore, #tpu.memory_space<semaphore_mem>>)
      %dma_wait3A_358 = tpu.memref_slice %arg3[%rem3A_340, %mul3A_338] : memref<4x2048xi32, #tpu.memory_space<hbm>> -> memref<1x128xi32, #tpu.memory_space<hbm>>
      %dma_wait3A_359 = tpu.memref_squeeze %dma_wait3A_358 : memref<1x128xi32, #tpu.memory_space<hbm>> -> memref<128xi32, #tpu.memory_space<hbm>>
      %dma_wait3A_360 = tpu.memref_slice %arg3[%rem3A_340, %mul3A_338] : memref<4x2048xi32, #tpu.memory_space<hbm>> -> memref<1x128xi32, #tpu.memory_space<hbm>>
      %dma_wait3A_361 = tpu.memref_squeeze %dma_wait3A_360 : memref<1x128xi32, #tpu.memory_space<hbm>> -> memref<128xi32, #tpu.memory_space<hbm>>
      tpu.wait_dma2 semaphore(%run_scoped3A : memref<!tpu.dma_semaphore, #tpu.memory_space<semaphore_mem>>) src(%dma_wait3A_361 : memref<128xi32, #tpu.memory_space<hbm>>) dst(%arg5 : memref<128xi32, #tpu.memory_space<vmem>>)
      tpu.yield
    }) : () -> ()
    %mul3A_341 = arith.constant 2048 : i32
    %mul3A_342 = arith.muli %select_n3A_320, %mul3A_341 : i32
    %scan3A_343 = arith.constant 0 : i32
    %scan3A_344 = arith.constant 0 : i32
    %scan3A_345 = arith.constant 8 : i32
    %scan3A_346 = arith.addi %scan3A_344, %scan3A_345 : i32
    %scan3A_347 = arith.constant 1 : i32
    %scan3A_348 = scf.for %scan3A_354 = %scan3A_344 to %scan3A_346 step %scan3A_347 iter_args(%scan3A_355 = %scan3A_343) -> (i32)  : i32 {
      %mul3A_356 = arith.constant 16 : i32
      %mul3A_357 = arith.muli %scan3A_354, %mul3A_356 : i32
      %multiple_of3A = tpu.assume_multiple %mul3A_357, 16 : i32
      %get3A = arith.index_cast %multiple_of3A : i32 to index
      %get3A_358 = tpu.vector_load %arg5[%get3A] {strides = array<i32>} : memref<128xi32, #tpu.memory_space<vmem>>, vector<16xi32>,
      %get3A_359 = vector.shape_cast %get3A_358 : vector<16xi32> to vector<16xi32>
      %add3A_360 = vector.broadcast %mul3A_342 : i32 to vector<16xi32>
      %add3A_361 = arith.addi %get3A_359, %add3A_360 : vector<16xi32>
      %swap3A = arith.index_cast %multiple_of3A : i32 to index
      %swap3A_362 = tpu.vector_load %arg5[%swap3A] {strides = array<i32>} : memref<128xi32, #tpu.memory_space<vmem>>, vector<16xi32>,
      %swap3A_363 = vector.shape_cast %swap3A_362 : vector<16xi32> to vector<16xi32>
      %swap3A_364 = vector.shape_cast %add3A_361 : vector<16xi32> to vector<16xi32>
      tpu.vector_store %arg5[%swap3A], %swap3A_364 {strides = array<i32>} : memref<128xi32, #tpu.memory_space<vmem>>, vector<16xi32>,
      %scan3A_365 = arith.constant 0 : i32
      scf.yield %scan3A_365 : i32
    }
    %scan3A_349 = arith.constant 8 : i32
    %dma_start3A_350 = arith.constant 0 : i32
    %dma_start3A_351 = tpu.memref_slice %arg2[%dma_start3A_350] : memref<24576xf32, #tpu.memory_space<hbm>> -> memref<24576xf32, #tpu.memory_space<hbm>>
    tpu.enqueue_indirect_dma source(%dma_start3A_351 : memref<24576xf32, #tpu.memory_space<hbm>>) target(%arg6 : memref<128xf32, #tpu.memory_space<vmem>>) offsets(%arg5 : memref<128xi32, #tpu.memory_space<vmem>>) semaphore(%arg7 : memref<!tpu.dma_semaphore, #tpu.memory_space<semaphore_mem>>)
    %dma_wait3A_352 = arith.constant 0 : i32
    %dma_wait3A_353 = tpu.memref_slice %arg2[%dma_wait3A_352] : memref<24576xf32, #tpu.memory_space<hbm>> -> memref<24576xf32, #tpu.memory_space<hbm>>
    tpu.wait_indirect_dma semaphore(%arg7 : memref<!tpu.dma_semaphore, #tpu.memory_space<semaphore_mem>>) src(%dma_wait3A_353 : memref<24576xf32, #tpu.memory_space<hbm>>) dst(%arg6 : memref<128xf32, #tpu.memory_space<vmem>>)
    "tpu.region"() ({
      %run_scoped3A = tpu.sem_alloc : memref<!tpu.dma_semaphore, #tpu.memory_space<semaphore_mem>>
      %dma_start3A_354 = tpu.memref_slice %arg4[%select_n3A_320, %mul3A_338] : memref<12x2048xf32, #tpu.memory_space<hbm>> -> memref<1x128xf32, #tpu.memory_space<hbm>>
      %dma_start3A_355 = tpu.memref_squeeze %dma_start3A_354 : memref<1x128xf32, #tpu.memory_space<hbm>> -> memref<128xf32, #tpu.memory_space<hbm>>
      %dma_start3A_356 = tpu.memref_slice %arg4[%select_n3A_320, %mul3A_338] : memref<12x2048xf32, #tpu.memory_space<hbm>> -> memref<1x128xf32, #tpu.memory_space<hbm>>
      %dma_start3A_357 = tpu.memref_squeeze %dma_start3A_356 : memref<1x128xf32, #tpu.memory_space<hbm>> -> memref<128xf32, #tpu.memory_space<hbm>>
      tpu.enqueue_dma source(%arg6 : memref<128xf32, #tpu.memory_space<vmem>>) target(%dma_start3A_357 : memref<128xf32, #tpu.memory_space<hbm>>) target_semaphore(%run_scoped3A : memref<!tpu.dma_semaphore, #tpu.memory_space<semaphore_mem>>)
      %dma_wait3A_358 = tpu.memref_slice %arg4[%select_n3A_320, %mul3A_338] : memref<12x2048xf32, #tpu.memory_space<hbm>> -> memref<1x128xf32, #tpu.memory_space<hbm>>
      %dma_wait3A_359 = tpu.memref_squeeze %dma_wait3A_358 : memref<1x128xf32, #tpu.memory_space<hbm>> -> memref<128xf32, #tpu.memory_space<hbm>>
      %dma_wait3A_360 = tpu.memref_slice %arg4[%select_n3A_320, %mul3A_338] : memref<12x2048xf32, #tpu.memory_space<hbm>> -> memref<1x128xf32, #tpu.memory_space<hbm>>
      %dma_wait3A_361 = tpu.memref_squeeze %dma_wait3A_360 : memref<1x128xf32, #tpu.memory_space<hbm>> -> memref<128xf32, #tpu.memory_space<hbm>>
      tpu.wait_dma2 semaphore(%run_scoped3A : memref<!tpu.dma_semaphore, #tpu.memory_space<semaphore_mem>>) src(%arg6 : memref<128xf32, #tpu.memory_space<vmem>>) dst(%dma_wait3A_361 : memref<128xf32, #tpu.memory_space<hbm>>)
      tpu.yield
    }) : () -> ()
    return
  }
}

module attributes {stable_mosaic.version = 14 : i64} {
  func.func @_ka_body(%arg0: i32, %arg1: i32, %arg2: memref<1x3x2048xf32, #tpu.memory_space<vmem>>, %arg3: memref<1x9x1024xf32, #tpu.memory_space<vmem>>) attributes {dimension_semantics = [#tpu.dimension_semantics<arbitrary>, #tpu.dimension_semantics<arbitrary>], iteration_bounds = array<i64: 8, 2>, scalar_prefetch = 0 : i64, scratch_operands = 0 : i64, tpu.core_type = #tpu.core_type<tc>, window_params = [{transform_indices = @transform_0, window_bounds = array<i64: 1, 3, 2048>}, {transform_indices = @transform_1, window_bounds = array<i64: 1, 9, 1024>}]} {
    %get3A = arith.constant 0 : index
    %get3A_0 = arith.constant 0 : index
    %get3A_1 = arith.constant 0 : index
    %get3A_2 = vector.load %arg2[%get3A, %get3A_0, %get3A_1] : memref<1x3x2048xf32, #tpu.memory_space<vmem>>, vector<1x3x2048xf32>
    %get3A_3 = vector.shape_cast %get3A_2 : vector<1x3x2048xf32> to vector<3x2048xf32>
    %mul3A = arith.constant 1024 : i32
    %mul3A_4 = arith.muli %arg1, %mul3A : i32
    %get3A_5 = arith.constant 0 : index
    %get3A_6 = arith.constant 0 : index
    %get3A_7 = arith.index_cast %mul3A_4 : i32 to index
    %get3A_8 = vector.load %arg2[%get3A_5, %get3A_6, %get3A_7] : memref<1x3x2048xf32, #tpu.memory_space<vmem>>, vector<1x3x1024xf32>
    %get3A_9 = vector.shape_cast %get3A_8 : vector<1x3x1024xf32> to vector<3x1024xf32>
    %slice3A = vector.extract_strided_slice %get3A_3 {offsets = [0, 0], sizes = [1, 2048], strides = [1, 1]} : vector<3x2048xf32> to vector<1x2048xf32>
    %slice3A_10 = vector.extract_strided_slice %get3A_3 {offsets = [1, 0], sizes = [1, 2048], strides = [1, 1]} : vector<3x2048xf32> to vector<1x2048xf32>
    %slice3A_11 = vector.extract_strided_slice %get3A_3 {offsets = [2, 0], sizes = [1, 2048], strides = [1, 1]} : vector<3x2048xf32> to vector<1x2048xf32>
    %mul3A_12 = arith.mulf %slice3A, %slice3A : vector<1x2048xf32>
    %mul3A_13 = arith.mulf %slice3A_10, %slice3A_10 : vector<1x2048xf32>
    %add3A = arith.addf %mul3A_12, %mul3A_13 : vector<1x2048xf32>
    %mul3A_14 = arith.mulf %slice3A_11, %slice3A_11 : vector<1x2048xf32>
    %add3A_15 = arith.addf %add3A, %mul3A_14 : vector<1x2048xf32>
    %mul3A_16 = arith.mulf %get3A_9, %get3A_9 : vector<3x1024xf32>
    %reduce_sum3A = arith.constant dense<0.000000e+00> : vector<1024xf32>
    %reduce_sum3A_17 = vector.multi_reduction <add>, %mul3A_16, %reduce_sum3A [0] : vector<3x1024xf32> to vector<1024xf32>
    %broadcast_in_dim3A = vector.shape_cast %reduce_sum3A_17 : vector<1024xf32> to vector<1x1024xf32>
    %transpose3A = tpu.transpose %broadcast_in_dim3A, [1, 0] : vector<1x1024xf32> -> vector<1024x1xf32>
    %add3A_18 = arith.constant 1.000000e+00 : f32
    %add3A_19 = vector.broadcast %add3A_18 : f32 to vector<1024x1xf32>
    %add3A_20 = arith.addf %transpose3A, %add3A_19 : vector<1024x1xf32>
    %dot_general3A = arith.constant dense<0.000000e+00> : vector<1024x2048xf32>
    %dot_general3A_21 = tpu.matmul %get3A_9, %get3A_3, %dot_general3A {dimension_numbers = #tpu.dot_dimension_numbers<[0], [0], [1], [1], [0, 1, 1, 1], [], []>, transpose_lhs_hint = false} : vector<3x1024xf32>, vector<3x2048xf32>, vector<1024x2048xf32> -> vector<1024x2048xf32>
    %add3A_22 = vector.broadcast %add3A_20 : vector<1024x1xf32> to vector<1024x2048xf32>
    %add3A_23 = vector.broadcast %add3A_15 : vector<1x2048xf32> to vector<1024x2048xf32>
    %add3A_24 = arith.addf %add3A_22, %add3A_23 : vector<1024x2048xf32>
    %mul3A_25 = arith.constant 2.000000e+00 : f32
    %mul3A_26 = vector.broadcast %mul3A_25 : f32 to vector<1024x2048xf32>
    %mul3A_27 = arith.mulf %mul3A_26, %dot_general3A_21 : vector<1024x2048xf32>
    %sub3A = arith.subf %add3A_24, %mul3A_27 : vector<1024x2048xf32>
    %iota3A = tpu.iota {dimensions = array<i32: 1>} : vector<1x2048xi32>
    %bitcast_convert_type3A = tpu.bitcast %sub3A : vector<1024x2048xf32> -> vector<1024x2048xi32>
    %and3A = arith.constant -2048 : i32
    %and3A_28 = vector.broadcast %and3A : i32 to vector<1024x2048xi32>
    %and3A_29 = arith.andi %bitcast_convert_type3A, %and3A_28 : vector<1024x2048xi32>
    %or3A = vector.broadcast %iota3A : vector<1x2048xi32> to vector<1024x2048xi32>
    %or3A_30 = arith.ori %and3A_29, %or3A : vector<1024x2048xi32>
    %bitcast_convert_type3A_31 = tpu.bitcast %or3A_30 : vector<1024x2048xi32> -> vector<1024x2048xf32>
    %reduce_min3A = arith.constant dense<0x7F800000> : vector<1024xf32>
    %reduce_min3A_32 = vector.multi_reduction <minimumf>, %bitcast_convert_type3A_31, %reduce_min3A [1] : vector<1024x2048xf32> to vector<1024xf32>
    %broadcast_in_dim3A_33 = vector.shape_cast %reduce_min3A_32 : vector<1024xf32> to vector<1024x1xf32>
    %eq3A = vector.broadcast %broadcast_in_dim3A_33 : vector<1024x1xf32> to vector<1024x2048xf32>
    %eq3A_34 = arith.cmpf oeq, %bitcast_convert_type3A_31, %eq3A : vector<1024x2048xf32>
    %jit3A = arith.constant 0x7F800000 : f32
    %broadcast_in_dim3A_35 = vector.broadcast %jit3A : f32 to vector<1024x2048xf32>
    %select_n3A = arith.select %eq3A_34, %broadcast_in_dim3A_35, %bitcast_convert_type3A_31 : vector<1024x2048xi1>, vector<1024x2048xf32>
    %reduce_min3A_36 = arith.constant dense<0x7F800000> : vector<1024xf32>
    %reduce_min3A_37 = vector.multi_reduction <minimumf>, %select_n3A, %reduce_min3A_36 [1] : vector<1024x2048xf32> to vector<1024xf32>
    %broadcast_in_dim3A_38 = vector.shape_cast %reduce_min3A_37 : vector<1024xf32> to vector<1024x1xf32>
    %eq3A_39 = vector.broadcast %broadcast_in_dim3A_38 : vector<1024x1xf32> to vector<1024x2048xf32>
    %eq3A_40 = arith.cmpf oeq, %select_n3A, %eq3A_39 : vector<1024x2048xf32>
    %jit3A_41 = arith.constant 0x7F800000 : f32
    %broadcast_in_dim3A_42 = vector.broadcast %jit3A_41 : f32 to vector<1024x2048xf32>
    %select_n3A_43 = arith.select %eq3A_40, %broadcast_in_dim3A_42, %select_n3A : vector<1024x2048xi1>, vector<1024x2048xf32>
    %reduce_min3A_44 = arith.constant dense<0x7F800000> : vector<1024xf32>
    %reduce_min3A_45 = vector.multi_reduction <minimumf>, %select_n3A_43, %reduce_min3A_44 [1] : vector<1024x2048xf32> to vector<1024xf32>
    %broadcast_in_dim3A_46 = vector.shape_cast %reduce_min3A_45 : vector<1024xf32> to vector<1024x1xf32>
    %eq3A_47 = vector.broadcast %broadcast_in_dim3A_46 : vector<1024x1xf32> to vector<1024x2048xf32>
    %eq3A_48 = arith.cmpf oeq, %select_n3A_43, %eq3A_47 : vector<1024x2048xf32>
    %jit3A_49 = arith.constant 0x7F800000 : f32
    %broadcast_in_dim3A_50 = vector.broadcast %jit3A_49 : f32 to vector<1024x2048xf32>
    %select_n3A_51 = arith.select %eq3A_48, %broadcast_in_dim3A_50, %select_n3A_43 : vector<1024x2048xi1>, vector<1024x2048xf32>
    %reduce_min3A_52 = arith.constant dense<0x7F800000> : vector<1024xf32>
    %reduce_min3A_53 = vector.multi_reduction <minimumf>, %select_n3A_51, %reduce_min3A_52 [1] : vector<1024x2048xf32> to vector<1024xf32>
    %broadcast_in_dim3A_54 = vector.shape_cast %reduce_min3A_53 : vector<1024xf32> to vector<1024x1xf32>
    %eq3A_55 = vector.broadcast %broadcast_in_dim3A_54 : vector<1024x1xf32> to vector<1024x2048xf32>
    %eq3A_56 = arith.cmpf oeq, %select_n3A_51, %eq3A_55 : vector<1024x2048xf32>
    %jit3A_57 = arith.constant 0x7F800000 : f32
    %broadcast_in_dim3A_58 = vector.broadcast %jit3A_57 : f32 to vector<1024x2048xf32>
    %select_n3A_59 = arith.select %eq3A_56, %broadcast_in_dim3A_58, %select_n3A_51 : vector<1024x2048xi1>, vector<1024x2048xf32>
    %reduce_min3A_60 = arith.constant dense<0x7F800000> : vector<1024xf32>
    %reduce_min3A_61 = vector.multi_reduction <minimumf>, %select_n3A_59, %reduce_min3A_60 [1] : vector<1024x2048xf32> to vector<1024xf32>
    %broadcast_in_dim3A_62 = vector.shape_cast %reduce_min3A_61 : vector<1024xf32> to vector<1024x1xf32>
    %eq3A_63 = vector.broadcast %broadcast_in_dim3A_62 : vector<1024x1xf32> to vector<1024x2048xf32>
    %eq3A_64 = arith.cmpf oeq, %select_n3A_59, %eq3A_63 : vector<1024x2048xf32>
    %jit3A_65 = arith.constant 0x7F800000 : f32
    %broadcast_in_dim3A_66 = vector.broadcast %jit3A_65 : f32 to vector<1024x2048xf32>
    %select_n3A_67 = arith.select %eq3A_64, %broadcast_in_dim3A_66, %select_n3A_59 : vector<1024x2048xi1>, vector<1024x2048xf32>
    %reduce_min3A_68 = arith.constant dense<0x7F800000> : vector<1024xf32>
    %reduce_min3A_69 = vector.multi_reduction <minimumf>, %select_n3A_67, %reduce_min3A_68 [1] : vector<1024x2048xf32> to vector<1024xf32>
    %broadcast_in_dim3A_70 = vector.shape_cast %reduce_min3A_69 : vector<1024xf32> to vector<1024x1xf32>
    %eq3A_71 = vector.broadcast %broadcast_in_dim3A_70 : vector<1024x1xf32> to vector<1024x2048xf32>
    %eq3A_72 = arith.cmpf oeq, %select_n3A_67, %eq3A_71 : vector<1024x2048xf32>
    %jit3A_73 = arith.constant 0x7F800000 : f32
    %broadcast_in_dim3A_74 = vector.broadcast %jit3A_73 : f32 to vector<1024x2048xf32>
    %select_n3A_75 = arith.select %eq3A_72, %broadcast_in_dim3A_74, %select_n3A_67 : vector<1024x2048xi1>, vector<1024x2048xf32>
    %reduce_min3A_76 = arith.constant dense<0x7F800000> : vector<1024xf32>
    %reduce_min3A_77 = vector.multi_reduction <minimumf>, %select_n3A_75, %reduce_min3A_76 [1] : vector<1024x2048xf32> to vector<1024xf32>
    %broadcast_in_dim3A_78 = vector.shape_cast %reduce_min3A_77 : vector<1024xf32> to vector<1024x1xf32>
    %eq3A_79 = vector.broadcast %broadcast_in_dim3A_78 : vector<1024x1xf32> to vector<1024x2048xf32>
    %eq3A_80 = arith.cmpf oeq, %select_n3A_75, %eq3A_79 : vector<1024x2048xf32>
    %jit3A_81 = arith.constant 0x7F800000 : f32
    %broadcast_in_dim3A_82 = vector.broadcast %jit3A_81 : f32 to vector<1024x2048xf32>
    %select_n3A_83 = arith.select %eq3A_80, %broadcast_in_dim3A_82, %select_n3A_75 : vector<1024x2048xi1>, vector<1024x2048xf32>
    %reduce_min3A_84 = arith.constant dense<0x7F800000> : vector<1024xf32>
    %reduce_min3A_85 = vector.multi_reduction <minimumf>, %select_n3A_83, %reduce_min3A_84 [1] : vector<1024x2048xf32> to vector<1024xf32>
    %broadcast_in_dim3A_86 = vector.shape_cast %reduce_min3A_85 : vector<1024xf32> to vector<1024x1xf32>
    %eq3A_87 = vector.broadcast %broadcast_in_dim3A_86 : vector<1024x1xf32> to vector<1024x2048xf32>
    %eq3A_88 = arith.cmpf oeq, %select_n3A_83, %eq3A_87 : vector<1024x2048xf32>
    %jit3A_89 = arith.constant 0x7F800000 : f32
    %broadcast_in_dim3A_90 = vector.broadcast %jit3A_89 : f32 to vector<1024x2048xf32>
    %select_n3A_91 = arith.select %eq3A_88, %broadcast_in_dim3A_90, %select_n3A_83 : vector<1024x2048xi1>, vector<1024x2048xf32>
    %reduce_min3A_92 = arith.constant dense<0x7F800000> : vector<1024xf32>
    %reduce_min3A_93 = vector.multi_reduction <minimumf>, %select_n3A_91, %reduce_min3A_92 [1] : vector<1024x2048xf32> to vector<1024xf32>
    %broadcast_in_dim3A_94 = vector.shape_cast %reduce_min3A_93 : vector<1024xf32> to vector<1024x1xf32>
    %eq3A_95 = vector.broadcast %broadcast_in_dim3A_94 : vector<1024x1xf32> to vector<1024x2048xf32>
    %eq3A_96 = arith.cmpf oeq, %select_n3A_91, %eq3A_95 : vector<1024x2048xf32>
    %jit3A_97 = arith.constant 0x7F800000 : f32
    %broadcast_in_dim3A_98 = vector.broadcast %jit3A_97 : f32 to vector<1024x2048xf32>
    %select_n3A_99 = arith.select %eq3A_96, %broadcast_in_dim3A_98, %select_n3A_91 : vector<1024x2048xi1>, vector<1024x2048xf32>
    %reduce_min3A_100 = arith.constant dense<0x7F800000> : vector<1024xf32>
    %reduce_min3A_101 = vector.multi_reduction <minimumf>, %select_n3A_99, %reduce_min3A_100 [1] : vector<1024x2048xf32> to vector<1024xf32>
    %broadcast_in_dim3A_102 = vector.shape_cast %reduce_min3A_101 : vector<1024xf32> to vector<1024x1xf32>
    %eq3A_103 = vector.broadcast %broadcast_in_dim3A_102 : vector<1024x1xf32> to vector<1024x2048xf32>
    %eq3A_104 = arith.cmpf oeq, %select_n3A_99, %eq3A_103 : vector<1024x2048xf32>
    %jit3A_105 = arith.constant 0x7F800000 : f32
    %broadcast_in_dim3A_106 = vector.broadcast %jit3A_105 : f32 to vector<1024x2048xf32>
    %select_n3A_107 = arith.select %eq3A_104, %broadcast_in_dim3A_106, %select_n3A_99 : vector<1024x2048xi1>, vector<1024x2048xf32>
    %eq3A_108 = arith.constant 0x7F800000 : f32
    %eq3A_109 = vector.broadcast %eq3A_108 : f32 to vector<1024x2048xf32>
    %eq3A_110 = arith.cmpf oeq, %select_n3A_107, %eq3A_109 : vector<1024x2048xf32>
    %convert_element_type3A = arith.extui %eq3A_110 : vector<1024x2048xi1> to vector<1024x2048xi32>
    %convert_element_type3A_111 = arith.sitofp %convert_element_type3A : vector<1024x2048xi32> to vector<1024x2048xf32>
    %mul3A_112 = arith.mulf %slice3A, %slice3A : vector<1x2048xf32>
    %mul3A_113 = arith.mulf %slice3A_10, %slice3A : vector<1x2048xf32>
    %mul3A_114 = arith.mulf %slice3A_11, %slice3A : vector<1x2048xf32>
    %mul3A_115 = arith.mulf %slice3A_10, %slice3A_10 : vector<1x2048xf32>
    %mul3A_116 = arith.mulf %slice3A_11, %slice3A_10 : vector<1x2048xf32>
    %mul3A_117 = arith.mulf %slice3A_11, %slice3A_11 : vector<1x2048xf32>
    %concatenate3A = tpu.concatenate %get3A_3, %mul3A_112, %mul3A_113, %mul3A_114, %mul3A_115, %mul3A_116, %mul3A_117 in 0 : vector<3x2048xf32>, vector<1x2048xf32>, vector<1x2048xf32>, vector<1x2048xf32>, vector<1x2048xf32>, vector<1x2048xf32>, vector<1x2048xf32> -> vector<9x2048xf32>
    %convert_element_type3A_118 = arith.truncf %convert_element_type3A_111 : vector<1024x2048xf32> to vector<1024x2048xbf16>
    %convert_element_type3A_119 = arith.truncf %concatenate3A : vector<9x2048xf32> to vector<9x2048xbf16>
    %convert_element_type3A_120 = arith.extf %convert_element_type3A_119 : vector<9x2048xbf16> to vector<9x2048xf32>
    %sub3A_121 = arith.subf %concatenate3A, %convert_element_type3A_120 : vector<9x2048xf32>
    %convert_element_type3A_122 = arith.truncf %sub3A_121 : vector<9x2048xf32> to vector<9x2048xbf16>
    %dot_general3A_123 = arith.constant dense<0.000000e+00> : vector<1024x9xf32>
    %dot_general3A_124 = tpu.matmul %convert_element_type3A_118, %convert_element_type3A_119, %dot_general3A_123 {dimension_numbers = #tpu.dot_dimension_numbers<[1], [1], [0], [0], [0, 0, 1, 0], [], []>, transpose_lhs_hint = false} : vector<1024x2048xbf16>, vector<9x2048xbf16>, vector<1024x9xf32> -> vector<1024x9xf32>
    %dot_general3A_125 = arith.constant dense<0.000000e+00> : vector<1024x9xf32>
    %dot_general3A_126 = tpu.matmul %convert_element_type3A_118, %convert_element_type3A_122, %dot_general3A_125 {dimension_numbers = #tpu.dot_dimension_numbers<[1], [1], [0], [0], [0, 0, 1, 0], [], []>, transpose_lhs_hint = false} : vector<1024x2048xbf16>, vector<9x2048xbf16>, vector<1024x9xf32> -> vector<1024x9xf32>
    %add3A_127 = arith.addf %dot_general3A_124, %dot_general3A_126 : vector<1024x9xf32>
    %transpose3A_128 = tpu.transpose %add3A_127, [1, 0] : vector<1024x9xf32> -> vector<9x1024xf32>
    %swap3A = arith.constant 0 : index
    %swap3A_129 = arith.constant 0 : index
    %swap3A_130 = arith.constant 0 : index
    %swap3A_131 = vector.load %arg3[%swap3A, %swap3A_129, %swap3A_130] : memref<1x9x1024xf32, #tpu.memory_space<vmem>>, vector<1x9x1024xf32>
    %swap3A_132 = vector.shape_cast %swap3A_131 : vector<1x9x1024xf32> to vector<9x1024xf32>
    %swap3A_133 = vector.shape_cast %transpose3A_128 : vector<9x1024xf32> to vector<1x9x1024xf32>
    tpu.vector_store %arg3[%swap3A, %swap3A_129, %swap3A_130], %swap3A_133 {strides = array<i32>} : memref<1x9x1024xf32, #tpu.memory_space<vmem>>, vector<1x9x1024xf32>,
    return
  }
  func.func @transform_0(%arg0: i32, %arg1: i32) -> (i32, i32, i32) {
    %c0_i32 = arith.constant 0 : i32
    %c0_i32_0 = arith.constant 0 : i32
    %c0_i32_1 = arith.constant 0 : i32
    return %arg0, %c0_i32, %c0_i32_0 : i32, i32, i32
  }
  func.func @transform_1(%arg0: i32, %arg1: i32) -> (i32, i32, i32) {
    %c0_i32 = arith.constant 0 : i32
    %c0_i32_0 = arith.constant 0 : i32
    return %arg0, %c0_i32, %arg1 : i32, i32, i32
  }
}

module attributes {stable_mosaic.version = 14 : i64} {
  func.func @_kb_body(%arg0: i32, %arg1: memref<3x8x128xf32, #tpu.memory_space<vmem>>, %arg2: memref<6x8x128xf32, #tpu.memory_space<vmem>>, %arg3: memref<3x8x128xf32, #tpu.memory_space<vmem>>, %arg4: memref<6x8x128xf32, #tpu.memory_space<vmem>>, %arg5: memref<1x1x1xf32, #tpu.memory_space<vmem>>) attributes {dimension_semantics = [#tpu.dimension_semantics<arbitrary>], iteration_bounds = array<i64: 8>, scalar_prefetch = 0 : i64, scratch_operands = 0 : i64, tpu.core_type = #tpu.core_type<tc>, window_params = [{transform_indices = @transform_0, window_bounds = array<i64: 3, 8, 128>}, {transform_indices = @transform_1, window_bounds = array<i64: 6, 8, 128>}, {transform_indices = @transform_2, window_bounds = array<i64: 3, 8, 128>}, {transform_indices = @transform_3, window_bounds = array<i64: 6, 8, 128>}, {transform_indices = @transform_4, window_bounds = array<i64: 1, 1, 1>}]} {
    %get3A = arith.constant 0 : index
    %get3A_0 = arith.constant 0 : index
    %get3A_1 = arith.constant 0 : index
    %get3A_2 = vector.load %arg1[%get3A, %get3A_0, %get3A_1] : memref<3x8x128xf32, #tpu.memory_space<vmem>>, vector<1x8x128xf32>
    %get3A_3 = vector.shape_cast %get3A_2 : vector<1x8x128xf32> to vector<8x128xf32>
    %div3A = arith.constant 1.000000e+01 : f32
    %div3A_4 = vector.broadcast %div3A : f32 to vector<8x128xf32>
    %div3A_5 = arith.divf %get3A_3, %div3A_4 : vector<8x128xf32>
    %get3A_6 = arith.constant 1 : index
    %get3A_7 = arith.constant 0 : index
    %get3A_8 = arith.constant 0 : index
    %get3A_9 = vector.load %arg1[%get3A_6, %get3A_7, %get3A_8] : memref<3x8x128xf32, #tpu.memory_space<vmem>>, vector<1x8x128xf32>
    %get3A_10 = vector.shape_cast %get3A_9 : vector<1x8x128xf32> to vector<8x128xf32>
    %div3A_11 = arith.constant 1.000000e+01 : f32
    %div3A_12 = vector.broadcast %div3A_11 : f32 to vector<8x128xf32>
    %div3A_13 = arith.divf %get3A_10, %div3A_12 : vector<8x128xf32>
    %get3A_14 = arith.constant 2 : index
    %get3A_15 = arith.constant 0 : index
    %get3A_16 = arith.constant 0 : index
    %get3A_17 = vector.load %arg1[%get3A_14, %get3A_15, %get3A_16] : memref<3x8x128xf32, #tpu.memory_space<vmem>>, vector<1x8x128xf32>
    %get3A_18 = vector.shape_cast %get3A_17 : vector<1x8x128xf32> to vector<8x128xf32>
    %div3A_19 = arith.constant 1.000000e+01 : f32
    %div3A_20 = vector.broadcast %div3A_19 : f32 to vector<8x128xf32>
    %div3A_21 = arith.divf %get3A_18, %div3A_20 : vector<8x128xf32>
    %get3A_22 = arith.constant 0 : index
    %get3A_23 = arith.constant 0 : index
    %get3A_24 = arith.constant 0 : index
    %get3A_25 = vector.load %arg2[%get3A_22, %get3A_23, %get3A_24] : memref<6x8x128xf32, #tpu.memory_space<vmem>>, vector<1x8x128xf32>
    %get3A_26 = vector.shape_cast %get3A_25 : vector<1x8x128xf32> to vector<8x128xf32>
    %div3A_27 = arith.constant 1.000000e+01 : f32
    %div3A_28 = vector.broadcast %div3A_27 : f32 to vector<8x128xf32>
    %div3A_29 = arith.divf %get3A_26, %div3A_28 : vector<8x128xf32>
    %mul3A = arith.mulf %div3A_5, %div3A_5 : vector<8x128xf32>
    %sub3A = arith.subf %div3A_29, %mul3A : vector<8x128xf32>
    %get3A_30 = arith.constant 1 : index
    %get3A_31 = arith.constant 0 : index
    %get3A_32 = arith.constant 0 : index
    %get3A_33 = vector.load %arg2[%get3A_30, %get3A_31, %get3A_32] : memref<6x8x128xf32, #tpu.memory_space<vmem>>, vector<1x8x128xf32>
    %get3A_34 = vector.shape_cast %get3A_33 : vector<1x8x128xf32> to vector<8x128xf32>
    %div3A_35 = arith.constant 1.000000e+01 : f32
    %div3A_36 = vector.broadcast %div3A_35 : f32 to vector<8x128xf32>
    %div3A_37 = arith.divf %get3A_34, %div3A_36 : vector<8x128xf32>
    %mul3A_38 = arith.mulf %div3A_13, %div3A_5 : vector<8x128xf32>
    %sub3A_39 = arith.subf %div3A_37, %mul3A_38 : vector<8x128xf32>
    %get3A_40 = arith.constant 2 : index
    %get3A_41 = arith.constant 0 : index
    %get3A_42 = arith.constant 0 : index
    %get3A_43 = vector.load %arg2[%get3A_40, %get3A_41, %get3A_42] : memref<6x8x128xf32, #tpu.memory_space<vmem>>, vector<1x8x128xf32>
    %get3A_44 = vector.shape_cast %get3A_43 : vector<1x8x128xf32> to vector<8x128xf32>
    %div3A_45 = arith.constant 1.000000e+01 : f32
    %div3A_46 = vector.broadcast %div3A_45 : f32 to vector<8x128xf32>
    %div3A_47 = arith.divf %get3A_44, %div3A_46 : vector<8x128xf32>
    %mul3A_48 = arith.mulf %div3A_21, %div3A_5 : vector<8x128xf32>
    %sub3A_49 = arith.subf %div3A_47, %mul3A_48 : vector<8x128xf32>
    %get3A_50 = arith.constant 3 : index
    %get3A_51 = arith.constant 0 : index
    %get3A_52 = arith.constant 0 : index
    %get3A_53 = vector.load %arg2[%get3A_50, %get3A_51, %get3A_52] : memref<6x8x128xf32, #tpu.memory_space<vmem>>, vector<1x8x128xf32>
    %get3A_54 = vector.shape_cast %get3A_53 : vector<1x8x128xf32> to vector<8x128xf32>
    %div3A_55 = arith.constant 1.000000e+01 : f32
    %div3A_56 = vector.broadcast %div3A_55 : f32 to vector<8x128xf32>
    %div3A_57 = arith.divf %get3A_54, %div3A_56 : vector<8x128xf32>
    %mul3A_58 = arith.mulf %div3A_13, %div3A_13 : vector<8x128xf32>
    %sub3A_59 = arith.subf %div3A_57, %mul3A_58 : vector<8x128xf32>
    %get3A_60 = arith.constant 4 : index
    %get3A_61 = arith.constant 0 : index
    %get3A_62 = arith.constant 0 : index
    %get3A_63 = vector.load %arg2[%get3A_60, %get3A_61, %get3A_62] : memref<6x8x128xf32, #tpu.memory_space<vmem>>, vector<1x8x128xf32>
    %get3A_64 = vector.shape_cast %get3A_63 : vector<1x8x128xf32> to vector<8x128xf32>
    %div3A_65 = arith.constant 1.000000e+01 : f32
    %div3A_66 = vector.broadcast %div3A_65 : f32 to vector<8x128xf32>
    %div3A_67 = arith.divf %get3A_64, %div3A_66 : vector<8x128xf32>
    %mul3A_68 = arith.mulf %div3A_21, %div3A_13 : vector<8x128xf32>
    %sub3A_69 = arith.subf %div3A_67, %mul3A_68 : vector<8x128xf32>
    %get3A_70 = arith.constant 5 : index
    %get3A_71 = arith.constant 0 : index
    %get3A_72 = arith.constant 0 : index
    %get3A_73 = vector.load %arg2[%get3A_70, %get3A_71, %get3A_72] : memref<6x8x128xf32, #tpu.memory_space<vmem>>, vector<1x8x128xf32>
    %get3A_74 = vector.shape_cast %get3A_73 : vector<1x8x128xf32> to vector<8x128xf32>
    %div3A_75 = arith.constant 1.000000e+01 : f32
    %div3A_76 = vector.broadcast %div3A_75 : f32 to vector<8x128xf32>
    %div3A_77 = arith.divf %get3A_74, %div3A_76 : vector<8x128xf32>
    %mul3A_78 = arith.mulf %div3A_21, %div3A_21 : vector<8x128xf32>
    %sub3A_79 = arith.subf %div3A_77, %mul3A_78 : vector<8x128xf32>
    %broadcast_in_dim3A = arith.constant 1.000000e+00 : f32
    %broadcast_in_dim3A_80 = vector.broadcast %broadcast_in_dim3A : f32 to vector<8x128xf32>
    %broadcast_in_dim3A_81 = arith.constant 0.000000e+00 : f32
    %broadcast_in_dim3A_82 = vector.broadcast %broadcast_in_dim3A_81 : f32 to vector<8x128xf32>
    %sub3A_83 = arith.subf %sub3A_79, %sub3A : vector<8x128xf32>
    %mul3A_84 = arith.constant 2.000000e+00 : f32
    %mul3A_85 = vector.broadcast %mul3A_84 : f32 to vector<8x128xf32>
    %mul3A_86 = arith.mulf %mul3A_85, %sub3A_49 : vector<8x128xf32>
    %div3A_87 = arith.divf %sub3A_83, %mul3A_86 : vector<8x128xf32>
    %mul3A_88 = arith.mulf %div3A_87, %div3A_87 : vector<8x128xf32>
    %add3A = arith.constant 1.000000e+00 : f32
    %add3A_89 = vector.broadcast %add3A : f32 to vector<8x128xf32>
    %add3A_90 = arith.addf %add3A_89, %mul3A_88 : vector<8x128xf32>
    %sqrt3A = math.sqrt %add3A_90 : vector<8x128xf32>
    %ge3A = arith.constant 0.000000e+00 : f32
    %ge3A_91 = vector.broadcast %ge3A : f32 to vector<8x128xf32>
    %ge3A_92 = arith.cmpf oge, %div3A_87, %ge3A_91 : vector<8x128xf32>
    %neg3A = arith.constant 0.000000e+00 : f32
    %neg3A_93 = vector.broadcast %neg3A : f32 to vector<8x128xf32>
    %neg3A_94 = arith.subf %neg3A_93, %sqrt3A : vector<8x128xf32>
    %select_n3A = arith.select %ge3A_92, %sqrt3A, %neg3A_94 : vector<8x128xi1>, vector<8x128xf32>
    %add3A_95 = arith.addf %div3A_87, %select_n3A : vector<8x128xf32>
    %div3A_96 = arith.constant 1.000000e+00 : f32
    %div3A_97 = vector.broadcast %div3A_96 : f32 to vector<8x128xf32>
    %div3A_98 = arith.divf %div3A_97, %add3A_95 : vector<8x128xf32>
    %abs3A = math.absf %sub3A_49 : vector<8x128xf32>
    %abs3A_99 = math.absf %sub3A : vector<8x128xf32>
    %abs3A_100 = math.absf %sub3A_79 : vector<8x128xf32>
    %min3A = arith.minimumf %abs3A_99, %abs3A_100 : vector<8x128xf32>
    %mul3A_101 = arith.constant 1.19209291E-8 : f32
    %mul3A_102 = vector.broadcast %mul3A_101 : f32 to vector<8x128xf32>
    %mul3A_103 = arith.mulf %mul3A_102, %min3A : vector<8x128xf32>
    %le3A = arith.cmpf ole, %abs3A, %mul3A_103 : vector<8x128xf32>
    %jit3A = arith.constant 0.000000e+00 : f32
    %broadcast_in_dim3A_104 = vector.broadcast %jit3A : f32 to vector<8x128xf32>
    %select_n3A_105 = arith.select %le3A, %broadcast_in_dim3A_104, %div3A_98 : vector<8x128xi1>, vector<8x128xf32>
    %mul3A_106 = arith.mulf %select_n3A_105, %select_n3A_105 : vector<8x128xf32>
    %add3A_107 = arith.constant 1.000000e+00 : f32
    %add3A_108 = vector.broadcast %add3A_107 : f32 to vector<8x128xf32>
    %add3A_109 = arith.addf %add3A_108, %mul3A_106 : vector<8x128xf32>
    %rsqrt3A = math.rsqrt %add3A_109 : vector<8x128xf32>
    %mul3A_110 = arith.mulf %select_n3A_105, %rsqrt3A : vector<8x128xf32>
    %mul3A_111 = arith.mulf %select_n3A_105, %sub3A_49 : vector<8x128xf32>
    %sub3A_112 = arith.subf %sub3A, %mul3A_111 : vector<8x128xf32>
    %mul3A_113 = arith.mulf %select_n3A_105, %sub3A_49 : vector<8x128xf32>
    %add3A_114 = arith.addf %sub3A_79, %mul3A_113 : vector<8x128xf32>
    %mul3A_115 = arith.mulf %sub3A_39, %rsqrt3A : vector<8x128xf32>
    %mul3A_116 = arith.mulf %sub3A_69, %mul3A_110 : vector<8x128xf32>
    %sub3A_117 = arith.subf %mul3A_115, %mul3A_116 : vector<8x128xf32>
    %mul3A_118 = arith.mulf %sub3A_39, %mul3A_110 : vector<8x128xf32>
    %mul3A_119 = arith.mulf %sub3A_69, %rsqrt3A : vector<8x128xf32>
    %add3A_120 = arith.addf %mul3A_118, %mul3A_119 : vector<8x128xf32>
    %mul3A_121 = arith.mulf %sub3A_39, %rsqrt3A : vector<8x128xf32>
    %mul3A_122 = arith.mulf %sub3A_69, %mul3A_110 : vector<8x128xf32>
    %sub3A_123 = arith.subf %mul3A_121, %mul3A_122 : vector<8x128xf32>
    %mul3A_124 = arith.mulf %broadcast_in_dim3A_80, %rsqrt3A : vector<8x128xf32>
    %mul3A_125 = arith.mulf %broadcast_in_dim3A_82, %mul3A_110 : vector<8x128xf32>
    %sub3A_126 = arith.subf %mul3A_124, %mul3A_125 : vector<8x128xf32>
    %mul3A_127 = arith.mulf %broadcast_in_dim3A_80, %mul3A_110 : vector<8x128xf32>
    %mul3A_128 = arith.mulf %broadcast_in_dim3A_82, %rsqrt3A : vector<8x128xf32>
    %add3A_129 = arith.addf %mul3A_127, %mul3A_128 : vector<8x128xf32>
    %mul3A_130 = arith.mulf %broadcast_in_dim3A_82, %rsqrt3A : vector<8x128xf32>
    %mul3A_131 = arith.mulf %broadcast_in_dim3A_82, %mul3A_110 : vector<8x128xf32>
    %sub3A_132 = arith.subf %mul3A_130, %mul3A_131 : vector<8x128xf32>
    %mul3A_133 = arith.mulf %broadcast_in_dim3A_82, %mul3A_110 : vector<8x128xf32>
    %mul3A_134 = arith.mulf %broadcast_in_dim3A_82, %rsqrt3A : vector<8x128xf32>
    %add3A_135 = arith.addf %mul3A_133, %mul3A_134 : vector<8x128xf32>
    %mul3A_136 = arith.mulf %broadcast_in_dim3A_82, %rsqrt3A : vector<8x128xf32>
    %mul3A_137 = arith.mulf %broadcast_in_dim3A_80, %mul3A_110 : vector<8x128xf32>
    %sub3A_138 = arith.subf %mul3A_136, %mul3A_137 : vector<8x128xf32>
    %mul3A_139 = arith.mulf %broadcast_in_dim3A_82, %mul3A_110 : vector<8x128xf32>
    %mul3A_140 = arith.mulf %broadcast_in_dim3A_80, %rsqrt3A : vector<8x128xf32>
    %add3A_141 = arith.addf %mul3A_139, %mul3A_140 : vector<8x128xf32>
    %sub3A_142 = arith.subf %sub3A_59, %add3A_114 : vector<8x128xf32>
    %mul3A_143 = arith.constant 2.000000e+00 : f32
    %mul3A_144 = vector.broadcast %mul3A_143 : f32 to vector<8x128xf32>
    %mul3A_145 = arith.mulf %mul3A_144, %add3A_120 : vector<8x128xf32>
    %div3A_146 = arith.divf %sub3A_142, %mul3A_145 : vector<8x128xf32>
    %mul3A_147 = arith.mulf %div3A_146, %div3A_146 : vector<8x128xf32>
    %add3A_148 = arith.constant 1.000000e+00 : f32
    %add3A_149 = vector.broadcast %add3A_148 : f32 to vector<8x128xf32>
    %add3A_150 = arith.addf %add3A_149, %mul3A_147 : vector<8x128xf32>
    %sqrt3A_151 = math.sqrt %add3A_150 : vector<8x128xf32>
    %ge3A_152 = arith.constant 0.000000e+00 : f32
    %ge3A_153 = vector.broadcast %ge3A_152 : f32 to vector<8x128xf32>
    %ge3A_154 = arith.cmpf oge, %div3A_146, %ge3A_153 : vector<8x128xf32>
    %neg3A_155 = arith.constant 0.000000e+00 : f32
    %neg3A_156 = vector.broadcast %neg3A_155 : f32 to vector<8x128xf32>
    %neg3A_157 = arith.subf %neg3A_156, %sqrt3A_151 : vector<8x128xf32>
    %select_n3A_158 = arith.select %ge3A_154, %sqrt3A_151, %neg3A_157 : vector<8x128xi1>, vector<8x128xf32>
    %add3A_159 = arith.addf %div3A_146, %select_n3A_158 : vector<8x128xf32>
    %div3A_160 = arith.constant 1.000000e+00 : f32
    %div3A_161 = vector.broadcast %div3A_160 : f32 to vector<8x128xf32>
    %div3A_162 = arith.divf %div3A_161, %add3A_159 : vector<8x128xf32>
    %abs3A_163 = math.absf %add3A_120 : vector<8x128xf32>
    %abs3A_164 = math.absf %add3A_114 : vector<8x128xf32>
    %abs3A_165 = math.absf %sub3A_59 : vector<8x128xf32>
    %min3A_166 = arith.minimumf %abs3A_164, %abs3A_165 : vector<8x128xf32>
    %mul3A_167 = arith.constant 1.19209291E-8 : f32
    %mul3A_168 = vector.broadcast %mul3A_167 : f32 to vector<8x128xf32>
    %mul3A_169 = arith.mulf %mul3A_168, %min3A_166 : vector<8x128xf32>
    %le3A_170 = arith.cmpf ole, %abs3A_163, %mul3A_169 : vector<8x128xf32>
    %jit3A_171 = arith.constant 0.000000e+00 : f32
    %broadcast_in_dim3A_172 = vector.broadcast %jit3A_171 : f32 to vector<8x128xf32>
    %select_n3A_173 = arith.select %le3A_170, %broadcast_in_dim3A_172, %div3A_162 : vector<8x128xi1>, vector<8x128xf32>
    %mul3A_174 = arith.mulf %select_n3A_173, %select_n3A_173 : vector<8x128xf32>
    %add3A_175 = arith.constant 1.000000e+00 : f32
    %add3A_176 = vector.broadcast %add3A_175 : f32 to vector<8x128xf32>
    %add3A_177 = arith.addf %add3A_176, %mul3A_174 : vector<8x128xf32>
    %rsqrt3A_178 = math.rsqrt %add3A_177 : vector<8x128xf32>
    %mul3A_179 = arith.mulf %select_n3A_173, %rsqrt3A_178 : vector<8x128xf32>
    %mul3A_180 = arith.mulf %select_n3A_173, %add3A_120 : vector<8x128xf32>
    %sub3A_181 = arith.subf %add3A_114, %mul3A_180 : vector<8x128xf32>
    %mul3A_182 = arith.mulf %select_n3A_173, %add3A_120 : vector<8x128xf32>
    %add3A_183 = arith.addf %sub3A_59, %mul3A_182 : vector<8x128xf32>
    %mul3A_184 = arith.mulf %broadcast_in_dim3A_82, %rsqrt3A_178 : vector<8x128xf32>
    %mul3A_185 = arith.mulf %sub3A_123, %mul3A_179 : vector<8x128xf32>
    %sub3A_186 = arith.subf %mul3A_184, %mul3A_185 : vector<8x128xf32>
    %mul3A_187 = arith.mulf %broadcast_in_dim3A_82, %rsqrt3A_178 : vector<8x128xf32>
    %mul3A_188 = arith.mulf %sub3A_117, %mul3A_179 : vector<8x128xf32>
    %sub3A_189 = arith.subf %mul3A_187, %mul3A_188 : vector<8x128xf32>
    %mul3A_190 = arith.mulf %broadcast_in_dim3A_82, %mul3A_179 : vector<8x128xf32>
    %mul3A_191 = arith.mulf %sub3A_117, %rsqrt3A_178 : vector<8x128xf32>
    %add3A_192 = arith.addf %mul3A_190, %mul3A_191 : vector<8x128xf32>
    %mul3A_193 = arith.mulf %add3A_129, %rsqrt3A_178 : vector<8x128xf32>
    %mul3A_194 = arith.mulf %broadcast_in_dim3A_82, %mul3A_179 : vector<8x128xf32>
    %sub3A_195 = arith.subf %mul3A_193, %mul3A_194 : vector<8x128xf32>
    %mul3A_196 = arith.mulf %add3A_129, %mul3A_179 : vector<8x128xf32>
    %mul3A_197 = arith.mulf %broadcast_in_dim3A_82, %rsqrt3A_178 : vector<8x128xf32>
    %add3A_198 = arith.addf %mul3A_196, %mul3A_197 : vector<8x128xf32>
    %mul3A_199 = arith.mulf %add3A_135, %rsqrt3A_178 : vector<8x128xf32>
    %mul3A_200 = arith.mulf %broadcast_in_dim3A_80, %mul3A_179 : vector<8x128xf32>
    %sub3A_201 = arith.subf %mul3A_199, %mul3A_200 : vector<8x128xf32>
    %mul3A_202 = arith.mulf %add3A_135, %mul3A_179 : vector<8x128xf32>
    %mul3A_203 = arith.mulf %broadcast_in_dim3A_80, %rsqrt3A_178 : vector<8x128xf32>
    %add3A_204 = arith.addf %mul3A_202, %mul3A_203 : vector<8x128xf32>
    %mul3A_205 = arith.mulf %add3A_141, %rsqrt3A_178 : vector<8x128xf32>
    %mul3A_206 = arith.mulf %broadcast_in_dim3A_82, %mul3A_179 : vector<8x128xf32>
    %sub3A_207 = arith.subf %mul3A_205, %mul3A_206 : vector<8x128xf32>
    %mul3A_208 = arith.mulf %add3A_141, %mul3A_179 : vector<8x128xf32>
    %mul3A_209 = arith.mulf %broadcast_in_dim3A_82, %rsqrt3A_178 : vector<8x128xf32>
    %add3A_210 = arith.addf %mul3A_208, %mul3A_209 : vector<8x128xf32>
    %sub3A_211 = arith.subf %add3A_183, %sub3A_112 : vector<8x128xf32>
    %mul3A_212 = arith.constant 2.000000e+00 : f32
    %mul3A_213 = vector.broadcast %mul3A_212 : f32 to vector<8x128xf32>
    %mul3A_214 = arith.mulf %mul3A_213, %add3A_192 : vector<8x128xf32>
    %div3A_215 = arith.divf %sub3A_211, %mul3A_214 : vector<8x128xf32>
    %mul3A_216 = arith.mulf %div3A_215, %div3A_215 : vector<8x128xf32>
    %add3A_217 = arith.constant 1.000000e+00 : f32
    %add3A_218 = vector.broadcast %add3A_217 : f32 to vector<8x128xf32>
    %add3A_219 = arith.addf %add3A_218, %mul3A_216 : vector<8x128xf32>
    %sqrt3A_220 = math.sqrt %add3A_219 : vector<8x128xf32>
    %ge3A_221 = arith.constant 0.000000e+00 : f32
    %ge3A_222 = vector.broadcast %ge3A_221 : f32 to vector<8x128xf32>
    %ge3A_223 = arith.cmpf oge, %div3A_215, %ge3A_222 : vector<8x128xf32>
    %neg3A_224 = arith.constant 0.000000e+00 : f32
    %neg3A_225 = vector.broadcast %neg3A_224 : f32 to vector<8x128xf32>
    %neg3A_226 = arith.subf %neg3A_225, %sqrt3A_220 : vector<8x128xf32>
    %select_n3A_227 = arith.select %ge3A_223, %sqrt3A_220, %neg3A_226 : vector<8x128xi1>, vector<8x128xf32>
    %add3A_228 = arith.addf %div3A_215, %select_n3A_227 : vector<8x128xf32>
    %div3A_229 = arith.constant 1.000000e+00 : f32
    %div3A_230 = vector.broadcast %div3A_229 : f32 to vector<8x128xf32>
    %div3A_231 = arith.divf %div3A_230, %add3A_228 : vector<8x128xf32>
    %abs3A_232 = math.absf %add3A_192 : vector<8x128xf32>
    %abs3A_233 = math.absf %sub3A_112 : vector<8x128xf32>
    %abs3A_234 = math.absf %add3A_183 : vector<8x128xf32>
    %min3A_235 = arith.minimumf %abs3A_233, %abs3A_234 : vector<8x128xf32>
    %mul3A_236 = arith.constant 1.19209291E-8 : f32
    %mul3A_237 = vector.broadcast %mul3A_236 : f32 to vector<8x128xf32>
    %mul3A_238 = arith.mulf %mul3A_237, %min3A_235 : vector<8x128xf32>
    %le3A_239 = arith.cmpf ole, %abs3A_232, %mul3A_238 : vector<8x128xf32>
    %jit3A_240 = arith.constant 0.000000e+00 : f32
    %broadcast_in_dim3A_241 = vector.broadcast %jit3A_240 : f32 to vector<8x128xf32>
    %select_n3A_242 = arith.select %le3A_239, %broadcast_in_dim3A_241, %div3A_231 : vector<8x128xi1>, vector<8x128xf32>
    %mul3A_243 = arith.mulf %select_n3A_242, %select_n3A_242 : vector<8x128xf32>
    %add3A_244 = arith.constant 1.000000e+00 : f32
    %add3A_245 = vector.broadcast %add3A_244 : f32 to vector<8x128xf32>
    %add3A_246 = arith.addf %add3A_245, %mul3A_243 : vector<8x128xf32>
    %rsqrt3A_247 = math.rsqrt %add3A_246 : vector<8x128xf32>
    %mul3A_248 = arith.mulf %select_n3A_242, %rsqrt3A_247 : vector<8x128xf32>
    %mul3A_249 = arith.mulf %select_n3A_242, %add3A_192 : vector<8x128xf32>
    %sub3A_250 = arith.subf %sub3A_112, %mul3A_249 : vector<8x128xf32>
    %mul3A_251 = arith.mulf %select_n3A_242, %add3A_192 : vector<8x128xf32>
    %add3A_252 = arith.addf %add3A_183, %mul3A_251 : vector<8x128xf32>
    %mul3A_253 = arith.mulf %sub3A_189, %rsqrt3A_247 : vector<8x128xf32>
    %mul3A_254 = arith.mulf %broadcast_in_dim3A_82, %mul3A_248 : vector<8x128xf32>
    %sub3A_255 = arith.subf %mul3A_253, %mul3A_254 : vector<8x128xf32>
    %mul3A_256 = arith.mulf %sub3A_189, %mul3A_248 : vector<8x128xf32>
    %mul3A_257 = arith.mulf %broadcast_in_dim3A_82, %rsqrt3A_247 : vector<8x128xf32>
    %add3A_258 = arith.addf %mul3A_256, %mul3A_257 : vector<8x128xf32>
    %mul3A_259 = arith.mulf %sub3A_186, %mul3A_248 : vector<8x128xf32>
    %mul3A_260 = arith.mulf %broadcast_in_dim3A_82, %rsqrt3A_247 : vector<8x128xf32>
    %add3A_261 = arith.addf %mul3A_259, %mul3A_260 : vector<8x128xf32>
    %mul3A_262 = arith.mulf %sub3A_126, %rsqrt3A_247 : vector<8x128xf32>
    %mul3A_263 = arith.mulf %add3A_198, %mul3A_248 : vector<8x128xf32>
    %sub3A_264 = arith.subf %mul3A_262, %mul3A_263 : vector<8x128xf32>
    %mul3A_265 = arith.mulf %sub3A_126, %mul3A_248 : vector<8x128xf32>
    %mul3A_266 = arith.mulf %add3A_198, %rsqrt3A_247 : vector<8x128xf32>
    %add3A_267 = arith.addf %mul3A_265, %mul3A_266 : vector<8x128xf32>
    %mul3A_268 = arith.mulf %sub3A_132, %rsqrt3A_247 : vector<8x128xf32>
    %mul3A_269 = arith.mulf %add3A_204, %mul3A_248 : vector<8x128xf32>
    %sub3A_270 = arith.subf %mul3A_268, %mul3A_269 : vector<8x128xf32>
    %mul3A_271 = arith.mulf %sub3A_132, %mul3A_248 : vector<8x128xf32>
    %mul3A_272 = arith.mulf %add3A_204, %rsqrt3A_247 : vector<8x128xf32>
    %add3A_273 = arith.addf %mul3A_271, %mul3A_272 : vector<8x128xf32>
    %mul3A_274 = arith.mulf %sub3A_138, %rsqrt3A_247 : vector<8x128xf32>
    %mul3A_275 = arith.mulf %add3A_210, %mul3A_248 : vector<8x128xf32>
    %sub3A_276 = arith.subf %mul3A_274, %mul3A_275 : vector<8x128xf32>
    %mul3A_277 = arith.mulf %sub3A_138, %mul3A_248 : vector<8x128xf32>
    %mul3A_278 = arith.mulf %add3A_210, %rsqrt3A_247 : vector<8x128xf32>
    %add3A_279 = arith.addf %mul3A_277, %mul3A_278 : vector<8x128xf32>
    %sub3A_280 = arith.subf %sub3A_181, %sub3A_250 : vector<8x128xf32>
    %mul3A_281 = arith.constant 2.000000e+00 : f32
    %mul3A_282 = vector.broadcast %mul3A_281 : f32 to vector<8x128xf32>
    %mul3A_283 = arith.mulf %mul3A_282, %sub3A_255 : vector<8x128xf32>
    %div3A_284 = arith.divf %sub3A_280, %mul3A_283 : vector<8x128xf32>
    %mul3A_285 = arith.mulf %div3A_284, %div3A_284 : vector<8x128xf32>
    %add3A_286 = arith.constant 1.000000e+00 : f32
    %add3A_287 = vector.broadcast %add3A_286 : f32 to vector<8x128xf32>
    %add3A_288 = arith.addf %add3A_287, %mul3A_285 : vector<8x128xf32>
    %sqrt3A_289 = math.sqrt %add3A_288 : vector<8x128xf32>
    %ge3A_290 = arith.constant 0.000000e+00 : f32
    %ge3A_291 = vector.broadcast %ge3A_290 : f32 to vector<8x128xf32>
    %ge3A_292 = arith.cmpf oge, %div3A_284, %ge3A_291 : vector<8x128xf32>
    %neg3A_293 = arith.constant 0.000000e+00 : f32
    %neg3A_294 = vector.broadcast %neg3A_293 : f32 to vector<8x128xf32>
    %neg3A_295 = arith.subf %neg3A_294, %sqrt3A_289 : vector<8x128xf32>
    %select_n3A_296 = arith.select %ge3A_292, %sqrt3A_289, %neg3A_295 : vector<8x128xi1>, vector<8x128xf32>
    %add3A_297 = arith.addf %div3A_284, %select_n3A_296 : vector<8x128xf32>
    %div3A_298 = arith.constant 1.000000e+00 : f32
    %div3A_299 = vector.broadcast %div3A_298 : f32 to vector<8x128xf32>
    %div3A_300 = arith.divf %div3A_299, %add3A_297 : vector<8x128xf32>
    %abs3A_301 = math.absf %sub3A_255 : vector<8x128xf32>
    %abs3A_302 = math.absf %sub3A_250 : vector<8x128xf32>
    %abs3A_303 = math.absf %sub3A_181 : vector<8x128xf32>
    %min3A_304 = arith.minimumf %abs3A_302, %abs3A_303 : vector<8x128xf32>
    %mul3A_305 = arith.constant 1.19209291E-8 : f32
    %mul3A_306 = vector.broadcast %mul3A_305 : f32 to vector<8x128xf32>
    %mul3A_307 = arith.mulf %mul3A_306, %min3A_304 : vector<8x128xf32>
    %le3A_308 = arith.cmpf ole, %abs3A_301, %mul3A_307 : vector<8x128xf32>
    %jit3A_309 = arith.constant 0.000000e+00 : f32
    %broadcast_in_dim3A_310 = vector.broadcast %jit3A_309 : f32 to vector<8x128xf32>
    %select_n3A_311 = arith.select %le3A_308, %broadcast_in_dim3A_310, %div3A_300 : vector<8x128xi1>, vector<8x128xf32>
    %mul3A_312 = arith.mulf %select_n3A_311, %select_n3A_311 : vector<8x128xf32>
    %add3A_313 = arith.constant 1.000000e+00 : f32
    %add3A_314 = vector.broadcast %add3A_313 : f32 to vector<8x128xf32>
    %add3A_315 = arith.addf %add3A_314, %mul3A_312 : vector<8x128xf32>
    %rsqrt3A_316 = math.rsqrt %add3A_315 : vector<8x128xf32>
    %mul3A_317 = arith.mulf %select_n3A_311, %rsqrt3A_316 : vector<8x128xf32>
    %mul3A_318 = arith.mulf %select_n3A_311, %sub3A_255 : vector<8x128xf32>
    %sub3A_319 = arith.subf %sub3A_250, %mul3A_318 : vector<8x128xf32>
    %mul3A_320 = arith.mulf %select_n3A_311, %sub3A_255 : vector<8x128xf32>
    %add3A_321 = arith.addf %sub3A_181, %mul3A_320 : vector<8x128xf32>
    %mul3A_322 = arith.mulf %broadcast_in_dim3A_82, %rsqrt3A_316 : vector<8x128xf32>
    %mul3A_323 = arith.mulf %add3A_261, %mul3A_317 : vector<8x128xf32>
    %sub3A_324 = arith.subf %mul3A_322, %mul3A_323 : vector<8x128xf32>
    %mul3A_325 = arith.mulf %broadcast_in_dim3A_82, %mul3A_317 : vector<8x128xf32>
    %mul3A_326 = arith.mulf %add3A_261, %rsqrt3A_316 : vector<8x128xf32>
    %add3A_327 = arith.addf %mul3A_325, %mul3A_326 : vector<8x128xf32>
    %mul3A_328 = arith.mulf %broadcast_in_dim3A_82, %rsqrt3A_316 : vector<8x128xf32>
    %mul3A_329 = arith.mulf %add3A_258, %mul3A_317 : vector<8x128xf32>
    %sub3A_330 = arith.subf %mul3A_328, %mul3A_329 : vector<8x128xf32>
    %mul3A_331 = arith.mulf %sub3A_264, %rsqrt3A_316 : vector<8x128xf32>
    %mul3A_332 = arith.mulf %sub3A_195, %mul3A_317 : vector<8x128xf32>
    %sub3A_333 = arith.subf %mul3A_331, %mul3A_332 : vector<8x128xf32>
    %mul3A_334 = arith.mulf %sub3A_264, %mul3A_317 : vector<8x128xf32>
    %mul3A_335 = arith.mulf %sub3A_195, %rsqrt3A_316 : vector<8x128xf32>
    %add3A_336 = arith.addf %mul3A_334, %mul3A_335 : vector<8x128xf32>
    %mul3A_337 = arith.mulf %sub3A_270, %rsqrt3A_316 : vector<8x128xf32>
    %mul3A_338 = arith.mulf %sub3A_201, %mul3A_317 : vector<8x128xf32>
    %sub3A_339 = arith.subf %mul3A_337, %mul3A_338 : vector<8x128xf32>
    %mul3A_340 = arith.mulf %sub3A_270, %mul3A_317 : vector<8x128xf32>
    %mul3A_341 = arith.mulf %sub3A_201, %rsqrt3A_316 : vector<8x128xf32>
    %add3A_342 = arith.addf %mul3A_340, %mul3A_341 : vector<8x128xf32>
    %mul3A_343 = arith.mulf %sub3A_276, %rsqrt3A_316 : vector<8x128xf32>
    %mul3A_344 = arith.mulf %sub3A_207, %mul3A_317 : vector<8x128xf32>
    %sub3A_345 = arith.subf %mul3A_343, %mul3A_344 : vector<8x128xf32>
    %mul3A_346 = arith.mulf %sub3A_276, %mul3A_317 : vector<8x128xf32>
    %mul3A_347 = arith.mulf %sub3A_207, %rsqrt3A_316 : vector<8x128xf32>
    %add3A_348 = arith.addf %mul3A_346, %mul3A_347 : vector<8x128xf32>
    %sub3A_349 = arith.subf %add3A_252, %add3A_321 : vector<8x128xf32>
    %mul3A_350 = arith.constant 2.000000e+00 : f32
    %mul3A_351 = vector.broadcast %mul3A_350 : f32 to vector<8x128xf32>
    %mul3A_352 = arith.mulf %mul3A_351, %add3A_327 : vector<8x128xf32>
    %div3A_353 = arith.divf %sub3A_349, %mul3A_352 : vector<8x128xf32>
    %mul3A_354 = arith.mulf %div3A_353, %div3A_353 : vector<8x128xf32>
    %add3A_355 = arith.constant 1.000000e+00 : f32
    %add3A_356 = vector.broadcast %add3A_355 : f32 to vector<8x128xf32>
    %add3A_357 = arith.addf %add3A_356, %mul3A_354 : vector<8x128xf32>
    %sqrt3A_358 = math.sqrt %add3A_357 : vector<8x128xf32>
    %ge3A_359 = arith.constant 0.000000e+00 : f32
    %ge3A_360 = vector.broadcast %ge3A_359 : f32 to vector<8x128xf32>
    %ge3A_361 = arith.cmpf oge, %div3A_353, %ge3A_360 : vector<8x128xf32>
    %neg3A_362 = arith.constant 0.000000e+00 : f32
    %neg3A_363 = vector.broadcast %neg3A_362 : f32 to vector<8x128xf32>
    %neg3A_364 = arith.subf %neg3A_363, %sqrt3A_358 : vector<8x128xf32>
    %select_n3A_365 = arith.select %ge3A_361, %sqrt3A_358, %neg3A_364 : vector<8x128xi1>, vector<8x128xf32>
    %add3A_366 = arith.addf %div3A_353, %select_n3A_365 : vector<8x128xf32>
    %div3A_367 = arith.constant 1.000000e+00 : f32
    %div3A_368 = vector.broadcast %div3A_367 : f32 to vector<8x128xf32>
    %div3A_369 = arith.divf %div3A_368, %add3A_366 : vector<8x128xf32>
    %abs3A_370 = math.absf %add3A_327 : vector<8x128xf32>
    %abs3A_371 = math.absf %add3A_321 : vector<8x128xf32>
    %abs3A_372 = math.absf %add3A_252 : vector<8x128xf32>
    %min3A_373 = arith.minimumf %abs3A_371, %abs3A_372 : vector<8x128xf32>
    %mul3A_374 = arith.constant 1.19209291E-8 : f32
    %mul3A_375 = vector.broadcast %mul3A_374 : f32 to vector<8x128xf32>
    %mul3A_376 = arith.mulf %mul3A_375, %min3A_373 : vector<8x128xf32>
    %le3A_377 = arith.cmpf ole, %abs3A_370, %mul3A_376 : vector<8x128xf32>
    %jit3A_378 = arith.constant 0.000000e+00 : f32
    %broadcast_in_dim3A_379 = vector.broadcast %jit3A_378 : f32 to vector<8x128xf32>
    %select_n3A_380 = arith.select %le3A_377, %broadcast_in_dim3A_379, %div3A_369 : vector<8x128xi1>, vector<8x128xf32>
    %mul3A_381 = arith.mulf %select_n3A_380, %select_n3A_380 : vector<8x128xf32>
    %add3A_382 = arith.constant 1.000000e+00 : f32
    %add3A_383 = vector.broadcast %add3A_382 : f32 to vector<8x128xf32>
    %add3A_384 = arith.addf %add3A_383, %mul3A_381 : vector<8x128xf32>
    %rsqrt3A_385 = math.rsqrt %add3A_384 : vector<8x128xf32>
    %mul3A_386 = arith.mulf %select_n3A_380, %rsqrt3A_385 : vector<8x128xf32>
    %mul3A_387 = arith.mulf %select_n3A_380, %add3A_327 : vector<8x128xf32>
    %sub3A_388 = arith.subf %add3A_321, %mul3A_387 : vector<8x128xf32>
    %mul3A_389 = arith.mulf %select_n3A_380, %add3A_327 : vector<8x128xf32>
    %add3A_390 = arith.addf %add3A_252, %mul3A_389 : vector<8x128xf32>
    %mul3A_391 = arith.mulf %broadcast_in_dim3A_82, %rsqrt3A_385 : vector<8x128xf32>
    %mul3A_392 = arith.mulf %sub3A_330, %mul3A_386 : vector<8x128xf32>
    %sub3A_393 = arith.subf %mul3A_391, %mul3A_392 : vector<8x128xf32>
    %mul3A_394 = arith.mulf %broadcast_in_dim3A_82, %rsqrt3A_385 : vector<8x128xf32>
    %mul3A_395 = arith.mulf %sub3A_324, %mul3A_386 : vector<8x128xf32>
    %sub3A_396 = arith.subf %mul3A_394, %mul3A_395 : vector<8x128xf32>
    %mul3A_397 = arith.mulf %broadcast_in_dim3A_82, %mul3A_386 : vector<8x128xf32>
    %mul3A_398 = arith.mulf %sub3A_324, %rsqrt3A_385 : vector<8x128xf32>
    %add3A_399 = arith.addf %mul3A_397, %mul3A_398 : vector<8x128xf32>
    %mul3A_400 = arith.mulf %add3A_336, %rsqrt3A_385 : vector<8x128xf32>
    %mul3A_401 = arith.mulf %add3A_267, %mul3A_386 : vector<8x128xf32>
    %sub3A_402 = arith.subf %mul3A_400, %mul3A_401 : vector<8x128xf32>
    %mul3A_403 = arith.mulf %add3A_336, %mul3A_386 : vector<8x128xf32>
    %mul3A_404 = arith.mulf %add3A_267, %rsqrt3A_385 : vector<8x128xf32>
    %add3A_405 = arith.addf %mul3A_403, %mul3A_404 : vector<8x128xf32>
    %mul3A_406 = arith.mulf %add3A_342, %rsqrt3A_385 : vector<8x128xf32>
    %mul3A_407 = arith.mulf %add3A_273, %mul3A_386 : vector<8x128xf32>
    %sub3A_408 = arith.subf %mul3A_406, %mul3A_407 : vector<8x128xf32>
    %mul3A_409 = arith.mulf %add3A_342, %mul3A_386 : vector<8x128xf32>
    %mul3A_410 = arith.mulf %add3A_273, %rsqrt3A_385 : vector<8x128xf32>
    %add3A_411 = arith.addf %mul3A_409, %mul3A_410 : vector<8x128xf32>
    %mul3A_412 = arith.mulf %add3A_348, %rsqrt3A_385 : vector<8x128xf32>
    %mul3A_413 = arith.mulf %add3A_279, %mul3A_386 : vector<8x128xf32>
    %sub3A_414 = arith.subf %mul3A_412, %mul3A_413 : vector<8x128xf32>
    %mul3A_415 = arith.mulf %add3A_348, %mul3A_386 : vector<8x128xf32>
    %mul3A_416 = arith.mulf %add3A_279, %rsqrt3A_385 : vector<8x128xf32>
    %add3A_417 = arith.addf %mul3A_415, %mul3A_416 : vector<8x128xf32>
    %sub3A_418 = arith.subf %add3A_390, %sub3A_319 : vector<8x128xf32>
    %mul3A_419 = arith.constant 2.000000e+00 : f32
    %mul3A_420 = vector.broadcast %mul3A_419 : f32 to vector<8x128xf32>
    %mul3A_421 = arith.mulf %mul3A_420, %add3A_399 : vector<8x128xf32>
    %div3A_422 = arith.divf %sub3A_418, %mul3A_421 : vector<8x128xf32>
    %mul3A_423 = arith.mulf %div3A_422, %div3A_422 : vector<8x128xf32>
    %add3A_424 = arith.constant 1.000000e+00 : f32
    %add3A_425 = vector.broadcast %add3A_424 : f32 to vector<8x128xf32>
    %add3A_426 = arith.addf %add3A_425, %mul3A_423 : vector<8x128xf32>
    %sqrt3A_427 = math.sqrt %add3A_426 : vector<8x128xf32>
    %ge3A_428 = arith.constant 0.000000e+00 : f32
    %ge3A_429 = vector.broadcast %ge3A_428 : f32 to vector<8x128xf32>
    %ge3A_430 = arith.cmpf oge, %div3A_422, %ge3A_429 : vector<8x128xf32>
    %neg3A_431 = arith.constant 0.000000e+00 : f32
    %neg3A_432 = vector.broadcast %neg3A_431 : f32 to vector<8x128xf32>
    %neg3A_433 = arith.subf %neg3A_432, %sqrt3A_427 : vector<8x128xf32>
    %select_n3A_434 = arith.select %ge3A_430, %sqrt3A_427, %neg3A_433 : vector<8x128xi1>, vector<8x128xf32>
    %add3A_435 = arith.addf %div3A_422, %select_n3A_434 : vector<8x128xf32>
    %div3A_436 = arith.constant 1.000000e+00 : f32
    %div3A_437 = vector.broadcast %div3A_436 : f32 to vector<8x128xf32>
    %div3A_438 = arith.divf %div3A_437, %add3A_435 : vector<8x128xf32>
    %abs3A_439 = math.absf %add3A_399 : vector<8x128xf32>
    %abs3A_440 = math.absf %sub3A_319 : vector<8x128xf32>
    %abs3A_441 = math.absf %add3A_390 : vector<8x128xf32>
    %min3A_442 = arith.minimumf %abs3A_440, %abs3A_441 : vector<8x128xf32>
    %mul3A_443 = arith.constant 1.19209291E-8 : f32
    %mul3A_444 = vector.broadcast %mul3A_443 : f32 to vector<8x128xf32>
    %mul3A_445 = arith.mulf %mul3A_444, %min3A_442 : vector<8x128xf32>
    %le3A_446 = arith.cmpf ole, %abs3A_439, %mul3A_445 : vector<8x128xf32>
    %jit3A_447 = arith.constant 0.000000e+00 : f32
    %broadcast_in_dim3A_448 = vector.broadcast %jit3A_447 : f32 to vector<8x128xf32>
    %select_n3A_449 = arith.select %le3A_446, %broadcast_in_dim3A_448, %div3A_438 : vector<8x128xi1>, vector<8x128xf32>
    %mul3A_450 = arith.mulf %select_n3A_449, %select_n3A_449 : vector<8x128xf32>
    %add3A_451 = arith.constant 1.000000e+00 : f32
    %add3A_452 = vector.broadcast %add3A_451 : f32 to vector<8x128xf32>
    %add3A_453 = arith.addf %add3A_452, %mul3A_450 : vector<8x128xf32>
    %rsqrt3A_454 = math.rsqrt %add3A_453 : vector<8x128xf32>
    %mul3A_455 = arith.mulf %select_n3A_449, %rsqrt3A_454 : vector<8x128xf32>
    %mul3A_456 = arith.mulf %select_n3A_449, %add3A_399 : vector<8x128xf32>
    %sub3A_457 = arith.subf %sub3A_319, %mul3A_456 : vector<8x128xf32>
    %mul3A_458 = arith.mulf %select_n3A_449, %add3A_399 : vector<8x128xf32>
    %add3A_459 = arith.addf %add3A_390, %mul3A_458 : vector<8x128xf32>
    %mul3A_460 = arith.mulf %sub3A_396, %rsqrt3A_454 : vector<8x128xf32>
    %mul3A_461 = arith.mulf %broadcast_in_dim3A_82, %mul3A_455 : vector<8x128xf32>
    %sub3A_462 = arith.subf %mul3A_460, %mul3A_461 : vector<8x128xf32>
    %mul3A_463 = arith.mulf %sub3A_396, %mul3A_455 : vector<8x128xf32>
    %mul3A_464 = arith.mulf %broadcast_in_dim3A_82, %rsqrt3A_454 : vector<8x128xf32>
    %add3A_465 = arith.addf %mul3A_463, %mul3A_464 : vector<8x128xf32>
    %mul3A_466 = arith.mulf %sub3A_393, %mul3A_455 : vector<8x128xf32>
    %mul3A_467 = arith.mulf %broadcast_in_dim3A_82, %rsqrt3A_454 : vector<8x128xf32>
    %add3A_468 = arith.addf %mul3A_466, %mul3A_467 : vector<8x128xf32>
    %mul3A_469 = arith.mulf %sub3A_333, %rsqrt3A_454 : vector<8x128xf32>
    %mul3A_470 = arith.mulf %add3A_405, %mul3A_455 : vector<8x128xf32>
    %sub3A_471 = arith.subf %mul3A_469, %mul3A_470 : vector<8x128xf32>
    %mul3A_472 = arith.mulf %sub3A_333, %mul3A_455 : vector<8x128xf32>
    %mul3A_473 = arith.mulf %add3A_405, %rsqrt3A_454 : vector<8x128xf32>
    %add3A_474 = arith.addf %mul3A_472, %mul3A_473 : vector<8x128xf32>
    %mul3A_475 = arith.mulf %sub3A_339, %rsqrt3A_454 : vector<8x128xf32>
    %mul3A_476 = arith.mulf %add3A_411, %mul3A_455 : vector<8x128xf32>
    %sub3A_477 = arith.subf %mul3A_475, %mul3A_476 : vector<8x128xf32>
    %mul3A_478 = arith.mulf %sub3A_339, %mul3A_455 : vector<8x128xf32>
    %mul3A_479 = arith.mulf %add3A_411, %rsqrt3A_454 : vector<8x128xf32>
    %add3A_480 = arith.addf %mul3A_478, %mul3A_479 : vector<8x128xf32>
    %mul3A_481 = arith.mulf %sub3A_345, %rsqrt3A_454 : vector<8x128xf32>
    %mul3A_482 = arith.mulf %add3A_417, %mul3A_455 : vector<8x128xf32>
    %sub3A_483 = arith.subf %mul3A_481, %mul3A_482 : vector<8x128xf32>
    %mul3A_484 = arith.mulf %sub3A_345, %mul3A_455 : vector<8x128xf32>
    %mul3A_485 = arith.mulf %add3A_417, %rsqrt3A_454 : vector<8x128xf32>
    %add3A_486 = arith.addf %mul3A_484, %mul3A_485 : vector<8x128xf32>
    %sub3A_487 = arith.subf %sub3A_388, %sub3A_457 : vector<8x128xf32>
    %mul3A_488 = arith.constant 2.000000e+00 : f32
    %mul3A_489 = vector.broadcast %mul3A_488 : f32 to vector<8x128xf32>
    %mul3A_490 = arith.mulf %mul3A_489, %sub3A_462 : vector<8x128xf32>
    %div3A_491 = arith.divf %sub3A_487, %mul3A_490 : vector<8x128xf32>
    %mul3A_492 = arith.mulf %div3A_491, %div3A_491 : vector<8x128xf32>
    %add3A_493 = arith.constant 1.000000e+00 : f32
    %add3A_494 = vector.broadcast %add3A_493 : f32 to vector<8x128xf32>
    %add3A_495 = arith.addf %add3A_494, %mul3A_492 : vector<8x128xf32>
    %sqrt3A_496 = math.sqrt %add3A_495 : vector<8x128xf32>
    %ge3A_497 = arith.constant 0.000000e+00 : f32
    %ge3A_498 = vector.broadcast %ge3A_497 : f32 to vector<8x128xf32>
    %ge3A_499 = arith.cmpf oge, %div3A_491, %ge3A_498 : vector<8x128xf32>
    %neg3A_500 = arith.constant 0.000000e+00 : f32
    %neg3A_501 = vector.broadcast %neg3A_500 : f32 to vector<8x128xf32>
    %neg3A_502 = arith.subf %neg3A_501, %sqrt3A_496 : vector<8x128xf32>
    %select_n3A_503 = arith.select %ge3A_499, %sqrt3A_496, %neg3A_502 : vector<8x128xi1>, vector<8x128xf32>
    %add3A_504 = arith.addf %div3A_491, %select_n3A_503 : vector<8x128xf32>
    %div3A_505 = arith.constant 1.000000e+00 : f32
    %div3A_506 = vector.broadcast %div3A_505 : f32 to vector<8x128xf32>
    %div3A_507 = arith.divf %div3A_506, %add3A_504 : vector<8x128xf32>
    %abs3A_508 = math.absf %sub3A_462 : vector<8x128xf32>
    %abs3A_509 = math.absf %sub3A_457 : vector<8x128xf32>
    %abs3A_510 = math.absf %sub3A_388 : vector<8x128xf32>
    %min3A_511 = arith.minimumf %abs3A_509, %abs3A_510 : vector<8x128xf32>
    %mul3A_512 = arith.constant 1.19209291E-8 : f32
    %mul3A_513 = vector.broadcast %mul3A_512 : f32 to vector<8x128xf32>
    %mul3A_514 = arith.mulf %mul3A_513, %min3A_511 : vector<8x128xf32>
    %le3A_515 = arith.cmpf ole, %abs3A_508, %mul3A_514 : vector<8x128xf32>
    %jit3A_516 = arith.constant 0.000000e+00 : f32
    %broadcast_in_dim3A_517 = vector.broadcast %jit3A_516 : f32 to vector<8x128xf32>
    %select_n3A_518 = arith.select %le3A_515, %broadcast_in_dim3A_517, %div3A_507 : vector<8x128xi1>, vector<8x128xf32>
    %mul3A_519 = arith.mulf %select_n3A_518, %select_n3A_518 : vector<8x128xf32>
    %add3A_520 = arith.constant 1.000000e+00 : f32
    %add3A_521 = vector.broadcast %add3A_520 : f32 to vector<8x128xf32>
    %add3A_522 = arith.addf %add3A_521, %mul3A_519 : vector<8x128xf32>
    %rsqrt3A_523 = math.rsqrt %add3A_522 : vector<8x128xf32>
    %mul3A_524 = arith.mulf %select_n3A_518, %rsqrt3A_523 : vector<8x128xf32>
    %mul3A_525 = arith.mulf %select_n3A_518, %sub3A_462 : vector<8x128xf32>
    %sub3A_526 = arith.subf %sub3A_457, %mul3A_525 : vector<8x128xf32>
    %mul3A_527 = arith.mulf %select_n3A_518, %sub3A_462 : vector<8x128xf32>
    %add3A_528 = arith.addf %sub3A_388, %mul3A_527 : vector<8x128xf32>
    %mul3A_529 = arith.mulf %broadcast_in_dim3A_82, %rsqrt3A_523 : vector<8x128xf32>
    %mul3A_530 = arith.mulf %add3A_468, %mul3A_524 : vector<8x128xf32>
    %sub3A_531 = arith.subf %mul3A_529, %mul3A_530 : vector<8x128xf32>
    %mul3A_532 = arith.mulf %broadcast_in_dim3A_82, %mul3A_524 : vector<8x128xf32>
    %mul3A_533 = arith.mulf %add3A_468, %rsqrt3A_523 : vector<8x128xf32>
    %add3A_534 = arith.addf %mul3A_532, %mul3A_533 : vector<8x128xf32>
    %mul3A_535 = arith.mulf %broadcast_in_dim3A_82, %rsqrt3A_523 : vector<8x128xf32>
    %mul3A_536 = arith.mulf %add3A_465, %mul3A_524 : vector<8x128xf32>
    %sub3A_537 = arith.subf %mul3A_535, %mul3A_536 : vector<8x128xf32>
    %mul3A_538 = arith.mulf %sub3A_471, %rsqrt3A_523 : vector<8x128xf32>
    %mul3A_539 = arith.mulf %sub3A_402, %mul3A_524 : vector<8x128xf32>
    %sub3A_540 = arith.subf %mul3A_538, %mul3A_539 : vector<8x128xf32>
    %mul3A_541 = arith.mulf %sub3A_471, %mul3A_524 : vector<8x128xf32>
    %mul3A_542 = arith.mulf %sub3A_402, %rsqrt3A_523 : vector<8x128xf32>
    %add3A_543 = arith.addf %mul3A_541, %mul3A_542 : vector<8x128xf32>
    %mul3A_544 = arith.mulf %sub3A_477, %rsqrt3A_523 : vector<8x128xf32>
    %mul3A_545 = arith.mulf %sub3A_408, %mul3A_524 : vector<8x128xf32>
    %sub3A_546 = arith.subf %mul3A_544, %mul3A_545 : vector<8x128xf32>
    %mul3A_547 = arith.mulf %sub3A_477, %mul3A_524 : vector<8x128xf32>
    %mul3A_548 = arith.mulf %sub3A_408, %rsqrt3A_523 : vector<8x128xf32>
    %add3A_549 = arith.addf %mul3A_547, %mul3A_548 : vector<8x128xf32>
    %mul3A_550 = arith.mulf %sub3A_483, %rsqrt3A_523 : vector<8x128xf32>
    %mul3A_551 = arith.mulf %sub3A_414, %mul3A_524 : vector<8x128xf32>
    %sub3A_552 = arith.subf %mul3A_550, %mul3A_551 : vector<8x128xf32>
    %mul3A_553 = arith.mulf %sub3A_483, %mul3A_524 : vector<8x128xf32>
    %mul3A_554 = arith.mulf %sub3A_414, %rsqrt3A_523 : vector<8x128xf32>
    %add3A_555 = arith.addf %mul3A_553, %mul3A_554 : vector<8x128xf32>
    %sub3A_556 = arith.subf %add3A_459, %add3A_528 : vector<8x128xf32>
    %mul3A_557 = arith.constant 2.000000e+00 : f32
    %mul3A_558 = vector.broadcast %mul3A_557 : f32 to vector<8x128xf32>
    %mul3A_559 = arith.mulf %mul3A_558, %add3A_534 : vector<8x128xf32>
    %div3A_560 = arith.divf %sub3A_556, %mul3A_559 : vector<8x128xf32>
    %mul3A_561 = arith.mulf %div3A_560, %div3A_560 : vector<8x128xf32>
    %add3A_562 = arith.constant 1.000000e+00 : f32
    %add3A_563 = vector.broadcast %add3A_562 : f32 to vector<8x128xf32>
    %add3A_564 = arith.addf %add3A_563, %mul3A_561 : vector<8x128xf32>
    %sqrt3A_565 = math.sqrt %add3A_564 : vector<8x128xf32>
    %ge3A_566 = arith.constant 0.000000e+00 : f32
    %ge3A_567 = vector.broadcast %ge3A_566 : f32 to vector<8x128xf32>
    %ge3A_568 = arith.cmpf oge, %div3A_560, %ge3A_567 : vector<8x128xf32>
    %neg3A_569 = arith.constant 0.000000e+00 : f32
    %neg3A_570 = vector.broadcast %neg3A_569 : f32 to vector<8x128xf32>
    %neg3A_571 = arith.subf %neg3A_570, %sqrt3A_565 : vector<8x128xf32>
    %select_n3A_572 = arith.select %ge3A_568, %sqrt3A_565, %neg3A_571 : vector<8x128xi1>, vector<8x128xf32>
    %add3A_573 = arith.addf %div3A_560, %select_n3A_572 : vector<8x128xf32>
    %div3A_574 = arith.constant 1.000000e+00 : f32
    %div3A_575 = vector.broadcast %div3A_574 : f32 to vector<8x128xf32>
    %div3A_576 = arith.divf %div3A_575, %add3A_573 : vector<8x128xf32>
    %abs3A_577 = math.absf %add3A_534 : vector<8x128xf32>
    %abs3A_578 = math.absf %add3A_528 : vector<8x128xf32>
    %abs3A_579 = math.absf %add3A_459 : vector<8x128xf32>
    %min3A_580 = arith.minimumf %abs3A_578, %abs3A_579 : vector<8x128xf32>
    %mul3A_581 = arith.constant 1.19209291E-8 : f32
    %mul3A_582 = vector.broadcast %mul3A_581 : f32 to vector<8x128xf32>
    %mul3A_583 = arith.mulf %mul3A_582, %min3A_580 : vector<8x128xf32>
    %le3A_584 = arith.cmpf ole, %abs3A_577, %mul3A_583 : vector<8x128xf32>
    %jit3A_585 = arith.constant 0.000000e+00 : f32
    %broadcast_in_dim3A_586 = vector.broadcast %jit3A_585 : f32 to vector<8x128xf32>
    %select_n3A_587 = arith.select %le3A_584, %broadcast_in_dim3A_586, %div3A_576 : vector<8x128xi1>, vector<8x128xf32>
    %mul3A_588 = arith.mulf %select_n3A_587, %select_n3A_587 : vector<8x128xf32>
    %add3A_589 = arith.constant 1.000000e+00 : f32
    %add3A_590 = vector.broadcast %add3A_589 : f32 to vector<8x128xf32>
    %add3A_591 = arith.addf %add3A_590, %mul3A_588 : vector<8x128xf32>
    %rsqrt3A_592 = math.rsqrt %add3A_591 : vector<8x128xf32>
    %mul3A_593 = arith.mulf %select_n3A_587, %rsqrt3A_592 : vector<8x128xf32>
    %mul3A_594 = arith.mulf %select_n3A_587, %add3A_534 : vector<8x128xf32>
    %sub3A_595 = arith.subf %add3A_528, %mul3A_594 : vector<8x128xf32>
    %mul3A_596 = arith.mulf %select_n3A_587, %add3A_534 : vector<8x128xf32>
    %add3A_597 = arith.addf %add3A_459, %mul3A_596 : vector<8x128xf32>
    %mul3A_598 = arith.mulf %broadcast_in_dim3A_82, %rsqrt3A_592 : vector<8x128xf32>
    %mul3A_599 = arith.mulf %sub3A_537, %mul3A_593 : vector<8x128xf32>
    %sub3A_600 = arith.subf %mul3A_598, %mul3A_599 : vector<8x128xf32>
    %mul3A_601 = arith.mulf %broadcast_in_dim3A_82, %rsqrt3A_592 : vector<8x128xf32>
    %mul3A_602 = arith.mulf %sub3A_531, %mul3A_593 : vector<8x128xf32>
    %sub3A_603 = arith.subf %mul3A_601, %mul3A_602 : vector<8x128xf32>
    %mul3A_604 = arith.mulf %broadcast_in_dim3A_82, %mul3A_593 : vector<8x128xf32>
    %mul3A_605 = arith.mulf %sub3A_531, %rsqrt3A_592 : vector<8x128xf32>
    %add3A_606 = arith.addf %mul3A_604, %mul3A_605 : vector<8x128xf32>
    %mul3A_607 = arith.mulf %add3A_543, %rsqrt3A_592 : vector<8x128xf32>
    %mul3A_608 = arith.mulf %add3A_474, %mul3A_593 : vector<8x128xf32>
    %sub3A_609 = arith.subf %mul3A_607, %mul3A_608 : vector<8x128xf32>
    %mul3A_610 = arith.mulf %add3A_543, %mul3A_593 : vector<8x128xf32>
    %mul3A_611 = arith.mulf %add3A_474, %rsqrt3A_592 : vector<8x128xf32>
    %add3A_612 = arith.addf %mul3A_610, %mul3A_611 : vector<8x128xf32>
    %mul3A_613 = arith.mulf %add3A_549, %rsqrt3A_592 : vector<8x128xf32>
    %mul3A_614 = arith.mulf %add3A_480, %mul3A_593 : vector<8x128xf32>
    %sub3A_615 = arith.subf %mul3A_613, %mul3A_614 : vector<8x128xf32>
    %mul3A_616 = arith.mulf %add3A_549, %mul3A_593 : vector<8x128xf32>
    %mul3A_617 = arith.mulf %add3A_480, %rsqrt3A_592 : vector<8x128xf32>
    %add3A_618 = arith.addf %mul3A_616, %mul3A_617 : vector<8x128xf32>
    %mul3A_619 = arith.mulf %add3A_555, %rsqrt3A_592 : vector<8x128xf32>
    %mul3A_620 = arith.mulf %add3A_486, %mul3A_593 : vector<8x128xf32>
    %sub3A_621 = arith.subf %mul3A_619, %mul3A_620 : vector<8x128xf32>
    %mul3A_622 = arith.mulf %add3A_555, %mul3A_593 : vector<8x128xf32>
    %mul3A_623 = arith.mulf %add3A_486, %rsqrt3A_592 : vector<8x128xf32>
    %add3A_624 = arith.addf %mul3A_622, %mul3A_623 : vector<8x128xf32>
    %sub3A_625 = arith.subf %add3A_597, %sub3A_526 : vector<8x128xf32>
    %mul3A_626 = arith.constant 2.000000e+00 : f32
    %mul3A_627 = vector.broadcast %mul3A_626 : f32 to vector<8x128xf32>
    %mul3A_628 = arith.mulf %mul3A_627, %add3A_606 : vector<8x128xf32>
    %div3A_629 = arith.divf %sub3A_625, %mul3A_628 : vector<8x128xf32>
    %mul3A_630 = arith.mulf %div3A_629, %div3A_629 : vector<8x128xf32>
    %add3A_631 = arith.constant 1.000000e+00 : f32
    %add3A_632 = vector.broadcast %add3A_631 : f32 to vector<8x128xf32>
    %add3A_633 = arith.addf %add3A_632, %mul3A_630 : vector<8x128xf32>
    %sqrt3A_634 = math.sqrt %add3A_633 : vector<8x128xf32>
    %ge3A_635 = arith.constant 0.000000e+00 : f32
    %ge3A_636 = vector.broadcast %ge3A_635 : f32 to vector<8x128xf32>
    %ge3A_637 = arith.cmpf oge, %div3A_629, %ge3A_636 : vector<8x128xf32>
    %neg3A_638 = arith.constant 0.000000e+00 : f32
    %neg3A_639 = vector.broadcast %neg3A_638 : f32 to vector<8x128xf32>
    %neg3A_640 = arith.subf %neg3A_639, %sqrt3A_634 : vector<8x128xf32>
    %select_n3A_641 = arith.select %ge3A_637, %sqrt3A_634, %neg3A_640 : vector<8x128xi1>, vector<8x128xf32>
    %add3A_642 = arith.addf %div3A_629, %select_n3A_641 : vector<8x128xf32>
    %div3A_643 = arith.constant 1.000000e+00 : f32
    %div3A_644 = vector.broadcast %div3A_643 : f32 to vector<8x128xf32>
    %div3A_645 = arith.divf %div3A_644, %add3A_642 : vector<8x128xf32>
    %abs3A_646 = math.absf %add3A_606 : vector<8x128xf32>
    %abs3A_647 = math.absf %sub3A_526 : vector<8x128xf32>
    %abs3A_648 = math.absf %add3A_597 : vector<8x128xf32>
    %min3A_649 = arith.minimumf %abs3A_647, %abs3A_648 : vector<8x128xf32>
    %mul3A_650 = arith.constant 1.19209291E-8 : f32
    %mul3A_651 = vector.broadcast %mul3A_650 : f32 to vector<8x128xf32>
    %mul3A_652 = arith.mulf %mul3A_651, %min3A_649 : vector<8x128xf32>
    %le3A_653 = arith.cmpf ole, %abs3A_646, %mul3A_652 : vector<8x128xf32>
    %jit3A_654 = arith.constant 0.000000e+00 : f32
    %broadcast_in_dim3A_655 = vector.broadcast %jit3A_654 : f32 to vector<8x128xf32>
    %select_n3A_656 = arith.select %le3A_653, %broadcast_in_dim3A_655, %div3A_645 : vector<8x128xi1>, vector<8x128xf32>
    %mul3A_657 = arith.mulf %select_n3A_656, %select_n3A_656 : vector<8x128xf32>
    %add3A_658 = arith.constant 1.000000e+00 : f32
    %add3A_659 = vector.broadcast %add3A_658 : f32 to vector<8x128xf32>
    %add3A_660 = arith.addf %add3A_659, %mul3A_657 : vector<8x128xf32>
    %rsqrt3A_661 = math.rsqrt %add3A_660 : vector<8x128xf32>
    %mul3A_662 = arith.mulf %select_n3A_656, %rsqrt3A_661 : vector<8x128xf32>
    %mul3A_663 = arith.mulf %select_n3A_656, %add3A_606 : vector<8x128xf32>
    %sub3A_664 = arith.subf %sub3A_526, %mul3A_663 : vector<8x128xf32>
    %mul3A_665 = arith.mulf %select_n3A_656, %add3A_606 : vector<8x128xf32>
    %add3A_666 = arith.addf %add3A_597, %mul3A_665 : vector<8x128xf32>
    %mul3A_667 = arith.mulf %sub3A_603, %rsqrt3A_661 : vector<8x128xf32>
    %mul3A_668 = arith.mulf %broadcast_in_dim3A_82, %mul3A_662 : vector<8x128xf32>
    %sub3A_669 = arith.subf %mul3A_667, %mul3A_668 : vector<8x128xf32>
    %mul3A_670 = arith.mulf %sub3A_603, %mul3A_662 : vector<8x128xf32>
    %mul3A_671 = arith.mulf %broadcast_in_dim3A_82, %rsqrt3A_661 : vector<8x128xf32>
    %add3A_672 = arith.addf %mul3A_670, %mul3A_671 : vector<8x128xf32>
    %mul3A_673 = arith.mulf %sub3A_600, %mul3A_662 : vector<8x128xf32>
    %mul3A_674 = arith.mulf %broadcast_in_dim3A_82, %rsqrt3A_661 : vector<8x128xf32>
    %add3A_675 = arith.addf %mul3A_673, %mul3A_674 : vector<8x128xf32>
    %mul3A_676 = arith.mulf %sub3A_540, %rsqrt3A_661 : vector<8x128xf32>
    %mul3A_677 = arith.mulf %add3A_612, %mul3A_662 : vector<8x128xf32>
    %sub3A_678 = arith.subf %mul3A_676, %mul3A_677 : vector<8x128xf32>
    %mul3A_679 = arith.mulf %sub3A_540, %mul3A_662 : vector<8x128xf32>
    %mul3A_680 = arith.mulf %add3A_612, %rsqrt3A_661 : vector<8x128xf32>
    %add3A_681 = arith.addf %mul3A_679, %mul3A_680 : vector<8x128xf32>
    %mul3A_682 = arith.mulf %sub3A_546, %rsqrt3A_661 : vector<8x128xf32>
    %mul3A_683 = arith.mulf %add3A_618, %mul3A_662 : vector<8x128xf32>
    %sub3A_684 = arith.subf %mul3A_682, %mul3A_683 : vector<8x128xf32>
    %mul3A_685 = arith.mulf %sub3A_546, %mul3A_662 : vector<8x128xf32>
    %mul3A_686 = arith.mulf %add3A_618, %rsqrt3A_661 : vector<8x128xf32>
    %add3A_687 = arith.addf %mul3A_685, %mul3A_686 : vector<8x128xf32>
    %mul3A_688 = arith.mulf %sub3A_552, %rsqrt3A_661 : vector<8x128xf32>
    %mul3A_689 = arith.mulf %add3A_624, %mul3A_662 : vector<8x128xf32>
    %sub3A_690 = arith.subf %mul3A_688, %mul3A_689 : vector<8x128xf32>
    %mul3A_691 = arith.mulf %sub3A_552, %mul3A_662 : vector<8x128xf32>
    %mul3A_692 = arith.mulf %add3A_624, %rsqrt3A_661 : vector<8x128xf32>
    %add3A_693 = arith.addf %mul3A_691, %mul3A_692 : vector<8x128xf32>
    %sub3A_694 = arith.subf %sub3A_595, %sub3A_664 : vector<8x128xf32>
    %mul3A_695 = arith.constant 2.000000e+00 : f32
    %mul3A_696 = vector.broadcast %mul3A_695 : f32 to vector<8x128xf32>
    %mul3A_697 = arith.mulf %mul3A_696, %sub3A_669 : vector<8x128xf32>
    %div3A_698 = arith.divf %sub3A_694, %mul3A_697 : vector<8x128xf32>
    %mul3A_699 = arith.mulf %div3A_698, %div3A_698 : vector<8x128xf32>
    %add3A_700 = arith.constant 1.000000e+00 : f32
    %add3A_701 = vector.broadcast %add3A_700 : f32 to vector<8x128xf32>
    %add3A_702 = arith.addf %add3A_701, %mul3A_699 : vector<8x128xf32>
    %sqrt3A_703 = math.sqrt %add3A_702 : vector<8x128xf32>
    %ge3A_704 = arith.constant 0.000000e+00 : f32
    %ge3A_705 = vector.broadcast %ge3A_704 : f32 to vector<8x128xf32>
    %ge3A_706 = arith.cmpf oge, %div3A_698, %ge3A_705 : vector<8x128xf32>
    %neg3A_707 = arith.constant 0.000000e+00 : f32
    %neg3A_708 = vector.broadcast %neg3A_707 : f32 to vector<8x128xf32>
    %neg3A_709 = arith.subf %neg3A_708, %sqrt3A_703 : vector<8x128xf32>
    %select_n3A_710 = arith.select %ge3A_706, %sqrt3A_703, %neg3A_709 : vector<8x128xi1>, vector<8x128xf32>
    %add3A_711 = arith.addf %div3A_698, %select_n3A_710 : vector<8x128xf32>
    %div3A_712 = arith.constant 1.000000e+00 : f32
    %div3A_713 = vector.broadcast %div3A_712 : f32 to vector<8x128xf32>
    %div3A_714 = arith.divf %div3A_713, %add3A_711 : vector<8x128xf32>
    %abs3A_715 = math.absf %sub3A_669 : vector<8x128xf32>
    %abs3A_716 = math.absf %sub3A_664 : vector<8x128xf32>
    %abs3A_717 = math.absf %sub3A_595 : vector<8x128xf32>
    %min3A_718 = arith.minimumf %abs3A_716, %abs3A_717 : vector<8x128xf32>
    %mul3A_719 = arith.constant 1.19209291E-8 : f32
    %mul3A_720 = vector.broadcast %mul3A_719 : f32 to vector<8x128xf32>
    %mul3A_721 = arith.mulf %mul3A_720, %min3A_718 : vector<8x128xf32>
    %le3A_722 = arith.cmpf ole, %abs3A_715, %mul3A_721 : vector<8x128xf32>
    %jit3A_723 = arith.constant 0.000000e+00 : f32
    %broadcast_in_dim3A_724 = vector.broadcast %jit3A_723 : f32 to vector<8x128xf32>
    %select_n3A_725 = arith.select %le3A_722, %broadcast_in_dim3A_724, %div3A_714 : vector<8x128xi1>, vector<8x128xf32>
    %mul3A_726 = arith.mulf %select_n3A_725, %select_n3A_725 : vector<8x128xf32>
    %add3A_727 = arith.constant 1.000000e+00 : f32
    %add3A_728 = vector.broadcast %add3A_727 : f32 to vector<8x128xf32>
    %add3A_729 = arith.addf %add3A_728, %mul3A_726 : vector<8x128xf32>
    %rsqrt3A_730 = math.rsqrt %add3A_729 : vector<8x128xf32>
    %mul3A_731 = arith.mulf %select_n3A_725, %rsqrt3A_730 : vector<8x128xf32>
    %mul3A_732 = arith.mulf %select_n3A_725, %sub3A_669 : vector<8x128xf32>
    %sub3A_733 = arith.subf %sub3A_664, %mul3A_732 : vector<8x128xf32>
    %mul3A_734 = arith.mulf %select_n3A_725, %sub3A_669 : vector<8x128xf32>
    %add3A_735 = arith.addf %sub3A_595, %mul3A_734 : vector<8x128xf32>
    %mul3A_736 = arith.mulf %broadcast_in_dim3A_82, %rsqrt3A_730 : vector<8x128xf32>
    %mul3A_737 = arith.mulf %add3A_675, %mul3A_731 : vector<8x128xf32>
    %sub3A_738 = arith.subf %mul3A_736, %mul3A_737 : vector<8x128xf32>
    %mul3A_739 = arith.mulf %broadcast_in_dim3A_82, %mul3A_731 : vector<8x128xf32>
    %mul3A_740 = arith.mulf %add3A_675, %rsqrt3A_730 : vector<8x128xf32>
    %add3A_741 = arith.addf %mul3A_739, %mul3A_740 : vector<8x128xf32>
    %mul3A_742 = arith.mulf %broadcast_in_dim3A_82, %rsqrt3A_730 : vector<8x128xf32>
    %mul3A_743 = arith.mulf %add3A_672, %mul3A_731 : vector<8x128xf32>
    %sub3A_744 = arith.subf %mul3A_742, %mul3A_743 : vector<8x128xf32>
    %mul3A_745 = arith.mulf %sub3A_678, %rsqrt3A_730 : vector<8x128xf32>
    %mul3A_746 = arith.mulf %sub3A_609, %mul3A_731 : vector<8x128xf32>
    %sub3A_747 = arith.subf %mul3A_745, %mul3A_746 : vector<8x128xf32>
    %mul3A_748 = arith.mulf %sub3A_678, %mul3A_731 : vector<8x128xf32>
    %mul3A_749 = arith.mulf %sub3A_609, %rsqrt3A_730 : vector<8x128xf32>
    %add3A_750 = arith.addf %mul3A_748, %mul3A_749 : vector<8x128xf32>
    %mul3A_751 = arith.mulf %sub3A_684, %rsqrt3A_730 : vector<8x128xf32>
    %mul3A_752 = arith.mulf %sub3A_615, %mul3A_731 : vector<8x128xf32>
    %sub3A_753 = arith.subf %mul3A_751, %mul3A_752 : vector<8x128xf32>
    %mul3A_754 = arith.mulf %sub3A_684, %mul3A_731 : vector<8x128xf32>
    %mul3A_755 = arith.mulf %sub3A_615, %rsqrt3A_730 : vector<8x128xf32>
    %add3A_756 = arith.addf %mul3A_754, %mul3A_755 : vector<8x128xf32>
    %mul3A_757 = arith.mulf %sub3A_690, %rsqrt3A_730 : vector<8x128xf32>
    %mul3A_758 = arith.mulf %sub3A_621, %mul3A_731 : vector<8x128xf32>
    %sub3A_759 = arith.subf %mul3A_757, %mul3A_758 : vector<8x128xf32>
    %mul3A_760 = arith.mulf %sub3A_690, %mul3A_731 : vector<8x128xf32>
    %mul3A_761 = arith.mulf %sub3A_621, %rsqrt3A_730 : vector<8x128xf32>
    %add3A_762 = arith.addf %mul3A_760, %mul3A_761 : vector<8x128xf32>
    %sub3A_763 = arith.subf %add3A_666, %add3A_735 : vector<8x128xf32>
    %mul3A_764 = arith.constant 2.000000e+00 : f32
    %mul3A_765 = vector.broadcast %mul3A_764 : f32 to vector<8x128xf32>
    %mul3A_766 = arith.mulf %mul3A_765, %add3A_741 : vector<8x128xf32>
    %div3A_767 = arith.divf %sub3A_763, %mul3A_766 : vector<8x128xf32>
    %mul3A_768 = arith.mulf %div3A_767, %div3A_767 : vector<8x128xf32>
    %add3A_769 = arith.constant 1.000000e+00 : f32
    %add3A_770 = vector.broadcast %add3A_769 : f32 to vector<8x128xf32>
    %add3A_771 = arith.addf %add3A_770, %mul3A_768 : vector<8x128xf32>
    %sqrt3A_772 = math.sqrt %add3A_771 : vector<8x128xf32>
    %ge3A_773 = arith.constant 0.000000e+00 : f32
    %ge3A_774 = vector.broadcast %ge3A_773 : f32 to vector<8x128xf32>
    %ge3A_775 = arith.cmpf oge, %div3A_767, %ge3A_774 : vector<8x128xf32>
    %neg3A_776 = arith.constant 0.000000e+00 : f32
    %neg3A_777 = vector.broadcast %neg3A_776 : f32 to vector<8x128xf32>
    %neg3A_778 = arith.subf %neg3A_777, %sqrt3A_772 : vector<8x128xf32>
    %select_n3A_779 = arith.select %ge3A_775, %sqrt3A_772, %neg3A_778 : vector<8x128xi1>, vector<8x128xf32>
    %add3A_780 = arith.addf %div3A_767, %select_n3A_779 : vector<8x128xf32>
    %div3A_781 = arith.constant 1.000000e+00 : f32
    %div3A_782 = vector.broadcast %div3A_781 : f32 to vector<8x128xf32>
    %div3A_783 = arith.divf %div3A_782, %add3A_780 : vector<8x128xf32>
    %abs3A_784 = math.absf %add3A_741 : vector<8x128xf32>
    %abs3A_785 = math.absf %add3A_735 : vector<8x128xf32>
    %abs3A_786 = math.absf %add3A_666 : vector<8x128xf32>
    %min3A_787 = arith.minimumf %abs3A_785, %abs3A_786 : vector<8x128xf32>
    %mul3A_788 = arith.constant 1.19209291E-8 : f32
    %mul3A_789 = vector.broadcast %mul3A_788 : f32 to vector<8x128xf32>
    %mul3A_790 = arith.mulf %mul3A_789, %min3A_787 : vector<8x128xf32>
    %le3A_791 = arith.cmpf ole, %abs3A_784, %mul3A_790 : vector<8x128xf32>
    %jit3A_792 = arith.constant 0.000000e+00 : f32
    %broadcast_in_dim3A_793 = vector.broadcast %jit3A_792 : f32 to vector<8x128xf32>
    %select_n3A_794 = arith.select %le3A_791, %broadcast_in_dim3A_793, %div3A_783 : vector<8x128xi1>, vector<8x128xf32>
    %mul3A_795 = arith.mulf %select_n3A_794, %select_n3A_794 : vector<8x128xf32>
    %add3A_796 = arith.constant 1.000000e+00 : f32
    %add3A_797 = vector.broadcast %add3A_796 : f32 to vector<8x128xf32>
    %add3A_798 = arith.addf %add3A_797, %mul3A_795 : vector<8x128xf32>
    %rsqrt3A_799 = math.rsqrt %add3A_798 : vector<8x128xf32>
    %mul3A_800 = arith.mulf %select_n3A_794, %rsqrt3A_799 : vector<8x128xf32>
    %mul3A_801 = arith.mulf %select_n3A_794, %add3A_741 : vector<8x128xf32>
    %sub3A_802 = arith.subf %add3A_735, %mul3A_801 : vector<8x128xf32>
    %mul3A_803 = arith.mulf %select_n3A_794, %add3A_741 : vector<8x128xf32>
    %add3A_804 = arith.addf %add3A_666, %mul3A_803 : vector<8x128xf32>
    %mul3A_805 = arith.mulf %broadcast_in_dim3A_82, %rsqrt3A_799 : vector<8x128xf32>
    %mul3A_806 = arith.mulf %sub3A_744, %mul3A_800 : vector<8x128xf32>
    %sub3A_807 = arith.subf %mul3A_805, %mul3A_806 : vector<8x128xf32>
    %mul3A_808 = arith.mulf %broadcast_in_dim3A_82, %rsqrt3A_799 : vector<8x128xf32>
    %mul3A_809 = arith.mulf %sub3A_738, %mul3A_800 : vector<8x128xf32>
    %sub3A_810 = arith.subf %mul3A_808, %mul3A_809 : vector<8x128xf32>
    %mul3A_811 = arith.mulf %broadcast_in_dim3A_82, %mul3A_800 : vector<8x128xf32>
    %mul3A_812 = arith.mulf %sub3A_738, %rsqrt3A_799 : vector<8x128xf32>
    %add3A_813 = arith.addf %mul3A_811, %mul3A_812 : vector<8x128xf32>
    %mul3A_814 = arith.mulf %add3A_750, %rsqrt3A_799 : vector<8x128xf32>
    %mul3A_815 = arith.mulf %add3A_681, %mul3A_800 : vector<8x128xf32>
    %sub3A_816 = arith.subf %mul3A_814, %mul3A_815 : vector<8x128xf32>
    %mul3A_817 = arith.mulf %add3A_750, %mul3A_800 : vector<8x128xf32>
    %mul3A_818 = arith.mulf %add3A_681, %rsqrt3A_799 : vector<8x128xf32>
    %add3A_819 = arith.addf %mul3A_817, %mul3A_818 : vector<8x128xf32>
    %mul3A_820 = arith.mulf %add3A_756, %rsqrt3A_799 : vector<8x128xf32>
    %mul3A_821 = arith.mulf %add3A_687, %mul3A_800 : vector<8x128xf32>
    %sub3A_822 = arith.subf %mul3A_820, %mul3A_821 : vector<8x128xf32>
    %mul3A_823 = arith.mulf %add3A_756, %mul3A_800 : vector<8x128xf32>
    %mul3A_824 = arith.mulf %add3A_687, %rsqrt3A_799 : vector<8x128xf32>
    %add3A_825 = arith.addf %mul3A_823, %mul3A_824 : vector<8x128xf32>
    %mul3A_826 = arith.mulf %add3A_762, %rsqrt3A_799 : vector<8x128xf32>
    %mul3A_827 = arith.mulf %add3A_693, %mul3A_800 : vector<8x128xf32>
    %sub3A_828 = arith.subf %mul3A_826, %mul3A_827 : vector<8x128xf32>
    %mul3A_829 = arith.mulf %add3A_762, %mul3A_800 : vector<8x128xf32>
    %mul3A_830 = arith.mulf %add3A_693, %rsqrt3A_799 : vector<8x128xf32>
    %add3A_831 = arith.addf %mul3A_829, %mul3A_830 : vector<8x128xf32>
    %sub3A_832 = arith.subf %add3A_804, %sub3A_733 : vector<8x128xf32>
    %mul3A_833 = arith.constant 2.000000e+00 : f32
    %mul3A_834 = vector.broadcast %mul3A_833 : f32 to vector<8x128xf32>
    %mul3A_835 = arith.mulf %mul3A_834, %add3A_813 : vector<8x128xf32>
    %div3A_836 = arith.divf %sub3A_832, %mul3A_835 : vector<8x128xf32>
    %mul3A_837 = arith.mulf %div3A_836, %div3A_836 : vector<8x128xf32>
    %add3A_838 = arith.constant 1.000000e+00 : f32
    %add3A_839 = vector.broadcast %add3A_838 : f32 to vector<8x128xf32>
    %add3A_840 = arith.addf %add3A_839, %mul3A_837 : vector<8x128xf32>
    %sqrt3A_841 = math.sqrt %add3A_840 : vector<8x128xf32>
    %ge3A_842 = arith.constant 0.000000e+00 : f32
    %ge3A_843 = vector.broadcast %ge3A_842 : f32 to vector<8x128xf32>
    %ge3A_844 = arith.cmpf oge, %div3A_836, %ge3A_843 : vector<8x128xf32>
    %neg3A_845 = arith.constant 0.000000e+00 : f32
    %neg3A_846 = vector.broadcast %neg3A_845 : f32 to vector<8x128xf32>
    %neg3A_847 = arith.subf %neg3A_846, %sqrt3A_841 : vector<8x128xf32>
    %select_n3A_848 = arith.select %ge3A_844, %sqrt3A_841, %neg3A_847 : vector<8x128xi1>, vector<8x128xf32>
    %add3A_849 = arith.addf %div3A_836, %select_n3A_848 : vector<8x128xf32>
    %div3A_850 = arith.constant 1.000000e+00 : f32
    %div3A_851 = vector.broadcast %div3A_850 : f32 to vector<8x128xf32>
    %div3A_852 = arith.divf %div3A_851, %add3A_849 : vector<8x128xf32>
    %abs3A_853 = math.absf %add3A_813 : vector<8x128xf32>
    %abs3A_854 = math.absf %sub3A_733 : vector<8x128xf32>
    %abs3A_855 = math.absf %add3A_804 : vector<8x128xf32>
    %min3A_856 = arith.minimumf %abs3A_854, %abs3A_855 : vector<8x128xf32>
    %mul3A_857 = arith.constant 1.19209291E-8 : f32
    %mul3A_858 = vector.broadcast %mul3A_857 : f32 to vector<8x128xf32>
    %mul3A_859 = arith.mulf %mul3A_858, %min3A_856 : vector<8x128xf32>
    %le3A_860 = arith.cmpf ole, %abs3A_853, %mul3A_859 : vector<8x128xf32>
    %jit3A_861 = arith.constant 0.000000e+00 : f32
    %broadcast_in_dim3A_862 = vector.broadcast %jit3A_861 : f32 to vector<8x128xf32>
    %select_n3A_863 = arith.select %le3A_860, %broadcast_in_dim3A_862, %div3A_852 : vector<8x128xi1>, vector<8x128xf32>
    %mul3A_864 = arith.mulf %select_n3A_863, %select_n3A_863 : vector<8x128xf32>
    %add3A_865 = arith.constant 1.000000e+00 : f32
    %add3A_866 = vector.broadcast %add3A_865 : f32 to vector<8x128xf32>
    %add3A_867 = arith.addf %add3A_866, %mul3A_864 : vector<8x128xf32>
    %rsqrt3A_868 = math.rsqrt %add3A_867 : vector<8x128xf32>
    %mul3A_869 = arith.mulf %select_n3A_863, %rsqrt3A_868 : vector<8x128xf32>
    %mul3A_870 = arith.mulf %select_n3A_863, %add3A_813 : vector<8x128xf32>
    %sub3A_871 = arith.subf %sub3A_733, %mul3A_870 : vector<8x128xf32>
    %mul3A_872 = arith.mulf %select_n3A_863, %add3A_813 : vector<8x128xf32>
    %add3A_873 = arith.addf %add3A_804, %mul3A_872 : vector<8x128xf32>
    %mul3A_874 = arith.mulf %sub3A_810, %rsqrt3A_868 : vector<8x128xf32>
    %mul3A_875 = arith.mulf %broadcast_in_dim3A_82, %mul3A_869 : vector<8x128xf32>
    %sub3A_876 = arith.subf %mul3A_874, %mul3A_875 : vector<8x128xf32>
    %mul3A_877 = arith.mulf %sub3A_810, %mul3A_869 : vector<8x128xf32>
    %mul3A_878 = arith.mulf %broadcast_in_dim3A_82, %rsqrt3A_868 : vector<8x128xf32>
    %add3A_879 = arith.addf %mul3A_877, %mul3A_878 : vector<8x128xf32>
    %mul3A_880 = arith.mulf %sub3A_807, %mul3A_869 : vector<8x128xf32>
    %mul3A_881 = arith.mulf %broadcast_in_dim3A_82, %rsqrt3A_868 : vector<8x128xf32>
    %add3A_882 = arith.addf %mul3A_880, %mul3A_881 : vector<8x128xf32>
    %mul3A_883 = arith.mulf %sub3A_747, %rsqrt3A_868 : vector<8x128xf32>
    %mul3A_884 = arith.mulf %add3A_819, %mul3A_869 : vector<8x128xf32>
    %sub3A_885 = arith.subf %mul3A_883, %mul3A_884 : vector<8x128xf32>
    %mul3A_886 = arith.mulf %sub3A_747, %mul3A_869 : vector<8x128xf32>
    %mul3A_887 = arith.mulf %add3A_819, %rsqrt3A_868 : vector<8x128xf32>
    %add3A_888 = arith.addf %mul3A_886, %mul3A_887 : vector<8x128xf32>
    %mul3A_889 = arith.mulf %sub3A_753, %rsqrt3A_868 : vector<8x128xf32>
    %mul3A_890 = arith.mulf %add3A_825, %mul3A_869 : vector<8x128xf32>
    %sub3A_891 = arith.subf %mul3A_889, %mul3A_890 : vector<8x128xf32>
    %mul3A_892 = arith.mulf %sub3A_753, %mul3A_869 : vector<8x128xf32>
    %mul3A_893 = arith.mulf %add3A_825, %rsqrt3A_868 : vector<8x128xf32>
    %add3A_894 = arith.addf %mul3A_892, %mul3A_893 : vector<8x128xf32>
    %mul3A_895 = arith.mulf %sub3A_759, %rsqrt3A_868 : vector<8x128xf32>
    %mul3A_896 = arith.mulf %add3A_831, %mul3A_869 : vector<8x128xf32>
    %sub3A_897 = arith.subf %mul3A_895, %mul3A_896 : vector<8x128xf32>
    %mul3A_898 = arith.mulf %sub3A_759, %mul3A_869 : vector<8x128xf32>
    %mul3A_899 = arith.mulf %add3A_831, %rsqrt3A_868 : vector<8x128xf32>
    %add3A_900 = arith.addf %mul3A_898, %mul3A_899 : vector<8x128xf32>
    %sub3A_901 = arith.subf %sub3A_802, %sub3A_871 : vector<8x128xf32>
    %mul3A_902 = arith.constant 2.000000e+00 : f32
    %mul3A_903 = vector.broadcast %mul3A_902 : f32 to vector<8x128xf32>
    %mul3A_904 = arith.mulf %mul3A_903, %sub3A_876 : vector<8x128xf32>
    %div3A_905 = arith.divf %sub3A_901, %mul3A_904 : vector<8x128xf32>
    %mul3A_906 = arith.mulf %div3A_905, %div3A_905 : vector<8x128xf32>
    %add3A_907 = arith.constant 1.000000e+00 : f32
    %add3A_908 = vector.broadcast %add3A_907 : f32 to vector<8x128xf32>
    %add3A_909 = arith.addf %add3A_908, %mul3A_906 : vector<8x128xf32>
    %sqrt3A_910 = math.sqrt %add3A_909 : vector<8x128xf32>
    %ge3A_911 = arith.constant 0.000000e+00 : f32
    %ge3A_912 = vector.broadcast %ge3A_911 : f32 to vector<8x128xf32>
    %ge3A_913 = arith.cmpf oge, %div3A_905, %ge3A_912 : vector<8x128xf32>
    %neg3A_914 = arith.constant 0.000000e+00 : f32
    %neg3A_915 = vector.broadcast %neg3A_914 : f32 to vector<8x128xf32>
    %neg3A_916 = arith.subf %neg3A_915, %sqrt3A_910 : vector<8x128xf32>
    %select_n3A_917 = arith.select %ge3A_913, %sqrt3A_910, %neg3A_916 : vector<8x128xi1>, vector<8x128xf32>
    %add3A_918 = arith.addf %div3A_905, %select_n3A_917 : vector<8x128xf32>
    %div3A_919 = arith.constant 1.000000e+00 : f32
    %div3A_920 = vector.broadcast %div3A_919 : f32 to vector<8x128xf32>
    %div3A_921 = arith.divf %div3A_920, %add3A_918 : vector<8x128xf32>
    %abs3A_922 = math.absf %sub3A_876 : vector<8x128xf32>
    %abs3A_923 = math.absf %sub3A_871 : vector<8x128xf32>
    %abs3A_924 = math.absf %sub3A_802 : vector<8x128xf32>
    %min3A_925 = arith.minimumf %abs3A_923, %abs3A_924 : vector<8x128xf32>
    %mul3A_926 = arith.constant 1.19209291E-8 : f32
    %mul3A_927 = vector.broadcast %mul3A_926 : f32 to vector<8x128xf32>
    %mul3A_928 = arith.mulf %mul3A_927, %min3A_925 : vector<8x128xf32>
    %le3A_929 = arith.cmpf ole, %abs3A_922, %mul3A_928 : vector<8x128xf32>
    %jit3A_930 = arith.constant 0.000000e+00 : f32
    %broadcast_in_dim3A_931 = vector.broadcast %jit3A_930 : f32 to vector<8x128xf32>
    %select_n3A_932 = arith.select %le3A_929, %broadcast_in_dim3A_931, %div3A_921 : vector<8x128xi1>, vector<8x128xf32>
    %mul3A_933 = arith.mulf %select_n3A_932, %select_n3A_932 : vector<8x128xf32>
    %add3A_934 = arith.constant 1.000000e+00 : f32
    %add3A_935 = vector.broadcast %add3A_934 : f32 to vector<8x128xf32>
    %add3A_936 = arith.addf %add3A_935, %mul3A_933 : vector<8x128xf32>
    %rsqrt3A_937 = math.rsqrt %add3A_936 : vector<8x128xf32>
    %mul3A_938 = arith.mulf %select_n3A_932, %rsqrt3A_937 : vector<8x128xf32>
    %mul3A_939 = arith.mulf %select_n3A_932, %sub3A_876 : vector<8x128xf32>
    %sub3A_940 = arith.subf %sub3A_871, %mul3A_939 : vector<8x128xf32>
    %mul3A_941 = arith.mulf %select_n3A_932, %sub3A_876 : vector<8x128xf32>
    %add3A_942 = arith.addf %sub3A_802, %mul3A_941 : vector<8x128xf32>
    %mul3A_943 = arith.mulf %broadcast_in_dim3A_82, %rsqrt3A_937 : vector<8x128xf32>
    %mul3A_944 = arith.mulf %add3A_882, %mul3A_938 : vector<8x128xf32>
    %sub3A_945 = arith.subf %mul3A_943, %mul3A_944 : vector<8x128xf32>
    %mul3A_946 = arith.mulf %broadcast_in_dim3A_82, %mul3A_938 : vector<8x128xf32>
    %mul3A_947 = arith.mulf %add3A_882, %rsqrt3A_937 : vector<8x128xf32>
    %add3A_948 = arith.addf %mul3A_946, %mul3A_947 : vector<8x128xf32>
    %mul3A_949 = arith.mulf %broadcast_in_dim3A_82, %rsqrt3A_937 : vector<8x128xf32>
    %mul3A_950 = arith.mulf %add3A_879, %mul3A_938 : vector<8x128xf32>
    %sub3A_951 = arith.subf %mul3A_949, %mul3A_950 : vector<8x128xf32>
    %mul3A_952 = arith.mulf %sub3A_885, %rsqrt3A_937 : vector<8x128xf32>
    %mul3A_953 = arith.mulf %sub3A_816, %mul3A_938 : vector<8x128xf32>
    %sub3A_954 = arith.subf %mul3A_952, %mul3A_953 : vector<8x128xf32>
    %mul3A_955 = arith.mulf %sub3A_885, %mul3A_938 : vector<8x128xf32>
    %mul3A_956 = arith.mulf %sub3A_816, %rsqrt3A_937 : vector<8x128xf32>
    %add3A_957 = arith.addf %mul3A_955, %mul3A_956 : vector<8x128xf32>
    %mul3A_958 = arith.mulf %sub3A_891, %rsqrt3A_937 : vector<8x128xf32>
    %mul3A_959 = arith.mulf %sub3A_822, %mul3A_938 : vector<8x128xf32>
    %sub3A_960 = arith.subf %mul3A_958, %mul3A_959 : vector<8x128xf32>
    %mul3A_961 = arith.mulf %sub3A_891, %mul3A_938 : vector<8x128xf32>
    %mul3A_962 = arith.mulf %sub3A_822, %rsqrt3A_937 : vector<8x128xf32>
    %add3A_963 = arith.addf %mul3A_961, %mul3A_962 : vector<8x128xf32>
    %mul3A_964 = arith.mulf %sub3A_897, %rsqrt3A_937 : vector<8x128xf32>
    %mul3A_965 = arith.mulf %sub3A_828, %mul3A_938 : vector<8x128xf32>
    %sub3A_966 = arith.subf %mul3A_964, %mul3A_965 : vector<8x128xf32>
    %mul3A_967 = arith.mulf %sub3A_897, %mul3A_938 : vector<8x128xf32>
    %mul3A_968 = arith.mulf %sub3A_828, %rsqrt3A_937 : vector<8x128xf32>
    %add3A_969 = arith.addf %mul3A_967, %mul3A_968 : vector<8x128xf32>
    %sub3A_970 = arith.subf %add3A_873, %add3A_942 : vector<8x128xf32>
    %mul3A_971 = arith.constant 2.000000e+00 : f32
    %mul3A_972 = vector.broadcast %mul3A_971 : f32 to vector<8x128xf32>
    %mul3A_973 = arith.mulf %mul3A_972, %add3A_948 : vector<8x128xf32>
    %div3A_974 = arith.divf %sub3A_970, %mul3A_973 : vector<8x128xf32>
    %mul3A_975 = arith.mulf %div3A_974, %div3A_974 : vector<8x128xf32>
    %add3A_976 = arith.constant 1.000000e+00 : f32
    %add3A_977 = vector.broadcast %add3A_976 : f32 to vector<8x128xf32>
    %add3A_978 = arith.addf %add3A_977, %mul3A_975 : vector<8x128xf32>
    %sqrt3A_979 = math.sqrt %add3A_978 : vector<8x128xf32>
    %ge3A_980 = arith.constant 0.000000e+00 : f32
    %ge3A_981 = vector.broadcast %ge3A_980 : f32 to vector<8x128xf32>
    %ge3A_982 = arith.cmpf oge, %div3A_974, %ge3A_981 : vector<8x128xf32>
    %neg3A_983 = arith.constant 0.000000e+00 : f32
    %neg3A_984 = vector.broadcast %neg3A_983 : f32 to vector<8x128xf32>
    %neg3A_985 = arith.subf %neg3A_984, %sqrt3A_979 : vector<8x128xf32>
    %select_n3A_986 = arith.select %ge3A_982, %sqrt3A_979, %neg3A_985 : vector<8x128xi1>, vector<8x128xf32>
    %add3A_987 = arith.addf %div3A_974, %select_n3A_986 : vector<8x128xf32>
    %div3A_988 = arith.constant 1.000000e+00 : f32
    %div3A_989 = vector.broadcast %div3A_988 : f32 to vector<8x128xf32>
    %div3A_990 = arith.divf %div3A_989, %add3A_987 : vector<8x128xf32>
    %abs3A_991 = math.absf %add3A_948 : vector<8x128xf32>
    %abs3A_992 = math.absf %add3A_942 : vector<8x128xf32>
    %abs3A_993 = math.absf %add3A_873 : vector<8x128xf32>
    %min3A_994 = arith.minimumf %abs3A_992, %abs3A_993 : vector<8x128xf32>
    %mul3A_995 = arith.constant 1.19209291E-8 : f32
    %mul3A_996 = vector.broadcast %mul3A_995 : f32 to vector<8x128xf32>
    %mul3A_997 = arith.mulf %mul3A_996, %min3A_994 : vector<8x128xf32>
    %le3A_998 = arith.cmpf ole, %abs3A_991, %mul3A_997 : vector<8x128xf32>
    %jit3A_999 = arith.constant 0.000000e+00 : f32
    %broadcast_in_dim3A_1000 = vector.broadcast %jit3A_999 : f32 to vector<8x128xf32>
    %select_n3A_1001 = arith.select %le3A_998, %broadcast_in_dim3A_1000, %div3A_990 : vector<8x128xi1>, vector<8x128xf32>
    %mul3A_1002 = arith.mulf %select_n3A_1001, %select_n3A_1001 : vector<8x128xf32>
    %add3A_1003 = arith.constant 1.000000e+00 : f32
    %add3A_1004 = vector.broadcast %add3A_1003 : f32 to vector<8x128xf32>
    %add3A_1005 = arith.addf %add3A_1004, %mul3A_1002 : vector<8x128xf32>
    %rsqrt3A_1006 = math.rsqrt %add3A_1005 : vector<8x128xf32>
    %mul3A_1007 = arith.mulf %select_n3A_1001, %rsqrt3A_1006 : vector<8x128xf32>
    %mul3A_1008 = arith.mulf %select_n3A_1001, %add3A_948 : vector<8x128xf32>
    %sub3A_1009 = arith.subf %add3A_942, %mul3A_1008 : vector<8x128xf32>
    %mul3A_1010 = arith.mulf %select_n3A_1001, %add3A_948 : vector<8x128xf32>
    %add3A_1011 = arith.addf %add3A_873, %mul3A_1010 : vector<8x128xf32>
    %mul3A_1012 = arith.mulf %broadcast_in_dim3A_82, %rsqrt3A_1006 : vector<8x128xf32>
    %mul3A_1013 = arith.mulf %sub3A_951, %mul3A_1007 : vector<8x128xf32>
    %sub3A_1014 = arith.subf %mul3A_1012, %mul3A_1013 : vector<8x128xf32>
    %mul3A_1015 = arith.mulf %broadcast_in_dim3A_82, %rsqrt3A_1006 : vector<8x128xf32>
    %mul3A_1016 = arith.mulf %sub3A_945, %mul3A_1007 : vector<8x128xf32>
    %sub3A_1017 = arith.subf %mul3A_1015, %mul3A_1016 : vector<8x128xf32>
    %mul3A_1018 = arith.mulf %broadcast_in_dim3A_82, %mul3A_1007 : vector<8x128xf32>
    %mul3A_1019 = arith.mulf %sub3A_945, %rsqrt3A_1006 : vector<8x128xf32>
    %add3A_1020 = arith.addf %mul3A_1018, %mul3A_1019 : vector<8x128xf32>
    %mul3A_1021 = arith.mulf %add3A_957, %rsqrt3A_1006 : vector<8x128xf32>
    %mul3A_1022 = arith.mulf %add3A_888, %mul3A_1007 : vector<8x128xf32>
    %sub3A_1023 = arith.subf %mul3A_1021, %mul3A_1022 : vector<8x128xf32>
    %mul3A_1024 = arith.mulf %add3A_957, %mul3A_1007 : vector<8x128xf32>
    %mul3A_1025 = arith.mulf %add3A_888, %rsqrt3A_1006 : vector<8x128xf32>
    %add3A_1026 = arith.addf %mul3A_1024, %mul3A_1025 : vector<8x128xf32>
    %mul3A_1027 = arith.mulf %add3A_963, %rsqrt3A_1006 : vector<8x128xf32>
    %mul3A_1028 = arith.mulf %add3A_894, %mul3A_1007 : vector<8x128xf32>
    %sub3A_1029 = arith.subf %mul3A_1027, %mul3A_1028 : vector<8x128xf32>
    %mul3A_1030 = arith.mulf %add3A_963, %mul3A_1007 : vector<8x128xf32>
    %mul3A_1031 = arith.mulf %add3A_894, %rsqrt3A_1006 : vector<8x128xf32>
    %add3A_1032 = arith.addf %mul3A_1030, %mul3A_1031 : vector<8x128xf32>
    %mul3A_1033 = arith.mulf %add3A_969, %rsqrt3A_1006 : vector<8x128xf32>
    %mul3A_1034 = arith.mulf %add3A_900, %mul3A_1007 : vector<8x128xf32>
    %sub3A_1035 = arith.subf %mul3A_1033, %mul3A_1034 : vector<8x128xf32>
    %mul3A_1036 = arith.mulf %add3A_969, %mul3A_1007 : vector<8x128xf32>
    %mul3A_1037 = arith.mulf %add3A_900, %rsqrt3A_1006 : vector<8x128xf32>
    %add3A_1038 = arith.addf %mul3A_1036, %mul3A_1037 : vector<8x128xf32>
    %sub3A_1039 = arith.subf %add3A_1011, %sub3A_940 : vector<8x128xf32>
    %mul3A_1040 = arith.constant 2.000000e+00 : f32
    %mul3A_1041 = vector.broadcast %mul3A_1040 : f32 to vector<8x128xf32>
    %mul3A_1042 = arith.mulf %mul3A_1041, %add3A_1020 : vector<8x128xf32>
    %div3A_1043 = arith.divf %sub3A_1039, %mul3A_1042 : vector<8x128xf32>
    %mul3A_1044 = arith.mulf %div3A_1043, %div3A_1043 : vector<8x128xf32>
    %add3A_1045 = arith.constant 1.000000e+00 : f32
    %add3A_1046 = vector.broadcast %add3A_1045 : f32 to vector<8x128xf32>
    %add3A_1047 = arith.addf %add3A_1046, %mul3A_1044 : vector<8x128xf32>
    %sqrt3A_1048 = math.sqrt %add3A_1047 : vector<8x128xf32>
    %ge3A_1049 = arith.constant 0.000000e+00 : f32
    %ge3A_1050 = vector.broadcast %ge3A_1049 : f32 to vector<8x128xf32>
    %ge3A_1051 = arith.cmpf oge, %div3A_1043, %ge3A_1050 : vector<8x128xf32>
    %neg3A_1052 = arith.constant 0.000000e+00 : f32
    %neg3A_1053 = vector.broadcast %neg3A_1052 : f32 to vector<8x128xf32>
    %neg3A_1054 = arith.subf %neg3A_1053, %sqrt3A_1048 : vector<8x128xf32>
    %select_n3A_1055 = arith.select %ge3A_1051, %sqrt3A_1048, %neg3A_1054 : vector<8x128xi1>, vector<8x128xf32>
    %add3A_1056 = arith.addf %div3A_1043, %select_n3A_1055 : vector<8x128xf32>
    %div3A_1057 = arith.constant 1.000000e+00 : f32
    %div3A_1058 = vector.broadcast %div3A_1057 : f32 to vector<8x128xf32>
    %div3A_1059 = arith.divf %div3A_1058, %add3A_1056 : vector<8x128xf32>
    %abs3A_1060 = math.absf %add3A_1020 : vector<8x128xf32>
    %abs3A_1061 = math.absf %sub3A_940 : vector<8x128xf32>
    %abs3A_1062 = math.absf %add3A_1011 : vector<8x128xf32>
    %min3A_1063 = arith.minimumf %abs3A_1061, %abs3A_1062 : vector<8x128xf32>
    %mul3A_1064 = arith.constant 1.19209291E-8 : f32
    %mul3A_1065 = vector.broadcast %mul3A_1064 : f32 to vector<8x128xf32>
    %mul3A_1066 = arith.mulf %mul3A_1065, %min3A_1063 : vector<8x128xf32>
    %le3A_1067 = arith.cmpf ole, %abs3A_1060, %mul3A_1066 : vector<8x128xf32>
    %jit3A_1068 = arith.constant 0.000000e+00 : f32
    %broadcast_in_dim3A_1069 = vector.broadcast %jit3A_1068 : f32 to vector<8x128xf32>
    %select_n3A_1070 = arith.select %le3A_1067, %broadcast_in_dim3A_1069, %div3A_1059 : vector<8x128xi1>, vector<8x128xf32>
    %mul3A_1071 = arith.mulf %select_n3A_1070, %select_n3A_1070 : vector<8x128xf32>
    %add3A_1072 = arith.constant 1.000000e+00 : f32
    %add3A_1073 = vector.broadcast %add3A_1072 : f32 to vector<8x128xf32>
    %add3A_1074 = arith.addf %add3A_1073, %mul3A_1071 : vector<8x128xf32>
    %rsqrt3A_1075 = math.rsqrt %add3A_1074 : vector<8x128xf32>
    %mul3A_1076 = arith.mulf %select_n3A_1070, %rsqrt3A_1075 : vector<8x128xf32>
    %mul3A_1077 = arith.mulf %select_n3A_1070, %add3A_1020 : vector<8x128xf32>
    %sub3A_1078 = arith.subf %sub3A_940, %mul3A_1077 : vector<8x128xf32>
    %mul3A_1079 = arith.mulf %select_n3A_1070, %add3A_1020 : vector<8x128xf32>
    %add3A_1080 = arith.addf %add3A_1011, %mul3A_1079 : vector<8x128xf32>
    %mul3A_1081 = arith.mulf %sub3A_1017, %rsqrt3A_1075 : vector<8x128xf32>
    %mul3A_1082 = arith.mulf %broadcast_in_dim3A_82, %mul3A_1076 : vector<8x128xf32>
    %sub3A_1083 = arith.subf %mul3A_1081, %mul3A_1082 : vector<8x128xf32>
    %mul3A_1084 = arith.mulf %sub3A_1017, %mul3A_1076 : vector<8x128xf32>
    %mul3A_1085 = arith.mulf %broadcast_in_dim3A_82, %rsqrt3A_1075 : vector<8x128xf32>
    %add3A_1086 = arith.addf %mul3A_1084, %mul3A_1085 : vector<8x128xf32>
    %mul3A_1087 = arith.mulf %sub3A_1014, %mul3A_1076 : vector<8x128xf32>
    %mul3A_1088 = arith.mulf %broadcast_in_dim3A_82, %rsqrt3A_1075 : vector<8x128xf32>
    %add3A_1089 = arith.addf %mul3A_1087, %mul3A_1088 : vector<8x128xf32>
    %mul3A_1090 = arith.mulf %sub3A_954, %rsqrt3A_1075 : vector<8x128xf32>
    %mul3A_1091 = arith.mulf %add3A_1026, %mul3A_1076 : vector<8x128xf32>
    %sub3A_1092 = arith.subf %mul3A_1090, %mul3A_1091 : vector<8x128xf32>
    %mul3A_1093 = arith.mulf %sub3A_954, %mul3A_1076 : vector<8x128xf32>
    %mul3A_1094 = arith.mulf %add3A_1026, %rsqrt3A_1075 : vector<8x128xf32>
    %add3A_1095 = arith.addf %mul3A_1093, %mul3A_1094 : vector<8x128xf32>
    %mul3A_1096 = arith.mulf %sub3A_960, %rsqrt3A_1075 : vector<8x128xf32>
    %mul3A_1097 = arith.mulf %add3A_1032, %mul3A_1076 : vector<8x128xf32>
    %sub3A_1098 = arith.subf %mul3A_1096, %mul3A_1097 : vector<8x128xf32>
    %mul3A_1099 = arith.mulf %sub3A_960, %mul3A_1076 : vector<8x128xf32>
    %mul3A_1100 = arith.mulf %add3A_1032, %rsqrt3A_1075 : vector<8x128xf32>
    %add3A_1101 = arith.addf %mul3A_1099, %mul3A_1100 : vector<8x128xf32>
    %mul3A_1102 = arith.mulf %sub3A_966, %rsqrt3A_1075 : vector<8x128xf32>
    %mul3A_1103 = arith.mulf %add3A_1038, %mul3A_1076 : vector<8x128xf32>
    %sub3A_1104 = arith.subf %mul3A_1102, %mul3A_1103 : vector<8x128xf32>
    %mul3A_1105 = arith.mulf %sub3A_966, %mul3A_1076 : vector<8x128xf32>
    %mul3A_1106 = arith.mulf %add3A_1038, %rsqrt3A_1075 : vector<8x128xf32>
    %add3A_1107 = arith.addf %mul3A_1105, %mul3A_1106 : vector<8x128xf32>
    %sub3A_1108 = arith.subf %sub3A_1009, %sub3A_1078 : vector<8x128xf32>
    %mul3A_1109 = arith.constant 2.000000e+00 : f32
    %mul3A_1110 = vector.broadcast %mul3A_1109 : f32 to vector<8x128xf32>
    %mul3A_1111 = arith.mulf %mul3A_1110, %sub3A_1083 : vector<8x128xf32>
    %div3A_1112 = arith.divf %sub3A_1108, %mul3A_1111 : vector<8x128xf32>
    %mul3A_1113 = arith.mulf %div3A_1112, %div3A_1112 : vector<8x128xf32>
    %add3A_1114 = arith.constant 1.000000e+00 : f32
    %add3A_1115 = vector.broadcast %add3A_1114 : f32 to vector<8x128xf32>
    %add3A_1116 = arith.addf %add3A_1115, %mul3A_1113 : vector<8x128xf32>
    %sqrt3A_1117 = math.sqrt %add3A_1116 : vector<8x128xf32>
    %ge3A_1118 = arith.constant 0.000000e+00 : f32
    %ge3A_1119 = vector.broadcast %ge3A_1118 : f32 to vector<8x128xf32>
    %ge3A_1120 = arith.cmpf oge, %div3A_1112, %ge3A_1119 : vector<8x128xf32>
    %neg3A_1121 = arith.constant 0.000000e+00 : f32
    %neg3A_1122 = vector.broadcast %neg3A_1121 : f32 to vector<8x128xf32>
    %neg3A_1123 = arith.subf %neg3A_1122, %sqrt3A_1117 : vector<8x128xf32>
    %select_n3A_1124 = arith.select %ge3A_1120, %sqrt3A_1117, %neg3A_1123 : vector<8x128xi1>, vector<8x128xf32>
    %add3A_1125 = arith.addf %div3A_1112, %select_n3A_1124 : vector<8x128xf32>
    %div3A_1126 = arith.constant 1.000000e+00 : f32
    %div3A_1127 = vector.broadcast %div3A_1126 : f32 to vector<8x128xf32>
    %div3A_1128 = arith.divf %div3A_1127, %add3A_1125 : vector<8x128xf32>
    %abs3A_1129 = math.absf %sub3A_1083 : vector<8x128xf32>
    %abs3A_1130 = math.absf %sub3A_1078 : vector<8x128xf32>
    %abs3A_1131 = math.absf %sub3A_1009 : vector<8x128xf32>
    %min3A_1132 = arith.minimumf %abs3A_1130, %abs3A_1131 : vector<8x128xf32>
    %mul3A_1133 = arith.constant 1.19209291E-8 : f32
    %mul3A_1134 = vector.broadcast %mul3A_1133 : f32 to vector<8x128xf32>
    %mul3A_1135 = arith.mulf %mul3A_1134, %min3A_1132 : vector<8x128xf32>
    %le3A_1136 = arith.cmpf ole, %abs3A_1129, %mul3A_1135 : vector<8x128xf32>
    %jit3A_1137 = arith.constant 0.000000e+00 : f32
    %broadcast_in_dim3A_1138 = vector.broadcast %jit3A_1137 : f32 to vector<8x128xf32>
    %select_n3A_1139 = arith.select %le3A_1136, %broadcast_in_dim3A_1138, %div3A_1128 : vector<8x128xi1>, vector<8x128xf32>
    %mul3A_1140 = arith.mulf %select_n3A_1139, %select_n3A_1139 : vector<8x128xf32>
    %add3A_1141 = arith.constant 1.000000e+00 : f32
    %add3A_1142 = vector.broadcast %add3A_1141 : f32 to vector<8x128xf32>
    %add3A_1143 = arith.addf %add3A_1142, %mul3A_1140 : vector<8x128xf32>
    %rsqrt3A_1144 = math.rsqrt %add3A_1143 : vector<8x128xf32>
    %mul3A_1145 = arith.mulf %select_n3A_1139, %rsqrt3A_1144 : vector<8x128xf32>
    %mul3A_1146 = arith.mulf %select_n3A_1139, %sub3A_1083 : vector<8x128xf32>
    %sub3A_1147 = arith.subf %sub3A_1078, %mul3A_1146 : vector<8x128xf32>
    %mul3A_1148 = arith.mulf %select_n3A_1139, %sub3A_1083 : vector<8x128xf32>
    %add3A_1149 = arith.addf %sub3A_1009, %mul3A_1148 : vector<8x128xf32>
    %mul3A_1150 = arith.mulf %broadcast_in_dim3A_82, %rsqrt3A_1144 : vector<8x128xf32>
    %mul3A_1151 = arith.mulf %add3A_1089, %mul3A_1145 : vector<8x128xf32>
    %sub3A_1152 = arith.subf %mul3A_1150, %mul3A_1151 : vector<8x128xf32>
    %mul3A_1153 = arith.mulf %broadcast_in_dim3A_82, %mul3A_1145 : vector<8x128xf32>
    %mul3A_1154 = arith.mulf %add3A_1089, %rsqrt3A_1144 : vector<8x128xf32>
    %add3A_1155 = arith.addf %mul3A_1153, %mul3A_1154 : vector<8x128xf32>
    %mul3A_1156 = arith.mulf %broadcast_in_dim3A_82, %rsqrt3A_1144 : vector<8x128xf32>
    %mul3A_1157 = arith.mulf %add3A_1086, %mul3A_1145 : vector<8x128xf32>
    %sub3A_1158 = arith.subf %mul3A_1156, %mul3A_1157 : vector<8x128xf32>
    %mul3A_1159 = arith.mulf %sub3A_1092, %rsqrt3A_1144 : vector<8x128xf32>
    %mul3A_1160 = arith.mulf %sub3A_1023, %mul3A_1145 : vector<8x128xf32>
    %sub3A_1161 = arith.subf %mul3A_1159, %mul3A_1160 : vector<8x128xf32>
    %mul3A_1162 = arith.mulf %sub3A_1092, %mul3A_1145 : vector<8x128xf32>
    %mul3A_1163 = arith.mulf %sub3A_1023, %rsqrt3A_1144 : vector<8x128xf32>
    %add3A_1164 = arith.addf %mul3A_1162, %mul3A_1163 : vector<8x128xf32>
    %mul3A_1165 = arith.mulf %sub3A_1098, %rsqrt3A_1144 : vector<8x128xf32>
    %mul3A_1166 = arith.mulf %sub3A_1029, %mul3A_1145 : vector<8x128xf32>
    %sub3A_1167 = arith.subf %mul3A_1165, %mul3A_1166 : vector<8x128xf32>
    %mul3A_1168 = arith.mulf %sub3A_1098, %mul3A_1145 : vector<8x128xf32>
    %mul3A_1169 = arith.mulf %sub3A_1029, %rsqrt3A_1144 : vector<8x128xf32>
    %add3A_1170 = arith.addf %mul3A_1168, %mul3A_1169 : vector<8x128xf32>
    %mul3A_1171 = arith.mulf %sub3A_1104, %rsqrt3A_1144 : vector<8x128xf32>
    %mul3A_1172 = arith.mulf %sub3A_1035, %mul3A_1145 : vector<8x128xf32>
    %sub3A_1173 = arith.subf %mul3A_1171, %mul3A_1172 : vector<8x128xf32>
    %mul3A_1174 = arith.mulf %sub3A_1104, %mul3A_1145 : vector<8x128xf32>
    %mul3A_1175 = arith.mulf %sub3A_1035, %rsqrt3A_1144 : vector<8x128xf32>
    %add3A_1176 = arith.addf %mul3A_1174, %mul3A_1175 : vector<8x128xf32>
    %sub3A_1177 = arith.subf %add3A_1080, %add3A_1149 : vector<8x128xf32>
    %mul3A_1178 = arith.constant 2.000000e+00 : f32
    %mul3A_1179 = vector.broadcast %mul3A_1178 : f32 to vector<8x128xf32>
    %mul3A_1180 = arith.mulf %mul3A_1179, %add3A_1155 : vector<8x128xf32>
    %div3A_1181 = arith.divf %sub3A_1177, %mul3A_1180 : vector<8x128xf32>
    %mul3A_1182 = arith.mulf %div3A_1181, %div3A_1181 : vector<8x128xf32>
    %add3A_1183 = arith.constant 1.000000e+00 : f32
    %add3A_1184 = vector.broadcast %add3A_1183 : f32 to vector<8x128xf32>
    %add3A_1185 = arith.addf %add3A_1184, %mul3A_1182 : vector<8x128xf32>
    %sqrt3A_1186 = math.sqrt %add3A_1185 : vector<8x128xf32>
    %ge3A_1187 = arith.constant 0.000000e+00 : f32
    %ge3A_1188 = vector.broadcast %ge3A_1187 : f32 to vector<8x128xf32>
    %ge3A_1189 = arith.cmpf oge, %div3A_1181, %ge3A_1188 : vector<8x128xf32>
    %neg3A_1190 = arith.constant 0.000000e+00 : f32
    %neg3A_1191 = vector.broadcast %neg3A_1190 : f32 to vector<8x128xf32>
    %neg3A_1192 = arith.subf %neg3A_1191, %sqrt3A_1186 : vector<8x128xf32>
    %select_n3A_1193 = arith.select %ge3A_1189, %sqrt3A_1186, %neg3A_1192 : vector<8x128xi1>, vector<8x128xf32>
    %add3A_1194 = arith.addf %div3A_1181, %select_n3A_1193 : vector<8x128xf32>
    %div3A_1195 = arith.constant 1.000000e+00 : f32
    %div3A_1196 = vector.broadcast %div3A_1195 : f32 to vector<8x128xf32>
    %div3A_1197 = arith.divf %div3A_1196, %add3A_1194 : vector<8x128xf32>
    %abs3A_1198 = math.absf %add3A_1155 : vector<8x128xf32>
    %abs3A_1199 = math.absf %add3A_1149 : vector<8x128xf32>
    %abs3A_1200 = math.absf %add3A_1080 : vector<8x128xf32>
    %min3A_1201 = arith.minimumf %abs3A_1199, %abs3A_1200 : vector<8x128xf32>
    %mul3A_1202 = arith.constant 1.19209291E-8 : f32
    %mul3A_1203 = vector.broadcast %mul3A_1202 : f32 to vector<8x128xf32>
    %mul3A_1204 = arith.mulf %mul3A_1203, %min3A_1201 : vector<8x128xf32>
    %le3A_1205 = arith.cmpf ole, %abs3A_1198, %mul3A_1204 : vector<8x128xf32>
    %jit3A_1206 = arith.constant 0.000000e+00 : f32
    %broadcast_in_dim3A_1207 = vector.broadcast %jit3A_1206 : f32 to vector<8x128xf32>
    %select_n3A_1208 = arith.select %le3A_1205, %broadcast_in_dim3A_1207, %div3A_1197 : vector<8x128xi1>, vector<8x128xf32>
    %mul3A_1209 = arith.mulf %select_n3A_1208, %select_n3A_1208 : vector<8x128xf32>
    %add3A_1210 = arith.constant 1.000000e+00 : f32
    %add3A_1211 = vector.broadcast %add3A_1210 : f32 to vector<8x128xf32>
    %add3A_1212 = arith.addf %add3A_1211, %mul3A_1209 : vector<8x128xf32>
    %rsqrt3A_1213 = math.rsqrt %add3A_1212 : vector<8x128xf32>
    %mul3A_1214 = arith.mulf %select_n3A_1208, %rsqrt3A_1213 : vector<8x128xf32>
    %mul3A_1215 = arith.mulf %select_n3A_1208, %add3A_1155 : vector<8x128xf32>
    %sub3A_1216 = arith.subf %add3A_1149, %mul3A_1215 : vector<8x128xf32>
    %mul3A_1217 = arith.mulf %select_n3A_1208, %add3A_1155 : vector<8x128xf32>
    %add3A_1218 = arith.addf %add3A_1080, %mul3A_1217 : vector<8x128xf32>
    %mul3A_1219 = arith.mulf %broadcast_in_dim3A_82, %rsqrt3A_1213 : vector<8x128xf32>
    %mul3A_1220 = arith.mulf %sub3A_1158, %mul3A_1214 : vector<8x128xf32>
    %sub3A_1221 = arith.subf %mul3A_1219, %mul3A_1220 : vector<8x128xf32>
    %mul3A_1222 = arith.mulf %broadcast_in_dim3A_82, %rsqrt3A_1213 : vector<8x128xf32>
    %mul3A_1223 = arith.mulf %sub3A_1152, %mul3A_1214 : vector<8x128xf32>
    %sub3A_1224 = arith.subf %mul3A_1222, %mul3A_1223 : vector<8x128xf32>
    %mul3A_1225 = arith.mulf %broadcast_in_dim3A_82, %mul3A_1214 : vector<8x128xf32>
    %mul3A_1226 = arith.mulf %sub3A_1152, %rsqrt3A_1213 : vector<8x128xf32>
    %add3A_1227 = arith.addf %mul3A_1225, %mul3A_1226 : vector<8x128xf32>
    %mul3A_1228 = arith.mulf %add3A_1164, %rsqrt3A_1213 : vector<8x128xf32>
    %mul3A_1229 = arith.mulf %add3A_1095, %mul3A_1214 : vector<8x128xf32>
    %sub3A_1230 = arith.subf %mul3A_1228, %mul3A_1229 : vector<8x128xf32>
    %mul3A_1231 = arith.mulf %add3A_1164, %mul3A_1214 : vector<8x128xf32>
    %mul3A_1232 = arith.mulf %add3A_1095, %rsqrt3A_1213 : vector<8x128xf32>
    %add3A_1233 = arith.addf %mul3A_1231, %mul3A_1232 : vector<8x128xf32>
    %mul3A_1234 = arith.mulf %add3A_1170, %rsqrt3A_1213 : vector<8x128xf32>
    %mul3A_1235 = arith.mulf %add3A_1101, %mul3A_1214 : vector<8x128xf32>
    %sub3A_1236 = arith.subf %mul3A_1234, %mul3A_1235 : vector<8x128xf32>
    %mul3A_1237 = arith.mulf %add3A_1170, %mul3A_1214 : vector<8x128xf32>
    %mul3A_1238 = arith.mulf %add3A_1101, %rsqrt3A_1213 : vector<8x128xf32>
    %add3A_1239 = arith.addf %mul3A_1237, %mul3A_1238 : vector<8x128xf32>
    %mul3A_1240 = arith.mulf %add3A_1176, %rsqrt3A_1213 : vector<8x128xf32>
    %mul3A_1241 = arith.mulf %add3A_1107, %mul3A_1214 : vector<8x128xf32>
    %sub3A_1242 = arith.subf %mul3A_1240, %mul3A_1241 : vector<8x128xf32>
    %mul3A_1243 = arith.mulf %add3A_1176, %mul3A_1214 : vector<8x128xf32>
    %mul3A_1244 = arith.mulf %add3A_1107, %rsqrt3A_1213 : vector<8x128xf32>
    %add3A_1245 = arith.addf %mul3A_1243, %mul3A_1244 : vector<8x128xf32>
    %sub3A_1246 = arith.subf %add3A_1218, %sub3A_1147 : vector<8x128xf32>
    %mul3A_1247 = arith.constant 2.000000e+00 : f32
    %mul3A_1248 = vector.broadcast %mul3A_1247 : f32 to vector<8x128xf32>
    %mul3A_1249 = arith.mulf %mul3A_1248, %add3A_1227 : vector<8x128xf32>
    %div3A_1250 = arith.divf %sub3A_1246, %mul3A_1249 : vector<8x128xf32>
    %mul3A_1251 = arith.mulf %div3A_1250, %div3A_1250 : vector<8x128xf32>
    %add3A_1252 = arith.constant 1.000000e+00 : f32
    %add3A_1253 = vector.broadcast %add3A_1252 : f32 to vector<8x128xf32>
    %add3A_1254 = arith.addf %add3A_1253, %mul3A_1251 : vector<8x128xf32>
    %sqrt3A_1255 = math.sqrt %add3A_1254 : vector<8x128xf32>
    %ge3A_1256 = arith.constant 0.000000e+00 : f32
    %ge3A_1257 = vector.broadcast %ge3A_1256 : f32 to vector<8x128xf32>
    %ge3A_1258 = arith.cmpf oge, %div3A_1250, %ge3A_1257 : vector<8x128xf32>
    %neg3A_1259 = arith.constant 0.000000e+00 : f32
    %neg3A_1260 = vector.broadcast %neg3A_1259 : f32 to vector<8x128xf32>
    %neg3A_1261 = arith.subf %neg3A_1260, %sqrt3A_1255 : vector<8x128xf32>
    %select_n3A_1262 = arith.select %ge3A_1258, %sqrt3A_1255, %neg3A_1261 : vector<8x128xi1>, vector<8x128xf32>
    %add3A_1263 = arith.addf %div3A_1250, %select_n3A_1262 : vector<8x128xf32>
    %div3A_1264 = arith.constant 1.000000e+00 : f32
    %div3A_1265 = vector.broadcast %div3A_1264 : f32 to vector<8x128xf32>
    %div3A_1266 = arith.divf %div3A_1265, %add3A_1263 : vector<8x128xf32>
    %abs3A_1267 = math.absf %add3A_1227 : vector<8x128xf32>
    %abs3A_1268 = math.absf %sub3A_1147 : vector<8x128xf32>
    %abs3A_1269 = math.absf %add3A_1218 : vector<8x128xf32>
    %min3A_1270 = arith.minimumf %abs3A_1268, %abs3A_1269 : vector<8x128xf32>
    %mul3A_1271 = arith.constant 1.19209291E-8 : f32
    %mul3A_1272 = vector.broadcast %mul3A_1271 : f32 to vector<8x128xf32>
    %mul3A_1273 = arith.mulf %mul3A_1272, %min3A_1270 : vector<8x128xf32>
    %le3A_1274 = arith.cmpf ole, %abs3A_1267, %mul3A_1273 : vector<8x128xf32>
    %jit3A_1275 = arith.constant 0.000000e+00 : f32
    %broadcast_in_dim3A_1276 = vector.broadcast %jit3A_1275 : f32 to vector<8x128xf32>
    %select_n3A_1277 = arith.select %le3A_1274, %broadcast_in_dim3A_1276, %div3A_1266 : vector<8x128xi1>, vector<8x128xf32>
    %mul3A_1278 = arith.mulf %select_n3A_1277, %select_n3A_1277 : vector<8x128xf32>
    %add3A_1279 = arith.constant 1.000000e+00 : f32
    %add3A_1280 = vector.broadcast %add3A_1279 : f32 to vector<8x128xf32>
    %add3A_1281 = arith.addf %add3A_1280, %mul3A_1278 : vector<8x128xf32>
    %rsqrt3A_1282 = math.rsqrt %add3A_1281 : vector<8x128xf32>
    %mul3A_1283 = arith.mulf %select_n3A_1277, %rsqrt3A_1282 : vector<8x128xf32>
    %mul3A_1284 = arith.mulf %select_n3A_1277, %add3A_1227 : vector<8x128xf32>
    %sub3A_1285 = arith.subf %sub3A_1147, %mul3A_1284 : vector<8x128xf32>
    %mul3A_1286 = arith.mulf %select_n3A_1277, %add3A_1227 : vector<8x128xf32>
    %add3A_1287 = arith.addf %add3A_1218, %mul3A_1286 : vector<8x128xf32>
    %mul3A_1288 = arith.mulf %sub3A_1224, %rsqrt3A_1282 : vector<8x128xf32>
    %mul3A_1289 = arith.mulf %broadcast_in_dim3A_82, %mul3A_1283 : vector<8x128xf32>
    %sub3A_1290 = arith.subf %mul3A_1288, %mul3A_1289 : vector<8x128xf32>
    %mul3A_1291 = arith.mulf %sub3A_1224, %mul3A_1283 : vector<8x128xf32>
    %mul3A_1292 = arith.mulf %broadcast_in_dim3A_82, %rsqrt3A_1282 : vector<8x128xf32>
    %add3A_1293 = arith.addf %mul3A_1291, %mul3A_1292 : vector<8x128xf32>
    %mul3A_1294 = arith.mulf %sub3A_1221, %mul3A_1283 : vector<8x128xf32>
    %mul3A_1295 = arith.mulf %broadcast_in_dim3A_82, %rsqrt3A_1282 : vector<8x128xf32>
    %add3A_1296 = arith.addf %mul3A_1294, %mul3A_1295 : vector<8x128xf32>
    %mul3A_1297 = arith.mulf %sub3A_1161, %rsqrt3A_1282 : vector<8x128xf32>
    %mul3A_1298 = arith.mulf %add3A_1233, %mul3A_1283 : vector<8x128xf32>
    %sub3A_1299 = arith.subf %mul3A_1297, %mul3A_1298 : vector<8x128xf32>
    %mul3A_1300 = arith.mulf %sub3A_1161, %mul3A_1283 : vector<8x128xf32>
    %mul3A_1301 = arith.mulf %add3A_1233, %rsqrt3A_1282 : vector<8x128xf32>
    %add3A_1302 = arith.addf %mul3A_1300, %mul3A_1301 : vector<8x128xf32>
    %mul3A_1303 = arith.mulf %sub3A_1167, %rsqrt3A_1282 : vector<8x128xf32>
    %mul3A_1304 = arith.mulf %add3A_1239, %mul3A_1283 : vector<8x128xf32>
    %sub3A_1305 = arith.subf %mul3A_1303, %mul3A_1304 : vector<8x128xf32>
    %mul3A_1306 = arith.mulf %sub3A_1167, %mul3A_1283 : vector<8x128xf32>
    %mul3A_1307 = arith.mulf %add3A_1239, %rsqrt3A_1282 : vector<8x128xf32>
    %add3A_1308 = arith.addf %mul3A_1306, %mul3A_1307 : vector<8x128xf32>
    %mul3A_1309 = arith.mulf %sub3A_1173, %rsqrt3A_1282 : vector<8x128xf32>
    %mul3A_1310 = arith.mulf %add3A_1245, %mul3A_1283 : vector<8x128xf32>
    %sub3A_1311 = arith.subf %mul3A_1309, %mul3A_1310 : vector<8x128xf32>
    %mul3A_1312 = arith.mulf %sub3A_1173, %mul3A_1283 : vector<8x128xf32>
    %mul3A_1313 = arith.mulf %add3A_1245, %rsqrt3A_1282 : vector<8x128xf32>
    %add3A_1314 = arith.addf %mul3A_1312, %mul3A_1313 : vector<8x128xf32>
    %sub3A_1315 = arith.subf %sub3A_1216, %sub3A_1285 : vector<8x128xf32>
    %mul3A_1316 = arith.constant 2.000000e+00 : f32
    %mul3A_1317 = vector.broadcast %mul3A_1316 : f32 to vector<8x128xf32>
    %mul3A_1318 = arith.mulf %mul3A_1317, %sub3A_1290 : vector<8x128xf32>
    %div3A_1319 = arith.divf %sub3A_1315, %mul3A_1318 : vector<8x128xf32>
    %mul3A_1320 = arith.mulf %div3A_1319, %div3A_1319 : vector<8x128xf32>
    %add3A_1321 = arith.constant 1.000000e+00 : f32
    %add3A_1322 = vector.broadcast %add3A_1321 : f32 to vector<8x128xf32>
    %add3A_1323 = arith.addf %add3A_1322, %mul3A_1320 : vector<8x128xf32>
    %sqrt3A_1324 = math.sqrt %add3A_1323 : vector<8x128xf32>
    %ge3A_1325 = arith.constant 0.000000e+00 : f32
    %ge3A_1326 = vector.broadcast %ge3A_1325 : f32 to vector<8x128xf32>
    %ge3A_1327 = arith.cmpf oge, %div3A_1319, %ge3A_1326 : vector<8x128xf32>
    %neg3A_1328 = arith.constant 0.000000e+00 : f32
    %neg3A_1329 = vector.broadcast %neg3A_1328 : f32 to vector<8x128xf32>
    %neg3A_1330 = arith.subf %neg3A_1329, %sqrt3A_1324 : vector<8x128xf32>
    %select_n3A_1331 = arith.select %ge3A_1327, %sqrt3A_1324, %neg3A_1330 : vector<8x128xi1>, vector<8x128xf32>
    %add3A_1332 = arith.addf %div3A_1319, %select_n3A_1331 : vector<8x128xf32>
    %div3A_1333 = arith.constant 1.000000e+00 : f32
    %div3A_1334 = vector.broadcast %div3A_1333 : f32 to vector<8x128xf32>
    %div3A_1335 = arith.divf %div3A_1334, %add3A_1332 : vector<8x128xf32>
    %abs3A_1336 = math.absf %sub3A_1290 : vector<8x128xf32>
    %abs3A_1337 = math.absf %sub3A_1285 : vector<8x128xf32>
    %abs3A_1338 = math.absf %sub3A_1216 : vector<8x128xf32>
    %min3A_1339 = arith.minimumf %abs3A_1337, %abs3A_1338 : vector<8x128xf32>
    %mul3A_1340 = arith.constant 1.19209291E-8 : f32
    %mul3A_1341 = vector.broadcast %mul3A_1340 : f32 to vector<8x128xf32>
    %mul3A_1342 = arith.mulf %mul3A_1341, %min3A_1339 : vector<8x128xf32>
    %le3A_1343 = arith.cmpf ole, %abs3A_1336, %mul3A_1342 : vector<8x128xf32>
    %jit3A_1344 = arith.constant 0.000000e+00 : f32
    %broadcast_in_dim3A_1345 = vector.broadcast %jit3A_1344 : f32 to vector<8x128xf32>
    %select_n3A_1346 = arith.select %le3A_1343, %broadcast_in_dim3A_1345, %div3A_1335 : vector<8x128xi1>, vector<8x128xf32>
    %mul3A_1347 = arith.mulf %select_n3A_1346, %select_n3A_1346 : vector<8x128xf32>
    %add3A_1348 = arith.constant 1.000000e+00 : f32
    %add3A_1349 = vector.broadcast %add3A_1348 : f32 to vector<8x128xf32>
    %add3A_1350 = arith.addf %add3A_1349, %mul3A_1347 : vector<8x128xf32>
    %rsqrt3A_1351 = math.rsqrt %add3A_1350 : vector<8x128xf32>
    %mul3A_1352 = arith.mulf %select_n3A_1346, %rsqrt3A_1351 : vector<8x128xf32>
    %mul3A_1353 = arith.mulf %select_n3A_1346, %sub3A_1290 : vector<8x128xf32>
    %sub3A_1354 = arith.subf %sub3A_1285, %mul3A_1353 : vector<8x128xf32>
    %mul3A_1355 = arith.mulf %select_n3A_1346, %sub3A_1290 : vector<8x128xf32>
    %add3A_1356 = arith.addf %sub3A_1216, %mul3A_1355 : vector<8x128xf32>
    %mul3A_1357 = arith.mulf %broadcast_in_dim3A_82, %rsqrt3A_1351 : vector<8x128xf32>
    %mul3A_1358 = arith.mulf %add3A_1296, %mul3A_1352 : vector<8x128xf32>
    %sub3A_1359 = arith.subf %mul3A_1357, %mul3A_1358 : vector<8x128xf32>
    %mul3A_1360 = arith.mulf %broadcast_in_dim3A_82, %mul3A_1352 : vector<8x128xf32>
    %mul3A_1361 = arith.mulf %add3A_1296, %rsqrt3A_1351 : vector<8x128xf32>
    %add3A_1362 = arith.addf %mul3A_1360, %mul3A_1361 : vector<8x128xf32>
    %mul3A_1363 = arith.mulf %broadcast_in_dim3A_82, %rsqrt3A_1351 : vector<8x128xf32>
    %mul3A_1364 = arith.mulf %add3A_1293, %mul3A_1352 : vector<8x128xf32>
    %sub3A_1365 = arith.subf %mul3A_1363, %mul3A_1364 : vector<8x128xf32>
    %mul3A_1366 = arith.mulf %sub3A_1299, %rsqrt3A_1351 : vector<8x128xf32>
    %mul3A_1367 = arith.mulf %sub3A_1230, %mul3A_1352 : vector<8x128xf32>
    %sub3A_1368 = arith.subf %mul3A_1366, %mul3A_1367 : vector<8x128xf32>
    %mul3A_1369 = arith.mulf %sub3A_1299, %mul3A_1352 : vector<8x128xf32>
    %mul3A_1370 = arith.mulf %sub3A_1230, %rsqrt3A_1351 : vector<8x128xf32>
    %add3A_1371 = arith.addf %mul3A_1369, %mul3A_1370 : vector<8x128xf32>
    %mul3A_1372 = arith.mulf %sub3A_1305, %rsqrt3A_1351 : vector<8x128xf32>
    %mul3A_1373 = arith.mulf %sub3A_1236, %mul3A_1352 : vector<8x128xf32>
    %sub3A_1374 = arith.subf %mul3A_1372, %mul3A_1373 : vector<8x128xf32>
    %mul3A_1375 = arith.mulf %sub3A_1305, %mul3A_1352 : vector<8x128xf32>
    %mul3A_1376 = arith.mulf %sub3A_1236, %rsqrt3A_1351 : vector<8x128xf32>
    %add3A_1377 = arith.addf %mul3A_1375, %mul3A_1376 : vector<8x128xf32>
    %mul3A_1378 = arith.mulf %sub3A_1311, %rsqrt3A_1351 : vector<8x128xf32>
    %mul3A_1379 = arith.mulf %sub3A_1242, %mul3A_1352 : vector<8x128xf32>
    %sub3A_1380 = arith.subf %mul3A_1378, %mul3A_1379 : vector<8x128xf32>
    %mul3A_1381 = arith.mulf %sub3A_1311, %mul3A_1352 : vector<8x128xf32>
    %mul3A_1382 = arith.mulf %sub3A_1242, %rsqrt3A_1351 : vector<8x128xf32>
    %add3A_1383 = arith.addf %mul3A_1381, %mul3A_1382 : vector<8x128xf32>
    %sub3A_1384 = arith.subf %add3A_1287, %add3A_1356 : vector<8x128xf32>
    %mul3A_1385 = arith.constant 2.000000e+00 : f32
    %mul3A_1386 = vector.broadcast %mul3A_1385 : f32 to vector<8x128xf32>
    %mul3A_1387 = arith.mulf %mul3A_1386, %add3A_1362 : vector<8x128xf32>
    %div3A_1388 = arith.divf %sub3A_1384, %mul3A_1387 : vector<8x128xf32>
    %mul3A_1389 = arith.mulf %div3A_1388, %div3A_1388 : vector<8x128xf32>
    %add3A_1390 = arith.constant 1.000000e+00 : f32
    %add3A_1391 = vector.broadcast %add3A_1390 : f32 to vector<8x128xf32>
    %add3A_1392 = arith.addf %add3A_1391, %mul3A_1389 : vector<8x128xf32>
    %sqrt3A_1393 = math.sqrt %add3A_1392 : vector<8x128xf32>
    %ge3A_1394 = arith.constant 0.000000e+00 : f32
    %ge3A_1395 = vector.broadcast %ge3A_1394 : f32 to vector<8x128xf32>
    %ge3A_1396 = arith.cmpf oge, %div3A_1388, %ge3A_1395 : vector<8x128xf32>
    %neg3A_1397 = arith.constant 0.000000e+00 : f32
    %neg3A_1398 = vector.broadcast %neg3A_1397 : f32 to vector<8x128xf32>
    %neg3A_1399 = arith.subf %neg3A_1398, %sqrt3A_1393 : vector<8x128xf32>
    %select_n3A_1400 = arith.select %ge3A_1396, %sqrt3A_1393, %neg3A_1399 : vector<8x128xi1>, vector<8x128xf32>
    %add3A_1401 = arith.addf %div3A_1388, %select_n3A_1400 : vector<8x128xf32>
    %div3A_1402 = arith.constant 1.000000e+00 : f32
    %div3A_1403 = vector.broadcast %div3A_1402 : f32 to vector<8x128xf32>
    %div3A_1404 = arith.divf %div3A_1403, %add3A_1401 : vector<8x128xf32>
    %abs3A_1405 = math.absf %add3A_1362 : vector<8x128xf32>
    %abs3A_1406 = math.absf %add3A_1356 : vector<8x128xf32>
    %abs3A_1407 = math.absf %add3A_1287 : vector<8x128xf32>
    %min3A_1408 = arith.minimumf %abs3A_1406, %abs3A_1407 : vector<8x128xf32>
    %mul3A_1409 = arith.constant 1.19209291E-8 : f32
    %mul3A_1410 = vector.broadcast %mul3A_1409 : f32 to vector<8x128xf32>
    %mul3A_1411 = arith.mulf %mul3A_1410, %min3A_1408 : vector<8x128xf32>
    %le3A_1412 = arith.cmpf ole, %abs3A_1405, %mul3A_1411 : vector<8x128xf32>
    %jit3A_1413 = arith.constant 0.000000e+00 : f32
    %broadcast_in_dim3A_1414 = vector.broadcast %jit3A_1413 : f32 to vector<8x128xf32>
    %select_n3A_1415 = arith.select %le3A_1412, %broadcast_in_dim3A_1414, %div3A_1404 : vector<8x128xi1>, vector<8x128xf32>
    %mul3A_1416 = arith.mulf %select_n3A_1415, %select_n3A_1415 : vector<8x128xf32>
    %add3A_1417 = arith.constant 1.000000e+00 : f32
    %add3A_1418 = vector.broadcast %add3A_1417 : f32 to vector<8x128xf32>
    %add3A_1419 = arith.addf %add3A_1418, %mul3A_1416 : vector<8x128xf32>
    %rsqrt3A_1420 = math.rsqrt %add3A_1419 : vector<8x128xf32>
    %mul3A_1421 = arith.mulf %select_n3A_1415, %rsqrt3A_1420 : vector<8x128xf32>
    %mul3A_1422 = arith.mulf %select_n3A_1415, %add3A_1362 : vector<8x128xf32>
    %sub3A_1423 = arith.subf %add3A_1356, %mul3A_1422 : vector<8x128xf32>
    %mul3A_1424 = arith.mulf %select_n3A_1415, %add3A_1362 : vector<8x128xf32>
    %add3A_1425 = arith.addf %add3A_1287, %mul3A_1424 : vector<8x128xf32>
    %mul3A_1426 = arith.mulf %broadcast_in_dim3A_82, %rsqrt3A_1420 : vector<8x128xf32>
    %mul3A_1427 = arith.mulf %sub3A_1365, %mul3A_1421 : vector<8x128xf32>
    %sub3A_1428 = arith.subf %mul3A_1426, %mul3A_1427 : vector<8x128xf32>
    %mul3A_1429 = arith.mulf %broadcast_in_dim3A_82, %rsqrt3A_1420 : vector<8x128xf32>
    %mul3A_1430 = arith.mulf %sub3A_1359, %mul3A_1421 : vector<8x128xf32>
    %sub3A_1431 = arith.subf %mul3A_1429, %mul3A_1430 : vector<8x128xf32>
    %mul3A_1432 = arith.mulf %broadcast_in_dim3A_82, %mul3A_1421 : vector<8x128xf32>
    %mul3A_1433 = arith.mulf %sub3A_1359, %rsqrt3A_1420 : vector<8x128xf32>
    %add3A_1434 = arith.addf %mul3A_1432, %mul3A_1433 : vector<8x128xf32>
    %mul3A_1435 = arith.mulf %add3A_1371, %rsqrt3A_1420 : vector<8x128xf32>
    %mul3A_1436 = arith.mulf %add3A_1302, %mul3A_1421 : vector<8x128xf32>
    %sub3A_1437 = arith.subf %mul3A_1435, %mul3A_1436 : vector<8x128xf32>
    %mul3A_1438 = arith.mulf %add3A_1371, %mul3A_1421 : vector<8x128xf32>
    %mul3A_1439 = arith.mulf %add3A_1302, %rsqrt3A_1420 : vector<8x128xf32>
    %add3A_1440 = arith.addf %mul3A_1438, %mul3A_1439 : vector<8x128xf32>
    %mul3A_1441 = arith.mulf %add3A_1377, %rsqrt3A_1420 : vector<8x128xf32>
    %mul3A_1442 = arith.mulf %add3A_1308, %mul3A_1421 : vector<8x128xf32>
    %sub3A_1443 = arith.subf %mul3A_1441, %mul3A_1442 : vector<8x128xf32>
    %mul3A_1444 = arith.mulf %add3A_1377, %mul3A_1421 : vector<8x128xf32>
    %mul3A_1445 = arith.mulf %add3A_1308, %rsqrt3A_1420 : vector<8x128xf32>
    %add3A_1446 = arith.addf %mul3A_1444, %mul3A_1445 : vector<8x128xf32>
    %mul3A_1447 = arith.mulf %add3A_1383, %rsqrt3A_1420 : vector<8x128xf32>
    %mul3A_1448 = arith.mulf %add3A_1314, %mul3A_1421 : vector<8x128xf32>
    %sub3A_1449 = arith.subf %mul3A_1447, %mul3A_1448 : vector<8x128xf32>
    %mul3A_1450 = arith.mulf %add3A_1383, %mul3A_1421 : vector<8x128xf32>
    %mul3A_1451 = arith.mulf %add3A_1314, %rsqrt3A_1420 : vector<8x128xf32>
    %add3A_1452 = arith.addf %mul3A_1450, %mul3A_1451 : vector<8x128xf32>
    %sub3A_1453 = arith.subf %add3A_1425, %sub3A_1354 : vector<8x128xf32>
    %mul3A_1454 = arith.constant 2.000000e+00 : f32
    %mul3A_1455 = vector.broadcast %mul3A_1454 : f32 to vector<8x128xf32>
    %mul3A_1456 = arith.mulf %mul3A_1455, %add3A_1434 : vector<8x128xf32>
    %div3A_1457 = arith.divf %sub3A_1453, %mul3A_1456 : vector<8x128xf32>
    %mul3A_1458 = arith.mulf %div3A_1457, %div3A_1457 : vector<8x128xf32>
    %add3A_1459 = arith.constant 1.000000e+00 : f32
    %add3A_1460 = vector.broadcast %add3A_1459 : f32 to vector<8x128xf32>
    %add3A_1461 = arith.addf %add3A_1460, %mul3A_1458 : vector<8x128xf32>
    %sqrt3A_1462 = math.sqrt %add3A_1461 : vector<8x128xf32>
    %ge3A_1463 = arith.constant 0.000000e+00 : f32
    %ge3A_1464 = vector.broadcast %ge3A_1463 : f32 to vector<8x128xf32>
    %ge3A_1465 = arith.cmpf oge, %div3A_1457, %ge3A_1464 : vector<8x128xf32>
    %neg3A_1466 = arith.constant 0.000000e+00 : f32
    %neg3A_1467 = vector.broadcast %neg3A_1466 : f32 to vector<8x128xf32>
    %neg3A_1468 = arith.subf %neg3A_1467, %sqrt3A_1462 : vector<8x128xf32>
    %select_n3A_1469 = arith.select %ge3A_1465, %sqrt3A_1462, %neg3A_1468 : vector<8x128xi1>, vector<8x128xf32>
    %add3A_1470 = arith.addf %div3A_1457, %select_n3A_1469 : vector<8x128xf32>
    %div3A_1471 = arith.constant 1.000000e+00 : f32
    %div3A_1472 = vector.broadcast %div3A_1471 : f32 to vector<8x128xf32>
    %div3A_1473 = arith.divf %div3A_1472, %add3A_1470 : vector<8x128xf32>
    %abs3A_1474 = math.absf %add3A_1434 : vector<8x128xf32>
    %abs3A_1475 = math.absf %sub3A_1354 : vector<8x128xf32>
    %abs3A_1476 = math.absf %add3A_1425 : vector<8x128xf32>
    %min3A_1477 = arith.minimumf %abs3A_1475, %abs3A_1476 : vector<8x128xf32>
    %mul3A_1478 = arith.constant 1.19209291E-8 : f32
    %mul3A_1479 = vector.broadcast %mul3A_1478 : f32 to vector<8x128xf32>
    %mul3A_1480 = arith.mulf %mul3A_1479, %min3A_1477 : vector<8x128xf32>
    %le3A_1481 = arith.cmpf ole, %abs3A_1474, %mul3A_1480 : vector<8x128xf32>
    %jit3A_1482 = arith.constant 0.000000e+00 : f32
    %broadcast_in_dim3A_1483 = vector.broadcast %jit3A_1482 : f32 to vector<8x128xf32>
    %select_n3A_1484 = arith.select %le3A_1481, %broadcast_in_dim3A_1483, %div3A_1473 : vector<8x128xi1>, vector<8x128xf32>
    %mul3A_1485 = arith.mulf %select_n3A_1484, %select_n3A_1484 : vector<8x128xf32>
    %add3A_1486 = arith.constant 1.000000e+00 : f32
    %add3A_1487 = vector.broadcast %add3A_1486 : f32 to vector<8x128xf32>
    %add3A_1488 = arith.addf %add3A_1487, %mul3A_1485 : vector<8x128xf32>
    %rsqrt3A_1489 = math.rsqrt %add3A_1488 : vector<8x128xf32>
    %mul3A_1490 = arith.mulf %select_n3A_1484, %rsqrt3A_1489 : vector<8x128xf32>
    %mul3A_1491 = arith.mulf %select_n3A_1484, %add3A_1434 : vector<8x128xf32>
    %sub3A_1492 = arith.subf %sub3A_1354, %mul3A_1491 : vector<8x128xf32>
    %mul3A_1493 = arith.mulf %select_n3A_1484, %add3A_1434 : vector<8x128xf32>
    %add3A_1494 = arith.addf %add3A_1425, %mul3A_1493 : vector<8x128xf32>
    %mul3A_1495 = arith.mulf %sub3A_1431, %rsqrt3A_1489 : vector<8x128xf32>
    %mul3A_1496 = arith.mulf %broadcast_in_dim3A_82, %mul3A_1490 : vector<8x128xf32>
    %sub3A_1497 = arith.subf %mul3A_1495, %mul3A_1496 : vector<8x128xf32>
    %mul3A_1498 = arith.mulf %sub3A_1431, %mul3A_1490 : vector<8x128xf32>
    %mul3A_1499 = arith.mulf %broadcast_in_dim3A_82, %rsqrt3A_1489 : vector<8x128xf32>
    %add3A_1500 = arith.addf %mul3A_1498, %mul3A_1499 : vector<8x128xf32>
    %mul3A_1501 = arith.mulf %sub3A_1428, %mul3A_1490 : vector<8x128xf32>
    %mul3A_1502 = arith.mulf %broadcast_in_dim3A_82, %rsqrt3A_1489 : vector<8x128xf32>
    %add3A_1503 = arith.addf %mul3A_1501, %mul3A_1502 : vector<8x128xf32>
    %mul3A_1504 = arith.mulf %sub3A_1368, %rsqrt3A_1489 : vector<8x128xf32>
    %mul3A_1505 = arith.mulf %add3A_1440, %mul3A_1490 : vector<8x128xf32>
    %sub3A_1506 = arith.subf %mul3A_1504, %mul3A_1505 : vector<8x128xf32>
    %mul3A_1507 = arith.mulf %sub3A_1368, %mul3A_1490 : vector<8x128xf32>
    %mul3A_1508 = arith.mulf %add3A_1440, %rsqrt3A_1489 : vector<8x128xf32>
    %add3A_1509 = arith.addf %mul3A_1507, %mul3A_1508 : vector<8x128xf32>
    %mul3A_1510 = arith.mulf %sub3A_1374, %rsqrt3A_1489 : vector<8x128xf32>
    %mul3A_1511 = arith.mulf %add3A_1446, %mul3A_1490 : vector<8x128xf32>
    %sub3A_1512 = arith.subf %mul3A_1510, %mul3A_1511 : vector<8x128xf32>
    %mul3A_1513 = arith.mulf %sub3A_1374, %mul3A_1490 : vector<8x128xf32>
    %mul3A_1514 = arith.mulf %add3A_1446, %rsqrt3A_1489 : vector<8x128xf32>
    %add3A_1515 = arith.addf %mul3A_1513, %mul3A_1514 : vector<8x128xf32>
    %mul3A_1516 = arith.mulf %sub3A_1380, %rsqrt3A_1489 : vector<8x128xf32>
    %mul3A_1517 = arith.mulf %add3A_1452, %mul3A_1490 : vector<8x128xf32>
    %sub3A_1518 = arith.subf %mul3A_1516, %mul3A_1517 : vector<8x128xf32>
    %mul3A_1519 = arith.mulf %sub3A_1380, %mul3A_1490 : vector<8x128xf32>
    %mul3A_1520 = arith.mulf %add3A_1452, %rsqrt3A_1489 : vector<8x128xf32>
    %add3A_1521 = arith.addf %mul3A_1519, %mul3A_1520 : vector<8x128xf32>
    %sub3A_1522 = arith.subf %sub3A_1423, %sub3A_1492 : vector<8x128xf32>
    %mul3A_1523 = arith.constant 2.000000e+00 : f32
    %mul3A_1524 = vector.broadcast %mul3A_1523 : f32 to vector<8x128xf32>
    %mul3A_1525 = arith.mulf %mul3A_1524, %sub3A_1497 : vector<8x128xf32>
    %div3A_1526 = arith.divf %sub3A_1522, %mul3A_1525 : vector<8x128xf32>
    %mul3A_1527 = arith.mulf %div3A_1526, %div3A_1526 : vector<8x128xf32>
    %add3A_1528 = arith.constant 1.000000e+00 : f32
    %add3A_1529 = vector.broadcast %add3A_1528 : f32 to vector<8x128xf32>
    %add3A_1530 = arith.addf %add3A_1529, %mul3A_1527 : vector<8x128xf32>
    %sqrt3A_1531 = math.sqrt %add3A_1530 : vector<8x128xf32>
    %ge3A_1532 = arith.constant 0.000000e+00 : f32
    %ge3A_1533 = vector.broadcast %ge3A_1532 : f32 to vector<8x128xf32>
    %ge3A_1534 = arith.cmpf oge, %div3A_1526, %ge3A_1533 : vector<8x128xf32>
    %neg3A_1535 = arith.constant 0.000000e+00 : f32
    %neg3A_1536 = vector.broadcast %neg3A_1535 : f32 to vector<8x128xf32>
    %neg3A_1537 = arith.subf %neg3A_1536, %sqrt3A_1531 : vector<8x128xf32>
    %select_n3A_1538 = arith.select %ge3A_1534, %sqrt3A_1531, %neg3A_1537 : vector<8x128xi1>, vector<8x128xf32>
    %add3A_1539 = arith.addf %div3A_1526, %select_n3A_1538 : vector<8x128xf32>
    %div3A_1540 = arith.constant 1.000000e+00 : f32
    %div3A_1541 = vector.broadcast %div3A_1540 : f32 to vector<8x128xf32>
    %div3A_1542 = arith.divf %div3A_1541, %add3A_1539 : vector<8x128xf32>
    %abs3A_1543 = math.absf %sub3A_1497 : vector<8x128xf32>
    %abs3A_1544 = math.absf %sub3A_1492 : vector<8x128xf32>
    %abs3A_1545 = math.absf %sub3A_1423 : vector<8x128xf32>
    %min3A_1546 = arith.minimumf %abs3A_1544, %abs3A_1545 : vector<8x128xf32>
    %mul3A_1547 = arith.constant 1.19209291E-8 : f32
    %mul3A_1548 = vector.broadcast %mul3A_1547 : f32 to vector<8x128xf32>
    %mul3A_1549 = arith.mulf %mul3A_1548, %min3A_1546 : vector<8x128xf32>
    %le3A_1550 = arith.cmpf ole, %abs3A_1543, %mul3A_1549 : vector<8x128xf32>
    %jit3A_1551 = arith.constant 0.000000e+00 : f32
    %broadcast_in_dim3A_1552 = vector.broadcast %jit3A_1551 : f32 to vector<8x128xf32>
    %select_n3A_1553 = arith.select %le3A_1550, %broadcast_in_dim3A_1552, %div3A_1542 : vector<8x128xi1>, vector<8x128xf32>
    %mul3A_1554 = arith.mulf %select_n3A_1553, %select_n3A_1553 : vector<8x128xf32>
    %add3A_1555 = arith.constant 1.000000e+00 : f32
    %add3A_1556 = vector.broadcast %add3A_1555 : f32 to vector<8x128xf32>
    %add3A_1557 = arith.addf %add3A_1556, %mul3A_1554 : vector<8x128xf32>
    %rsqrt3A_1558 = math.rsqrt %add3A_1557 : vector<8x128xf32>
    %mul3A_1559 = arith.mulf %select_n3A_1553, %rsqrt3A_1558 : vector<8x128xf32>
    %mul3A_1560 = arith.mulf %select_n3A_1553, %sub3A_1497 : vector<8x128xf32>
    %sub3A_1561 = arith.subf %sub3A_1492, %mul3A_1560 : vector<8x128xf32>
    %mul3A_1562 = arith.mulf %select_n3A_1553, %sub3A_1497 : vector<8x128xf32>
    %add3A_1563 = arith.addf %sub3A_1423, %mul3A_1562 : vector<8x128xf32>
    %mul3A_1564 = arith.mulf %broadcast_in_dim3A_82, %rsqrt3A_1558 : vector<8x128xf32>
    %mul3A_1565 = arith.mulf %add3A_1503, %mul3A_1559 : vector<8x128xf32>
    %sub3A_1566 = arith.subf %mul3A_1564, %mul3A_1565 : vector<8x128xf32>
    %mul3A_1567 = arith.mulf %broadcast_in_dim3A_82, %mul3A_1559 : vector<8x128xf32>
    %mul3A_1568 = arith.mulf %add3A_1503, %rsqrt3A_1558 : vector<8x128xf32>
    %add3A_1569 = arith.addf %mul3A_1567, %mul3A_1568 : vector<8x128xf32>
    %mul3A_1570 = arith.mulf %broadcast_in_dim3A_82, %rsqrt3A_1558 : vector<8x128xf32>
    %mul3A_1571 = arith.mulf %add3A_1500, %mul3A_1559 : vector<8x128xf32>
    %sub3A_1572 = arith.subf %mul3A_1570, %mul3A_1571 : vector<8x128xf32>
    %mul3A_1573 = arith.mulf %sub3A_1506, %rsqrt3A_1558 : vector<8x128xf32>
    %mul3A_1574 = arith.mulf %sub3A_1437, %mul3A_1559 : vector<8x128xf32>
    %sub3A_1575 = arith.subf %mul3A_1573, %mul3A_1574 : vector<8x128xf32>
    %mul3A_1576 = arith.mulf %sub3A_1506, %mul3A_1559 : vector<8x128xf32>
    %mul3A_1577 = arith.mulf %sub3A_1437, %rsqrt3A_1558 : vector<8x128xf32>
    %add3A_1578 = arith.addf %mul3A_1576, %mul3A_1577 : vector<8x128xf32>
    %mul3A_1579 = arith.mulf %sub3A_1512, %rsqrt3A_1558 : vector<8x128xf32>
    %mul3A_1580 = arith.mulf %sub3A_1443, %mul3A_1559 : vector<8x128xf32>
    %sub3A_1581 = arith.subf %mul3A_1579, %mul3A_1580 : vector<8x128xf32>
    %mul3A_1582 = arith.mulf %sub3A_1512, %mul3A_1559 : vector<8x128xf32>
    %mul3A_1583 = arith.mulf %sub3A_1443, %rsqrt3A_1558 : vector<8x128xf32>
    %add3A_1584 = arith.addf %mul3A_1582, %mul3A_1583 : vector<8x128xf32>
    %mul3A_1585 = arith.mulf %sub3A_1518, %rsqrt3A_1558 : vector<8x128xf32>
    %mul3A_1586 = arith.mulf %sub3A_1449, %mul3A_1559 : vector<8x128xf32>
    %sub3A_1587 = arith.subf %mul3A_1585, %mul3A_1586 : vector<8x128xf32>
    %mul3A_1588 = arith.mulf %sub3A_1518, %mul3A_1559 : vector<8x128xf32>
    %mul3A_1589 = arith.mulf %sub3A_1449, %rsqrt3A_1558 : vector<8x128xf32>
    %add3A_1590 = arith.addf %mul3A_1588, %mul3A_1589 : vector<8x128xf32>
    %sub3A_1591 = arith.subf %add3A_1494, %add3A_1563 : vector<8x128xf32>
    %mul3A_1592 = arith.constant 2.000000e+00 : f32
    %mul3A_1593 = vector.broadcast %mul3A_1592 : f32 to vector<8x128xf32>
    %mul3A_1594 = arith.mulf %mul3A_1593, %add3A_1569 : vector<8x128xf32>
    %div3A_1595 = arith.divf %sub3A_1591, %mul3A_1594 : vector<8x128xf32>
    %mul3A_1596 = arith.mulf %div3A_1595, %div3A_1595 : vector<8x128xf32>
    %add3A_1597 = arith.constant 1.000000e+00 : f32
    %add3A_1598 = vector.broadcast %add3A_1597 : f32 to vector<8x128xf32>
    %add3A_1599 = arith.addf %add3A_1598, %mul3A_1596 : vector<8x128xf32>
    %sqrt3A_1600 = math.sqrt %add3A_1599 : vector<8x128xf32>
    %ge3A_1601 = arith.constant 0.000000e+00 : f32
    %ge3A_1602 = vector.broadcast %ge3A_1601 : f32 to vector<8x128xf32>
    %ge3A_1603 = arith.cmpf oge, %div3A_1595, %ge3A_1602 : vector<8x128xf32>
    %neg3A_1604 = arith.constant 0.000000e+00 : f32
    %neg3A_1605 = vector.broadcast %neg3A_1604 : f32 to vector<8x128xf32>
    %neg3A_1606 = arith.subf %neg3A_1605, %sqrt3A_1600 : vector<8x128xf32>
    %select_n3A_1607 = arith.select %ge3A_1603, %sqrt3A_1600, %neg3A_1606 : vector<8x128xi1>, vector<8x128xf32>
    %add3A_1608 = arith.addf %div3A_1595, %select_n3A_1607 : vector<8x128xf32>
    %div3A_1609 = arith.constant 1.000000e+00 : f32
    %div3A_1610 = vector.broadcast %div3A_1609 : f32 to vector<8x128xf32>
    %div3A_1611 = arith.divf %div3A_1610, %add3A_1608 : vector<8x128xf32>
    %abs3A_1612 = math.absf %add3A_1569 : vector<8x128xf32>
    %abs3A_1613 = math.absf %add3A_1563 : vector<8x128xf32>
    %abs3A_1614 = math.absf %add3A_1494 : vector<8x128xf32>
    %min3A_1615 = arith.minimumf %abs3A_1613, %abs3A_1614 : vector<8x128xf32>
    %mul3A_1616 = arith.constant 1.19209291E-8 : f32
    %mul3A_1617 = vector.broadcast %mul3A_1616 : f32 to vector<8x128xf32>
    %mul3A_1618 = arith.mulf %mul3A_1617, %min3A_1615 : vector<8x128xf32>
    %le3A_1619 = arith.cmpf ole, %abs3A_1612, %mul3A_1618 : vector<8x128xf32>
    %jit3A_1620 = arith.constant 0.000000e+00 : f32
    %broadcast_in_dim3A_1621 = vector.broadcast %jit3A_1620 : f32 to vector<8x128xf32>
    %select_n3A_1622 = arith.select %le3A_1619, %broadcast_in_dim3A_1621, %div3A_1611 : vector<8x128xi1>, vector<8x128xf32>
    %mul3A_1623 = arith.mulf %select_n3A_1622, %select_n3A_1622 : vector<8x128xf32>
    %add3A_1624 = arith.constant 1.000000e+00 : f32
    %add3A_1625 = vector.broadcast %add3A_1624 : f32 to vector<8x128xf32>
    %add3A_1626 = arith.addf %add3A_1625, %mul3A_1623 : vector<8x128xf32>
    %rsqrt3A_1627 = math.rsqrt %add3A_1626 : vector<8x128xf32>
    %mul3A_1628 = arith.mulf %select_n3A_1622, %rsqrt3A_1627 : vector<8x128xf32>
    %mul3A_1629 = arith.mulf %select_n3A_1622, %add3A_1569 : vector<8x128xf32>
    %sub3A_1630 = arith.subf %add3A_1563, %mul3A_1629 : vector<8x128xf32>
    %mul3A_1631 = arith.mulf %select_n3A_1622, %add3A_1569 : vector<8x128xf32>
    %add3A_1632 = arith.addf %add3A_1494, %mul3A_1631 : vector<8x128xf32>
    %mul3A_1633 = arith.mulf %broadcast_in_dim3A_82, %rsqrt3A_1627 : vector<8x128xf32>
    %mul3A_1634 = arith.mulf %sub3A_1572, %mul3A_1628 : vector<8x128xf32>
    %sub3A_1635 = arith.subf %mul3A_1633, %mul3A_1634 : vector<8x128xf32>
    %mul3A_1636 = arith.mulf %broadcast_in_dim3A_82, %rsqrt3A_1627 : vector<8x128xf32>
    %mul3A_1637 = arith.mulf %sub3A_1566, %mul3A_1628 : vector<8x128xf32>
    %sub3A_1638 = arith.subf %mul3A_1636, %mul3A_1637 : vector<8x128xf32>
    %mul3A_1639 = arith.mulf %broadcast_in_dim3A_82, %mul3A_1628 : vector<8x128xf32>
    %mul3A_1640 = arith.mulf %sub3A_1566, %rsqrt3A_1627 : vector<8x128xf32>
    %add3A_1641 = arith.addf %mul3A_1639, %mul3A_1640 : vector<8x128xf32>
    %mul3A_1642 = arith.mulf %add3A_1578, %rsqrt3A_1627 : vector<8x128xf32>
    %mul3A_1643 = arith.mulf %add3A_1509, %mul3A_1628 : vector<8x128xf32>
    %sub3A_1644 = arith.subf %mul3A_1642, %mul3A_1643 : vector<8x128xf32>
    %mul3A_1645 = arith.mulf %add3A_1578, %mul3A_1628 : vector<8x128xf32>
    %mul3A_1646 = arith.mulf %add3A_1509, %rsqrt3A_1627 : vector<8x128xf32>
    %add3A_1647 = arith.addf %mul3A_1645, %mul3A_1646 : vector<8x128xf32>
    %mul3A_1648 = arith.mulf %add3A_1584, %rsqrt3A_1627 : vector<8x128xf32>
    %mul3A_1649 = arith.mulf %add3A_1515, %mul3A_1628 : vector<8x128xf32>
    %sub3A_1650 = arith.subf %mul3A_1648, %mul3A_1649 : vector<8x128xf32>
    %mul3A_1651 = arith.mulf %add3A_1584, %mul3A_1628 : vector<8x128xf32>
    %mul3A_1652 = arith.mulf %add3A_1515, %rsqrt3A_1627 : vector<8x128xf32>
    %add3A_1653 = arith.addf %mul3A_1651, %mul3A_1652 : vector<8x128xf32>
    %mul3A_1654 = arith.mulf %add3A_1590, %rsqrt3A_1627 : vector<8x128xf32>
    %mul3A_1655 = arith.mulf %add3A_1521, %mul3A_1628 : vector<8x128xf32>
    %sub3A_1656 = arith.subf %mul3A_1654, %mul3A_1655 : vector<8x128xf32>
    %mul3A_1657 = arith.mulf %add3A_1590, %mul3A_1628 : vector<8x128xf32>
    %mul3A_1658 = arith.mulf %add3A_1521, %rsqrt3A_1627 : vector<8x128xf32>
    %add3A_1659 = arith.addf %mul3A_1657, %mul3A_1658 : vector<8x128xf32>
    %sub3A_1660 = arith.subf %add3A_1632, %sub3A_1561 : vector<8x128xf32>
    %mul3A_1661 = arith.constant 2.000000e+00 : f32
    %mul3A_1662 = vector.broadcast %mul3A_1661 : f32 to vector<8x128xf32>
    %mul3A_1663 = arith.mulf %mul3A_1662, %add3A_1641 : vector<8x128xf32>
    %div3A_1664 = arith.divf %sub3A_1660, %mul3A_1663 : vector<8x128xf32>
    %mul3A_1665 = arith.mulf %div3A_1664, %div3A_1664 : vector<8x128xf32>
    %add3A_1666 = arith.constant 1.000000e+00 : f32
    %add3A_1667 = vector.broadcast %add3A_1666 : f32 to vector<8x128xf32>
    %add3A_1668 = arith.addf %add3A_1667, %mul3A_1665 : vector<8x128xf32>
    %sqrt3A_1669 = math.sqrt %add3A_1668 : vector<8x128xf32>
    %ge3A_1670 = arith.constant 0.000000e+00 : f32
    %ge3A_1671 = vector.broadcast %ge3A_1670 : f32 to vector<8x128xf32>
    %ge3A_1672 = arith.cmpf oge, %div3A_1664, %ge3A_1671 : vector<8x128xf32>
    %neg3A_1673 = arith.constant 0.000000e+00 : f32
    %neg3A_1674 = vector.broadcast %neg3A_1673 : f32 to vector<8x128xf32>
    %neg3A_1675 = arith.subf %neg3A_1674, %sqrt3A_1669 : vector<8x128xf32>
    %select_n3A_1676 = arith.select %ge3A_1672, %sqrt3A_1669, %neg3A_1675 : vector<8x128xi1>, vector<8x128xf32>
    %add3A_1677 = arith.addf %div3A_1664, %select_n3A_1676 : vector<8x128xf32>
    %div3A_1678 = arith.constant 1.000000e+00 : f32
    %div3A_1679 = vector.broadcast %div3A_1678 : f32 to vector<8x128xf32>
    %div3A_1680 = arith.divf %div3A_1679, %add3A_1677 : vector<8x128xf32>
    %abs3A_1681 = math.absf %add3A_1641 : vector<8x128xf32>
    %abs3A_1682 = math.absf %sub3A_1561 : vector<8x128xf32>
    %abs3A_1683 = math.absf %add3A_1632 : vector<8x128xf32>
    %min3A_1684 = arith.minimumf %abs3A_1682, %abs3A_1683 : vector<8x128xf32>
    %mul3A_1685 = arith.constant 1.19209291E-8 : f32
    %mul3A_1686 = vector.broadcast %mul3A_1685 : f32 to vector<8x128xf32>
    %mul3A_1687 = arith.mulf %mul3A_1686, %min3A_1684 : vector<8x128xf32>
    %le3A_1688 = arith.cmpf ole, %abs3A_1681, %mul3A_1687 : vector<8x128xf32>
    %jit3A_1689 = arith.constant 0.000000e+00 : f32
    %broadcast_in_dim3A_1690 = vector.broadcast %jit3A_1689 : f32 to vector<8x128xf32>
    %select_n3A_1691 = arith.select %le3A_1688, %broadcast_in_dim3A_1690, %div3A_1680 : vector<8x128xi1>, vector<8x128xf32>
    %mul3A_1692 = arith.mulf %select_n3A_1691, %select_n3A_1691 : vector<8x128xf32>
    %add3A_1693 = arith.constant 1.000000e+00 : f32
    %add3A_1694 = vector.broadcast %add3A_1693 : f32 to vector<8x128xf32>
    %add3A_1695 = arith.addf %add3A_1694, %mul3A_1692 : vector<8x128xf32>
    %rsqrt3A_1696 = math.rsqrt %add3A_1695 : vector<8x128xf32>
    %mul3A_1697 = arith.mulf %select_n3A_1691, %rsqrt3A_1696 : vector<8x128xf32>
    %mul3A_1698 = arith.mulf %select_n3A_1691, %add3A_1641 : vector<8x128xf32>
    %sub3A_1699 = arith.subf %sub3A_1561, %mul3A_1698 : vector<8x128xf32>
    %mul3A_1700 = arith.mulf %select_n3A_1691, %add3A_1641 : vector<8x128xf32>
    %add3A_1701 = arith.addf %add3A_1632, %mul3A_1700 : vector<8x128xf32>
    %mul3A_1702 = arith.mulf %sub3A_1638, %rsqrt3A_1696 : vector<8x128xf32>
    %mul3A_1703 = arith.mulf %broadcast_in_dim3A_82, %mul3A_1697 : vector<8x128xf32>
    %sub3A_1704 = arith.subf %mul3A_1702, %mul3A_1703 : vector<8x128xf32>
    %mul3A_1705 = arith.mulf %sub3A_1638, %mul3A_1697 : vector<8x128xf32>
    %mul3A_1706 = arith.mulf %broadcast_in_dim3A_82, %rsqrt3A_1696 : vector<8x128xf32>
    %add3A_1707 = arith.addf %mul3A_1705, %mul3A_1706 : vector<8x128xf32>
    %mul3A_1708 = arith.mulf %sub3A_1635, %mul3A_1697 : vector<8x128xf32>
    %mul3A_1709 = arith.mulf %broadcast_in_dim3A_82, %rsqrt3A_1696 : vector<8x128xf32>
    %add3A_1710 = arith.addf %mul3A_1708, %mul3A_1709 : vector<8x128xf32>
    %mul3A_1711 = arith.mulf %sub3A_1575, %rsqrt3A_1696 : vector<8x128xf32>
    %mul3A_1712 = arith.mulf %add3A_1647, %mul3A_1697 : vector<8x128xf32>
    %sub3A_1713 = arith.subf %mul3A_1711, %mul3A_1712 : vector<8x128xf32>
    %mul3A_1714 = arith.mulf %sub3A_1575, %mul3A_1697 : vector<8x128xf32>
    %mul3A_1715 = arith.mulf %add3A_1647, %rsqrt3A_1696 : vector<8x128xf32>
    %add3A_1716 = arith.addf %mul3A_1714, %mul3A_1715 : vector<8x128xf32>
    %mul3A_1717 = arith.mulf %sub3A_1581, %rsqrt3A_1696 : vector<8x128xf32>
    %mul3A_1718 = arith.mulf %add3A_1653, %mul3A_1697 : vector<8x128xf32>
    %sub3A_1719 = arith.subf %mul3A_1717, %mul3A_1718 : vector<8x128xf32>
    %mul3A_1720 = arith.mulf %sub3A_1581, %mul3A_1697 : vector<8x128xf32>
    %mul3A_1721 = arith.mulf %add3A_1653, %rsqrt3A_1696 : vector<8x128xf32>
    %add3A_1722 = arith.addf %mul3A_1720, %mul3A_1721 : vector<8x128xf32>
    %mul3A_1723 = arith.mulf %sub3A_1587, %rsqrt3A_1696 : vector<8x128xf32>
    %mul3A_1724 = arith.mulf %add3A_1659, %mul3A_1697 : vector<8x128xf32>
    %sub3A_1725 = arith.subf %mul3A_1723, %mul3A_1724 : vector<8x128xf32>
    %mul3A_1726 = arith.mulf %sub3A_1587, %mul3A_1697 : vector<8x128xf32>
    %mul3A_1727 = arith.mulf %add3A_1659, %rsqrt3A_1696 : vector<8x128xf32>
    %add3A_1728 = arith.addf %mul3A_1726, %mul3A_1727 : vector<8x128xf32>
    %sub3A_1729 = arith.subf %sub3A_1630, %sub3A_1699 : vector<8x128xf32>
    %mul3A_1730 = arith.constant 2.000000e+00 : f32
    %mul3A_1731 = vector.broadcast %mul3A_1730 : f32 to vector<8x128xf32>
    %mul3A_1732 = arith.mulf %mul3A_1731, %sub3A_1704 : vector<8x128xf32>
    %div3A_1733 = arith.divf %sub3A_1729, %mul3A_1732 : vector<8x128xf32>
    %mul3A_1734 = arith.mulf %div3A_1733, %div3A_1733 : vector<8x128xf32>
    %add3A_1735 = arith.constant 1.000000e+00 : f32
    %add3A_1736 = vector.broadcast %add3A_1735 : f32 to vector<8x128xf32>
    %add3A_1737 = arith.addf %add3A_1736, %mul3A_1734 : vector<8x128xf32>
    %sqrt3A_1738 = math.sqrt %add3A_1737 : vector<8x128xf32>
    %ge3A_1739 = arith.constant 0.000000e+00 : f32
    %ge3A_1740 = vector.broadcast %ge3A_1739 : f32 to vector<8x128xf32>
    %ge3A_1741 = arith.cmpf oge, %div3A_1733, %ge3A_1740 : vector<8x128xf32>
    %neg3A_1742 = arith.constant 0.000000e+00 : f32
    %neg3A_1743 = vector.broadcast %neg3A_1742 : f32 to vector<8x128xf32>
    %neg3A_1744 = arith.subf %neg3A_1743, %sqrt3A_1738 : vector<8x128xf32>
    %select_n3A_1745 = arith.select %ge3A_1741, %sqrt3A_1738, %neg3A_1744 : vector<8x128xi1>, vector<8x128xf32>
    %add3A_1746 = arith.addf %div3A_1733, %select_n3A_1745 : vector<8x128xf32>
    %div3A_1747 = arith.constant 1.000000e+00 : f32
    %div3A_1748 = vector.broadcast %div3A_1747 : f32 to vector<8x128xf32>
    %div3A_1749 = arith.divf %div3A_1748, %add3A_1746 : vector<8x128xf32>
    %abs3A_1750 = math.absf %sub3A_1704 : vector<8x128xf32>
    %abs3A_1751 = math.absf %sub3A_1699 : vector<8x128xf32>
    %abs3A_1752 = math.absf %sub3A_1630 : vector<8x128xf32>
    %min3A_1753 = arith.minimumf %abs3A_1751, %abs3A_1752 : vector<8x128xf32>
    %mul3A_1754 = arith.constant 1.19209291E-8 : f32
    %mul3A_1755 = vector.broadcast %mul3A_1754 : f32 to vector<8x128xf32>
    %mul3A_1756 = arith.mulf %mul3A_1755, %min3A_1753 : vector<8x128xf32>
    %le3A_1757 = arith.cmpf ole, %abs3A_1750, %mul3A_1756 : vector<8x128xf32>
    %jit3A_1758 = arith.constant 0.000000e+00 : f32
    %broadcast_in_dim3A_1759 = vector.broadcast %jit3A_1758 : f32 to vector<8x128xf32>
    %select_n3A_1760 = arith.select %le3A_1757, %broadcast_in_dim3A_1759, %div3A_1749 : vector<8x128xi1>, vector<8x128xf32>
    %mul3A_1761 = arith.mulf %select_n3A_1760, %select_n3A_1760 : vector<8x128xf32>
    %add3A_1762 = arith.constant 1.000000e+00 : f32
    %add3A_1763 = vector.broadcast %add3A_1762 : f32 to vector<8x128xf32>
    %add3A_1764 = arith.addf %add3A_1763, %mul3A_1761 : vector<8x128xf32>
    %rsqrt3A_1765 = math.rsqrt %add3A_1764 : vector<8x128xf32>
    %mul3A_1766 = arith.mulf %select_n3A_1760, %rsqrt3A_1765 : vector<8x128xf32>
    %mul3A_1767 = arith.mulf %select_n3A_1760, %sub3A_1704 : vector<8x128xf32>
    %sub3A_1768 = arith.subf %sub3A_1699, %mul3A_1767 : vector<8x128xf32>
    %mul3A_1769 = arith.mulf %select_n3A_1760, %sub3A_1704 : vector<8x128xf32>
    %add3A_1770 = arith.addf %sub3A_1630, %mul3A_1769 : vector<8x128xf32>
    %mul3A_1771 = arith.mulf %broadcast_in_dim3A_82, %rsqrt3A_1765 : vector<8x128xf32>
    %mul3A_1772 = arith.mulf %add3A_1710, %mul3A_1766 : vector<8x128xf32>
    %sub3A_1773 = arith.subf %mul3A_1771, %mul3A_1772 : vector<8x128xf32>
    %mul3A_1774 = arith.mulf %broadcast_in_dim3A_82, %mul3A_1766 : vector<8x128xf32>
    %mul3A_1775 = arith.mulf %add3A_1710, %rsqrt3A_1765 : vector<8x128xf32>
    %add3A_1776 = arith.addf %mul3A_1774, %mul3A_1775 : vector<8x128xf32>
    %mul3A_1777 = arith.mulf %broadcast_in_dim3A_82, %rsqrt3A_1765 : vector<8x128xf32>
    %mul3A_1778 = arith.mulf %add3A_1707, %mul3A_1766 : vector<8x128xf32>
    %sub3A_1779 = arith.subf %mul3A_1777, %mul3A_1778 : vector<8x128xf32>
    %mul3A_1780 = arith.mulf %sub3A_1713, %rsqrt3A_1765 : vector<8x128xf32>
    %mul3A_1781 = arith.mulf %sub3A_1644, %mul3A_1766 : vector<8x128xf32>
    %sub3A_1782 = arith.subf %mul3A_1780, %mul3A_1781 : vector<8x128xf32>
    %mul3A_1783 = arith.mulf %sub3A_1713, %mul3A_1766 : vector<8x128xf32>
    %mul3A_1784 = arith.mulf %sub3A_1644, %rsqrt3A_1765 : vector<8x128xf32>
    %add3A_1785 = arith.addf %mul3A_1783, %mul3A_1784 : vector<8x128xf32>
    %mul3A_1786 = arith.mulf %sub3A_1719, %rsqrt3A_1765 : vector<8x128xf32>
    %mul3A_1787 = arith.mulf %sub3A_1650, %mul3A_1766 : vector<8x128xf32>
    %sub3A_1788 = arith.subf %mul3A_1786, %mul3A_1787 : vector<8x128xf32>
    %mul3A_1789 = arith.mulf %sub3A_1719, %mul3A_1766 : vector<8x128xf32>
    %mul3A_1790 = arith.mulf %sub3A_1650, %rsqrt3A_1765 : vector<8x128xf32>
    %add3A_1791 = arith.addf %mul3A_1789, %mul3A_1790 : vector<8x128xf32>
    %mul3A_1792 = arith.mulf %sub3A_1725, %rsqrt3A_1765 : vector<8x128xf32>
    %mul3A_1793 = arith.mulf %sub3A_1656, %mul3A_1766 : vector<8x128xf32>
    %sub3A_1794 = arith.subf %mul3A_1792, %mul3A_1793 : vector<8x128xf32>
    %mul3A_1795 = arith.mulf %sub3A_1725, %mul3A_1766 : vector<8x128xf32>
    %mul3A_1796 = arith.mulf %sub3A_1656, %rsqrt3A_1765 : vector<8x128xf32>
    %add3A_1797 = arith.addf %mul3A_1795, %mul3A_1796 : vector<8x128xf32>
    %sub3A_1798 = arith.subf %add3A_1701, %add3A_1770 : vector<8x128xf32>
    %mul3A_1799 = arith.constant 2.000000e+00 : f32
    %mul3A_1800 = vector.broadcast %mul3A_1799 : f32 to vector<8x128xf32>
    %mul3A_1801 = arith.mulf %mul3A_1800, %add3A_1776 : vector<8x128xf32>
    %div3A_1802 = arith.divf %sub3A_1798, %mul3A_1801 : vector<8x128xf32>
    %mul3A_1803 = arith.mulf %div3A_1802, %div3A_1802 : vector<8x128xf32>
    %add3A_1804 = arith.constant 1.000000e+00 : f32
    %add3A_1805 = vector.broadcast %add3A_1804 : f32 to vector<8x128xf32>
    %add3A_1806 = arith.addf %add3A_1805, %mul3A_1803 : vector<8x128xf32>
    %sqrt3A_1807 = math.sqrt %add3A_1806 : vector<8x128xf32>
    %ge3A_1808 = arith.constant 0.000000e+00 : f32
    %ge3A_1809 = vector.broadcast %ge3A_1808 : f32 to vector<8x128xf32>
    %ge3A_1810 = arith.cmpf oge, %div3A_1802, %ge3A_1809 : vector<8x128xf32>
    %neg3A_1811 = arith.constant 0.000000e+00 : f32
    %neg3A_1812 = vector.broadcast %neg3A_1811 : f32 to vector<8x128xf32>
    %neg3A_1813 = arith.subf %neg3A_1812, %sqrt3A_1807 : vector<8x128xf32>
    %select_n3A_1814 = arith.select %ge3A_1810, %sqrt3A_1807, %neg3A_1813 : vector<8x128xi1>, vector<8x128xf32>
    %add3A_1815 = arith.addf %div3A_1802, %select_n3A_1814 : vector<8x128xf32>
    %div3A_1816 = arith.constant 1.000000e+00 : f32
    %div3A_1817 = vector.broadcast %div3A_1816 : f32 to vector<8x128xf32>
    %div3A_1818 = arith.divf %div3A_1817, %add3A_1815 : vector<8x128xf32>
    %abs3A_1819 = math.absf %add3A_1776 : vector<8x128xf32>
    %abs3A_1820 = math.absf %add3A_1770 : vector<8x128xf32>
    %abs3A_1821 = math.absf %add3A_1701 : vector<8x128xf32>
    %min3A_1822 = arith.minimumf %abs3A_1820, %abs3A_1821 : vector<8x128xf32>
    %mul3A_1823 = arith.constant 1.19209291E-8 : f32
    %mul3A_1824 = vector.broadcast %mul3A_1823 : f32 to vector<8x128xf32>
    %mul3A_1825 = arith.mulf %mul3A_1824, %min3A_1822 : vector<8x128xf32>
    %le3A_1826 = arith.cmpf ole, %abs3A_1819, %mul3A_1825 : vector<8x128xf32>
    %jit3A_1827 = arith.constant 0.000000e+00 : f32
    %broadcast_in_dim3A_1828 = vector.broadcast %jit3A_1827 : f32 to vector<8x128xf32>
    %select_n3A_1829 = arith.select %le3A_1826, %broadcast_in_dim3A_1828, %div3A_1818 : vector<8x128xi1>, vector<8x128xf32>
    %mul3A_1830 = arith.mulf %select_n3A_1829, %select_n3A_1829 : vector<8x128xf32>
    %add3A_1831 = arith.constant 1.000000e+00 : f32
    %add3A_1832 = vector.broadcast %add3A_1831 : f32 to vector<8x128xf32>
    %add3A_1833 = arith.addf %add3A_1832, %mul3A_1830 : vector<8x128xf32>
    %rsqrt3A_1834 = math.rsqrt %add3A_1833 : vector<8x128xf32>
    %mul3A_1835 = arith.mulf %select_n3A_1829, %rsqrt3A_1834 : vector<8x128xf32>
    %mul3A_1836 = arith.mulf %select_n3A_1829, %add3A_1776 : vector<8x128xf32>
    %sub3A_1837 = arith.subf %add3A_1770, %mul3A_1836 : vector<8x128xf32>
    %mul3A_1838 = arith.mulf %select_n3A_1829, %add3A_1776 : vector<8x128xf32>
    %add3A_1839 = arith.addf %add3A_1701, %mul3A_1838 : vector<8x128xf32>
    %mul3A_1840 = arith.mulf %broadcast_in_dim3A_82, %rsqrt3A_1834 : vector<8x128xf32>
    %mul3A_1841 = arith.mulf %sub3A_1779, %mul3A_1835 : vector<8x128xf32>
    %sub3A_1842 = arith.subf %mul3A_1840, %mul3A_1841 : vector<8x128xf32>
    %mul3A_1843 = arith.mulf %broadcast_in_dim3A_82, %rsqrt3A_1834 : vector<8x128xf32>
    %mul3A_1844 = arith.mulf %sub3A_1773, %mul3A_1835 : vector<8x128xf32>
    %sub3A_1845 = arith.subf %mul3A_1843, %mul3A_1844 : vector<8x128xf32>
    %mul3A_1846 = arith.mulf %broadcast_in_dim3A_82, %mul3A_1835 : vector<8x128xf32>
    %mul3A_1847 = arith.mulf %sub3A_1773, %rsqrt3A_1834 : vector<8x128xf32>
    %add3A_1848 = arith.addf %mul3A_1846, %mul3A_1847 : vector<8x128xf32>
    %mul3A_1849 = arith.mulf %add3A_1785, %rsqrt3A_1834 : vector<8x128xf32>
    %mul3A_1850 = arith.mulf %add3A_1716, %mul3A_1835 : vector<8x128xf32>
    %sub3A_1851 = arith.subf %mul3A_1849, %mul3A_1850 : vector<8x128xf32>
    %mul3A_1852 = arith.mulf %add3A_1785, %mul3A_1835 : vector<8x128xf32>
    %mul3A_1853 = arith.mulf %add3A_1716, %rsqrt3A_1834 : vector<8x128xf32>
    %add3A_1854 = arith.addf %mul3A_1852, %mul3A_1853 : vector<8x128xf32>
    %mul3A_1855 = arith.mulf %add3A_1791, %rsqrt3A_1834 : vector<8x128xf32>
    %mul3A_1856 = arith.mulf %add3A_1722, %mul3A_1835 : vector<8x128xf32>
    %sub3A_1857 = arith.subf %mul3A_1855, %mul3A_1856 : vector<8x128xf32>
    %mul3A_1858 = arith.mulf %add3A_1791, %mul3A_1835 : vector<8x128xf32>
    %mul3A_1859 = arith.mulf %add3A_1722, %rsqrt3A_1834 : vector<8x128xf32>
    %add3A_1860 = arith.addf %mul3A_1858, %mul3A_1859 : vector<8x128xf32>
    %mul3A_1861 = arith.mulf %add3A_1797, %rsqrt3A_1834 : vector<8x128xf32>
    %mul3A_1862 = arith.mulf %add3A_1728, %mul3A_1835 : vector<8x128xf32>
    %sub3A_1863 = arith.subf %mul3A_1861, %mul3A_1862 : vector<8x128xf32>
    %mul3A_1864 = arith.mulf %add3A_1797, %mul3A_1835 : vector<8x128xf32>
    %mul3A_1865 = arith.mulf %add3A_1728, %rsqrt3A_1834 : vector<8x128xf32>
    %add3A_1866 = arith.addf %mul3A_1864, %mul3A_1865 : vector<8x128xf32>
    %sub3A_1867 = arith.subf %add3A_1839, %sub3A_1768 : vector<8x128xf32>
    %mul3A_1868 = arith.constant 2.000000e+00 : f32
    %mul3A_1869 = vector.broadcast %mul3A_1868 : f32 to vector<8x128xf32>
    %mul3A_1870 = arith.mulf %mul3A_1869, %add3A_1848 : vector<8x128xf32>
    %div3A_1871 = arith.divf %sub3A_1867, %mul3A_1870 : vector<8x128xf32>
    %mul3A_1872 = arith.mulf %div3A_1871, %div3A_1871 : vector<8x128xf32>
    %add3A_1873 = arith.constant 1.000000e+00 : f32
    %add3A_1874 = vector.broadcast %add3A_1873 : f32 to vector<8x128xf32>
    %add3A_1875 = arith.addf %add3A_1874, %mul3A_1872 : vector<8x128xf32>
    %sqrt3A_1876 = math.sqrt %add3A_1875 : vector<8x128xf32>
    %ge3A_1877 = arith.constant 0.000000e+00 : f32
    %ge3A_1878 = vector.broadcast %ge3A_1877 : f32 to vector<8x128xf32>
    %ge3A_1879 = arith.cmpf oge, %div3A_1871, %ge3A_1878 : vector<8x128xf32>
    %neg3A_1880 = arith.constant 0.000000e+00 : f32
    %neg3A_1881 = vector.broadcast %neg3A_1880 : f32 to vector<8x128xf32>
    %neg3A_1882 = arith.subf %neg3A_1881, %sqrt3A_1876 : vector<8x128xf32>
    %select_n3A_1883 = arith.select %ge3A_1879, %sqrt3A_1876, %neg3A_1882 : vector<8x128xi1>, vector<8x128xf32>
    %add3A_1884 = arith.addf %div3A_1871, %select_n3A_1883 : vector<8x128xf32>
    %div3A_1885 = arith.constant 1.000000e+00 : f32
    %div3A_1886 = vector.broadcast %div3A_1885 : f32 to vector<8x128xf32>
    %div3A_1887 = arith.divf %div3A_1886, %add3A_1884 : vector<8x128xf32>
    %abs3A_1888 = math.absf %add3A_1848 : vector<8x128xf32>
    %abs3A_1889 = math.absf %sub3A_1768 : vector<8x128xf32>
    %abs3A_1890 = math.absf %add3A_1839 : vector<8x128xf32>
    %min3A_1891 = arith.minimumf %abs3A_1889, %abs3A_1890 : vector<8x128xf32>
    %mul3A_1892 = arith.constant 1.19209291E-8 : f32
    %mul3A_1893 = vector.broadcast %mul3A_1892 : f32 to vector<8x128xf32>
    %mul3A_1894 = arith.mulf %mul3A_1893, %min3A_1891 : vector<8x128xf32>
    %le3A_1895 = arith.cmpf ole, %abs3A_1888, %mul3A_1894 : vector<8x128xf32>
    %jit3A_1896 = arith.constant 0.000000e+00 : f32
    %broadcast_in_dim3A_1897 = vector.broadcast %jit3A_1896 : f32 to vector<8x128xf32>
    %select_n3A_1898 = arith.select %le3A_1895, %broadcast_in_dim3A_1897, %div3A_1887 : vector<8x128xi1>, vector<8x128xf32>
    %mul3A_1899 = arith.mulf %select_n3A_1898, %select_n3A_1898 : vector<8x128xf32>
    %add3A_1900 = arith.constant 1.000000e+00 : f32
    %add3A_1901 = vector.broadcast %add3A_1900 : f32 to vector<8x128xf32>
    %add3A_1902 = arith.addf %add3A_1901, %mul3A_1899 : vector<8x128xf32>
    %rsqrt3A_1903 = math.rsqrt %add3A_1902 : vector<8x128xf32>
    %mul3A_1904 = arith.mulf %select_n3A_1898, %rsqrt3A_1903 : vector<8x128xf32>
    %mul3A_1905 = arith.mulf %select_n3A_1898, %add3A_1848 : vector<8x128xf32>
    %sub3A_1906 = arith.subf %sub3A_1768, %mul3A_1905 : vector<8x128xf32>
    %mul3A_1907 = arith.mulf %select_n3A_1898, %add3A_1848 : vector<8x128xf32>
    %add3A_1908 = arith.addf %add3A_1839, %mul3A_1907 : vector<8x128xf32>
    %mul3A_1909 = arith.mulf %sub3A_1845, %rsqrt3A_1903 : vector<8x128xf32>
    %mul3A_1910 = arith.mulf %broadcast_in_dim3A_82, %mul3A_1904 : vector<8x128xf32>
    %sub3A_1911 = arith.subf %mul3A_1909, %mul3A_1910 : vector<8x128xf32>
    %mul3A_1912 = arith.mulf %sub3A_1842, %mul3A_1904 : vector<8x128xf32>
    %mul3A_1913 = arith.mulf %broadcast_in_dim3A_82, %rsqrt3A_1903 : vector<8x128xf32>
    %add3A_1914 = arith.addf %mul3A_1912, %mul3A_1913 : vector<8x128xf32>
    %mul3A_1915 = arith.mulf %sub3A_1782, %rsqrt3A_1903 : vector<8x128xf32>
    %mul3A_1916 = arith.mulf %add3A_1854, %mul3A_1904 : vector<8x128xf32>
    %sub3A_1917 = arith.subf %mul3A_1915, %mul3A_1916 : vector<8x128xf32>
    %mul3A_1918 = arith.mulf %sub3A_1782, %mul3A_1904 : vector<8x128xf32>
    %mul3A_1919 = arith.mulf %add3A_1854, %rsqrt3A_1903 : vector<8x128xf32>
    %add3A_1920 = arith.addf %mul3A_1918, %mul3A_1919 : vector<8x128xf32>
    %mul3A_1921 = arith.mulf %sub3A_1788, %rsqrt3A_1903 : vector<8x128xf32>
    %mul3A_1922 = arith.mulf %add3A_1860, %mul3A_1904 : vector<8x128xf32>
    %sub3A_1923 = arith.subf %mul3A_1921, %mul3A_1922 : vector<8x128xf32>
    %mul3A_1924 = arith.mulf %sub3A_1788, %mul3A_1904 : vector<8x128xf32>
    %mul3A_1925 = arith.mulf %add3A_1860, %rsqrt3A_1903 : vector<8x128xf32>
    %add3A_1926 = arith.addf %mul3A_1924, %mul3A_1925 : vector<8x128xf32>
    %mul3A_1927 = arith.mulf %sub3A_1794, %rsqrt3A_1903 : vector<8x128xf32>
    %mul3A_1928 = arith.mulf %add3A_1866, %mul3A_1904 : vector<8x128xf32>
    %sub3A_1929 = arith.subf %mul3A_1927, %mul3A_1928 : vector<8x128xf32>
    %mul3A_1930 = arith.mulf %sub3A_1794, %mul3A_1904 : vector<8x128xf32>
    %mul3A_1931 = arith.mulf %add3A_1866, %rsqrt3A_1903 : vector<8x128xf32>
    %add3A_1932 = arith.addf %mul3A_1930, %mul3A_1931 : vector<8x128xf32>
    %sub3A_1933 = arith.subf %sub3A_1837, %sub3A_1906 : vector<8x128xf32>
    %mul3A_1934 = arith.constant 2.000000e+00 : f32
    %mul3A_1935 = vector.broadcast %mul3A_1934 : f32 to vector<8x128xf32>
    %mul3A_1936 = arith.mulf %mul3A_1935, %sub3A_1911 : vector<8x128xf32>
    %div3A_1937 = arith.divf %sub3A_1933, %mul3A_1936 : vector<8x128xf32>
    %mul3A_1938 = arith.mulf %div3A_1937, %div3A_1937 : vector<8x128xf32>
    %add3A_1939 = arith.constant 1.000000e+00 : f32
    %add3A_1940 = vector.broadcast %add3A_1939 : f32 to vector<8x128xf32>
    %add3A_1941 = arith.addf %add3A_1940, %mul3A_1938 : vector<8x128xf32>
    %sqrt3A_1942 = math.sqrt %add3A_1941 : vector<8x128xf32>
    %ge3A_1943 = arith.constant 0.000000e+00 : f32
    %ge3A_1944 = vector.broadcast %ge3A_1943 : f32 to vector<8x128xf32>
    %ge3A_1945 = arith.cmpf oge, %div3A_1937, %ge3A_1944 : vector<8x128xf32>
    %neg3A_1946 = arith.constant 0.000000e+00 : f32
    %neg3A_1947 = vector.broadcast %neg3A_1946 : f32 to vector<8x128xf32>
    %neg3A_1948 = arith.subf %neg3A_1947, %sqrt3A_1942 : vector<8x128xf32>
    %select_n3A_1949 = arith.select %ge3A_1945, %sqrt3A_1942, %neg3A_1948 : vector<8x128xi1>, vector<8x128xf32>
    %add3A_1950 = arith.addf %div3A_1937, %select_n3A_1949 : vector<8x128xf32>
    %div3A_1951 = arith.constant 1.000000e+00 : f32
    %div3A_1952 = vector.broadcast %div3A_1951 : f32 to vector<8x128xf32>
    %div3A_1953 = arith.divf %div3A_1952, %add3A_1950 : vector<8x128xf32>
    %abs3A_1954 = math.absf %sub3A_1911 : vector<8x128xf32>
    %abs3A_1955 = math.absf %sub3A_1906 : vector<8x128xf32>
    %abs3A_1956 = math.absf %sub3A_1837 : vector<8x128xf32>
    %min3A_1957 = arith.minimumf %abs3A_1955, %abs3A_1956 : vector<8x128xf32>
    %mul3A_1958 = arith.constant 1.19209291E-8 : f32
    %mul3A_1959 = vector.broadcast %mul3A_1958 : f32 to vector<8x128xf32>
    %mul3A_1960 = arith.mulf %mul3A_1959, %min3A_1957 : vector<8x128xf32>
    %le3A_1961 = arith.cmpf ole, %abs3A_1954, %mul3A_1960 : vector<8x128xf32>
    %jit3A_1962 = arith.constant 0.000000e+00 : f32
    %broadcast_in_dim3A_1963 = vector.broadcast %jit3A_1962 : f32 to vector<8x128xf32>
    %select_n3A_1964 = arith.select %le3A_1961, %broadcast_in_dim3A_1963, %div3A_1953 : vector<8x128xi1>, vector<8x128xf32>
    %mul3A_1965 = arith.mulf %select_n3A_1964, %select_n3A_1964 : vector<8x128xf32>
    %add3A_1966 = arith.constant 1.000000e+00 : f32
    %add3A_1967 = vector.broadcast %add3A_1966 : f32 to vector<8x128xf32>
    %add3A_1968 = arith.addf %add3A_1967, %mul3A_1965 : vector<8x128xf32>
    %rsqrt3A_1969 = math.rsqrt %add3A_1968 : vector<8x128xf32>
    %mul3A_1970 = arith.mulf %select_n3A_1964, %rsqrt3A_1969 : vector<8x128xf32>
    %mul3A_1971 = arith.mulf %select_n3A_1964, %sub3A_1911 : vector<8x128xf32>
    %sub3A_1972 = arith.subf %sub3A_1906, %mul3A_1971 : vector<8x128xf32>
    %mul3A_1973 = arith.mulf %select_n3A_1964, %sub3A_1911 : vector<8x128xf32>
    %add3A_1974 = arith.addf %sub3A_1837, %mul3A_1973 : vector<8x128xf32>
    %mul3A_1975 = arith.mulf %broadcast_in_dim3A_82, %rsqrt3A_1969 : vector<8x128xf32>
    %mul3A_1976 = arith.mulf %add3A_1914, %mul3A_1970 : vector<8x128xf32>
    %sub3A_1977 = arith.subf %mul3A_1975, %mul3A_1976 : vector<8x128xf32>
    %mul3A_1978 = arith.mulf %broadcast_in_dim3A_82, %mul3A_1970 : vector<8x128xf32>
    %mul3A_1979 = arith.mulf %add3A_1914, %rsqrt3A_1969 : vector<8x128xf32>
    %add3A_1980 = arith.addf %mul3A_1978, %mul3A_1979 : vector<8x128xf32>
    %mul3A_1981 = arith.mulf %sub3A_1917, %rsqrt3A_1969 : vector<8x128xf32>
    %mul3A_1982 = arith.mulf %sub3A_1851, %mul3A_1970 : vector<8x128xf32>
    %sub3A_1983 = arith.subf %mul3A_1981, %mul3A_1982 : vector<8x128xf32>
    %mul3A_1984 = arith.mulf %sub3A_1917, %mul3A_1970 : vector<8x128xf32>
    %mul3A_1985 = arith.mulf %sub3A_1851, %rsqrt3A_1969 : vector<8x128xf32>
    %add3A_1986 = arith.addf %mul3A_1984, %mul3A_1985 : vector<8x128xf32>
    %mul3A_1987 = arith.mulf %sub3A_1923, %rsqrt3A_1969 : vector<8x128xf32>
    %mul3A_1988 = arith.mulf %sub3A_1857, %mul3A_1970 : vector<8x128xf32>
    %sub3A_1989 = arith.subf %mul3A_1987, %mul3A_1988 : vector<8x128xf32>
    %mul3A_1990 = arith.mulf %sub3A_1923, %mul3A_1970 : vector<8x128xf32>
    %mul3A_1991 = arith.mulf %sub3A_1857, %rsqrt3A_1969 : vector<8x128xf32>
    %add3A_1992 = arith.addf %mul3A_1990, %mul3A_1991 : vector<8x128xf32>
    %mul3A_1993 = arith.mulf %sub3A_1929, %rsqrt3A_1969 : vector<8x128xf32>
    %mul3A_1994 = arith.mulf %sub3A_1863, %mul3A_1970 : vector<8x128xf32>
    %sub3A_1995 = arith.subf %mul3A_1993, %mul3A_1994 : vector<8x128xf32>
    %mul3A_1996 = arith.mulf %sub3A_1929, %mul3A_1970 : vector<8x128xf32>
    %mul3A_1997 = arith.mulf %sub3A_1863, %rsqrt3A_1969 : vector<8x128xf32>
    %add3A_1998 = arith.addf %mul3A_1996, %mul3A_1997 : vector<8x128xf32>
    %sub3A_1999 = arith.subf %add3A_1908, %add3A_1974 : vector<8x128xf32>
    %mul3A_2000 = arith.constant 2.000000e+00 : f32
    %mul3A_2001 = vector.broadcast %mul3A_2000 : f32 to vector<8x128xf32>
    %mul3A_2002 = arith.mulf %mul3A_2001, %add3A_1980 : vector<8x128xf32>
    %div3A_2003 = arith.divf %sub3A_1999, %mul3A_2002 : vector<8x128xf32>
    %mul3A_2004 = arith.mulf %div3A_2003, %div3A_2003 : vector<8x128xf32>
    %add3A_2005 = arith.constant 1.000000e+00 : f32
    %add3A_2006 = vector.broadcast %add3A_2005 : f32 to vector<8x128xf32>
    %add3A_2007 = arith.addf %add3A_2006, %mul3A_2004 : vector<8x128xf32>
    %sqrt3A_2008 = math.sqrt %add3A_2007 : vector<8x128xf32>
    %ge3A_2009 = arith.constant 0.000000e+00 : f32
    %ge3A_2010 = vector.broadcast %ge3A_2009 : f32 to vector<8x128xf32>
    %ge3A_2011 = arith.cmpf oge, %div3A_2003, %ge3A_2010 : vector<8x128xf32>
    %neg3A_2012 = arith.constant 0.000000e+00 : f32
    %neg3A_2013 = vector.broadcast %neg3A_2012 : f32 to vector<8x128xf32>
    %neg3A_2014 = arith.subf %neg3A_2013, %sqrt3A_2008 : vector<8x128xf32>
    %select_n3A_2015 = arith.select %ge3A_2011, %sqrt3A_2008, %neg3A_2014 : vector<8x128xi1>, vector<8x128xf32>
    %add3A_2016 = arith.addf %div3A_2003, %select_n3A_2015 : vector<8x128xf32>
    %div3A_2017 = arith.constant 1.000000e+00 : f32
    %div3A_2018 = vector.broadcast %div3A_2017 : f32 to vector<8x128xf32>
    %div3A_2019 = arith.divf %div3A_2018, %add3A_2016 : vector<8x128xf32>
    %abs3A_2020 = math.absf %add3A_1980 : vector<8x128xf32>
    %abs3A_2021 = math.absf %add3A_1974 : vector<8x128xf32>
    %abs3A_2022 = math.absf %add3A_1908 : vector<8x128xf32>
    %min3A_2023 = arith.minimumf %abs3A_2021, %abs3A_2022 : vector<8x128xf32>
    %mul3A_2024 = arith.constant 1.19209291E-8 : f32
    %mul3A_2025 = vector.broadcast %mul3A_2024 : f32 to vector<8x128xf32>
    %mul3A_2026 = arith.mulf %mul3A_2025, %min3A_2023 : vector<8x128xf32>
    %le3A_2027 = arith.cmpf ole, %abs3A_2020, %mul3A_2026 : vector<8x128xf32>
    %jit3A_2028 = arith.constant 0.000000e+00 : f32
    %broadcast_in_dim3A_2029 = vector.broadcast %jit3A_2028 : f32 to vector<8x128xf32>
    %select_n3A_2030 = arith.select %le3A_2027, %broadcast_in_dim3A_2029, %div3A_2019 : vector<8x128xi1>, vector<8x128xf32>
    %mul3A_2031 = arith.mulf %select_n3A_2030, %select_n3A_2030 : vector<8x128xf32>
    %add3A_2032 = arith.constant 1.000000e+00 : f32
    %add3A_2033 = vector.broadcast %add3A_2032 : f32 to vector<8x128xf32>
    %add3A_2034 = arith.addf %add3A_2033, %mul3A_2031 : vector<8x128xf32>
    %rsqrt3A_2035 = math.rsqrt %add3A_2034 : vector<8x128xf32>
    %mul3A_2036 = arith.mulf %select_n3A_2030, %rsqrt3A_2035 : vector<8x128xf32>
    %mul3A_2037 = arith.mulf %select_n3A_2030, %add3A_1980 : vector<8x128xf32>
    %sub3A_2038 = arith.subf %add3A_1974, %mul3A_2037 : vector<8x128xf32>
    %mul3A_2039 = arith.mulf %select_n3A_2030, %add3A_1980 : vector<8x128xf32>
    %add3A_2040 = arith.addf %add3A_1908, %mul3A_2039 : vector<8x128xf32>
    %mul3A_2041 = arith.mulf %broadcast_in_dim3A_82, %mul3A_2036 : vector<8x128xf32>
    %mul3A_2042 = arith.mulf %sub3A_1977, %rsqrt3A_2035 : vector<8x128xf32>
    %add3A_2043 = arith.addf %mul3A_2041, %mul3A_2042 : vector<8x128xf32>
    %mul3A_2044 = arith.mulf %add3A_1986, %rsqrt3A_2035 : vector<8x128xf32>
    %mul3A_2045 = arith.mulf %add3A_1920, %mul3A_2036 : vector<8x128xf32>
    %sub3A_2046 = arith.subf %mul3A_2044, %mul3A_2045 : vector<8x128xf32>
    %mul3A_2047 = arith.mulf %add3A_1986, %mul3A_2036 : vector<8x128xf32>
    %mul3A_2048 = arith.mulf %add3A_1920, %rsqrt3A_2035 : vector<8x128xf32>
    %add3A_2049 = arith.addf %mul3A_2047, %mul3A_2048 : vector<8x128xf32>
    %mul3A_2050 = arith.mulf %add3A_1992, %rsqrt3A_2035 : vector<8x128xf32>
    %mul3A_2051 = arith.mulf %add3A_1926, %mul3A_2036 : vector<8x128xf32>
    %sub3A_2052 = arith.subf %mul3A_2050, %mul3A_2051 : vector<8x128xf32>
    %mul3A_2053 = arith.mulf %add3A_1992, %mul3A_2036 : vector<8x128xf32>
    %mul3A_2054 = arith.mulf %add3A_1926, %rsqrt3A_2035 : vector<8x128xf32>
    %add3A_2055 = arith.addf %mul3A_2053, %mul3A_2054 : vector<8x128xf32>
    %mul3A_2056 = arith.mulf %add3A_1998, %rsqrt3A_2035 : vector<8x128xf32>
    %mul3A_2057 = arith.mulf %add3A_1932, %mul3A_2036 : vector<8x128xf32>
    %sub3A_2058 = arith.subf %mul3A_2056, %mul3A_2057 : vector<8x128xf32>
    %mul3A_2059 = arith.mulf %add3A_1998, %mul3A_2036 : vector<8x128xf32>
    %mul3A_2060 = arith.mulf %add3A_1932, %rsqrt3A_2035 : vector<8x128xf32>
    %add3A_2061 = arith.addf %mul3A_2059, %mul3A_2060 : vector<8x128xf32>
    %sub3A_2062 = arith.subf %add3A_2040, %sub3A_1972 : vector<8x128xf32>
    %mul3A_2063 = arith.constant 2.000000e+00 : f32
    %mul3A_2064 = vector.broadcast %mul3A_2063 : f32 to vector<8x128xf32>
    %mul3A_2065 = arith.mulf %mul3A_2064, %add3A_2043 : vector<8x128xf32>
    %div3A_2066 = arith.divf %sub3A_2062, %mul3A_2065 : vector<8x128xf32>
    %mul3A_2067 = arith.mulf %div3A_2066, %div3A_2066 : vector<8x128xf32>
    %add3A_2068 = arith.constant 1.000000e+00 : f32
    %add3A_2069 = vector.broadcast %add3A_2068 : f32 to vector<8x128xf32>
    %add3A_2070 = arith.addf %add3A_2069, %mul3A_2067 : vector<8x128xf32>
    %sqrt3A_2071 = math.sqrt %add3A_2070 : vector<8x128xf32>
    %ge3A_2072 = arith.constant 0.000000e+00 : f32
    %ge3A_2073 = vector.broadcast %ge3A_2072 : f32 to vector<8x128xf32>
    %ge3A_2074 = arith.cmpf oge, %div3A_2066, %ge3A_2073 : vector<8x128xf32>
    %neg3A_2075 = arith.constant 0.000000e+00 : f32
    %neg3A_2076 = vector.broadcast %neg3A_2075 : f32 to vector<8x128xf32>
    %neg3A_2077 = arith.subf %neg3A_2076, %sqrt3A_2071 : vector<8x128xf32>
    %select_n3A_2078 = arith.select %ge3A_2074, %sqrt3A_2071, %neg3A_2077 : vector<8x128xi1>, vector<8x128xf32>
    %add3A_2079 = arith.addf %div3A_2066, %select_n3A_2078 : vector<8x128xf32>
    %div3A_2080 = arith.constant 1.000000e+00 : f32
    %div3A_2081 = vector.broadcast %div3A_2080 : f32 to vector<8x128xf32>
    %div3A_2082 = arith.divf %div3A_2081, %add3A_2079 : vector<8x128xf32>
    %abs3A_2083 = math.absf %add3A_2043 : vector<8x128xf32>
    %abs3A_2084 = math.absf %sub3A_1972 : vector<8x128xf32>
    %abs3A_2085 = math.absf %add3A_2040 : vector<8x128xf32>
    %min3A_2086 = arith.minimumf %abs3A_2084, %abs3A_2085 : vector<8x128xf32>
    %mul3A_2087 = arith.constant 1.19209291E-8 : f32
    %mul3A_2088 = vector.broadcast %mul3A_2087 : f32 to vector<8x128xf32>
    %mul3A_2089 = arith.mulf %mul3A_2088, %min3A_2086 : vector<8x128xf32>
    %le3A_2090 = arith.cmpf ole, %abs3A_2083, %mul3A_2089 : vector<8x128xf32>
    %jit3A_2091 = arith.constant 0.000000e+00 : f32
    %broadcast_in_dim3A_2092 = vector.broadcast %jit3A_2091 : f32 to vector<8x128xf32>
    %select_n3A_2093 = arith.select %le3A_2090, %broadcast_in_dim3A_2092, %div3A_2082 : vector<8x128xi1>, vector<8x128xf32>
    %mul3A_2094 = arith.mulf %select_n3A_2093, %select_n3A_2093 : vector<8x128xf32>
    %add3A_2095 = arith.constant 1.000000e+00 : f32
    %add3A_2096 = vector.broadcast %add3A_2095 : f32 to vector<8x128xf32>
    %add3A_2097 = arith.addf %add3A_2096, %mul3A_2094 : vector<8x128xf32>
    %rsqrt3A_2098 = math.rsqrt %add3A_2097 : vector<8x128xf32>
    %mul3A_2099 = arith.mulf %select_n3A_2093, %rsqrt3A_2098 : vector<8x128xf32>
    %mul3A_2100 = arith.mulf %select_n3A_2093, %add3A_2043 : vector<8x128xf32>
    %sub3A_2101 = arith.subf %sub3A_1972, %mul3A_2100 : vector<8x128xf32>
    %mul3A_2102 = arith.mulf %select_n3A_2093, %add3A_2043 : vector<8x128xf32>
    %add3A_2103 = arith.addf %add3A_2040, %mul3A_2102 : vector<8x128xf32>
    %mul3A_2104 = arith.mulf %sub3A_1983, %rsqrt3A_2098 : vector<8x128xf32>
    %mul3A_2105 = arith.mulf %add3A_2049, %mul3A_2099 : vector<8x128xf32>
    %sub3A_2106 = arith.subf %mul3A_2104, %mul3A_2105 : vector<8x128xf32>
    %mul3A_2107 = arith.mulf %sub3A_1983, %mul3A_2099 : vector<8x128xf32>
    %mul3A_2108 = arith.mulf %add3A_2049, %rsqrt3A_2098 : vector<8x128xf32>
    %add3A_2109 = arith.addf %mul3A_2107, %mul3A_2108 : vector<8x128xf32>
    %mul3A_2110 = arith.mulf %sub3A_1989, %rsqrt3A_2098 : vector<8x128xf32>
    %mul3A_2111 = arith.mulf %add3A_2055, %mul3A_2099 : vector<8x128xf32>
    %sub3A_2112 = arith.subf %mul3A_2110, %mul3A_2111 : vector<8x128xf32>
    %mul3A_2113 = arith.mulf %sub3A_1989, %mul3A_2099 : vector<8x128xf32>
    %mul3A_2114 = arith.mulf %add3A_2055, %rsqrt3A_2098 : vector<8x128xf32>
    %add3A_2115 = arith.addf %mul3A_2113, %mul3A_2114 : vector<8x128xf32>
    %mul3A_2116 = arith.mulf %sub3A_1995, %rsqrt3A_2098 : vector<8x128xf32>
    %mul3A_2117 = arith.mulf %add3A_2061, %mul3A_2099 : vector<8x128xf32>
    %sub3A_2118 = arith.subf %mul3A_2116, %mul3A_2117 : vector<8x128xf32>
    %mul3A_2119 = arith.mulf %sub3A_1995, %mul3A_2099 : vector<8x128xf32>
    %mul3A_2120 = arith.mulf %add3A_2061, %rsqrt3A_2098 : vector<8x128xf32>
    %add3A_2121 = arith.addf %mul3A_2119, %mul3A_2120 : vector<8x128xf32>
    %lt3A = arith.cmpf olt, %add3A_2103, %sub3A_2101 : vector<8x128xf32>
    %jit3A_2122 = arith.constant 1 : i32
    %jit3A_2123 = arith.constant 0 : i32
    %broadcast_in_dim3A_2124 = vector.broadcast %jit3A_2122 : i32 to vector<8x128xi32>
    %broadcast_in_dim3A_2125 = vector.broadcast %jit3A_2123 : i32 to vector<8x128xi32>
    %select_n3A_2126 = arith.select %lt3A, %broadcast_in_dim3A_2124, %broadcast_in_dim3A_2125 : vector<8x128xi1>, vector<8x128xi32>
    %lt3A_2127 = arith.cmpf olt, %add3A_2103, %sub3A_2101 : vector<8x128xf32>
    %select_n3A_2128 = arith.select %lt3A_2127, %add3A_2103, %sub3A_2101 : vector<8x128xi1>, vector<8x128xf32>
    %lt3A_2129 = arith.cmpf olt, %sub3A_2038, %select_n3A_2128 : vector<8x128xf32>
    %jit3A_2130 = arith.constant 2 : i32
    %broadcast_in_dim3A_2131 = vector.broadcast %jit3A_2130 : i32 to vector<8x128xi32>
    %select_n3A_2132 = arith.select %lt3A_2129, %broadcast_in_dim3A_2131, %select_n3A_2126 : vector<8x128xi1>, vector<8x128xi32>
    %eq3A = arith.constant 0 : i32
    %eq3A_2133 = vector.broadcast %eq3A : i32 to vector<8x128xi32>
    %eq3A_2134 = arith.cmpi eq, %select_n3A_2132, %eq3A_2133 : vector<8x128xi32>
    %eq3A_2135 = arith.constant 1 : i32
    %eq3A_2136 = vector.broadcast %eq3A_2135 : i32 to vector<8x128xi32>
    %eq3A_2137 = arith.cmpi eq, %select_n3A_2132, %eq3A_2136 : vector<8x128xi32>
    %select_n3A_2138 = arith.select %eq3A_2137, %add3A_2109, %sub3A_2046 : vector<8x128xi1>, vector<8x128xf32>
    %select_n3A_2139 = arith.select %eq3A_2134, %sub3A_2106, %select_n3A_2138 : vector<8x128xi1>, vector<8x128xf32>
    %select_n3A_2140 = arith.select %eq3A_2137, %add3A_2115, %sub3A_2052 : vector<8x128xi1>, vector<8x128xf32>
    %select_n3A_2141 = arith.select %eq3A_2134, %sub3A_2112, %select_n3A_2140 : vector<8x128xi1>, vector<8x128xf32>
    %select_n3A_2142 = arith.select %eq3A_2137, %add3A_2121, %sub3A_2058 : vector<8x128xi1>, vector<8x128xf32>
    %select_n3A_2143 = arith.select %eq3A_2134, %sub3A_2118, %select_n3A_2142 : vector<8x128xi1>, vector<8x128xf32>
    %get3A_2144 = arith.constant 0 : index
    %get3A_2145 = arith.constant 0 : index
    %get3A_2146 = arith.constant 0 : index
    %get3A_2147 = vector.load %arg3[%get3A_2144, %get3A_2145, %get3A_2146] : memref<3x8x128xf32, #tpu.memory_space<vmem>>, vector<1x8x128xf32>
    %get3A_2148 = vector.shape_cast %get3A_2147 : vector<1x8x128xf32> to vector<8x128xf32>
    %div3A_2149 = arith.constant 1.000000e+01 : f32
    %div3A_2150 = vector.broadcast %div3A_2149 : f32 to vector<8x128xf32>
    %div3A_2151 = arith.divf %get3A_2148, %div3A_2150 : vector<8x128xf32>
    %get3A_2152 = arith.constant 1 : index
    %get3A_2153 = arith.constant 0 : index
    %get3A_2154 = arith.constant 0 : index
    %get3A_2155 = vector.load %arg3[%get3A_2152, %get3A_2153, %get3A_2154] : memref<3x8x128xf32, #tpu.memory_space<vmem>>, vector<1x8x128xf32>
    %get3A_2156 = vector.shape_cast %get3A_2155 : vector<1x8x128xf32> to vector<8x128xf32>
    %div3A_2157 = arith.constant 1.000000e+01 : f32
    %div3A_2158 = vector.broadcast %div3A_2157 : f32 to vector<8x128xf32>
    %div3A_2159 = arith.divf %get3A_2156, %div3A_2158 : vector<8x128xf32>
    %get3A_2160 = arith.constant 2 : index
    %get3A_2161 = arith.constant 0 : index
    %get3A_2162 = arith.constant 0 : index
    %get3A_2163 = vector.load %arg3[%get3A_2160, %get3A_2161, %get3A_2162] : memref<3x8x128xf32, #tpu.memory_space<vmem>>, vector<1x8x128xf32>
    %get3A_2164 = vector.shape_cast %get3A_2163 : vector<1x8x128xf32> to vector<8x128xf32>
    %div3A_2165 = arith.constant 1.000000e+01 : f32
    %div3A_2166 = vector.broadcast %div3A_2165 : f32 to vector<8x128xf32>
    %div3A_2167 = arith.divf %get3A_2164, %div3A_2166 : vector<8x128xf32>
    %get3A_2168 = arith.constant 0 : index
    %get3A_2169 = arith.constant 0 : index
    %get3A_2170 = arith.constant 0 : index
    %get3A_2171 = vector.load %arg4[%get3A_2168, %get3A_2169, %get3A_2170] : memref<6x8x128xf32, #tpu.memory_space<vmem>>, vector<1x8x128xf32>
    %get3A_2172 = vector.shape_cast %get3A_2171 : vector<1x8x128xf32> to vector<8x128xf32>
    %div3A_2173 = arith.constant 1.000000e+01 : f32
    %div3A_2174 = vector.broadcast %div3A_2173 : f32 to vector<8x128xf32>
    %div3A_2175 = arith.divf %get3A_2172, %div3A_2174 : vector<8x128xf32>
    %mul3A_2176 = arith.mulf %div3A_2151, %div3A_2151 : vector<8x128xf32>
    %sub3A_2177 = arith.subf %div3A_2175, %mul3A_2176 : vector<8x128xf32>
    %get3A_2178 = arith.constant 1 : index
    %get3A_2179 = arith.constant 0 : index
    %get3A_2180 = arith.constant 0 : index
    %get3A_2181 = vector.load %arg4[%get3A_2178, %get3A_2179, %get3A_2180] : memref<6x8x128xf32, #tpu.memory_space<vmem>>, vector<1x8x128xf32>
    %get3A_2182 = vector.shape_cast %get3A_2181 : vector<1x8x128xf32> to vector<8x128xf32>
    %div3A_2183 = arith.constant 1.000000e+01 : f32
    %div3A_2184 = vector.broadcast %div3A_2183 : f32 to vector<8x128xf32>
    %div3A_2185 = arith.divf %get3A_2182, %div3A_2184 : vector<8x128xf32>
    %mul3A_2186 = arith.mulf %div3A_2159, %div3A_2151 : vector<8x128xf32>
    %sub3A_2187 = arith.subf %div3A_2185, %mul3A_2186 : vector<8x128xf32>
    %get3A_2188 = arith.constant 2 : index
    %get3A_2189 = arith.constant 0 : index
    %get3A_2190 = arith.constant 0 : index
    %get3A_2191 = vector.load %arg4[%get3A_2188, %get3A_2189, %get3A_2190] : memref<6x8x128xf32, #tpu.memory_space<vmem>>, vector<1x8x128xf32>
    %get3A_2192 = vector.shape_cast %get3A_2191 : vector<1x8x128xf32> to vector<8x128xf32>
    %div3A_2193 = arith.constant 1.000000e+01 : f32
    %div3A_2194 = vector.broadcast %div3A_2193 : f32 to vector<8x128xf32>
    %div3A_2195 = arith.divf %get3A_2192, %div3A_2194 : vector<8x128xf32>
    %mul3A_2196 = arith.mulf %div3A_2167, %div3A_2151 : vector<8x128xf32>
    %sub3A_2197 = arith.subf %div3A_2195, %mul3A_2196 : vector<8x128xf32>
    %get3A_2198 = arith.constant 3 : index
    %get3A_2199 = arith.constant 0 : index
    %get3A_2200 = arith.constant 0 : index
    %get3A_2201 = vector.load %arg4[%get3A_2198, %get3A_2199, %get3A_2200] : memref<6x8x128xf32, #tpu.memory_space<vmem>>, vector<1x8x128xf32>
    %get3A_2202 = vector.shape_cast %get3A_2201 : vector<1x8x128xf32> to vector<8x128xf32>
    %div3A_2203 = arith.constant 1.000000e+01 : f32
    %div3A_2204 = vector.broadcast %div3A_2203 : f32 to vector<8x128xf32>
    %div3A_2205 = arith.divf %get3A_2202, %div3A_2204 : vector<8x128xf32>
    %mul3A_2206 = arith.mulf %div3A_2159, %div3A_2159 : vector<8x128xf32>
    %sub3A_2207 = arith.subf %div3A_2205, %mul3A_2206 : vector<8x128xf32>
    %get3A_2208 = arith.constant 4 : index
    %get3A_2209 = arith.constant 0 : index
    %get3A_2210 = arith.constant 0 : index
    %get3A_2211 = vector.load %arg4[%get3A_2208, %get3A_2209, %get3A_2210] : memref<6x8x128xf32, #tpu.memory_space<vmem>>, vector<1x8x128xf32>
    %get3A_2212 = vector.shape_cast %get3A_2211 : vector<1x8x128xf32> to vector<8x128xf32>
    %div3A_2213 = arith.constant 1.000000e+01 : f32
    %div3A_2214 = vector.broadcast %div3A_2213 : f32 to vector<8x128xf32>
    %div3A_2215 = arith.divf %get3A_2212, %div3A_2214 : vector<8x128xf32>
    %mul3A_2216 = arith.mulf %div3A_2167, %div3A_2159 : vector<8x128xf32>
    %sub3A_2217 = arith.subf %div3A_2215, %mul3A_2216 : vector<8x128xf32>
    %get3A_2218 = arith.constant 5 : index
    %get3A_2219 = arith.constant 0 : index
    %get3A_2220 = arith.constant 0 : index
    %get3A_2221 = vector.load %arg4[%get3A_2218, %get3A_2219, %get3A_2220] : memref<6x8x128xf32, #tpu.memory_space<vmem>>, vector<1x8x128xf32>
    %get3A_2222 = vector.shape_cast %get3A_2221 : vector<1x8x128xf32> to vector<8x128xf32>
    %div3A_2223 = arith.constant 1.000000e+01 : f32
    %div3A_2224 = vector.broadcast %div3A_2223 : f32 to vector<8x128xf32>
    %div3A_2225 = arith.divf %get3A_2222, %div3A_2224 : vector<8x128xf32>
    %mul3A_2226 = arith.mulf %div3A_2167, %div3A_2167 : vector<8x128xf32>
    %sub3A_2227 = arith.subf %div3A_2225, %mul3A_2226 : vector<8x128xf32>
    %broadcast_in_dim3A_2228 = arith.constant 1.000000e+00 : f32
    %broadcast_in_dim3A_2229 = vector.broadcast %broadcast_in_dim3A_2228 : f32 to vector<8x128xf32>
    %broadcast_in_dim3A_2230 = arith.constant 0.000000e+00 : f32
    %broadcast_in_dim3A_2231 = vector.broadcast %broadcast_in_dim3A_2230 : f32 to vector<8x128xf32>
    %sub3A_2232 = arith.subf %sub3A_2227, %sub3A_2177 : vector<8x128xf32>
    %mul3A_2233 = arith.constant 2.000000e+00 : f32
    %mul3A_2234 = vector.broadcast %mul3A_2233 : f32 to vector<8x128xf32>
    %mul3A_2235 = arith.mulf %mul3A_2234, %sub3A_2197 : vector<8x128xf32>
    %div3A_2236 = arith.divf %sub3A_2232, %mul3A_2235 : vector<8x128xf32>
    %mul3A_2237 = arith.mulf %div3A_2236, %div3A_2236 : vector<8x128xf32>
    %add3A_2238 = arith.constant 1.000000e+00 : f32
    %add3A_2239 = vector.broadcast %add3A_2238 : f32 to vector<8x128xf32>
    %add3A_2240 = arith.addf %add3A_2239, %mul3A_2237 : vector<8x128xf32>
    %sqrt3A_2241 = math.sqrt %add3A_2240 : vector<8x128xf32>
    %ge3A_2242 = arith.constant 0.000000e+00 : f32
    %ge3A_2243 = vector.broadcast %ge3A_2242 : f32 to vector<8x128xf32>
    %ge3A_2244 = arith.cmpf oge, %div3A_2236, %ge3A_2243 : vector<8x128xf32>
    %neg3A_2245 = arith.constant 0.000000e+00 : f32
    %neg3A_2246 = vector.broadcast %neg3A_2245 : f32 to vector<8x128xf32>
    %neg3A_2247 = arith.subf %neg3A_2246, %sqrt3A_2241 : vector<8x128xf32>
    %select_n3A_2248 = arith.select %ge3A_2244, %sqrt3A_2241, %neg3A_2247 : vector<8x128xi1>, vector<8x128xf32>
    %add3A_2249 = arith.addf %div3A_2236, %select_n3A_2248 : vector<8x128xf32>
    %div3A_2250 = arith.constant 1.000000e+00 : f32
    %div3A_2251 = vector.broadcast %div3A_2250 : f32 to vector<8x128xf32>
    %div3A_2252 = arith.divf %div3A_2251, %add3A_2249 : vector<8x128xf32>
    %abs3A_2253 = math.absf %sub3A_2197 : vector<8x128xf32>
    %abs3A_2254 = math.absf %sub3A_2177 : vector<8x128xf32>
    %abs3A_2255 = math.absf %sub3A_2227 : vector<8x128xf32>
    %min3A_2256 = arith.minimumf %abs3A_2254, %abs3A_2255 : vector<8x128xf32>
    %mul3A_2257 = arith.constant 1.19209291E-8 : f32
    %mul3A_2258 = vector.broadcast %mul3A_2257 : f32 to vector<8x128xf32>
    %mul3A_2259 = arith.mulf %mul3A_2258, %min3A_2256 : vector<8x128xf32>
    %le3A_2260 = arith.cmpf ole, %abs3A_2253, %mul3A_2259 : vector<8x128xf32>
    %jit3A_2261 = arith.constant 0.000000e+00 : f32
    %broadcast_in_dim3A_2262 = vector.broadcast %jit3A_2261 : f32 to vector<8x128xf32>
    %select_n3A_2263 = arith.select %le3A_2260, %broadcast_in_dim3A_2262, %div3A_2252 : vector<8x128xi1>, vector<8x128xf32>
    %mul3A_2264 = arith.mulf %select_n3A_2263, %select_n3A_2263 : vector<8x128xf32>
    %add3A_2265 = arith.constant 1.000000e+00 : f32
    %add3A_2266 = vector.broadcast %add3A_2265 : f32 to vector<8x128xf32>
    %add3A_2267 = arith.addf %add3A_2266, %mul3A_2264 : vector<8x128xf32>
    %rsqrt3A_2268 = math.rsqrt %add3A_2267 : vector<8x128xf32>
    %mul3A_2269 = arith.mulf %select_n3A_2263, %rsqrt3A_2268 : vector<8x128xf32>
    %mul3A_2270 = arith.mulf %select_n3A_2263, %sub3A_2197 : vector<8x128xf32>
    %sub3A_2271 = arith.subf %sub3A_2177, %mul3A_2270 : vector<8x128xf32>
    %mul3A_2272 = arith.mulf %select_n3A_2263, %sub3A_2197 : vector<8x128xf32>
    %add3A_2273 = arith.addf %sub3A_2227, %mul3A_2272 : vector<8x128xf32>
    %mul3A_2274 = arith.mulf %sub3A_2187, %rsqrt3A_2268 : vector<8x128xf32>
    %mul3A_2275 = arith.mulf %sub3A_2217, %mul3A_2269 : vector<8x128xf32>
    %sub3A_2276 = arith.subf %mul3A_2274, %mul3A_2275 : vector<8x128xf32>
    %mul3A_2277 = arith.mulf %sub3A_2187, %mul3A_2269 : vector<8x128xf32>
    %mul3A_2278 = arith.mulf %sub3A_2217, %rsqrt3A_2268 : vector<8x128xf32>
    %add3A_2279 = arith.addf %mul3A_2277, %mul3A_2278 : vector<8x128xf32>
    %mul3A_2280 = arith.mulf %sub3A_2187, %rsqrt3A_2268 : vector<8x128xf32>
    %mul3A_2281 = arith.mulf %sub3A_2217, %mul3A_2269 : vector<8x128xf32>
    %sub3A_2282 = arith.subf %mul3A_2280, %mul3A_2281 : vector<8x128xf32>
    %mul3A_2283 = arith.mulf %broadcast_in_dim3A_2229, %rsqrt3A_2268 : vector<8x128xf32>
    %mul3A_2284 = arith.mulf %broadcast_in_dim3A_2231, %mul3A_2269 : vector<8x128xf32>
    %sub3A_2285 = arith.subf %mul3A_2283, %mul3A_2284 : vector<8x128xf32>
    %mul3A_2286 = arith.mulf %broadcast_in_dim3A_2229, %mul3A_2269 : vector<8x128xf32>
    %mul3A_2287 = arith.mulf %broadcast_in_dim3A_2231, %rsqrt3A_2268 : vector<8x128xf32>
    %add3A_2288 = arith.addf %mul3A_2286, %mul3A_2287 : vector<8x128xf32>
    %mul3A_2289 = arith.mulf %broadcast_in_dim3A_2231, %rsqrt3A_2268 : vector<8x128xf32>
    %mul3A_2290 = arith.mulf %broadcast_in_dim3A_2231, %mul3A_2269 : vector<8x128xf32>
    %sub3A_2291 = arith.subf %mul3A_2289, %mul3A_2290 : vector<8x128xf32>
    %mul3A_2292 = arith.mulf %broadcast_in_dim3A_2231, %mul3A_2269 : vector<8x128xf32>
    %mul3A_2293 = arith.mulf %broadcast_in_dim3A_2231, %rsqrt3A_2268 : vector<8x128xf32>
    %add3A_2294 = arith.addf %mul3A_2292, %mul3A_2293 : vector<8x128xf32>
    %mul3A_2295 = arith.mulf %broadcast_in_dim3A_2231, %rsqrt3A_2268 : vector<8x128xf32>
    %mul3A_2296 = arith.mulf %broadcast_in_dim3A_2229, %mul3A_2269 : vector<8x128xf32>
    %sub3A_2297 = arith.subf %mul3A_2295, %mul3A_2296 : vector<8x128xf32>
    %mul3A_2298 = arith.mulf %broadcast_in_dim3A_2231, %mul3A_2269 : vector<8x128xf32>
    %mul3A_2299 = arith.mulf %broadcast_in_dim3A_2229, %rsqrt3A_2268 : vector<8x128xf32>
    %add3A_2300 = arith.addf %mul3A_2298, %mul3A_2299 : vector<8x128xf32>
    %sub3A_2301 = arith.subf %sub3A_2207, %add3A_2273 : vector<8x128xf32>
    %mul3A_2302 = arith.constant 2.000000e+00 : f32
    %mul3A_2303 = vector.broadcast %mul3A_2302 : f32 to vector<8x128xf32>
    %mul3A_2304 = arith.mulf %mul3A_2303, %add3A_2279 : vector<8x128xf32>
    %div3A_2305 = arith.divf %sub3A_2301, %mul3A_2304 : vector<8x128xf32>
    %mul3A_2306 = arith.mulf %div3A_2305, %div3A_2305 : vector<8x128xf32>
    %add3A_2307 = arith.constant 1.000000e+00 : f32
    %add3A_2308 = vector.broadcast %add3A_2307 : f32 to vector<8x128xf32>
    %add3A_2309 = arith.addf %add3A_2308, %mul3A_2306 : vector<8x128xf32>
    %sqrt3A_2310 = math.sqrt %add3A_2309 : vector<8x128xf32>
    %ge3A_2311 = arith.constant 0.000000e+00 : f32
    %ge3A_2312 = vector.broadcast %ge3A_2311 : f32 to vector<8x128xf32>
    %ge3A_2313 = arith.cmpf oge, %div3A_2305, %ge3A_2312 : vector<8x128xf32>
    %neg3A_2314 = arith.constant 0.000000e+00 : f32
    %neg3A_2315 = vector.broadcast %neg3A_2314 : f32 to vector<8x128xf32>
    %neg3A_2316 = arith.subf %neg3A_2315, %sqrt3A_2310 : vector<8x128xf32>
    %select_n3A_2317 = arith.select %ge3A_2313, %sqrt3A_2310, %neg3A_2316 : vector<8x128xi1>, vector<8x128xf32>
    %add3A_2318 = arith.addf %div3A_2305, %select_n3A_2317 : vector<8x128xf32>
    %div3A_2319 = arith.constant 1.000000e+00 : f32
    %div3A_2320 = vector.broadcast %div3A_2319 : f32 to vector<8x128xf32>
    %div3A_2321 = arith.divf %div3A_2320, %add3A_2318 : vector<8x128xf32>
    %abs3A_2322 = math.absf %add3A_2279 : vector<8x128xf32>
    %abs3A_2323 = math.absf %add3A_2273 : vector<8x128xf32>
    %abs3A_2324 = math.absf %sub3A_2207 : vector<8x128xf32>
    %min3A_2325 = arith.minimumf %abs3A_2323, %abs3A_2324 : vector<8x128xf32>
    %mul3A_2326 = arith.constant 1.19209291E-8 : f32
    %mul3A_2327 = vector.broadcast %mul3A_2326 : f32 to vector<8x128xf32>
    %mul3A_2328 = arith.mulf %mul3A_2327, %min3A_2325 : vector<8x128xf32>
    %le3A_2329 = arith.cmpf ole, %abs3A_2322, %mul3A_2328 : vector<8x128xf32>
    %jit3A_2330 = arith.constant 0.000000e+00 : f32
    %broadcast_in_dim3A_2331 = vector.broadcast %jit3A_2330 : f32 to vector<8x128xf32>
    %select_n3A_2332 = arith.select %le3A_2329, %broadcast_in_dim3A_2331, %div3A_2321 : vector<8x128xi1>, vector<8x128xf32>
    %mul3A_2333 = arith.mulf %select_n3A_2332, %select_n3A_2332 : vector<8x128xf32>
    %add3A_2334 = arith.constant 1.000000e+00 : f32
    %add3A_2335 = vector.broadcast %add3A_2334 : f32 to vector<8x128xf32>
    %add3A_2336 = arith.addf %add3A_2335, %mul3A_2333 : vector<8x128xf32>
    %rsqrt3A_2337 = math.rsqrt %add3A_2336 : vector<8x128xf32>
    %mul3A_2338 = arith.mulf %select_n3A_2332, %rsqrt3A_2337 : vector<8x128xf32>
    %mul3A_2339 = arith.mulf %select_n3A_2332, %add3A_2279 : vector<8x128xf32>
    %sub3A_2340 = arith.subf %add3A_2273, %mul3A_2339 : vector<8x128xf32>
    %mul3A_2341 = arith.mulf %select_n3A_2332, %add3A_2279 : vector<8x128xf32>
    %add3A_2342 = arith.addf %sub3A_2207, %mul3A_2341 : vector<8x128xf32>
    %mul3A_2343 = arith.mulf %broadcast_in_dim3A_2231, %rsqrt3A_2337 : vector<8x128xf32>
    %mul3A_2344 = arith.mulf %sub3A_2282, %mul3A_2338 : vector<8x128xf32>
    %sub3A_2345 = arith.subf %mul3A_2343, %mul3A_2344 : vector<8x128xf32>
    %mul3A_2346 = arith.mulf %broadcast_in_dim3A_2231, %rsqrt3A_2337 : vector<8x128xf32>
    %mul3A_2347 = arith.mulf %sub3A_2276, %mul3A_2338 : vector<8x128xf32>
    %sub3A_2348 = arith.subf %mul3A_2346, %mul3A_2347 : vector<8x128xf32>
    %mul3A_2349 = arith.mulf %broadcast_in_dim3A_2231, %mul3A_2338 : vector<8x128xf32>
    %mul3A_2350 = arith.mulf %sub3A_2276, %rsqrt3A_2337 : vector<8x128xf32>
    %add3A_2351 = arith.addf %mul3A_2349, %mul3A_2350 : vector<8x128xf32>
    %mul3A_2352 = arith.mulf %add3A_2288, %rsqrt3A_2337 : vector<8x128xf32>
    %mul3A_2353 = arith.mulf %broadcast_in_dim3A_2231, %mul3A_2338 : vector<8x128xf32>
    %sub3A_2354 = arith.subf %mul3A_2352, %mul3A_2353 : vector<8x128xf32>
    %mul3A_2355 = arith.mulf %add3A_2288, %mul3A_2338 : vector<8x128xf32>
    %mul3A_2356 = arith.mulf %broadcast_in_dim3A_2231, %rsqrt3A_2337 : vector<8x128xf32>
    %add3A_2357 = arith.addf %mul3A_2355, %mul3A_2356 : vector<8x128xf32>
    %mul3A_2358 = arith.mulf %add3A_2294, %rsqrt3A_2337 : vector<8x128xf32>
    %mul3A_2359 = arith.mulf %broadcast_in_dim3A_2229, %mul3A_2338 : vector<8x128xf32>
    %sub3A_2360 = arith.subf %mul3A_2358, %mul3A_2359 : vector<8x128xf32>
    %mul3A_2361 = arith.mulf %add3A_2294, %mul3A_2338 : vector<8x128xf32>
    %mul3A_2362 = arith.mulf %broadcast_in_dim3A_2229, %rsqrt3A_2337 : vector<8x128xf32>
    %add3A_2363 = arith.addf %mul3A_2361, %mul3A_2362 : vector<8x128xf32>
    %mul3A_2364 = arith.mulf %add3A_2300, %rsqrt3A_2337 : vector<8x128xf32>
    %mul3A_2365 = arith.mulf %broadcast_in_dim3A_2231, %mul3A_2338 : vector<8x128xf32>
    %sub3A_2366 = arith.subf %mul3A_2364, %mul3A_2365 : vector<8x128xf32>
    %mul3A_2367 = arith.mulf %add3A_2300, %mul3A_2338 : vector<8x128xf32>
    %mul3A_2368 = arith.mulf %broadcast_in_dim3A_2231, %rsqrt3A_2337 : vector<8x128xf32>
    %add3A_2369 = arith.addf %mul3A_2367, %mul3A_2368 : vector<8x128xf32>
    %sub3A_2370 = arith.subf %add3A_2342, %sub3A_2271 : vector<8x128xf32>
    %mul3A_2371 = arith.constant 2.000000e+00 : f32
    %mul3A_2372 = vector.broadcast %mul3A_2371 : f32 to vector<8x128xf32>
    %mul3A_2373 = arith.mulf %mul3A_2372, %add3A_2351 : vector<8x128xf32>
    %div3A_2374 = arith.divf %sub3A_2370, %mul3A_2373 : vector<8x128xf32>
    %mul3A_2375 = arith.mulf %div3A_2374, %div3A_2374 : vector<8x128xf32>
    %add3A_2376 = arith.constant 1.000000e+00 : f32
    %add3A_2377 = vector.broadcast %add3A_2376 : f32 to vector<8x128xf32>
    %add3A_2378 = arith.addf %add3A_2377, %mul3A_2375 : vector<8x128xf32>
    %sqrt3A_2379 = math.sqrt %add3A_2378 : vector<8x128xf32>
    %ge3A_2380 = arith.constant 0.000000e+00 : f32
    %ge3A_2381 = vector.broadcast %ge3A_2380 : f32 to vector<8x128xf32>
    %ge3A_2382 = arith.cmpf oge, %div3A_2374, %ge3A_2381 : vector<8x128xf32>
    %neg3A_2383 = arith.constant 0.000000e+00 : f32
    %neg3A_2384 = vector.broadcast %neg3A_2383 : f32 to vector<8x128xf32>
    %neg3A_2385 = arith.subf %neg3A_2384, %sqrt3A_2379 : vector<8x128xf32>
    %select_n3A_2386 = arith.select %ge3A_2382, %sqrt3A_2379, %neg3A_2385 : vector<8x128xi1>, vector<8x128xf32>
    %add3A_2387 = arith.addf %div3A_2374, %select_n3A_2386 : vector<8x128xf32>
    %div3A_2388 = arith.constant 1.000000e+00 : f32
    %div3A_2389 = vector.broadcast %div3A_2388 : f32 to vector<8x128xf32>
    %div3A_2390 = arith.divf %div3A_2389, %add3A_2387 : vector<8x128xf32>
    %abs3A_2391 = math.absf %add3A_2351 : vector<8x128xf32>
    %abs3A_2392 = math.absf %sub3A_2271 : vector<8x128xf32>
    %abs3A_2393 = math.absf %add3A_2342 : vector<8x128xf32>
    %min3A_2394 = arith.minimumf %abs3A_2392, %abs3A_2393 : vector<8x128xf32>
    %mul3A_2395 = arith.constant 1.19209291E-8 : f32
    %mul3A_2396 = vector.broadcast %mul3A_2395 : f32 to vector<8x128xf32>
    %mul3A_2397 = arith.mulf %mul3A_2396, %min3A_2394 : vector<8x128xf32>
    %le3A_2398 = arith.cmpf ole, %abs3A_2391, %mul3A_2397 : vector<8x128xf32>
    %jit3A_2399 = arith.constant 0.000000e+00 : f32
    %broadcast_in_dim3A_2400 = vector.broadcast %jit3A_2399 : f32 to vector<8x128xf32>
    %select_n3A_2401 = arith.select %le3A_2398, %broadcast_in_dim3A_2400, %div3A_2390 : vector<8x128xi1>, vector<8x128xf32>
    %mul3A_2402 = arith.mulf %select_n3A_2401, %select_n3A_2401 : vector<8x128xf32>
    %add3A_2403 = arith.constant 1.000000e+00 : f32
    %add3A_2404 = vector.broadcast %add3A_2403 : f32 to vector<8x128xf32>
    %add3A_2405 = arith.addf %add3A_2404, %mul3A_2402 : vector<8x128xf32>
    %rsqrt3A_2406 = math.rsqrt %add3A_2405 : vector<8x128xf32>
    %mul3A_2407 = arith.mulf %select_n3A_2401, %rsqrt3A_2406 : vector<8x128xf32>
    %mul3A_2408 = arith.mulf %select_n3A_2401, %add3A_2351 : vector<8x128xf32>
    %sub3A_2409 = arith.subf %sub3A_2271, %mul3A_2408 : vector<8x128xf32>
    %mul3A_2410 = arith.mulf %select_n3A_2401, %add3A_2351 : vector<8x128xf32>
    %add3A_2411 = arith.addf %add3A_2342, %mul3A_2410 : vector<8x128xf32>
    %mul3A_2412 = arith.mulf %sub3A_2348, %rsqrt3A_2406 : vector<8x128xf32>
    %mul3A_2413 = arith.mulf %broadcast_in_dim3A_2231, %mul3A_2407 : vector<8x128xf32>
    %sub3A_2414 = arith.subf %mul3A_2412, %mul3A_2413 : vector<8x128xf32>
    %mul3A_2415 = arith.mulf %sub3A_2348, %mul3A_2407 : vector<8x128xf32>
    %mul3A_2416 = arith.mulf %broadcast_in_dim3A_2231, %rsqrt3A_2406 : vector<8x128xf32>
    %add3A_2417 = arith.addf %mul3A_2415, %mul3A_2416 : vector<8x128xf32>
    %mul3A_2418 = arith.mulf %sub3A_2345, %mul3A_2407 : vector<8x128xf32>
    %mul3A_2419 = arith.mulf %broadcast_in_dim3A_2231, %rsqrt3A_2406 : vector<8x128xf32>
    %add3A_2420 = arith.addf %mul3A_2418, %mul3A_2419 : vector<8x128xf32>
    %mul3A_2421 = arith.mulf %sub3A_2285, %rsqrt3A_2406 : vector<8x128xf32>
    %mul3A_2422 = arith.mulf %add3A_2357, %mul3A_2407 : vector<8x128xf32>
    %sub3A_2423 = arith.subf %mul3A_2421, %mul3A_2422 : vector<8x128xf32>
    %mul3A_2424 = arith.mulf %sub3A_2285, %mul3A_2407 : vector<8x128xf32>
    %mul3A_2425 = arith.mulf %add3A_2357, %rsqrt3A_2406 : vector<8x128xf32>
    %add3A_2426 = arith.addf %mul3A_2424, %mul3A_2425 : vector<8x128xf32>
    %mul3A_2427 = arith.mulf %sub3A_2291, %rsqrt3A_2406 : vector<8x128xf32>
    %mul3A_2428 = arith.mulf %add3A_2363, %mul3A_2407 : vector<8x128xf32>
    %sub3A_2429 = arith.subf %mul3A_2427, %mul3A_2428 : vector<8x128xf32>
    %mul3A_2430 = arith.mulf %sub3A_2291, %mul3A_2407 : vector<8x128xf32>
    %mul3A_2431 = arith.mulf %add3A_2363, %rsqrt3A_2406 : vector<8x128xf32>
    %add3A_2432 = arith.addf %mul3A_2430, %mul3A_2431 : vector<8x128xf32>
    %mul3A_2433 = arith.mulf %sub3A_2297, %rsqrt3A_2406 : vector<8x128xf32>
    %mul3A_2434 = arith.mulf %add3A_2369, %mul3A_2407 : vector<8x128xf32>
    %sub3A_2435 = arith.subf %mul3A_2433, %mul3A_2434 : vector<8x128xf32>
    %mul3A_2436 = arith.mulf %sub3A_2297, %mul3A_2407 : vector<8x128xf32>
    %mul3A_2437 = arith.mulf %add3A_2369, %rsqrt3A_2406 : vector<8x128xf32>
    %add3A_2438 = arith.addf %mul3A_2436, %mul3A_2437 : vector<8x128xf32>
    %sub3A_2439 = arith.subf %sub3A_2340, %sub3A_2409 : vector<8x128xf32>
    %mul3A_2440 = arith.constant 2.000000e+00 : f32
    %mul3A_2441 = vector.broadcast %mul3A_2440 : f32 to vector<8x128xf32>
    %mul3A_2442 = arith.mulf %mul3A_2441, %sub3A_2414 : vector<8x128xf32>
    %div3A_2443 = arith.divf %sub3A_2439, %mul3A_2442 : vector<8x128xf32>
    %mul3A_2444 = arith.mulf %div3A_2443, %div3A_2443 : vector<8x128xf32>
    %add3A_2445 = arith.constant 1.000000e+00 : f32
    %add3A_2446 = vector.broadcast %add3A_2445 : f32 to vector<8x128xf32>
    %add3A_2447 = arith.addf %add3A_2446, %mul3A_2444 : vector<8x128xf32>
    %sqrt3A_2448 = math.sqrt %add3A_2447 : vector<8x128xf32>
    %ge3A_2449 = arith.constant 0.000000e+00 : f32
    %ge3A_2450 = vector.broadcast %ge3A_2449 : f32 to vector<8x128xf32>
    %ge3A_2451 = arith.cmpf oge, %div3A_2443, %ge3A_2450 : vector<8x128xf32>
    %neg3A_2452 = arith.constant 0.000000e+00 : f32
    %neg3A_2453 = vector.broadcast %neg3A_2452 : f32 to vector<8x128xf32>
    %neg3A_2454 = arith.subf %neg3A_2453, %sqrt3A_2448 : vector<8x128xf32>
    %select_n3A_2455 = arith.select %ge3A_2451, %sqrt3A_2448, %neg3A_2454 : vector<8x128xi1>, vector<8x128xf32>
    %add3A_2456 = arith.addf %div3A_2443, %select_n3A_2455 : vector<8x128xf32>
    %div3A_2457 = arith.constant 1.000000e+00 : f32
    %div3A_2458 = vector.broadcast %div3A_2457 : f32 to vector<8x128xf32>
    %div3A_2459 = arith.divf %div3A_2458, %add3A_2456 : vector<8x128xf32>
    %abs3A_2460 = math.absf %sub3A_2414 : vector<8x128xf32>
    %abs3A_2461 = math.absf %sub3A_2409 : vector<8x128xf32>
    %abs3A_2462 = math.absf %sub3A_2340 : vector<8x128xf32>
    %min3A_2463 = arith.minimumf %abs3A_2461, %abs3A_2462 : vector<8x128xf32>
    %mul3A_2464 = arith.constant 1.19209291E-8 : f32
    %mul3A_2465 = vector.broadcast %mul3A_2464 : f32 to vector<8x128xf32>
    %mul3A_2466 = arith.mulf %mul3A_2465, %min3A_2463 : vector<8x128xf32>
    %le3A_2467 = arith.cmpf ole, %abs3A_2460, %mul3A_2466 : vector<8x128xf32>
    %jit3A_2468 = arith.constant 0.000000e+00 : f32
    %broadcast_in_dim3A_2469 = vector.broadcast %jit3A_2468 : f32 to vector<8x128xf32>
    %select_n3A_2470 = arith.select %le3A_2467, %broadcast_in_dim3A_2469, %div3A_2459 : vector<8x128xi1>, vector<8x128xf32>
    %mul3A_2471 = arith.mulf %select_n3A_2470, %select_n3A_2470 : vector<8x128xf32>
    %add3A_2472 = arith.constant 1.000000e+00 : f32
    %add3A_2473 = vector.broadcast %add3A_2472 : f32 to vector<8x128xf32>
    %add3A_2474 = arith.addf %add3A_2473, %mul3A_2471 : vector<8x128xf32>
    %rsqrt3A_2475 = math.rsqrt %add3A_2474 : vector<8x128xf32>
    %mul3A_2476 = arith.mulf %select_n3A_2470, %rsqrt3A_2475 : vector<8x128xf32>
    %mul3A_2477 = arith.mulf %select_n3A_2470, %sub3A_2414 : vector<8x128xf32>
    %sub3A_2478 = arith.subf %sub3A_2409, %mul3A_2477 : vector<8x128xf32>
    %mul3A_2479 = arith.mulf %select_n3A_2470, %sub3A_2414 : vector<8x128xf32>
    %add3A_2480 = arith.addf %sub3A_2340, %mul3A_2479 : vector<8x128xf32>
    %mul3A_2481 = arith.mulf %broadcast_in_dim3A_2231, %rsqrt3A_2475 : vector<8x128xf32>
    %mul3A_2482 = arith.mulf %add3A_2420, %mul3A_2476 : vector<8x128xf32>
    %sub3A_2483 = arith.subf %mul3A_2481, %mul3A_2482 : vector<8x128xf32>
    %mul3A_2484 = arith.mulf %broadcast_in_dim3A_2231, %mul3A_2476 : vector<8x128xf32>
    %mul3A_2485 = arith.mulf %add3A_2420, %rsqrt3A_2475 : vector<8x128xf32>
    %add3A_2486 = arith.addf %mul3A_2484, %mul3A_2485 : vector<8x128xf32>
    %mul3A_2487 = arith.mulf %broadcast_in_dim3A_2231, %rsqrt3A_2475 : vector<8x128xf32>
    %mul3A_2488 = arith.mulf %add3A_2417, %mul3A_2476 : vector<8x128xf32>
    %sub3A_2489 = arith.subf %mul3A_2487, %mul3A_2488 : vector<8x128xf32>
    %mul3A_2490 = arith.mulf %sub3A_2423, %rsqrt3A_2475 : vector<8x128xf32>
    %mul3A_2491 = arith.mulf %sub3A_2354, %mul3A_2476 : vector<8x128xf32>
    %sub3A_2492 = arith.subf %mul3A_2490, %mul3A_2491 : vector<8x128xf32>
    %mul3A_2493 = arith.mulf %sub3A_2423, %mul3A_2476 : vector<8x128xf32>
    %mul3A_2494 = arith.mulf %sub3A_2354, %rsqrt3A_2475 : vector<8x128xf32>
    %add3A_2495 = arith.addf %mul3A_2493, %mul3A_2494 : vector<8x128xf32>
    %mul3A_2496 = arith.mulf %sub3A_2429, %rsqrt3A_2475 : vector<8x128xf32>
    %mul3A_2497 = arith.mulf %sub3A_2360, %mul3A_2476 : vector<8x128xf32>
    %sub3A_2498 = arith.subf %mul3A_2496, %mul3A_2497 : vector<8x128xf32>
    %mul3A_2499 = arith.mulf %sub3A_2429, %mul3A_2476 : vector<8x128xf32>
    %mul3A_2500 = arith.mulf %sub3A_2360, %rsqrt3A_2475 : vector<8x128xf32>
    %add3A_2501 = arith.addf %mul3A_2499, %mul3A_2500 : vector<8x128xf32>
    %mul3A_2502 = arith.mulf %sub3A_2435, %rsqrt3A_2475 : vector<8x128xf32>
    %mul3A_2503 = arith.mulf %sub3A_2366, %mul3A_2476 : vector<8x128xf32>
    %sub3A_2504 = arith.subf %mul3A_2502, %mul3A_2503 : vector<8x128xf32>
    %mul3A_2505 = arith.mulf %sub3A_2435, %mul3A_2476 : vector<8x128xf32>
    %mul3A_2506 = arith.mulf %sub3A_2366, %rsqrt3A_2475 : vector<8x128xf32>
    %add3A_2507 = arith.addf %mul3A_2505, %mul3A_2506 : vector<8x128xf32>
    %sub3A_2508 = arith.subf %add3A_2411, %add3A_2480 : vector<8x128xf32>
    %mul3A_2509 = arith.constant 2.000000e+00 : f32
    %mul3A_2510 = vector.broadcast %mul3A_2509 : f32 to vector<8x128xf32>
    %mul3A_2511 = arith.mulf %mul3A_2510, %add3A_2486 : vector<8x128xf32>
    %div3A_2512 = arith.divf %sub3A_2508, %mul3A_2511 : vector<8x128xf32>
    %mul3A_2513 = arith.mulf %div3A_2512, %div3A_2512 : vector<8x128xf32>
    %add3A_2514 = arith.constant 1.000000e+00 : f32
    %add3A_2515 = vector.broadcast %add3A_2514 : f32 to vector<8x128xf32>
    %add3A_2516 = arith.addf %add3A_2515, %mul3A_2513 : vector<8x128xf32>
    %sqrt3A_2517 = math.sqrt %add3A_2516 : vector<8x128xf32>
    %ge3A_2518 = arith.constant 0.000000e+00 : f32
    %ge3A_2519 = vector.broadcast %ge3A_2518 : f32 to vector<8x128xf32>
    %ge3A_2520 = arith.cmpf oge, %div3A_2512, %ge3A_2519 : vector<8x128xf32>
    %neg3A_2521 = arith.constant 0.000000e+00 : f32
    %neg3A_2522 = vector.broadcast %neg3A_2521 : f32 to vector<8x128xf32>
    %neg3A_2523 = arith.subf %neg3A_2522, %sqrt3A_2517 : vector<8x128xf32>
    %select_n3A_2524 = arith.select %ge3A_2520, %sqrt3A_2517, %neg3A_2523 : vector<8x128xi1>, vector<8x128xf32>
    %add3A_2525 = arith.addf %div3A_2512, %select_n3A_2524 : vector<8x128xf32>
    %div3A_2526 = arith.constant 1.000000e+00 : f32
    %div3A_2527 = vector.broadcast %div3A_2526 : f32 to vector<8x128xf32>
    %div3A_2528 = arith.divf %div3A_2527, %add3A_2525 : vector<8x128xf32>
    %abs3A_2529 = math.absf %add3A_2486 : vector<8x128xf32>
    %abs3A_2530 = math.absf %add3A_2480 : vector<8x128xf32>
    %abs3A_2531 = math.absf %add3A_2411 : vector<8x128xf32>
    %min3A_2532 = arith.minimumf %abs3A_2530, %abs3A_2531 : vector<8x128xf32>
    %mul3A_2533 = arith.constant 1.19209291E-8 : f32
    %mul3A_2534 = vector.broadcast %mul3A_2533 : f32 to vector<8x128xf32>
    %mul3A_2535 = arith.mulf %mul3A_2534, %min3A_2532 : vector<8x128xf32>
    %le3A_2536 = arith.cmpf ole, %abs3A_2529, %mul3A_2535 : vector<8x128xf32>
    %jit3A_2537 = arith.constant 0.000000e+00 : f32
    %broadcast_in_dim3A_2538 = vector.broadcast %jit3A_2537 : f32 to vector<8x128xf32>
    %select_n3A_2539 = arith.select %le3A_2536, %broadcast_in_dim3A_2538, %div3A_2528 : vector<8x128xi1>, vector<8x128xf32>
    %mul3A_2540 = arith.mulf %select_n3A_2539, %select_n3A_2539 : vector<8x128xf32>
    %add3A_2541 = arith.constant 1.000000e+00 : f32
    %add3A_2542 = vector.broadcast %add3A_2541 : f32 to vector<8x128xf32>
    %add3A_2543 = arith.addf %add3A_2542, %mul3A_2540 : vector<8x128xf32>
    %rsqrt3A_2544 = math.rsqrt %add3A_2543 : vector<8x128xf32>
    %mul3A_2545 = arith.mulf %select_n3A_2539, %rsqrt3A_2544 : vector<8x128xf32>
    %mul3A_2546 = arith.mulf %select_n3A_2539, %add3A_2486 : vector<8x128xf32>
    %sub3A_2547 = arith.subf %add3A_2480, %mul3A_2546 : vector<8x128xf32>
    %mul3A_2548 = arith.mulf %select_n3A_2539, %add3A_2486 : vector<8x128xf32>
    %add3A_2549 = arith.addf %add3A_2411, %mul3A_2548 : vector<8x128xf32>
    %mul3A_2550 = arith.mulf %broadcast_in_dim3A_2231, %rsqrt3A_2544 : vector<8x128xf32>
    %mul3A_2551 = arith.mulf %sub3A_2489, %mul3A_2545 : vector<8x128xf32>
    %sub3A_2552 = arith.subf %mul3A_2550, %mul3A_2551 : vector<8x128xf32>
    %mul3A_2553 = arith.mulf %broadcast_in_dim3A_2231, %rsqrt3A_2544 : vector<8x128xf32>
    %mul3A_2554 = arith.mulf %sub3A_2483, %mul3A_2545 : vector<8x128xf32>
    %sub3A_2555 = arith.subf %mul3A_2553, %mul3A_2554 : vector<8x128xf32>
    %mul3A_2556 = arith.mulf %broadcast_in_dim3A_2231, %mul3A_2545 : vector<8x128xf32>
    %mul3A_2557 = arith.mulf %sub3A_2483, %rsqrt3A_2544 : vector<8x128xf32>
    %add3A_2558 = arith.addf %mul3A_2556, %mul3A_2557 : vector<8x128xf32>
    %mul3A_2559 = arith.mulf %add3A_2495, %rsqrt3A_2544 : vector<8x128xf32>
    %mul3A_2560 = arith.mulf %add3A_2426, %mul3A_2545 : vector<8x128xf32>
    %sub3A_2561 = arith.subf %mul3A_2559, %mul3A_2560 : vector<8x128xf32>
    %mul3A_2562 = arith.mulf %add3A_2495, %mul3A_2545 : vector<8x128xf32>
    %mul3A_2563 = arith.mulf %add3A_2426, %rsqrt3A_2544 : vector<8x128xf32>
    %add3A_2564 = arith.addf %mul3A_2562, %mul3A_2563 : vector<8x128xf32>
    %mul3A_2565 = arith.mulf %add3A_2501, %rsqrt3A_2544 : vector<8x128xf32>
    %mul3A_2566 = arith.mulf %add3A_2432, %mul3A_2545 : vector<8x128xf32>
    %sub3A_2567 = arith.subf %mul3A_2565, %mul3A_2566 : vector<8x128xf32>
    %mul3A_2568 = arith.mulf %add3A_2501, %mul3A_2545 : vector<8x128xf32>
    %mul3A_2569 = arith.mulf %add3A_2432, %rsqrt3A_2544 : vector<8x128xf32>
    %add3A_2570 = arith.addf %mul3A_2568, %mul3A_2569 : vector<8x128xf32>
    %mul3A_2571 = arith.mulf %add3A_2507, %rsqrt3A_2544 : vector<8x128xf32>
    %mul3A_2572 = arith.mulf %add3A_2438, %mul3A_2545 : vector<8x128xf32>
    %sub3A_2573 = arith.subf %mul3A_2571, %mul3A_2572 : vector<8x128xf32>
    %mul3A_2574 = arith.mulf %add3A_2507, %mul3A_2545 : vector<8x128xf32>
    %mul3A_2575 = arith.mulf %add3A_2438, %rsqrt3A_2544 : vector<8x128xf32>
    %add3A_2576 = arith.addf %mul3A_2574, %mul3A_2575 : vector<8x128xf32>
    %sub3A_2577 = arith.subf %add3A_2549, %sub3A_2478 : vector<8x128xf32>
    %mul3A_2578 = arith.constant 2.000000e+00 : f32
    %mul3A_2579 = vector.broadcast %mul3A_2578 : f32 to vector<8x128xf32>
    %mul3A_2580 = arith.mulf %mul3A_2579, %add3A_2558 : vector<8x128xf32>
    %div3A_2581 = arith.divf %sub3A_2577, %mul3A_2580 : vector<8x128xf32>
    %mul3A_2582 = arith.mulf %div3A_2581, %div3A_2581 : vector<8x128xf32>
    %add3A_2583 = arith.constant 1.000000e+00 : f32
    %add3A_2584 = vector.broadcast %add3A_2583 : f32 to vector<8x128xf32>
    %add3A_2585 = arith.addf %add3A_2584, %mul3A_2582 : vector<8x128xf32>
    %sqrt3A_2586 = math.sqrt %add3A_2585 : vector<8x128xf32>
    %ge3A_2587 = arith.constant 0.000000e+00 : f32
    %ge3A_2588 = vector.broadcast %ge3A_2587 : f32 to vector<8x128xf32>
    %ge3A_2589 = arith.cmpf oge, %div3A_2581, %ge3A_2588 : vector<8x128xf32>
    %neg3A_2590 = arith.constant 0.000000e+00 : f32
    %neg3A_2591 = vector.broadcast %neg3A_2590 : f32 to vector<8x128xf32>
    %neg3A_2592 = arith.subf %neg3A_2591, %sqrt3A_2586 : vector<8x128xf32>
    %select_n3A_2593 = arith.select %ge3A_2589, %sqrt3A_2586, %neg3A_2592 : vector<8x128xi1>, vector<8x128xf32>
    %add3A_2594 = arith.addf %div3A_2581, %select_n3A_2593 : vector<8x128xf32>
    %div3A_2595 = arith.constant 1.000000e+00 : f32
    %div3A_2596 = vector.broadcast %div3A_2595 : f32 to vector<8x128xf32>
    %div3A_2597 = arith.divf %div3A_2596, %add3A_2594 : vector<8x128xf32>
    %abs3A_2598 = math.absf %add3A_2558 : vector<8x128xf32>
    %abs3A_2599 = math.absf %sub3A_2478 : vector<8x128xf32>
    %abs3A_2600 = math.absf %add3A_2549 : vector<8x128xf32>
    %min3A_2601 = arith.minimumf %abs3A_2599, %abs3A_2600 : vector<8x128xf32>
    %mul3A_2602 = arith.constant 1.19209291E-8 : f32
    %mul3A_2603 = vector.broadcast %mul3A_2602 : f32 to vector<8x128xf32>
    %mul3A_2604 = arith.mulf %mul3A_2603, %min3A_2601 : vector<8x128xf32>
    %le3A_2605 = arith.cmpf ole, %abs3A_2598, %mul3A_2604 : vector<8x128xf32>
    %jit3A_2606 = arith.constant 0.000000e+00 : f32
    %broadcast_in_dim3A_2607 = vector.broadcast %jit3A_2606 : f32 to vector<8x128xf32>
    %select_n3A_2608 = arith.select %le3A_2605, %broadcast_in_dim3A_2607, %div3A_2597 : vector<8x128xi1>, vector<8x128xf32>
    %mul3A_2609 = arith.mulf %select_n3A_2608, %select_n3A_2608 : vector<8x128xf32>
    %add3A_2610 = arith.constant 1.000000e+00 : f32
    %add3A_2611 = vector.broadcast %add3A_2610 : f32 to vector<8x128xf32>
    %add3A_2612 = arith.addf %add3A_2611, %mul3A_2609 : vector<8x128xf32>
    %rsqrt3A_2613 = math.rsqrt %add3A_2612 : vector<8x128xf32>
    %mul3A_2614 = arith.mulf %select_n3A_2608, %rsqrt3A_2613 : vector<8x128xf32>
    %mul3A_2615 = arith.mulf %select_n3A_2608, %add3A_2558 : vector<8x128xf32>
    %sub3A_2616 = arith.subf %sub3A_2478, %mul3A_2615 : vector<8x128xf32>
    %mul3A_2617 = arith.mulf %select_n3A_2608, %add3A_2558 : vector<8x128xf32>
    %add3A_2618 = arith.addf %add3A_2549, %mul3A_2617 : vector<8x128xf32>
    %mul3A_2619 = arith.mulf %sub3A_2555, %rsqrt3A_2613 : vector<8x128xf32>
    %mul3A_2620 = arith.mulf %broadcast_in_dim3A_2231, %mul3A_2614 : vector<8x128xf32>
    %sub3A_2621 = arith.subf %mul3A_2619, %mul3A_2620 : vector<8x128xf32>
    %mul3A_2622 = arith.mulf %sub3A_2555, %mul3A_2614 : vector<8x128xf32>
    %mul3A_2623 = arith.mulf %broadcast_in_dim3A_2231, %rsqrt3A_2613 : vector<8x128xf32>
    %add3A_2624 = arith.addf %mul3A_2622, %mul3A_2623 : vector<8x128xf32>
    %mul3A_2625 = arith.mulf %sub3A_2552, %mul3A_2614 : vector<8x128xf32>
    %mul3A_2626 = arith.mulf %broadcast_in_dim3A_2231, %rsqrt3A_2613 : vector<8x128xf32>
    %add3A_2627 = arith.addf %mul3A_2625, %mul3A_2626 : vector<8x128xf32>
    %mul3A_2628 = arith.mulf %sub3A_2492, %rsqrt3A_2613 : vector<8x128xf32>
    %mul3A_2629 = arith.mulf %add3A_2564, %mul3A_2614 : vector<8x128xf32>
    %sub3A_2630 = arith.subf %mul3A_2628, %mul3A_2629 : vector<8x128xf32>
    %mul3A_2631 = arith.mulf %sub3A_2492, %mul3A_2614 : vector<8x128xf32>
    %mul3A_2632 = arith.mulf %add3A_2564, %rsqrt3A_2613 : vector<8x128xf32>
    %add3A_2633 = arith.addf %mul3A_2631, %mul3A_2632 : vector<8x128xf32>
    %mul3A_2634 = arith.mulf %sub3A_2498, %rsqrt3A_2613 : vector<8x128xf32>
    %mul3A_2635 = arith.mulf %add3A_2570, %mul3A_2614 : vector<8x128xf32>
    %sub3A_2636 = arith.subf %mul3A_2634, %mul3A_2635 : vector<8x128xf32>
    %mul3A_2637 = arith.mulf %sub3A_2498, %mul3A_2614 : vector<8x128xf32>
    %mul3A_2638 = arith.mulf %add3A_2570, %rsqrt3A_2613 : vector<8x128xf32>
    %add3A_2639 = arith.addf %mul3A_2637, %mul3A_2638 : vector<8x128xf32>
    %mul3A_2640 = arith.mulf %sub3A_2504, %rsqrt3A_2613 : vector<8x128xf32>
    %mul3A_2641 = arith.mulf %add3A_2576, %mul3A_2614 : vector<8x128xf32>
    %sub3A_2642 = arith.subf %mul3A_2640, %mul3A_2641 : vector<8x128xf32>
    %mul3A_2643 = arith.mulf %sub3A_2504, %mul3A_2614 : vector<8x128xf32>
    %mul3A_2644 = arith.mulf %add3A_2576, %rsqrt3A_2613 : vector<8x128xf32>
    %add3A_2645 = arith.addf %mul3A_2643, %mul3A_2644 : vector<8x128xf32>
    %sub3A_2646 = arith.subf %sub3A_2547, %sub3A_2616 : vector<8x128xf32>
    %mul3A_2647 = arith.constant 2.000000e+00 : f32
    %mul3A_2648 = vector.broadcast %mul3A_2647 : f32 to vector<8x128xf32>
    %mul3A_2649 = arith.mulf %mul3A_2648, %sub3A_2621 : vector<8x128xf32>
    %div3A_2650 = arith.divf %sub3A_2646, %mul3A_2649 : vector<8x128xf32>
    %mul3A_2651 = arith.mulf %div3A_2650, %div3A_2650 : vector<8x128xf32>
    %add3A_2652 = arith.constant 1.000000e+00 : f32
    %add3A_2653 = vector.broadcast %add3A_2652 : f32 to vector<8x128xf32>
    %add3A_2654 = arith.addf %add3A_2653, %mul3A_2651 : vector<8x128xf32>
    %sqrt3A_2655 = math.sqrt %add3A_2654 : vector<8x128xf32>
    %ge3A_2656 = arith.constant 0.000000e+00 : f32
    %ge3A_2657 = vector.broadcast %ge3A_2656 : f32 to vector<8x128xf32>
    %ge3A_2658 = arith.cmpf oge, %div3A_2650, %ge3A_2657 : vector<8x128xf32>
    %neg3A_2659 = arith.constant 0.000000e+00 : f32
    %neg3A_2660 = vector.broadcast %neg3A_2659 : f32 to vector<8x128xf32>
    %neg3A_2661 = arith.subf %neg3A_2660, %sqrt3A_2655 : vector<8x128xf32>
    %select_n3A_2662 = arith.select %ge3A_2658, %sqrt3A_2655, %neg3A_2661 : vector<8x128xi1>, vector<8x128xf32>
    %add3A_2663 = arith.addf %div3A_2650, %select_n3A_2662 : vector<8x128xf32>
    %div3A_2664 = arith.constant 1.000000e+00 : f32
    %div3A_2665 = vector.broadcast %div3A_2664 : f32 to vector<8x128xf32>
    %div3A_2666 = arith.divf %div3A_2665, %add3A_2663 : vector<8x128xf32>
    %abs3A_2667 = math.absf %sub3A_2621 : vector<8x128xf32>
    %abs3A_2668 = math.absf %sub3A_2616 : vector<8x128xf32>
    %abs3A_2669 = math.absf %sub3A_2547 : vector<8x128xf32>
    %min3A_2670 = arith.minimumf %abs3A_2668, %abs3A_2669 : vector<8x128xf32>
    %mul3A_2671 = arith.constant 1.19209291E-8 : f32
    %mul3A_2672 = vector.broadcast %mul3A_2671 : f32 to vector<8x128xf32>
    %mul3A_2673 = arith.mulf %mul3A_2672, %min3A_2670 : vector<8x128xf32>
    %le3A_2674 = arith.cmpf ole, %abs3A_2667, %mul3A_2673 : vector<8x128xf32>
    %jit3A_2675 = arith.constant 0.000000e+00 : f32
    %broadcast_in_dim3A_2676 = vector.broadcast %jit3A_2675 : f32 to vector<8x128xf32>
    %select_n3A_2677 = arith.select %le3A_2674, %broadcast_in_dim3A_2676, %div3A_2666 : vector<8x128xi1>, vector<8x128xf32>
    %mul3A_2678 = arith.mulf %select_n3A_2677, %select_n3A_2677 : vector<8x128xf32>
    %add3A_2679 = arith.constant 1.000000e+00 : f32
    %add3A_2680 = vector.broadcast %add3A_2679 : f32 to vector<8x128xf32>
    %add3A_2681 = arith.addf %add3A_2680, %mul3A_2678 : vector<8x128xf32>
    %rsqrt3A_2682 = math.rsqrt %add3A_2681 : vector<8x128xf32>
    %mul3A_2683 = arith.mulf %select_n3A_2677, %rsqrt3A_2682 : vector<8x128xf32>
    %mul3A_2684 = arith.mulf %select_n3A_2677, %sub3A_2621 : vector<8x128xf32>
    %sub3A_2685 = arith.subf %sub3A_2616, %mul3A_2684 : vector<8x128xf32>
    %mul3A_2686 = arith.mulf %select_n3A_2677, %sub3A_2621 : vector<8x128xf32>
    %add3A_2687 = arith.addf %sub3A_2547, %mul3A_2686 : vector<8x128xf32>
    %mul3A_2688 = arith.mulf %broadcast_in_dim3A_2231, %rsqrt3A_2682 : vector<8x128xf32>
    %mul3A_2689 = arith.mulf %add3A_2627, %mul3A_2683 : vector<8x128xf32>
    %sub3A_2690 = arith.subf %mul3A_2688, %mul3A_2689 : vector<8x128xf32>
    %mul3A_2691 = arith.mulf %broadcast_in_dim3A_2231, %mul3A_2683 : vector<8x128xf32>
    %mul3A_2692 = arith.mulf %add3A_2627, %rsqrt3A_2682 : vector<8x128xf32>
    %add3A_2693 = arith.addf %mul3A_2691, %mul3A_2692 : vector<8x128xf32>
    %mul3A_2694 = arith.mulf %broadcast_in_dim3A_2231, %rsqrt3A_2682 : vector<8x128xf32>
    %mul3A_2695 = arith.mulf %add3A_2624, %mul3A_2683 : vector<8x128xf32>
    %sub3A_2696 = arith.subf %mul3A_2694, %mul3A_2695 : vector<8x128xf32>
    %mul3A_2697 = arith.mulf %sub3A_2630, %rsqrt3A_2682 : vector<8x128xf32>
    %mul3A_2698 = arith.mulf %sub3A_2561, %mul3A_2683 : vector<8x128xf32>
    %sub3A_2699 = arith.subf %mul3A_2697, %mul3A_2698 : vector<8x128xf32>
    %mul3A_2700 = arith.mulf %sub3A_2630, %mul3A_2683 : vector<8x128xf32>
    %mul3A_2701 = arith.mulf %sub3A_2561, %rsqrt3A_2682 : vector<8x128xf32>
    %add3A_2702 = arith.addf %mul3A_2700, %mul3A_2701 : vector<8x128xf32>
    %mul3A_2703 = arith.mulf %sub3A_2636, %rsqrt3A_2682 : vector<8x128xf32>
    %mul3A_2704 = arith.mulf %sub3A_2567, %mul3A_2683 : vector<8x128xf32>
    %sub3A_2705 = arith.subf %mul3A_2703, %mul3A_2704 : vector<8x128xf32>
    %mul3A_2706 = arith.mulf %sub3A_2636, %mul3A_2683 : vector<8x128xf32>
    %mul3A_2707 = arith.mulf %sub3A_2567, %rsqrt3A_2682 : vector<8x128xf32>
    %add3A_2708 = arith.addf %mul3A_2706, %mul3A_2707 : vector<8x128xf32>
    %mul3A_2709 = arith.mulf %sub3A_2642, %rsqrt3A_2682 : vector<8x128xf32>
    %mul3A_2710 = arith.mulf %sub3A_2573, %mul3A_2683 : vector<8x128xf32>
    %sub3A_2711 = arith.subf %mul3A_2709, %mul3A_2710 : vector<8x128xf32>
    %mul3A_2712 = arith.mulf %sub3A_2642, %mul3A_2683 : vector<8x128xf32>
    %mul3A_2713 = arith.mulf %sub3A_2573, %rsqrt3A_2682 : vector<8x128xf32>
    %add3A_2714 = arith.addf %mul3A_2712, %mul3A_2713 : vector<8x128xf32>
    %sub3A_2715 = arith.subf %add3A_2618, %add3A_2687 : vector<8x128xf32>
    %mul3A_2716 = arith.constant 2.000000e+00 : f32
    %mul3A_2717 = vector.broadcast %mul3A_2716 : f32 to vector<8x128xf32>
    %mul3A_2718 = arith.mulf %mul3A_2717, %add3A_2693 : vector<8x128xf32>
    %div3A_2719 = arith.divf %sub3A_2715, %mul3A_2718 : vector<8x128xf32>
    %mul3A_2720 = arith.mulf %div3A_2719, %div3A_2719 : vector<8x128xf32>
    %add3A_2721 = arith.constant 1.000000e+00 : f32
    %add3A_2722 = vector.broadcast %add3A_2721 : f32 to vector<8x128xf32>
    %add3A_2723 = arith.addf %add3A_2722, %mul3A_2720 : vector<8x128xf32>
    %sqrt3A_2724 = math.sqrt %add3A_2723 : vector<8x128xf32>
    %ge3A_2725 = arith.constant 0.000000e+00 : f32
    %ge3A_2726 = vector.broadcast %ge3A_2725 : f32 to vector<8x128xf32>
    %ge3A_2727 = arith.cmpf oge, %div3A_2719, %ge3A_2726 : vector<8x128xf32>
    %neg3A_2728 = arith.constant 0.000000e+00 : f32
    %neg3A_2729 = vector.broadcast %neg3A_2728 : f32 to vector<8x128xf32>
    %neg3A_2730 = arith.subf %neg3A_2729, %sqrt3A_2724 : vector<8x128xf32>
    %select_n3A_2731 = arith.select %ge3A_2727, %sqrt3A_2724, %neg3A_2730 : vector<8x128xi1>, vector<8x128xf32>
    %add3A_2732 = arith.addf %div3A_2719, %select_n3A_2731 : vector<8x128xf32>
    %div3A_2733 = arith.constant 1.000000e+00 : f32
    %div3A_2734 = vector.broadcast %div3A_2733 : f32 to vector<8x128xf32>
    %div3A_2735 = arith.divf %div3A_2734, %add3A_2732 : vector<8x128xf32>
    %abs3A_2736 = math.absf %add3A_2693 : vector<8x128xf32>
    %abs3A_2737 = math.absf %add3A_2687 : vector<8x128xf32>
    %abs3A_2738 = math.absf %add3A_2618 : vector<8x128xf32>
    %min3A_2739 = arith.minimumf %abs3A_2737, %abs3A_2738 : vector<8x128xf32>
    %mul3A_2740 = arith.constant 1.19209291E-8 : f32
    %mul3A_2741 = vector.broadcast %mul3A_2740 : f32 to vector<8x128xf32>
    %mul3A_2742 = arith.mulf %mul3A_2741, %min3A_2739 : vector<8x128xf32>
    %le3A_2743 = arith.cmpf ole, %abs3A_2736, %mul3A_2742 : vector<8x128xf32>
    %jit3A_2744 = arith.constant 0.000000e+00 : f32
    %broadcast_in_dim3A_2745 = vector.broadcast %jit3A_2744 : f32 to vector<8x128xf32>
    %select_n3A_2746 = arith.select %le3A_2743, %broadcast_in_dim3A_2745, %div3A_2735 : vector<8x128xi1>, vector<8x128xf32>
    %mul3A_2747 = arith.mulf %select_n3A_2746, %select_n3A_2746 : vector<8x128xf32>
    %add3A_2748 = arith.constant 1.000000e+00 : f32
    %add3A_2749 = vector.broadcast %add3A_2748 : f32 to vector<8x128xf32>
    %add3A_2750 = arith.addf %add3A_2749, %mul3A_2747 : vector<8x128xf32>
    %rsqrt3A_2751 = math.rsqrt %add3A_2750 : vector<8x128xf32>
    %mul3A_2752 = arith.mulf %select_n3A_2746, %rsqrt3A_2751 : vector<8x128xf32>
    %mul3A_2753 = arith.mulf %select_n3A_2746, %add3A_2693 : vector<8x128xf32>
    %sub3A_2754 = arith.subf %add3A_2687, %mul3A_2753 : vector<8x128xf32>
    %mul3A_2755 = arith.mulf %select_n3A_2746, %add3A_2693 : vector<8x128xf32>
    %add3A_2756 = arith.addf %add3A_2618, %mul3A_2755 : vector<8x128xf32>
    %mul3A_2757 = arith.mulf %broadcast_in_dim3A_2231, %rsqrt3A_2751 : vector<8x128xf32>
    %mul3A_2758 = arith.mulf %sub3A_2696, %mul3A_2752 : vector<8x128xf32>
    %sub3A_2759 = arith.subf %mul3A_2757, %mul3A_2758 : vector<8x128xf32>
    %mul3A_2760 = arith.mulf %broadcast_in_dim3A_2231, %rsqrt3A_2751 : vector<8x128xf32>
    %mul3A_2761 = arith.mulf %sub3A_2690, %mul3A_2752 : vector<8x128xf32>
    %sub3A_2762 = arith.subf %mul3A_2760, %mul3A_2761 : vector<8x128xf32>
    %mul3A_2763 = arith.mulf %broadcast_in_dim3A_2231, %mul3A_2752 : vector<8x128xf32>
    %mul3A_2764 = arith.mulf %sub3A_2690, %rsqrt3A_2751 : vector<8x128xf32>
    %add3A_2765 = arith.addf %mul3A_2763, %mul3A_2764 : vector<8x128xf32>
    %mul3A_2766 = arith.mulf %add3A_2702, %rsqrt3A_2751 : vector<8x128xf32>
    %mul3A_2767 = arith.mulf %add3A_2633, %mul3A_2752 : vector<8x128xf32>
    %sub3A_2768 = arith.subf %mul3A_2766, %mul3A_2767 : vector<8x128xf32>
    %mul3A_2769 = arith.mulf %add3A_2702, %mul3A_2752 : vector<8x128xf32>
    %mul3A_2770 = arith.mulf %add3A_2633, %rsqrt3A_2751 : vector<8x128xf32>
    %add3A_2771 = arith.addf %mul3A_2769, %mul3A_2770 : vector<8x128xf32>
    %mul3A_2772 = arith.mulf %add3A_2708, %rsqrt3A_2751 : vector<8x128xf32>
    %mul3A_2773 = arith.mulf %add3A_2639, %mul3A_2752 : vector<8x128xf32>
    %sub3A_2774 = arith.subf %mul3A_2772, %mul3A_2773 : vector<8x128xf32>
    %mul3A_2775 = arith.mulf %add3A_2708, %mul3A_2752 : vector<8x128xf32>
    %mul3A_2776 = arith.mulf %add3A_2639, %rsqrt3A_2751 : vector<8x128xf32>
    %add3A_2777 = arith.addf %mul3A_2775, %mul3A_2776 : vector<8x128xf32>
    %mul3A_2778 = arith.mulf %add3A_2714, %rsqrt3A_2751 : vector<8x128xf32>
    %mul3A_2779 = arith.mulf %add3A_2645, %mul3A_2752 : vector<8x128xf32>
    %sub3A_2780 = arith.subf %mul3A_2778, %mul3A_2779 : vector<8x128xf32>
    %mul3A_2781 = arith.mulf %add3A_2714, %mul3A_2752 : vector<8x128xf32>
    %mul3A_2782 = arith.mulf %add3A_2645, %rsqrt3A_2751 : vector<8x128xf32>
    %add3A_2783 = arith.addf %mul3A_2781, %mul3A_2782 : vector<8x128xf32>
    %sub3A_2784 = arith.subf %add3A_2756, %sub3A_2685 : vector<8x128xf32>
    %mul3A_2785 = arith.constant 2.000000e+00 : f32
    %mul3A_2786 = vector.broadcast %mul3A_2785 : f32 to vector<8x128xf32>
    %mul3A_2787 = arith.mulf %mul3A_2786, %add3A_2765 : vector<8x128xf32>
    %div3A_2788 = arith.divf %sub3A_2784, %mul3A_2787 : vector<8x128xf32>
    %mul3A_2789 = arith.mulf %div3A_2788, %div3A_2788 : vector<8x128xf32>
    %add3A_2790 = arith.constant 1.000000e+00 : f32
    %add3A_2791 = vector.broadcast %add3A_2790 : f32 to vector<8x128xf32>
    %add3A_2792 = arith.addf %add3A_2791, %mul3A_2789 : vector<8x128xf32>
    %sqrt3A_2793 = math.sqrt %add3A_2792 : vector<8x128xf32>
    %ge3A_2794 = arith.constant 0.000000e+00 : f32
    %ge3A_2795 = vector.broadcast %ge3A_2794 : f32 to vector<8x128xf32>
    %ge3A_2796 = arith.cmpf oge, %div3A_2788, %ge3A_2795 : vector<8x128xf32>
    %neg3A_2797 = arith.constant 0.000000e+00 : f32
    %neg3A_2798 = vector.broadcast %neg3A_2797 : f32 to vector<8x128xf32>
    %neg3A_2799 = arith.subf %neg3A_2798, %sqrt3A_2793 : vector<8x128xf32>
    %select_n3A_2800 = arith.select %ge3A_2796, %sqrt3A_2793, %neg3A_2799 : vector<8x128xi1>, vector<8x128xf32>
    %add3A_2801 = arith.addf %div3A_2788, %select_n3A_2800 : vector<8x128xf32>
    %div3A_2802 = arith.constant 1.000000e+00 : f32
    %div3A_2803 = vector.broadcast %div3A_2802 : f32 to vector<8x128xf32>
    %div3A_2804 = arith.divf %div3A_2803, %add3A_2801 : vector<8x128xf32>
    %abs3A_2805 = math.absf %add3A_2765 : vector<8x128xf32>
    %abs3A_2806 = math.absf %sub3A_2685 : vector<8x128xf32>
    %abs3A_2807 = math.absf %add3A_2756 : vector<8x128xf32>
    %min3A_2808 = arith.minimumf %abs3A_2806, %abs3A_2807 : vector<8x128xf32>
    %mul3A_2809 = arith.constant 1.19209291E-8 : f32
    %mul3A_2810 = vector.broadcast %mul3A_2809 : f32 to vector<8x128xf32>
    %mul3A_2811 = arith.mulf %mul3A_2810, %min3A_2808 : vector<8x128xf32>
    %le3A_2812 = arith.cmpf ole, %abs3A_2805, %mul3A_2811 : vector<8x128xf32>
    %jit3A_2813 = arith.constant 0.000000e+00 : f32
    %broadcast_in_dim3A_2814 = vector.broadcast %jit3A_2813 : f32 to vector<8x128xf32>
    %select_n3A_2815 = arith.select %le3A_2812, %broadcast_in_dim3A_2814, %div3A_2804 : vector<8x128xi1>, vector<8x128xf32>
    %mul3A_2816 = arith.mulf %select_n3A_2815, %select_n3A_2815 : vector<8x128xf32>
    %add3A_2817 = arith.constant 1.000000e+00 : f32
    %add3A_2818 = vector.broadcast %add3A_2817 : f32 to vector<8x128xf32>
    %add3A_2819 = arith.addf %add3A_2818, %mul3A_2816 : vector<8x128xf32>
    %rsqrt3A_2820 = math.rsqrt %add3A_2819 : vector<8x128xf32>
    %mul3A_2821 = arith.mulf %select_n3A_2815, %rsqrt3A_2820 : vector<8x128xf32>
    %mul3A_2822 = arith.mulf %select_n3A_2815, %add3A_2765 : vector<8x128xf32>
    %sub3A_2823 = arith.subf %sub3A_2685, %mul3A_2822 : vector<8x128xf32>
    %mul3A_2824 = arith.mulf %select_n3A_2815, %add3A_2765 : vector<8x128xf32>
    %add3A_2825 = arith.addf %add3A_2756, %mul3A_2824 : vector<8x128xf32>
    %mul3A_2826 = arith.mulf %sub3A_2762, %rsqrt3A_2820 : vector<8x128xf32>
    %mul3A_2827 = arith.mulf %broadcast_in_dim3A_2231, %mul3A_2821 : vector<8x128xf32>
    %sub3A_2828 = arith.subf %mul3A_2826, %mul3A_2827 : vector<8x128xf32>
    %mul3A_2829 = arith.mulf %sub3A_2762, %mul3A_2821 : vector<8x128xf32>
    %mul3A_2830 = arith.mulf %broadcast_in_dim3A_2231, %rsqrt3A_2820 : vector<8x128xf32>
    %add3A_2831 = arith.addf %mul3A_2829, %mul3A_2830 : vector<8x128xf32>
    %mul3A_2832 = arith.mulf %sub3A_2759, %mul3A_2821 : vector<8x128xf32>
    %mul3A_2833 = arith.mulf %broadcast_in_dim3A_2231, %rsqrt3A_2820 : vector<8x128xf32>
    %add3A_2834 = arith.addf %mul3A_2832, %mul3A_2833 : vector<8x128xf32>
    %mul3A_2835 = arith.mulf %sub3A_2699, %rsqrt3A_2820 : vector<8x128xf32>
    %mul3A_2836 = arith.mulf %add3A_2771, %mul3A_2821 : vector<8x128xf32>
    %sub3A_2837 = arith.subf %mul3A_2835, %mul3A_2836 : vector<8x128xf32>
    %mul3A_2838 = arith.mulf %sub3A_2699, %mul3A_2821 : vector<8x128xf32>
    %mul3A_2839 = arith.mulf %add3A_2771, %rsqrt3A_2820 : vector<8x128xf32>
    %add3A_2840 = arith.addf %mul3A_2838, %mul3A_2839 : vector<8x128xf32>
    %mul3A_2841 = arith.mulf %sub3A_2705, %rsqrt3A_2820 : vector<8x128xf32>
    %mul3A_2842 = arith.mulf %add3A_2777, %mul3A_2821 : vector<8x128xf32>
    %sub3A_2843 = arith.subf %mul3A_2841, %mul3A_2842 : vector<8x128xf32>
    %mul3A_2844 = arith.mulf %sub3A_2705, %mul3A_2821 : vector<8x128xf32>
    %mul3A_2845 = arith.mulf %add3A_2777, %rsqrt3A_2820 : vector<8x128xf32>
    %add3A_2846 = arith.addf %mul3A_2844, %mul3A_2845 : vector<8x128xf32>
    %mul3A_2847 = arith.mulf %sub3A_2711, %rsqrt3A_2820 : vector<8x128xf32>
    %mul3A_2848 = arith.mulf %add3A_2783, %mul3A_2821 : vector<8x128xf32>
    %sub3A_2849 = arith.subf %mul3A_2847, %mul3A_2848 : vector<8x128xf32>
    %mul3A_2850 = arith.mulf %sub3A_2711, %mul3A_2821 : vector<8x128xf32>
    %mul3A_2851 = arith.mulf %add3A_2783, %rsqrt3A_2820 : vector<8x128xf32>
    %add3A_2852 = arith.addf %mul3A_2850, %mul3A_2851 : vector<8x128xf32>
    %sub3A_2853 = arith.subf %sub3A_2754, %sub3A_2823 : vector<8x128xf32>
    %mul3A_2854 = arith.constant 2.000000e+00 : f32
    %mul3A_2855 = vector.broadcast %mul3A_2854 : f32 to vector<8x128xf32>
    %mul3A_2856 = arith.mulf %mul3A_2855, %sub3A_2828 : vector<8x128xf32>
    %div3A_2857 = arith.divf %sub3A_2853, %mul3A_2856 : vector<8x128xf32>
    %mul3A_2858 = arith.mulf %div3A_2857, %div3A_2857 : vector<8x128xf32>
    %add3A_2859 = arith.constant 1.000000e+00 : f32
    %add3A_2860 = vector.broadcast %add3A_2859 : f32 to vector<8x128xf32>
    %add3A_2861 = arith.addf %add3A_2860, %mul3A_2858 : vector<8x128xf32>
    %sqrt3A_2862 = math.sqrt %add3A_2861 : vector<8x128xf32>
    %ge3A_2863 = arith.constant 0.000000e+00 : f32
    %ge3A_2864 = vector.broadcast %ge3A_2863 : f32 to vector<8x128xf32>
    %ge3A_2865 = arith.cmpf oge, %div3A_2857, %ge3A_2864 : vector<8x128xf32>
    %neg3A_2866 = arith.constant 0.000000e+00 : f32
    %neg3A_2867 = vector.broadcast %neg3A_2866 : f32 to vector<8x128xf32>
    %neg3A_2868 = arith.subf %neg3A_2867, %sqrt3A_2862 : vector<8x128xf32>
    %select_n3A_2869 = arith.select %ge3A_2865, %sqrt3A_2862, %neg3A_2868 : vector<8x128xi1>, vector<8x128xf32>
    %add3A_2870 = arith.addf %div3A_2857, %select_n3A_2869 : vector<8x128xf32>
    %div3A_2871 = arith.constant 1.000000e+00 : f32
    %div3A_2872 = vector.broadcast %div3A_2871 : f32 to vector<8x128xf32>
    %div3A_2873 = arith.divf %div3A_2872, %add3A_2870 : vector<8x128xf32>
    %abs3A_2874 = math.absf %sub3A_2828 : vector<8x128xf32>
    %abs3A_2875 = math.absf %sub3A_2823 : vector<8x128xf32>
    %abs3A_2876 = math.absf %sub3A_2754 : vector<8x128xf32>
    %min3A_2877 = arith.minimumf %abs3A_2875, %abs3A_2876 : vector<8x128xf32>
    %mul3A_2878 = arith.constant 1.19209291E-8 : f32
    %mul3A_2879 = vector.broadcast %mul3A_2878 : f32 to vector<8x128xf32>
    %mul3A_2880 = arith.mulf %mul3A_2879, %min3A_2877 : vector<8x128xf32>
    %le3A_2881 = arith.cmpf ole, %abs3A_2874, %mul3A_2880 : vector<8x128xf32>
    %jit3A_2882 = arith.constant 0.000000e+00 : f32
    %broadcast_in_dim3A_2883 = vector.broadcast %jit3A_2882 : f32 to vector<8x128xf32>
    %select_n3A_2884 = arith.select %le3A_2881, %broadcast_in_dim3A_2883, %div3A_2873 : vector<8x128xi1>, vector<8x128xf32>
    %mul3A_2885 = arith.mulf %select_n3A_2884, %select_n3A_2884 : vector<8x128xf32>
    %add3A_2886 = arith.constant 1.000000e+00 : f32
    %add3A_2887 = vector.broadcast %add3A_2886 : f32 to vector<8x128xf32>
    %add3A_2888 = arith.addf %add3A_2887, %mul3A_2885 : vector<8x128xf32>
    %rsqrt3A_2889 = math.rsqrt %add3A_2888 : vector<8x128xf32>
    %mul3A_2890 = arith.mulf %select_n3A_2884, %rsqrt3A_2889 : vector<8x128xf32>
    %mul3A_2891 = arith.mulf %select_n3A_2884, %sub3A_2828 : vector<8x128xf32>
    %sub3A_2892 = arith.subf %sub3A_2823, %mul3A_2891 : vector<8x128xf32>
    %mul3A_2893 = arith.mulf %select_n3A_2884, %sub3A_2828 : vector<8x128xf32>
    %add3A_2894 = arith.addf %sub3A_2754, %mul3A_2893 : vector<8x128xf32>
    %mul3A_2895 = arith.mulf %broadcast_in_dim3A_2231, %rsqrt3A_2889 : vector<8x128xf32>
    %mul3A_2896 = arith.mulf %add3A_2834, %mul3A_2890 : vector<8x128xf32>
    %sub3A_2897 = arith.subf %mul3A_2895, %mul3A_2896 : vector<8x128xf32>
    %mul3A_2898 = arith.mulf %broadcast_in_dim3A_2231, %mul3A_2890 : vector<8x128xf32>
    %mul3A_2899 = arith.mulf %add3A_2834, %rsqrt3A_2889 : vector<8x128xf32>
    %add3A_2900 = arith.addf %mul3A_2898, %mul3A_2899 : vector<8x128xf32>
    %mul3A_2901 = arith.mulf %broadcast_in_dim3A_2231, %rsqrt3A_2889 : vector<8x128xf32>
    %mul3A_2902 = arith.mulf %add3A_2831, %mul3A_2890 : vector<8x128xf32>
    %sub3A_2903 = arith.subf %mul3A_2901, %mul3A_2902 : vector<8x128xf32>
    %mul3A_2904 = arith.mulf %sub3A_2837, %rsqrt3A_2889 : vector<8x128xf32>
    %mul3A_2905 = arith.mulf %sub3A_2768, %mul3A_2890 : vector<8x128xf32>
    %sub3A_2906 = arith.subf %mul3A_2904, %mul3A_2905 : vector<8x128xf32>
    %mul3A_2907 = arith.mulf %sub3A_2837, %mul3A_2890 : vector<8x128xf32>
    %mul3A_2908 = arith.mulf %sub3A_2768, %rsqrt3A_2889 : vector<8x128xf32>
    %add3A_2909 = arith.addf %mul3A_2907, %mul3A_2908 : vector<8x128xf32>
    %mul3A_2910 = arith.mulf %sub3A_2843, %rsqrt3A_2889 : vector<8x128xf32>
    %mul3A_2911 = arith.mulf %sub3A_2774, %mul3A_2890 : vector<8x128xf32>
    %sub3A_2912 = arith.subf %mul3A_2910, %mul3A_2911 : vector<8x128xf32>
    %mul3A_2913 = arith.mulf %sub3A_2843, %mul3A_2890 : vector<8x128xf32>
    %mul3A_2914 = arith.mulf %sub3A_2774, %rsqrt3A_2889 : vector<8x128xf32>
    %add3A_2915 = arith.addf %mul3A_2913, %mul3A_2914 : vector<8x128xf32>
    %mul3A_2916 = arith.mulf %sub3A_2849, %rsqrt3A_2889 : vector<8x128xf32>
    %mul3A_2917 = arith.mulf %sub3A_2780, %mul3A_2890 : vector<8x128xf32>
    %sub3A_2918 = arith.subf %mul3A_2916, %mul3A_2917 : vector<8x128xf32>
    %mul3A_2919 = arith.mulf %sub3A_2849, %mul3A_2890 : vector<8x128xf32>
    %mul3A_2920 = arith.mulf %sub3A_2780, %rsqrt3A_2889 : vector<8x128xf32>
    %add3A_2921 = arith.addf %mul3A_2919, %mul3A_2920 : vector<8x128xf32>
    %sub3A_2922 = arith.subf %add3A_2825, %add3A_2894 : vector<8x128xf32>
    %mul3A_2923 = arith.constant 2.000000e+00 : f32
    %mul3A_2924 = vector.broadcast %mul3A_2923 : f32 to vector<8x128xf32>
    %mul3A_2925 = arith.mulf %mul3A_2924, %add3A_2900 : vector<8x128xf32>
    %div3A_2926 = arith.divf %sub3A_2922, %mul3A_2925 : vector<8x128xf32>
    %mul3A_2927 = arith.mulf %div3A_2926, %div3A_2926 : vector<8x128xf32>
    %add3A_2928 = arith.constant 1.000000e+00 : f32
    %add3A_2929 = vector.broadcast %add3A_2928 : f32 to vector<8x128xf32>
    %add3A_2930 = arith.addf %add3A_2929, %mul3A_2927 : vector<8x128xf32>
    %sqrt3A_2931 = math.sqrt %add3A_2930 : vector<8x128xf32>
    %ge3A_2932 = arith.constant 0.000000e+00 : f32
    %ge3A_2933 = vector.broadcast %ge3A_2932 : f32 to vector<8x128xf32>
    %ge3A_2934 = arith.cmpf oge, %div3A_2926, %ge3A_2933 : vector<8x128xf32>
    %neg3A_2935 = arith.constant 0.000000e+00 : f32
    %neg3A_2936 = vector.broadcast %neg3A_2935 : f32 to vector<8x128xf32>
    %neg3A_2937 = arith.subf %neg3A_2936, %sqrt3A_2931 : vector<8x128xf32>
    %select_n3A_2938 = arith.select %ge3A_2934, %sqrt3A_2931, %neg3A_2937 : vector<8x128xi1>, vector<8x128xf32>
    %add3A_2939 = arith.addf %div3A_2926, %select_n3A_2938 : vector<8x128xf32>
    %div3A_2940 = arith.constant 1.000000e+00 : f32
    %div3A_2941 = vector.broadcast %div3A_2940 : f32 to vector<8x128xf32>
    %div3A_2942 = arith.divf %div3A_2941, %add3A_2939 : vector<8x128xf32>
    %abs3A_2943 = math.absf %add3A_2900 : vector<8x128xf32>
    %abs3A_2944 = math.absf %add3A_2894 : vector<8x128xf32>
    %abs3A_2945 = math.absf %add3A_2825 : vector<8x128xf32>
    %min3A_2946 = arith.minimumf %abs3A_2944, %abs3A_2945 : vector<8x128xf32>
    %mul3A_2947 = arith.constant 1.19209291E-8 : f32
    %mul3A_2948 = vector.broadcast %mul3A_2947 : f32 to vector<8x128xf32>
    %mul3A_2949 = arith.mulf %mul3A_2948, %min3A_2946 : vector<8x128xf32>
    %le3A_2950 = arith.cmpf ole, %abs3A_2943, %mul3A_2949 : vector<8x128xf32>
    %jit3A_2951 = arith.constant 0.000000e+00 : f32
    %broadcast_in_dim3A_2952 = vector.broadcast %jit3A_2951 : f32 to vector<8x128xf32>
    %select_n3A_2953 = arith.select %le3A_2950, %broadcast_in_dim3A_2952, %div3A_2942 : vector<8x128xi1>, vector<8x128xf32>
    %mul3A_2954 = arith.mulf %select_n3A_2953, %select_n3A_2953 : vector<8x128xf32>
    %add3A_2955 = arith.constant 1.000000e+00 : f32
    %add3A_2956 = vector.broadcast %add3A_2955 : f32 to vector<8x128xf32>
    %add3A_2957 = arith.addf %add3A_2956, %mul3A_2954 : vector<8x128xf32>
    %rsqrt3A_2958 = math.rsqrt %add3A_2957 : vector<8x128xf32>
    %mul3A_2959 = arith.mulf %select_n3A_2953, %rsqrt3A_2958 : vector<8x128xf32>
    %mul3A_2960 = arith.mulf %select_n3A_2953, %add3A_2900 : vector<8x128xf32>
    %sub3A_2961 = arith.subf %add3A_2894, %mul3A_2960 : vector<8x128xf32>
    %mul3A_2962 = arith.mulf %select_n3A_2953, %add3A_2900 : vector<8x128xf32>
    %add3A_2963 = arith.addf %add3A_2825, %mul3A_2962 : vector<8x128xf32>
    %mul3A_2964 = arith.mulf %broadcast_in_dim3A_2231, %rsqrt3A_2958 : vector<8x128xf32>
    %mul3A_2965 = arith.mulf %sub3A_2903, %mul3A_2959 : vector<8x128xf32>
    %sub3A_2966 = arith.subf %mul3A_2964, %mul3A_2965 : vector<8x128xf32>
    %mul3A_2967 = arith.mulf %broadcast_in_dim3A_2231, %rsqrt3A_2958 : vector<8x128xf32>
    %mul3A_2968 = arith.mulf %sub3A_2897, %mul3A_2959 : vector<8x128xf32>
    %sub3A_2969 = arith.subf %mul3A_2967, %mul3A_2968 : vector<8x128xf32>
    %mul3A_2970 = arith.mulf %broadcast_in_dim3A_2231, %mul3A_2959 : vector<8x128xf32>
    %mul3A_2971 = arith.mulf %sub3A_2897, %rsqrt3A_2958 : vector<8x128xf32>
    %add3A_2972 = arith.addf %mul3A_2970, %mul3A_2971 : vector<8x128xf32>
    %mul3A_2973 = arith.mulf %add3A_2909, %rsqrt3A_2958 : vector<8x128xf32>
    %mul3A_2974 = arith.mulf %add3A_2840, %mul3A_2959 : vector<8x128xf32>
    %sub3A_2975 = arith.subf %mul3A_2973, %mul3A_2974 : vector<8x128xf32>
    %mul3A_2976 = arith.mulf %add3A_2909, %mul3A_2959 : vector<8x128xf32>
    %mul3A_2977 = arith.mulf %add3A_2840, %rsqrt3A_2958 : vector<8x128xf32>
    %add3A_2978 = arith.addf %mul3A_2976, %mul3A_2977 : vector<8x128xf32>
    %mul3A_2979 = arith.mulf %add3A_2915, %rsqrt3A_2958 : vector<8x128xf32>
    %mul3A_2980 = arith.mulf %add3A_2846, %mul3A_2959 : vector<8x128xf32>
    %sub3A_2981 = arith.subf %mul3A_2979, %mul3A_2980 : vector<8x128xf32>
    %mul3A_2982 = arith.mulf %add3A_2915, %mul3A_2959 : vector<8x128xf32>
    %mul3A_2983 = arith.mulf %add3A_2846, %rsqrt3A_2958 : vector<8x128xf32>
    %add3A_2984 = arith.addf %mul3A_2982, %mul3A_2983 : vector<8x128xf32>
    %mul3A_2985 = arith.mulf %add3A_2921, %rsqrt3A_2958 : vector<8x128xf32>
    %mul3A_2986 = arith.mulf %add3A_2852, %mul3A_2959 : vector<8x128xf32>
    %sub3A_2987 = arith.subf %mul3A_2985, %mul3A_2986 : vector<8x128xf32>
    %mul3A_2988 = arith.mulf %add3A_2921, %mul3A_2959 : vector<8x128xf32>
    %mul3A_2989 = arith.mulf %add3A_2852, %rsqrt3A_2958 : vector<8x128xf32>
    %add3A_2990 = arith.addf %mul3A_2988, %mul3A_2989 : vector<8x128xf32>
    %sub3A_2991 = arith.subf %add3A_2963, %sub3A_2892 : vector<8x128xf32>
    %mul3A_2992 = arith.constant 2.000000e+00 : f32
    %mul3A_2993 = vector.broadcast %mul3A_2992 : f32 to vector<8x128xf32>
    %mul3A_2994 = arith.mulf %mul3A_2993, %add3A_2972 : vector<8x128xf32>
    %div3A_2995 = arith.divf %sub3A_2991, %mul3A_2994 : vector<8x128xf32>
    %mul3A_2996 = arith.mulf %div3A_2995, %div3A_2995 : vector<8x128xf32>
    %add3A_2997 = arith.constant 1.000000e+00 : f32
    %add3A_2998 = vector.broadcast %add3A_2997 : f32 to vector<8x128xf32>
    %add3A_2999 = arith.addf %add3A_2998, %mul3A_2996 : vector<8x128xf32>
    %sqrt3A_3000 = math.sqrt %add3A_2999 : vector<8x128xf32>
    %ge3A_3001 = arith.constant 0.000000e+00 : f32
    %ge3A_3002 = vector.broadcast %ge3A_3001 : f32 to vector<8x128xf32>
    %ge3A_3003 = arith.cmpf oge, %div3A_2995, %ge3A_3002 : vector<8x128xf32>
    %neg3A_3004 = arith.constant 0.000000e+00 : f32
    %neg3A_3005 = vector.broadcast %neg3A_3004 : f32 to vector<8x128xf32>
    %neg3A_3006 = arith.subf %neg3A_3005, %sqrt3A_3000 : vector<8x128xf32>
    %select_n3A_3007 = arith.select %ge3A_3003, %sqrt3A_3000, %neg3A_3006 : vector<8x128xi1>, vector<8x128xf32>
    %add3A_3008 = arith.addf %div3A_2995, %select_n3A_3007 : vector<8x128xf32>
    %div3A_3009 = arith.constant 1.000000e+00 : f32
    %div3A_3010 = vector.broadcast %div3A_3009 : f32 to vector<8x128xf32>
    %div3A_3011 = arith.divf %div3A_3010, %add3A_3008 : vector<8x128xf32>
    %abs3A_3012 = math.absf %add3A_2972 : vector<8x128xf32>
    %abs3A_3013 = math.absf %sub3A_2892 : vector<8x128xf32>
    %abs3A_3014 = math.absf %add3A_2963 : vector<8x128xf32>
    %min3A_3015 = arith.minimumf %abs3A_3013, %abs3A_3014 : vector<8x128xf32>
    %mul3A_3016 = arith.constant 1.19209291E-8 : f32
    %mul3A_3017 = vector.broadcast %mul3A_3016 : f32 to vector<8x128xf32>
    %mul3A_3018 = arith.mulf %mul3A_3017, %min3A_3015 : vector<8x128xf32>
    %le3A_3019 = arith.cmpf ole, %abs3A_3012, %mul3A_3018 : vector<8x128xf32>
    %jit3A_3020 = arith.constant 0.000000e+00 : f32
    %broadcast_in_dim3A_3021 = vector.broadcast %jit3A_3020 : f32 to vector<8x128xf32>
    %select_n3A_3022 = arith.select %le3A_3019, %broadcast_in_dim3A_3021, %div3A_3011 : vector<8x128xi1>, vector<8x128xf32>
    %mul3A_3023 = arith.mulf %select_n3A_3022, %select_n3A_3022 : vector<8x128xf32>
    %add3A_3024 = arith.constant 1.000000e+00 : f32
    %add3A_3025 = vector.broadcast %add3A_3024 : f32 to vector<8x128xf32>
    %add3A_3026 = arith.addf %add3A_3025, %mul3A_3023 : vector<8x128xf32>
    %rsqrt3A_3027 = math.rsqrt %add3A_3026 : vector<8x128xf32>
    %mul3A_3028 = arith.mulf %select_n3A_3022, %rsqrt3A_3027 : vector<8x128xf32>
    %mul3A_3029 = arith.mulf %select_n3A_3022, %add3A_2972 : vector<8x128xf32>
    %sub3A_3030 = arith.subf %sub3A_2892, %mul3A_3029 : vector<8x128xf32>
    %mul3A_3031 = arith.mulf %select_n3A_3022, %add3A_2972 : vector<8x128xf32>
    %add3A_3032 = arith.addf %add3A_2963, %mul3A_3031 : vector<8x128xf32>
    %mul3A_3033 = arith.mulf %sub3A_2969, %rsqrt3A_3027 : vector<8x128xf32>
    %mul3A_3034 = arith.mulf %broadcast_in_dim3A_2231, %mul3A_3028 : vector<8x128xf32>
    %sub3A_3035 = arith.subf %mul3A_3033, %mul3A_3034 : vector<8x128xf32>
    %mul3A_3036 = arith.mulf %sub3A_2969, %mul3A_3028 : vector<8x128xf32>
    %mul3A_3037 = arith.mulf %broadcast_in_dim3A_2231, %rsqrt3A_3027 : vector<8x128xf32>
    %add3A_3038 = arith.addf %mul3A_3036, %mul3A_3037 : vector<8x128xf32>
    %mul3A_3039 = arith.mulf %sub3A_2966, %mul3A_3028 : vector<8x128xf32>
    %mul3A_3040 = arith.mulf %broadcast_in_dim3A_2231, %rsqrt3A_3027 : vector<8x128xf32>
    %add3A_3041 = arith.addf %mul3A_3039, %mul3A_3040 : vector<8x128xf32>
    %mul3A_3042 = arith.mulf %sub3A_2906, %rsqrt3A_3027 : vector<8x128xf32>
    %mul3A_3043 = arith.mulf %add3A_2978, %mul3A_3028 : vector<8x128xf32>
    %sub3A_3044 = arith.subf %mul3A_3042, %mul3A_3043 : vector<8x128xf32>
    %mul3A_3045 = arith.mulf %sub3A_2906, %mul3A_3028 : vector<8x128xf32>
    %mul3A_3046 = arith.mulf %add3A_2978, %rsqrt3A_3027 : vector<8x128xf32>
    %add3A_3047 = arith.addf %mul3A_3045, %mul3A_3046 : vector<8x128xf32>
    %mul3A_3048 = arith.mulf %sub3A_2912, %rsqrt3A_3027 : vector<8x128xf32>
    %mul3A_3049 = arith.mulf %add3A_2984, %mul3A_3028 : vector<8x128xf32>
    %sub3A_3050 = arith.subf %mul3A_3048, %mul3A_3049 : vector<8x128xf32>
    %mul3A_3051 = arith.mulf %sub3A_2912, %mul3A_3028 : vector<8x128xf32>
    %mul3A_3052 = arith.mulf %add3A_2984, %rsqrt3A_3027 : vector<8x128xf32>
    %add3A_3053 = arith.addf %mul3A_3051, %mul3A_3052 : vector<8x128xf32>
    %mul3A_3054 = arith.mulf %sub3A_2918, %rsqrt3A_3027 : vector<8x128xf32>
    %mul3A_3055 = arith.mulf %add3A_2990, %mul3A_3028 : vector<8x128xf32>
    %sub3A_3056 = arith.subf %mul3A_3054, %mul3A_3055 : vector<8x128xf32>
    %mul3A_3057 = arith.mulf %sub3A_2918, %mul3A_3028 : vector<8x128xf32>
    %mul3A_3058 = arith.mulf %add3A_2990, %rsqrt3A_3027 : vector<8x128xf32>
    %add3A_3059 = arith.addf %mul3A_3057, %mul3A_3058 : vector<8x128xf32>
    %sub3A_3060 = arith.subf %sub3A_2961, %sub3A_3030 : vector<8x128xf32>
    %mul3A_3061 = arith.constant 2.000000e+00 : f32
    %mul3A_3062 = vector.broadcast %mul3A_3061 : f32 to vector<8x128xf32>
    %mul3A_3063 = arith.mulf %mul3A_3062, %sub3A_3035 : vector<8x128xf32>
    %div3A_3064 = arith.divf %sub3A_3060, %mul3A_3063 : vector<8x128xf32>
    %mul3A_3065 = arith.mulf %div3A_3064, %div3A_3064 : vector<8x128xf32>
    %add3A_3066 = arith.constant 1.000000e+00 : f32
    %add3A_3067 = vector.broadcast %add3A_3066 : f32 to vector<8x128xf32>
    %add3A_3068 = arith.addf %add3A_3067, %mul3A_3065 : vector<8x128xf32>
    %sqrt3A_3069 = math.sqrt %add3A_3068 : vector<8x128xf32>
    %ge3A_3070 = arith.constant 0.000000e+00 : f32
    %ge3A_3071 = vector.broadcast %ge3A_3070 : f32 to vector<8x128xf32>
    %ge3A_3072 = arith.cmpf oge, %div3A_3064, %ge3A_3071 : vector<8x128xf32>
    %neg3A_3073 = arith.constant 0.000000e+00 : f32
    %neg3A_3074 = vector.broadcast %neg3A_3073 : f32 to vector<8x128xf32>
    %neg3A_3075 = arith.subf %neg3A_3074, %sqrt3A_3069 : vector<8x128xf32>
    %select_n3A_3076 = arith.select %ge3A_3072, %sqrt3A_3069, %neg3A_3075 : vector<8x128xi1>, vector<8x128xf32>
    %add3A_3077 = arith.addf %div3A_3064, %select_n3A_3076 : vector<8x128xf32>
    %div3A_3078 = arith.constant 1.000000e+00 : f32
    %div3A_3079 = vector.broadcast %div3A_3078 : f32 to vector<8x128xf32>
    %div3A_3080 = arith.divf %div3A_3079, %add3A_3077 : vector<8x128xf32>
    %abs3A_3081 = math.absf %sub3A_3035 : vector<8x128xf32>
    %abs3A_3082 = math.absf %sub3A_3030 : vector<8x128xf32>
    %abs3A_3083 = math.absf %sub3A_2961 : vector<8x128xf32>
    %min3A_3084 = arith.minimumf %abs3A_3082, %abs3A_3083 : vector<8x128xf32>
    %mul3A_3085 = arith.constant 1.19209291E-8 : f32
    %mul3A_3086 = vector.broadcast %mul3A_3085 : f32 to vector<8x128xf32>
    %mul3A_3087 = arith.mulf %mul3A_3086, %min3A_3084 : vector<8x128xf32>
    %le3A_3088 = arith.cmpf ole, %abs3A_3081, %mul3A_3087 : vector<8x128xf32>
    %jit3A_3089 = arith.constant 0.000000e+00 : f32
    %broadcast_in_dim3A_3090 = vector.broadcast %jit3A_3089 : f32 to vector<8x128xf32>
    %select_n3A_3091 = arith.select %le3A_3088, %broadcast_in_dim3A_3090, %div3A_3080 : vector<8x128xi1>, vector<8x128xf32>
    %mul3A_3092 = arith.mulf %select_n3A_3091, %select_n3A_3091 : vector<8x128xf32>
    %add3A_3093 = arith.constant 1.000000e+00 : f32
    %add3A_3094 = vector.broadcast %add3A_3093 : f32 to vector<8x128xf32>
    %add3A_3095 = arith.addf %add3A_3094, %mul3A_3092 : vector<8x128xf32>
    %rsqrt3A_3096 = math.rsqrt %add3A_3095 : vector<8x128xf32>
    %mul3A_3097 = arith.mulf %select_n3A_3091, %rsqrt3A_3096 : vector<8x128xf32>
    %mul3A_3098 = arith.mulf %select_n3A_3091, %sub3A_3035 : vector<8x128xf32>
    %sub3A_3099 = arith.subf %sub3A_3030, %mul3A_3098 : vector<8x128xf32>
    %mul3A_3100 = arith.mulf %select_n3A_3091, %sub3A_3035 : vector<8x128xf32>
    %add3A_3101 = arith.addf %sub3A_2961, %mul3A_3100 : vector<8x128xf32>
    %mul3A_3102 = arith.mulf %broadcast_in_dim3A_2231, %rsqrt3A_3096 : vector<8x128xf32>
    %mul3A_3103 = arith.mulf %add3A_3041, %mul3A_3097 : vector<8x128xf32>
    %sub3A_3104 = arith.subf %mul3A_3102, %mul3A_3103 : vector<8x128xf32>
    %mul3A_3105 = arith.mulf %broadcast_in_dim3A_2231, %mul3A_3097 : vector<8x128xf32>
    %mul3A_3106 = arith.mulf %add3A_3041, %rsqrt3A_3096 : vector<8x128xf32>
    %add3A_3107 = arith.addf %mul3A_3105, %mul3A_3106 : vector<8x128xf32>
    %mul3A_3108 = arith.mulf %broadcast_in_dim3A_2231, %rsqrt3A_3096 : vector<8x128xf32>
    %mul3A_3109 = arith.mulf %add3A_3038, %mul3A_3097 : vector<8x128xf32>
    %sub3A_3110 = arith.subf %mul3A_3108, %mul3A_3109 : vector<8x128xf32>
    %mul3A_3111 = arith.mulf %sub3A_3044, %rsqrt3A_3096 : vector<8x128xf32>
    %mul3A_3112 = arith.mulf %sub3A_2975, %mul3A_3097 : vector<8x128xf32>
    %sub3A_3113 = arith.subf %mul3A_3111, %mul3A_3112 : vector<8x128xf32>
    %mul3A_3114 = arith.mulf %sub3A_3044, %mul3A_3097 : vector<8x128xf32>
    %mul3A_3115 = arith.mulf %sub3A_2975, %rsqrt3A_3096 : vector<8x128xf32>
    %add3A_3116 = arith.addf %mul3A_3114, %mul3A_3115 : vector<8x128xf32>
    %mul3A_3117 = arith.mulf %sub3A_3050, %rsqrt3A_3096 : vector<8x128xf32>
    %mul3A_3118 = arith.mulf %sub3A_2981, %mul3A_3097 : vector<8x128xf32>
    %sub3A_3119 = arith.subf %mul3A_3117, %mul3A_3118 : vector<8x128xf32>
    %mul3A_3120 = arith.mulf %sub3A_3050, %mul3A_3097 : vector<8x128xf32>
    %mul3A_3121 = arith.mulf %sub3A_2981, %rsqrt3A_3096 : vector<8x128xf32>
    %add3A_3122 = arith.addf %mul3A_3120, %mul3A_3121 : vector<8x128xf32>
    %mul3A_3123 = arith.mulf %sub3A_3056, %rsqrt3A_3096 : vector<8x128xf32>
    %mul3A_3124 = arith.mulf %sub3A_2987, %mul3A_3097 : vector<8x128xf32>
    %sub3A_3125 = arith.subf %mul3A_3123, %mul3A_3124 : vector<8x128xf32>
    %mul3A_3126 = arith.mulf %sub3A_3056, %mul3A_3097 : vector<8x128xf32>
    %mul3A_3127 = arith.mulf %sub3A_2987, %rsqrt3A_3096 : vector<8x128xf32>
    %add3A_3128 = arith.addf %mul3A_3126, %mul3A_3127 : vector<8x128xf32>
    %sub3A_3129 = arith.subf %add3A_3032, %add3A_3101 : vector<8x128xf32>
    %mul3A_3130 = arith.constant 2.000000e+00 : f32
    %mul3A_3131 = vector.broadcast %mul3A_3130 : f32 to vector<8x128xf32>
    %mul3A_3132 = arith.mulf %mul3A_3131, %add3A_3107 : vector<8x128xf32>
    %div3A_3133 = arith.divf %sub3A_3129, %mul3A_3132 : vector<8x128xf32>
    %mul3A_3134 = arith.mulf %div3A_3133, %div3A_3133 : vector<8x128xf32>
    %add3A_3135 = arith.constant 1.000000e+00 : f32
    %add3A_3136 = vector.broadcast %add3A_3135 : f32 to vector<8x128xf32>
    %add3A_3137 = arith.addf %add3A_3136, %mul3A_3134 : vector<8x128xf32>
    %sqrt3A_3138 = math.sqrt %add3A_3137 : vector<8x128xf32>
    %ge3A_3139 = arith.constant 0.000000e+00 : f32
    %ge3A_3140 = vector.broadcast %ge3A_3139 : f32 to vector<8x128xf32>
    %ge3A_3141 = arith.cmpf oge, %div3A_3133, %ge3A_3140 : vector<8x128xf32>
    %neg3A_3142 = arith.constant 0.000000e+00 : f32
    %neg3A_3143 = vector.broadcast %neg3A_3142 : f32 to vector<8x128xf32>
    %neg3A_3144 = arith.subf %neg3A_3143, %sqrt3A_3138 : vector<8x128xf32>
    %select_n3A_3145 = arith.select %ge3A_3141, %sqrt3A_3138, %neg3A_3144 : vector<8x128xi1>, vector<8x128xf32>
    %add3A_3146 = arith.addf %div3A_3133, %select_n3A_3145 : vector<8x128xf32>
    %div3A_3147 = arith.constant 1.000000e+00 : f32
    %div3A_3148 = vector.broadcast %div3A_3147 : f32 to vector<8x128xf32>
    %div3A_3149 = arith.divf %div3A_3148, %add3A_3146 : vector<8x128xf32>
    %abs3A_3150 = math.absf %add3A_3107 : vector<8x128xf32>
    %abs3A_3151 = math.absf %add3A_3101 : vector<8x128xf32>
    %abs3A_3152 = math.absf %add3A_3032 : vector<8x128xf32>
    %min3A_3153 = arith.minimumf %abs3A_3151, %abs3A_3152 : vector<8x128xf32>
    %mul3A_3154 = arith.constant 1.19209291E-8 : f32
    %mul3A_3155 = vector.broadcast %mul3A_3154 : f32 to vector<8x128xf32>
    %mul3A_3156 = arith.mulf %mul3A_3155, %min3A_3153 : vector<8x128xf32>
    %le3A_3157 = arith.cmpf ole, %abs3A_3150, %mul3A_3156 : vector<8x128xf32>
    %jit3A_3158 = arith.constant 0.000000e+00 : f32
    %broadcast_in_dim3A_3159 = vector.broadcast %jit3A_3158 : f32 to vector<8x128xf32>
    %select_n3A_3160 = arith.select %le3A_3157, %broadcast_in_dim3A_3159, %div3A_3149 : vector<8x128xi1>, vector<8x128xf32>
    %mul3A_3161 = arith.mulf %select_n3A_3160, %select_n3A_3160 : vector<8x128xf32>
    %add3A_3162 = arith.constant 1.000000e+00 : f32
    %add3A_3163 = vector.broadcast %add3A_3162 : f32 to vector<8x128xf32>
    %add3A_3164 = arith.addf %add3A_3163, %mul3A_3161 : vector<8x128xf32>
    %rsqrt3A_3165 = math.rsqrt %add3A_3164 : vector<8x128xf32>
    %mul3A_3166 = arith.mulf %select_n3A_3160, %rsqrt3A_3165 : vector<8x128xf32>
    %mul3A_3167 = arith.mulf %select_n3A_3160, %add3A_3107 : vector<8x128xf32>
    %sub3A_3168 = arith.subf %add3A_3101, %mul3A_3167 : vector<8x128xf32>
    %mul3A_3169 = arith.mulf %select_n3A_3160, %add3A_3107 : vector<8x128xf32>
    %add3A_3170 = arith.addf %add3A_3032, %mul3A_3169 : vector<8x128xf32>
    %mul3A_3171 = arith.mulf %broadcast_in_dim3A_2231, %rsqrt3A_3165 : vector<8x128xf32>
    %mul3A_3172 = arith.mulf %sub3A_3110, %mul3A_3166 : vector<8x128xf32>
    %sub3A_3173 = arith.subf %mul3A_3171, %mul3A_3172 : vector<8x128xf32>
    %mul3A_3174 = arith.mulf %broadcast_in_dim3A_2231, %rsqrt3A_3165 : vector<8x128xf32>
    %mul3A_3175 = arith.mulf %sub3A_3104, %mul3A_3166 : vector<8x128xf32>
    %sub3A_3176 = arith.subf %mul3A_3174, %mul3A_3175 : vector<8x128xf32>
    %mul3A_3177 = arith.mulf %broadcast_in_dim3A_2231, %mul3A_3166 : vector<8x128xf32>
    %mul3A_3178 = arith.mulf %sub3A_3104, %rsqrt3A_3165 : vector<8x128xf32>
    %add3A_3179 = arith.addf %mul3A_3177, %mul3A_3178 : vector<8x128xf32>
    %mul3A_3180 = arith.mulf %add3A_3116, %rsqrt3A_3165 : vector<8x128xf32>
    %mul3A_3181 = arith.mulf %add3A_3047, %mul3A_3166 : vector<8x128xf32>
    %sub3A_3182 = arith.subf %mul3A_3180, %mul3A_3181 : vector<8x128xf32>
    %mul3A_3183 = arith.mulf %add3A_3116, %mul3A_3166 : vector<8x128xf32>
    %mul3A_3184 = arith.mulf %add3A_3047, %rsqrt3A_3165 : vector<8x128xf32>
    %add3A_3185 = arith.addf %mul3A_3183, %mul3A_3184 : vector<8x128xf32>
    %mul3A_3186 = arith.mulf %add3A_3122, %rsqrt3A_3165 : vector<8x128xf32>
    %mul3A_3187 = arith.mulf %add3A_3053, %mul3A_3166 : vector<8x128xf32>
    %sub3A_3188 = arith.subf %mul3A_3186, %mul3A_3187 : vector<8x128xf32>
    %mul3A_3189 = arith.mulf %add3A_3122, %mul3A_3166 : vector<8x128xf32>
    %mul3A_3190 = arith.mulf %add3A_3053, %rsqrt3A_3165 : vector<8x128xf32>
    %add3A_3191 = arith.addf %mul3A_3189, %mul3A_3190 : vector<8x128xf32>
    %mul3A_3192 = arith.mulf %add3A_3128, %rsqrt3A_3165 : vector<8x128xf32>
    %mul3A_3193 = arith.mulf %add3A_3059, %mul3A_3166 : vector<8x128xf32>
    %sub3A_3194 = arith.subf %mul3A_3192, %mul3A_3193 : vector<8x128xf32>
    %mul3A_3195 = arith.mulf %add3A_3128, %mul3A_3166 : vector<8x128xf32>
    %mul3A_3196 = arith.mulf %add3A_3059, %rsqrt3A_3165 : vector<8x128xf32>
    %add3A_3197 = arith.addf %mul3A_3195, %mul3A_3196 : vector<8x128xf32>
    %sub3A_3198 = arith.subf %add3A_3170, %sub3A_3099 : vector<8x128xf32>
    %mul3A_3199 = arith.constant 2.000000e+00 : f32
    %mul3A_3200 = vector.broadcast %mul3A_3199 : f32 to vector<8x128xf32>
    %mul3A_3201 = arith.mulf %mul3A_3200, %add3A_3179 : vector<8x128xf32>
    %div3A_3202 = arith.divf %sub3A_3198, %mul3A_3201 : vector<8x128xf32>
    %mul3A_3203 = arith.mulf %div3A_3202, %div3A_3202 : vector<8x128xf32>
    %add3A_3204 = arith.constant 1.000000e+00 : f32
    %add3A_3205 = vector.broadcast %add3A_3204 : f32 to vector<8x128xf32>
    %add3A_3206 = arith.addf %add3A_3205, %mul3A_3203 : vector<8x128xf32>
    %sqrt3A_3207 = math.sqrt %add3A_3206 : vector<8x128xf32>
    %ge3A_3208 = arith.constant 0.000000e+00 : f32
    %ge3A_3209 = vector.broadcast %ge3A_3208 : f32 to vector<8x128xf32>
    %ge3A_3210 = arith.cmpf oge, %div3A_3202, %ge3A_3209 : vector<8x128xf32>
    %neg3A_3211 = arith.constant 0.000000e+00 : f32
    %neg3A_3212 = vector.broadcast %neg3A_3211 : f32 to vector<8x128xf32>
    %neg3A_3213 = arith.subf %neg3A_3212, %sqrt3A_3207 : vector<8x128xf32>
    %select_n3A_3214 = arith.select %ge3A_3210, %sqrt3A_3207, %neg3A_3213 : vector<8x128xi1>, vector<8x128xf32>
    %add3A_3215 = arith.addf %div3A_3202, %select_n3A_3214 : vector<8x128xf32>
    %div3A_3216 = arith.constant 1.000000e+00 : f32
    %div3A_3217 = vector.broadcast %div3A_3216 : f32 to vector<8x128xf32>
    %div3A_3218 = arith.divf %div3A_3217, %add3A_3215 : vector<8x128xf32>
    %abs3A_3219 = math.absf %add3A_3179 : vector<8x128xf32>
    %abs3A_3220 = math.absf %sub3A_3099 : vector<8x128xf32>
    %abs3A_3221 = math.absf %add3A_3170 : vector<8x128xf32>
    %min3A_3222 = arith.minimumf %abs3A_3220, %abs3A_3221 : vector<8x128xf32>
    %mul3A_3223 = arith.constant 1.19209291E-8 : f32
    %mul3A_3224 = vector.broadcast %mul3A_3223 : f32 to vector<8x128xf32>
    %mul3A_3225 = arith.mulf %mul3A_3224, %min3A_3222 : vector<8x128xf32>
    %le3A_3226 = arith.cmpf ole, %abs3A_3219, %mul3A_3225 : vector<8x128xf32>
    %jit3A_3227 = arith.constant 0.000000e+00 : f32
    %broadcast_in_dim3A_3228 = vector.broadcast %jit3A_3227 : f32 to vector<8x128xf32>
    %select_n3A_3229 = arith.select %le3A_3226, %broadcast_in_dim3A_3228, %div3A_3218 : vector<8x128xi1>, vector<8x128xf32>
    %mul3A_3230 = arith.mulf %select_n3A_3229, %select_n3A_3229 : vector<8x128xf32>
    %add3A_3231 = arith.constant 1.000000e+00 : f32
    %add3A_3232 = vector.broadcast %add3A_3231 : f32 to vector<8x128xf32>
    %add3A_3233 = arith.addf %add3A_3232, %mul3A_3230 : vector<8x128xf32>
    %rsqrt3A_3234 = math.rsqrt %add3A_3233 : vector<8x128xf32>
    %mul3A_3235 = arith.mulf %select_n3A_3229, %rsqrt3A_3234 : vector<8x128xf32>
    %mul3A_3236 = arith.mulf %select_n3A_3229, %add3A_3179 : vector<8x128xf32>
    %sub3A_3237 = arith.subf %sub3A_3099, %mul3A_3236 : vector<8x128xf32>
    %mul3A_3238 = arith.mulf %select_n3A_3229, %add3A_3179 : vector<8x128xf32>
    %add3A_3239 = arith.addf %add3A_3170, %mul3A_3238 : vector<8x128xf32>
    %mul3A_3240 = arith.mulf %sub3A_3176, %rsqrt3A_3234 : vector<8x128xf32>
    %mul3A_3241 = arith.mulf %broadcast_in_dim3A_2231, %mul3A_3235 : vector<8x128xf32>
    %sub3A_3242 = arith.subf %mul3A_3240, %mul3A_3241 : vector<8x128xf32>
    %mul3A_3243 = arith.mulf %sub3A_3176, %mul3A_3235 : vector<8x128xf32>
    %mul3A_3244 = arith.mulf %broadcast_in_dim3A_2231, %rsqrt3A_3234 : vector<8x128xf32>
    %add3A_3245 = arith.addf %mul3A_3243, %mul3A_3244 : vector<8x128xf32>
    %mul3A_3246 = arith.mulf %sub3A_3173, %mul3A_3235 : vector<8x128xf32>
    %mul3A_3247 = arith.mulf %broadcast_in_dim3A_2231, %rsqrt3A_3234 : vector<8x128xf32>
    %add3A_3248 = arith.addf %mul3A_3246, %mul3A_3247 : vector<8x128xf32>
    %mul3A_3249 = arith.mulf %sub3A_3113, %rsqrt3A_3234 : vector<8x128xf32>
    %mul3A_3250 = arith.mulf %add3A_3185, %mul3A_3235 : vector<8x128xf32>
    %sub3A_3251 = arith.subf %mul3A_3249, %mul3A_3250 : vector<8x128xf32>
    %mul3A_3252 = arith.mulf %sub3A_3113, %mul3A_3235 : vector<8x128xf32>
    %mul3A_3253 = arith.mulf %add3A_3185, %rsqrt3A_3234 : vector<8x128xf32>
    %add3A_3254 = arith.addf %mul3A_3252, %mul3A_3253 : vector<8x128xf32>
    %mul3A_3255 = arith.mulf %sub3A_3119, %rsqrt3A_3234 : vector<8x128xf32>
    %mul3A_3256 = arith.mulf %add3A_3191, %mul3A_3235 : vector<8x128xf32>
    %sub3A_3257 = arith.subf %mul3A_3255, %mul3A_3256 : vector<8x128xf32>
    %mul3A_3258 = arith.mulf %sub3A_3119, %mul3A_3235 : vector<8x128xf32>
    %mul3A_3259 = arith.mulf %add3A_3191, %rsqrt3A_3234 : vector<8x128xf32>
    %add3A_3260 = arith.addf %mul3A_3258, %mul3A_3259 : vector<8x128xf32>
    %mul3A_3261 = arith.mulf %sub3A_3125, %rsqrt3A_3234 : vector<8x128xf32>
    %mul3A_3262 = arith.mulf %add3A_3197, %mul3A_3235 : vector<8x128xf32>
    %sub3A_3263 = arith.subf %mul3A_3261, %mul3A_3262 : vector<8x128xf32>
    %mul3A_3264 = arith.mulf %sub3A_3125, %mul3A_3235 : vector<8x128xf32>
    %mul3A_3265 = arith.mulf %add3A_3197, %rsqrt3A_3234 : vector<8x128xf32>
    %add3A_3266 = arith.addf %mul3A_3264, %mul3A_3265 : vector<8x128xf32>
    %sub3A_3267 = arith.subf %sub3A_3168, %sub3A_3237 : vector<8x128xf32>
    %mul3A_3268 = arith.constant 2.000000e+00 : f32
    %mul3A_3269 = vector.broadcast %mul3A_3268 : f32 to vector<8x128xf32>
    %mul3A_3270 = arith.mulf %mul3A_3269, %sub3A_3242 : vector<8x128xf32>
    %div3A_3271 = arith.divf %sub3A_3267, %mul3A_3270 : vector<8x128xf32>
    %mul3A_3272 = arith.mulf %div3A_3271, %div3A_3271 : vector<8x128xf32>
    %add3A_3273 = arith.constant 1.000000e+00 : f32
    %add3A_3274 = vector.broadcast %add3A_3273 : f32 to vector<8x128xf32>
    %add3A_3275 = arith.addf %add3A_3274, %mul3A_3272 : vector<8x128xf32>
    %sqrt3A_3276 = math.sqrt %add3A_3275 : vector<8x128xf32>
    %ge3A_3277 = arith.constant 0.000000e+00 : f32
    %ge3A_3278 = vector.broadcast %ge3A_3277 : f32 to vector<8x128xf32>
    %ge3A_3279 = arith.cmpf oge, %div3A_3271, %ge3A_3278 : vector<8x128xf32>
    %neg3A_3280 = arith.constant 0.000000e+00 : f32
    %neg3A_3281 = vector.broadcast %neg3A_3280 : f32 to vector<8x128xf32>
    %neg3A_3282 = arith.subf %neg3A_3281, %sqrt3A_3276 : vector<8x128xf32>
    %select_n3A_3283 = arith.select %ge3A_3279, %sqrt3A_3276, %neg3A_3282 : vector<8x128xi1>, vector<8x128xf32>
    %add3A_3284 = arith.addf %div3A_3271, %select_n3A_3283 : vector<8x128xf32>
    %div3A_3285 = arith.constant 1.000000e+00 : f32
    %div3A_3286 = vector.broadcast %div3A_3285 : f32 to vector<8x128xf32>
    %div3A_3287 = arith.divf %div3A_3286, %add3A_3284 : vector<8x128xf32>
    %abs3A_3288 = math.absf %sub3A_3242 : vector<8x128xf32>
    %abs3A_3289 = math.absf %sub3A_3237 : vector<8x128xf32>
    %abs3A_3290 = math.absf %sub3A_3168 : vector<8x128xf32>
    %min3A_3291 = arith.minimumf %abs3A_3289, %abs3A_3290 : vector<8x128xf32>
    %mul3A_3292 = arith.constant 1.19209291E-8 : f32
    %mul3A_3293 = vector.broadcast %mul3A_3292 : f32 to vector<8x128xf32>
    %mul3A_3294 = arith.mulf %mul3A_3293, %min3A_3291 : vector<8x128xf32>
    %le3A_3295 = arith.cmpf ole, %abs3A_3288, %mul3A_3294 : vector<8x128xf32>
    %jit3A_3296 = arith.constant 0.000000e+00 : f32
    %broadcast_in_dim3A_3297 = vector.broadcast %jit3A_3296 : f32 to vector<8x128xf32>
    %select_n3A_3298 = arith.select %le3A_3295, %broadcast_in_dim3A_3297, %div3A_3287 : vector<8x128xi1>, vector<8x128xf32>
    %mul3A_3299 = arith.mulf %select_n3A_3298, %select_n3A_3298 : vector<8x128xf32>
    %add3A_3300 = arith.constant 1.000000e+00 : f32
    %add3A_3301 = vector.broadcast %add3A_3300 : f32 to vector<8x128xf32>
    %add3A_3302 = arith.addf %add3A_3301, %mul3A_3299 : vector<8x128xf32>
    %rsqrt3A_3303 = math.rsqrt %add3A_3302 : vector<8x128xf32>
    %mul3A_3304 = arith.mulf %select_n3A_3298, %rsqrt3A_3303 : vector<8x128xf32>
    %mul3A_3305 = arith.mulf %select_n3A_3298, %sub3A_3242 : vector<8x128xf32>
    %sub3A_3306 = arith.subf %sub3A_3237, %mul3A_3305 : vector<8x128xf32>
    %mul3A_3307 = arith.mulf %select_n3A_3298, %sub3A_3242 : vector<8x128xf32>
    %add3A_3308 = arith.addf %sub3A_3168, %mul3A_3307 : vector<8x128xf32>
    %mul3A_3309 = arith.mulf %broadcast_in_dim3A_2231, %rsqrt3A_3303 : vector<8x128xf32>
    %mul3A_3310 = arith.mulf %add3A_3248, %mul3A_3304 : vector<8x128xf32>
    %sub3A_3311 = arith.subf %mul3A_3309, %mul3A_3310 : vector<8x128xf32>
    %mul3A_3312 = arith.mulf %broadcast_in_dim3A_2231, %mul3A_3304 : vector<8x128xf32>
    %mul3A_3313 = arith.mulf %add3A_3248, %rsqrt3A_3303 : vector<8x128xf32>
    %add3A_3314 = arith.addf %mul3A_3312, %mul3A_3313 : vector<8x128xf32>
    %mul3A_3315 = arith.mulf %broadcast_in_dim3A_2231, %rsqrt3A_3303 : vector<8x128xf32>
    %mul3A_3316 = arith.mulf %add3A_3245, %mul3A_3304 : vector<8x128xf32>
    %sub3A_3317 = arith.subf %mul3A_3315, %mul3A_3316 : vector<8x128xf32>
    %mul3A_3318 = arith.mulf %sub3A_3251, %rsqrt3A_3303 : vector<8x128xf32>
    %mul3A_3319 = arith.mulf %sub3A_3182, %mul3A_3304 : vector<8x128xf32>
    %sub3A_3320 = arith.subf %mul3A_3318, %mul3A_3319 : vector<8x128xf32>
    %mul3A_3321 = arith.mulf %sub3A_3251, %mul3A_3304 : vector<8x128xf32>
    %mul3A_3322 = arith.mulf %sub3A_3182, %rsqrt3A_3303 : vector<8x128xf32>
    %add3A_3323 = arith.addf %mul3A_3321, %mul3A_3322 : vector<8x128xf32>
    %mul3A_3324 = arith.mulf %sub3A_3257, %rsqrt3A_3303 : vector<8x128xf32>
    %mul3A_3325 = arith.mulf %sub3A_3188, %mul3A_3304 : vector<8x128xf32>
    %sub3A_3326 = arith.subf %mul3A_3324, %mul3A_3325 : vector<8x128xf32>
    %mul3A_3327 = arith.mulf %sub3A_3257, %mul3A_3304 : vector<8x128xf32>
    %mul3A_3328 = arith.mulf %sub3A_3188, %rsqrt3A_3303 : vector<8x128xf32>
    %add3A_3329 = arith.addf %mul3A_3327, %mul3A_3328 : vector<8x128xf32>
    %mul3A_3330 = arith.mulf %sub3A_3263, %rsqrt3A_3303 : vector<8x128xf32>
    %mul3A_3331 = arith.mulf %sub3A_3194, %mul3A_3304 : vector<8x128xf32>
    %sub3A_3332 = arith.subf %mul3A_3330, %mul3A_3331 : vector<8x128xf32>
    %mul3A_3333 = arith.mulf %sub3A_3263, %mul3A_3304 : vector<8x128xf32>
    %mul3A_3334 = arith.mulf %sub3A_3194, %rsqrt3A_3303 : vector<8x128xf32>
    %add3A_3335 = arith.addf %mul3A_3333, %mul3A_3334 : vector<8x128xf32>
    %sub3A_3336 = arith.subf %add3A_3239, %add3A_3308 : vector<8x128xf32>
    %mul3A_3337 = arith.constant 2.000000e+00 : f32
    %mul3A_3338 = vector.broadcast %mul3A_3337 : f32 to vector<8x128xf32>
    %mul3A_3339 = arith.mulf %mul3A_3338, %add3A_3314 : vector<8x128xf32>
    %div3A_3340 = arith.divf %sub3A_3336, %mul3A_3339 : vector<8x128xf32>
    %mul3A_3341 = arith.mulf %div3A_3340, %div3A_3340 : vector<8x128xf32>
    %add3A_3342 = arith.constant 1.000000e+00 : f32
    %add3A_3343 = vector.broadcast %add3A_3342 : f32 to vector<8x128xf32>
    %add3A_3344 = arith.addf %add3A_3343, %mul3A_3341 : vector<8x128xf32>
    %sqrt3A_3345 = math.sqrt %add3A_3344 : vector<8x128xf32>
    %ge3A_3346 = arith.constant 0.000000e+00 : f32
    %ge3A_3347 = vector.broadcast %ge3A_3346 : f32 to vector<8x128xf32>
    %ge3A_3348 = arith.cmpf oge, %div3A_3340, %ge3A_3347 : vector<8x128xf32>
    %neg3A_3349 = arith.constant 0.000000e+00 : f32
    %neg3A_3350 = vector.broadcast %neg3A_3349 : f32 to vector<8x128xf32>
    %neg3A_3351 = arith.subf %neg3A_3350, %sqrt3A_3345 : vector<8x128xf32>
    %select_n3A_3352 = arith.select %ge3A_3348, %sqrt3A_3345, %neg3A_3351 : vector<8x128xi1>, vector<8x128xf32>
    %add3A_3353 = arith.addf %div3A_3340, %select_n3A_3352 : vector<8x128xf32>
    %div3A_3354 = arith.constant 1.000000e+00 : f32
    %div3A_3355 = vector.broadcast %div3A_3354 : f32 to vector<8x128xf32>
    %div3A_3356 = arith.divf %div3A_3355, %add3A_3353 : vector<8x128xf32>
    %abs3A_3357 = math.absf %add3A_3314 : vector<8x128xf32>
    %abs3A_3358 = math.absf %add3A_3308 : vector<8x128xf32>
    %abs3A_3359 = math.absf %add3A_3239 : vector<8x128xf32>
    %min3A_3360 = arith.minimumf %abs3A_3358, %abs3A_3359 : vector<8x128xf32>
    %mul3A_3361 = arith.constant 1.19209291E-8 : f32
    %mul3A_3362 = vector.broadcast %mul3A_3361 : f32 to vector<8x128xf32>
    %mul3A_3363 = arith.mulf %mul3A_3362, %min3A_3360 : vector<8x128xf32>
    %le3A_3364 = arith.cmpf ole, %abs3A_3357, %mul3A_3363 : vector<8x128xf32>
    %jit3A_3365 = arith.constant 0.000000e+00 : f32
    %broadcast_in_dim3A_3366 = vector.broadcast %jit3A_3365 : f32 to vector<8x128xf32>
    %select_n3A_3367 = arith.select %le3A_3364, %broadcast_in_dim3A_3366, %div3A_3356 : vector<8x128xi1>, vector<8x128xf32>
    %mul3A_3368 = arith.mulf %select_n3A_3367, %select_n3A_3367 : vector<8x128xf32>
    %add3A_3369 = arith.constant 1.000000e+00 : f32
    %add3A_3370 = vector.broadcast %add3A_3369 : f32 to vector<8x128xf32>
    %add3A_3371 = arith.addf %add3A_3370, %mul3A_3368 : vector<8x128xf32>
    %rsqrt3A_3372 = math.rsqrt %add3A_3371 : vector<8x128xf32>
    %mul3A_3373 = arith.mulf %select_n3A_3367, %rsqrt3A_3372 : vector<8x128xf32>
    %mul3A_3374 = arith.mulf %select_n3A_3367, %add3A_3314 : vector<8x128xf32>
    %sub3A_3375 = arith.subf %add3A_3308, %mul3A_3374 : vector<8x128xf32>
    %mul3A_3376 = arith.mulf %select_n3A_3367, %add3A_3314 : vector<8x128xf32>
    %add3A_3377 = arith.addf %add3A_3239, %mul3A_3376 : vector<8x128xf32>
    %mul3A_3378 = arith.mulf %broadcast_in_dim3A_2231, %rsqrt3A_3372 : vector<8x128xf32>
    %mul3A_3379 = arith.mulf %sub3A_3317, %mul3A_3373 : vector<8x128xf32>
    %sub3A_3380 = arith.subf %mul3A_3378, %mul3A_3379 : vector<8x128xf32>
    %mul3A_3381 = arith.mulf %broadcast_in_dim3A_2231, %rsqrt3A_3372 : vector<8x128xf32>
    %mul3A_3382 = arith.mulf %sub3A_3311, %mul3A_3373 : vector<8x128xf32>
    %sub3A_3383 = arith.subf %mul3A_3381, %mul3A_3382 : vector<8x128xf32>
    %mul3A_3384 = arith.mulf %broadcast_in_dim3A_2231, %mul3A_3373 : vector<8x128xf32>
    %mul3A_3385 = arith.mulf %sub3A_3311, %rsqrt3A_3372 : vector<8x128xf32>
    %add3A_3386 = arith.addf %mul3A_3384, %mul3A_3385 : vector<8x128xf32>
    %mul3A_3387 = arith.mulf %add3A_3323, %rsqrt3A_3372 : vector<8x128xf32>
    %mul3A_3388 = arith.mulf %add3A_3254, %mul3A_3373 : vector<8x128xf32>
    %sub3A_3389 = arith.subf %mul3A_3387, %mul3A_3388 : vector<8x128xf32>
    %mul3A_3390 = arith.mulf %add3A_3323, %mul3A_3373 : vector<8x128xf32>
    %mul3A_3391 = arith.mulf %add3A_3254, %rsqrt3A_3372 : vector<8x128xf32>
    %add3A_3392 = arith.addf %mul3A_3390, %mul3A_3391 : vector<8x128xf32>
    %mul3A_3393 = arith.mulf %add3A_3329, %rsqrt3A_3372 : vector<8x128xf32>
    %mul3A_3394 = arith.mulf %add3A_3260, %mul3A_3373 : vector<8x128xf32>
    %sub3A_3395 = arith.subf %mul3A_3393, %mul3A_3394 : vector<8x128xf32>
    %mul3A_3396 = arith.mulf %add3A_3329, %mul3A_3373 : vector<8x128xf32>
    %mul3A_3397 = arith.mulf %add3A_3260, %rsqrt3A_3372 : vector<8x128xf32>
    %add3A_3398 = arith.addf %mul3A_3396, %mul3A_3397 : vector<8x128xf32>
    %mul3A_3399 = arith.mulf %add3A_3335, %rsqrt3A_3372 : vector<8x128xf32>
    %mul3A_3400 = arith.mulf %add3A_3266, %mul3A_3373 : vector<8x128xf32>
    %sub3A_3401 = arith.subf %mul3A_3399, %mul3A_3400 : vector<8x128xf32>
    %mul3A_3402 = arith.mulf %add3A_3335, %mul3A_3373 : vector<8x128xf32>
    %mul3A_3403 = arith.mulf %add3A_3266, %rsqrt3A_3372 : vector<8x128xf32>
    %add3A_3404 = arith.addf %mul3A_3402, %mul3A_3403 : vector<8x128xf32>
    %sub3A_3405 = arith.subf %add3A_3377, %sub3A_3306 : vector<8x128xf32>
    %mul3A_3406 = arith.constant 2.000000e+00 : f32
    %mul3A_3407 = vector.broadcast %mul3A_3406 : f32 to vector<8x128xf32>
    %mul3A_3408 = arith.mulf %mul3A_3407, %add3A_3386 : vector<8x128xf32>
    %div3A_3409 = arith.divf %sub3A_3405, %mul3A_3408 : vector<8x128xf32>
    %mul3A_3410 = arith.mulf %div3A_3409, %div3A_3409 : vector<8x128xf32>
    %add3A_3411 = arith.constant 1.000000e+00 : f32
    %add3A_3412 = vector.broadcast %add3A_3411 : f32 to vector<8x128xf32>
    %add3A_3413 = arith.addf %add3A_3412, %mul3A_3410 : vector<8x128xf32>
    %sqrt3A_3414 = math.sqrt %add3A_3413 : vector<8x128xf32>
    %ge3A_3415 = arith.constant 0.000000e+00 : f32
    %ge3A_3416 = vector.broadcast %ge3A_3415 : f32 to vector<8x128xf32>
    %ge3A_3417 = arith.cmpf oge, %div3A_3409, %ge3A_3416 : vector<8x128xf32>
    %neg3A_3418 = arith.constant 0.000000e+00 : f32
    %neg3A_3419 = vector.broadcast %neg3A_3418 : f32 to vector<8x128xf32>
    %neg3A_3420 = arith.subf %neg3A_3419, %sqrt3A_3414 : vector<8x128xf32>
    %select_n3A_3421 = arith.select %ge3A_3417, %sqrt3A_3414, %neg3A_3420 : vector<8x128xi1>, vector<8x128xf32>
    %add3A_3422 = arith.addf %div3A_3409, %select_n3A_3421 : vector<8x128xf32>
    %div3A_3423 = arith.constant 1.000000e+00 : f32
    %div3A_3424 = vector.broadcast %div3A_3423 : f32 to vector<8x128xf32>
    %div3A_3425 = arith.divf %div3A_3424, %add3A_3422 : vector<8x128xf32>
    %abs3A_3426 = math.absf %add3A_3386 : vector<8x128xf32>
    %abs3A_3427 = math.absf %sub3A_3306 : vector<8x128xf32>
    %abs3A_3428 = math.absf %add3A_3377 : vector<8x128xf32>
    %min3A_3429 = arith.minimumf %abs3A_3427, %abs3A_3428 : vector<8x128xf32>
    %mul3A_3430 = arith.constant 1.19209291E-8 : f32
    %mul3A_3431 = vector.broadcast %mul3A_3430 : f32 to vector<8x128xf32>
    %mul3A_3432 = arith.mulf %mul3A_3431, %min3A_3429 : vector<8x128xf32>
    %le3A_3433 = arith.cmpf ole, %abs3A_3426, %mul3A_3432 : vector<8x128xf32>
    %jit3A_3434 = arith.constant 0.000000e+00 : f32
    %broadcast_in_dim3A_3435 = vector.broadcast %jit3A_3434 : f32 to vector<8x128xf32>
    %select_n3A_3436 = arith.select %le3A_3433, %broadcast_in_dim3A_3435, %div3A_3425 : vector<8x128xi1>, vector<8x128xf32>
    %mul3A_3437 = arith.mulf %select_n3A_3436, %select_n3A_3436 : vector<8x128xf32>
    %add3A_3438 = arith.constant 1.000000e+00 : f32
    %add3A_3439 = vector.broadcast %add3A_3438 : f32 to vector<8x128xf32>
    %add3A_3440 = arith.addf %add3A_3439, %mul3A_3437 : vector<8x128xf32>
    %rsqrt3A_3441 = math.rsqrt %add3A_3440 : vector<8x128xf32>
    %mul3A_3442 = arith.mulf %select_n3A_3436, %rsqrt3A_3441 : vector<8x128xf32>
    %mul3A_3443 = arith.mulf %select_n3A_3436, %add3A_3386 : vector<8x128xf32>
    %sub3A_3444 = arith.subf %sub3A_3306, %mul3A_3443 : vector<8x128xf32>
    %mul3A_3445 = arith.mulf %select_n3A_3436, %add3A_3386 : vector<8x128xf32>
    %add3A_3446 = arith.addf %add3A_3377, %mul3A_3445 : vector<8x128xf32>
    %mul3A_3447 = arith.mulf %sub3A_3383, %rsqrt3A_3441 : vector<8x128xf32>
    %mul3A_3448 = arith.mulf %broadcast_in_dim3A_2231, %mul3A_3442 : vector<8x128xf32>
    %sub3A_3449 = arith.subf %mul3A_3447, %mul3A_3448 : vector<8x128xf32>
    %mul3A_3450 = arith.mulf %sub3A_3383, %mul3A_3442 : vector<8x128xf32>
    %mul3A_3451 = arith.mulf %broadcast_in_dim3A_2231, %rsqrt3A_3441 : vector<8x128xf32>
    %add3A_3452 = arith.addf %mul3A_3450, %mul3A_3451 : vector<8x128xf32>
    %mul3A_3453 = arith.mulf %sub3A_3380, %mul3A_3442 : vector<8x128xf32>
    %mul3A_3454 = arith.mulf %broadcast_in_dim3A_2231, %rsqrt3A_3441 : vector<8x128xf32>
    %add3A_3455 = arith.addf %mul3A_3453, %mul3A_3454 : vector<8x128xf32>
    %mul3A_3456 = arith.mulf %sub3A_3320, %rsqrt3A_3441 : vector<8x128xf32>
    %mul3A_3457 = arith.mulf %add3A_3392, %mul3A_3442 : vector<8x128xf32>
    %sub3A_3458 = arith.subf %mul3A_3456, %mul3A_3457 : vector<8x128xf32>
    %mul3A_3459 = arith.mulf %sub3A_3320, %mul3A_3442 : vector<8x128xf32>
    %mul3A_3460 = arith.mulf %add3A_3392, %rsqrt3A_3441 : vector<8x128xf32>
    %add3A_3461 = arith.addf %mul3A_3459, %mul3A_3460 : vector<8x128xf32>
    %mul3A_3462 = arith.mulf %sub3A_3326, %rsqrt3A_3441 : vector<8x128xf32>
    %mul3A_3463 = arith.mulf %add3A_3398, %mul3A_3442 : vector<8x128xf32>
    %sub3A_3464 = arith.subf %mul3A_3462, %mul3A_3463 : vector<8x128xf32>
    %mul3A_3465 = arith.mulf %sub3A_3326, %mul3A_3442 : vector<8x128xf32>
    %mul3A_3466 = arith.mulf %add3A_3398, %rsqrt3A_3441 : vector<8x128xf32>
    %add3A_3467 = arith.addf %mul3A_3465, %mul3A_3466 : vector<8x128xf32>
    %mul3A_3468 = arith.mulf %sub3A_3332, %rsqrt3A_3441 : vector<8x128xf32>
    %mul3A_3469 = arith.mulf %add3A_3404, %mul3A_3442 : vector<8x128xf32>
    %sub3A_3470 = arith.subf %mul3A_3468, %mul3A_3469 : vector<8x128xf32>
    %mul3A_3471 = arith.mulf %sub3A_3332, %mul3A_3442 : vector<8x128xf32>
    %mul3A_3472 = arith.mulf %add3A_3404, %rsqrt3A_3441 : vector<8x128xf32>
    %add3A_3473 = arith.addf %mul3A_3471, %mul3A_3472 : vector<8x128xf32>
    %sub3A_3474 = arith.subf %sub3A_3375, %sub3A_3444 : vector<8x128xf32>
    %mul3A_3475 = arith.constant 2.000000e+00 : f32
    %mul3A_3476 = vector.broadcast %mul3A_3475 : f32 to vector<8x128xf32>
    %mul3A_3477 = arith.mulf %mul3A_3476, %sub3A_3449 : vector<8x128xf32>
    %div3A_3478 = arith.divf %sub3A_3474, %mul3A_3477 : vector<8x128xf32>
    %mul3A_3479 = arith.mulf %div3A_3478, %div3A_3478 : vector<8x128xf32>
    %add3A_3480 = arith.constant 1.000000e+00 : f32
    %add3A_3481 = vector.broadcast %add3A_3480 : f32 to vector<8x128xf32>
    %add3A_3482 = arith.addf %add3A_3481, %mul3A_3479 : vector<8x128xf32>
    %sqrt3A_3483 = math.sqrt %add3A_3482 : vector<8x128xf32>
    %ge3A_3484 = arith.constant 0.000000e+00 : f32
    %ge3A_3485 = vector.broadcast %ge3A_3484 : f32 to vector<8x128xf32>
    %ge3A_3486 = arith.cmpf oge, %div3A_3478, %ge3A_3485 : vector<8x128xf32>
    %neg3A_3487 = arith.constant 0.000000e+00 : f32
    %neg3A_3488 = vector.broadcast %neg3A_3487 : f32 to vector<8x128xf32>
    %neg3A_3489 = arith.subf %neg3A_3488, %sqrt3A_3483 : vector<8x128xf32>
    %select_n3A_3490 = arith.select %ge3A_3486, %sqrt3A_3483, %neg3A_3489 : vector<8x128xi1>, vector<8x128xf32>
    %add3A_3491 = arith.addf %div3A_3478, %select_n3A_3490 : vector<8x128xf32>
    %div3A_3492 = arith.constant 1.000000e+00 : f32
    %div3A_3493 = vector.broadcast %div3A_3492 : f32 to vector<8x128xf32>
    %div3A_3494 = arith.divf %div3A_3493, %add3A_3491 : vector<8x128xf32>
    %abs3A_3495 = math.absf %sub3A_3449 : vector<8x128xf32>
    %abs3A_3496 = math.absf %sub3A_3444 : vector<8x128xf32>
    %abs3A_3497 = math.absf %sub3A_3375 : vector<8x128xf32>
    %min3A_3498 = arith.minimumf %abs3A_3496, %abs3A_3497 : vector<8x128xf32>
    %mul3A_3499 = arith.constant 1.19209291E-8 : f32
    %mul3A_3500 = vector.broadcast %mul3A_3499 : f32 to vector<8x128xf32>
    %mul3A_3501 = arith.mulf %mul3A_3500, %min3A_3498 : vector<8x128xf32>
    %le3A_3502 = arith.cmpf ole, %abs3A_3495, %mul3A_3501 : vector<8x128xf32>
    %jit3A_3503 = arith.constant 0.000000e+00 : f32
    %broadcast_in_dim3A_3504 = vector.broadcast %jit3A_3503 : f32 to vector<8x128xf32>
    %select_n3A_3505 = arith.select %le3A_3502, %broadcast_in_dim3A_3504, %div3A_3494 : vector<8x128xi1>, vector<8x128xf32>
    %mul3A_3506 = arith.mulf %select_n3A_3505, %select_n3A_3505 : vector<8x128xf32>
    %add3A_3507 = arith.constant 1.000000e+00 : f32
    %add3A_3508 = vector.broadcast %add3A_3507 : f32 to vector<8x128xf32>
    %add3A_3509 = arith.addf %add3A_3508, %mul3A_3506 : vector<8x128xf32>
    %rsqrt3A_3510 = math.rsqrt %add3A_3509 : vector<8x128xf32>
    %mul3A_3511 = arith.mulf %select_n3A_3505, %rsqrt3A_3510 : vector<8x128xf32>
    %mul3A_3512 = arith.mulf %select_n3A_3505, %sub3A_3449 : vector<8x128xf32>
    %sub3A_3513 = arith.subf %sub3A_3444, %mul3A_3512 : vector<8x128xf32>
    %mul3A_3514 = arith.mulf %select_n3A_3505, %sub3A_3449 : vector<8x128xf32>
    %add3A_3515 = arith.addf %sub3A_3375, %mul3A_3514 : vector<8x128xf32>
    %mul3A_3516 = arith.mulf %broadcast_in_dim3A_2231, %rsqrt3A_3510 : vector<8x128xf32>
    %mul3A_3517 = arith.mulf %add3A_3455, %mul3A_3511 : vector<8x128xf32>
    %sub3A_3518 = arith.subf %mul3A_3516, %mul3A_3517 : vector<8x128xf32>
    %mul3A_3519 = arith.mulf %broadcast_in_dim3A_2231, %mul3A_3511 : vector<8x128xf32>
    %mul3A_3520 = arith.mulf %add3A_3455, %rsqrt3A_3510 : vector<8x128xf32>
    %add3A_3521 = arith.addf %mul3A_3519, %mul3A_3520 : vector<8x128xf32>
    %mul3A_3522 = arith.mulf %broadcast_in_dim3A_2231, %rsqrt3A_3510 : vector<8x128xf32>
    %mul3A_3523 = arith.mulf %add3A_3452, %mul3A_3511 : vector<8x128xf32>
    %sub3A_3524 = arith.subf %mul3A_3522, %mul3A_3523 : vector<8x128xf32>
    %mul3A_3525 = arith.mulf %sub3A_3458, %rsqrt3A_3510 : vector<8x128xf32>
    %mul3A_3526 = arith.mulf %sub3A_3389, %mul3A_3511 : vector<8x128xf32>
    %sub3A_3527 = arith.subf %mul3A_3525, %mul3A_3526 : vector<8x128xf32>
    %mul3A_3528 = arith.mulf %sub3A_3458, %mul3A_3511 : vector<8x128xf32>
    %mul3A_3529 = arith.mulf %sub3A_3389, %rsqrt3A_3510 : vector<8x128xf32>
    %add3A_3530 = arith.addf %mul3A_3528, %mul3A_3529 : vector<8x128xf32>
    %mul3A_3531 = arith.mulf %sub3A_3464, %rsqrt3A_3510 : vector<8x128xf32>
    %mul3A_3532 = arith.mulf %sub3A_3395, %mul3A_3511 : vector<8x128xf32>
    %sub3A_3533 = arith.subf %mul3A_3531, %mul3A_3532 : vector<8x128xf32>
    %mul3A_3534 = arith.mulf %sub3A_3464, %mul3A_3511 : vector<8x128xf32>
    %mul3A_3535 = arith.mulf %sub3A_3395, %rsqrt3A_3510 : vector<8x128xf32>
    %add3A_3536 = arith.addf %mul3A_3534, %mul3A_3535 : vector<8x128xf32>
    %mul3A_3537 = arith.mulf %sub3A_3470, %rsqrt3A_3510 : vector<8x128xf32>
    %mul3A_3538 = arith.mulf %sub3A_3401, %mul3A_3511 : vector<8x128xf32>
    %sub3A_3539 = arith.subf %mul3A_3537, %mul3A_3538 : vector<8x128xf32>
    %mul3A_3540 = arith.mulf %sub3A_3470, %mul3A_3511 : vector<8x128xf32>
    %mul3A_3541 = arith.mulf %sub3A_3401, %rsqrt3A_3510 : vector<8x128xf32>
    %add3A_3542 = arith.addf %mul3A_3540, %mul3A_3541 : vector<8x128xf32>
    %sub3A_3543 = arith.subf %add3A_3446, %add3A_3515 : vector<8x128xf32>
    %mul3A_3544 = arith.constant 2.000000e+00 : f32
    %mul3A_3545 = vector.broadcast %mul3A_3544 : f32 to vector<8x128xf32>
    %mul3A_3546 = arith.mulf %mul3A_3545, %add3A_3521 : vector<8x128xf32>
    %div3A_3547 = arith.divf %sub3A_3543, %mul3A_3546 : vector<8x128xf32>
    %mul3A_3548 = arith.mulf %div3A_3547, %div3A_3547 : vector<8x128xf32>
    %add3A_3549 = arith.constant 1.000000e+00 : f32
    %add3A_3550 = vector.broadcast %add3A_3549 : f32 to vector<8x128xf32>
    %add3A_3551 = arith.addf %add3A_3550, %mul3A_3548 : vector<8x128xf32>
    %sqrt3A_3552 = math.sqrt %add3A_3551 : vector<8x128xf32>
    %ge3A_3553 = arith.constant 0.000000e+00 : f32
    %ge3A_3554 = vector.broadcast %ge3A_3553 : f32 to vector<8x128xf32>
    %ge3A_3555 = arith.cmpf oge, %div3A_3547, %ge3A_3554 : vector<8x128xf32>
    %neg3A_3556 = arith.constant 0.000000e+00 : f32
    %neg3A_3557 = vector.broadcast %neg3A_3556 : f32 to vector<8x128xf32>
    %neg3A_3558 = arith.subf %neg3A_3557, %sqrt3A_3552 : vector<8x128xf32>
    %select_n3A_3559 = arith.select %ge3A_3555, %sqrt3A_3552, %neg3A_3558 : vector<8x128xi1>, vector<8x128xf32>
    %add3A_3560 = arith.addf %div3A_3547, %select_n3A_3559 : vector<8x128xf32>
    %div3A_3561 = arith.constant 1.000000e+00 : f32
    %div3A_3562 = vector.broadcast %div3A_3561 : f32 to vector<8x128xf32>
    %div3A_3563 = arith.divf %div3A_3562, %add3A_3560 : vector<8x128xf32>
    %abs3A_3564 = math.absf %add3A_3521 : vector<8x128xf32>
    %abs3A_3565 = math.absf %add3A_3515 : vector<8x128xf32>
    %abs3A_3566 = math.absf %add3A_3446 : vector<8x128xf32>
    %min3A_3567 = arith.minimumf %abs3A_3565, %abs3A_3566 : vector<8x128xf32>
    %mul3A_3568 = arith.constant 1.19209291E-8 : f32
    %mul3A_3569 = vector.broadcast %mul3A_3568 : f32 to vector<8x128xf32>
    %mul3A_3570 = arith.mulf %mul3A_3569, %min3A_3567 : vector<8x128xf32>
    %le3A_3571 = arith.cmpf ole, %abs3A_3564, %mul3A_3570 : vector<8x128xf32>
    %jit3A_3572 = arith.constant 0.000000e+00 : f32
    %broadcast_in_dim3A_3573 = vector.broadcast %jit3A_3572 : f32 to vector<8x128xf32>
    %select_n3A_3574 = arith.select %le3A_3571, %broadcast_in_dim3A_3573, %div3A_3563 : vector<8x128xi1>, vector<8x128xf32>
    %mul3A_3575 = arith.mulf %select_n3A_3574, %select_n3A_3574 : vector<8x128xf32>
    %add3A_3576 = arith.constant 1.000000e+00 : f32
    %add3A_3577 = vector.broadcast %add3A_3576 : f32 to vector<8x128xf32>
    %add3A_3578 = arith.addf %add3A_3577, %mul3A_3575 : vector<8x128xf32>
    %rsqrt3A_3579 = math.rsqrt %add3A_3578 : vector<8x128xf32>
    %mul3A_3580 = arith.mulf %select_n3A_3574, %rsqrt3A_3579 : vector<8x128xf32>
    %mul3A_3581 = arith.mulf %select_n3A_3574, %add3A_3521 : vector<8x128xf32>
    %sub3A_3582 = arith.subf %add3A_3515, %mul3A_3581 : vector<8x128xf32>
    %mul3A_3583 = arith.mulf %select_n3A_3574, %add3A_3521 : vector<8x128xf32>
    %add3A_3584 = arith.addf %add3A_3446, %mul3A_3583 : vector<8x128xf32>
    %mul3A_3585 = arith.mulf %broadcast_in_dim3A_2231, %rsqrt3A_3579 : vector<8x128xf32>
    %mul3A_3586 = arith.mulf %sub3A_3524, %mul3A_3580 : vector<8x128xf32>
    %sub3A_3587 = arith.subf %mul3A_3585, %mul3A_3586 : vector<8x128xf32>
    %mul3A_3588 = arith.mulf %broadcast_in_dim3A_2231, %rsqrt3A_3579 : vector<8x128xf32>
    %mul3A_3589 = arith.mulf %sub3A_3518, %mul3A_3580 : vector<8x128xf32>
    %sub3A_3590 = arith.subf %mul3A_3588, %mul3A_3589 : vector<8x128xf32>
    %mul3A_3591 = arith.mulf %broadcast_in_dim3A_2231, %mul3A_3580 : vector<8x128xf32>
    %mul3A_3592 = arith.mulf %sub3A_3518, %rsqrt3A_3579 : vector<8x128xf32>
    %add3A_3593 = arith.addf %mul3A_3591, %mul3A_3592 : vector<8x128xf32>
    %mul3A_3594 = arith.mulf %add3A_3530, %rsqrt3A_3579 : vector<8x128xf32>
    %mul3A_3595 = arith.mulf %add3A_3461, %mul3A_3580 : vector<8x128xf32>
    %sub3A_3596 = arith.subf %mul3A_3594, %mul3A_3595 : vector<8x128xf32>
    %mul3A_3597 = arith.mulf %add3A_3530, %mul3A_3580 : vector<8x128xf32>
    %mul3A_3598 = arith.mulf %add3A_3461, %rsqrt3A_3579 : vector<8x128xf32>
    %add3A_3599 = arith.addf %mul3A_3597, %mul3A_3598 : vector<8x128xf32>
    %mul3A_3600 = arith.mulf %add3A_3536, %rsqrt3A_3579 : vector<8x128xf32>
    %mul3A_3601 = arith.mulf %add3A_3467, %mul3A_3580 : vector<8x128xf32>
    %sub3A_3602 = arith.subf %mul3A_3600, %mul3A_3601 : vector<8x128xf32>
    %mul3A_3603 = arith.mulf %add3A_3536, %mul3A_3580 : vector<8x128xf32>
    %mul3A_3604 = arith.mulf %add3A_3467, %rsqrt3A_3579 : vector<8x128xf32>
    %add3A_3605 = arith.addf %mul3A_3603, %mul3A_3604 : vector<8x128xf32>
    %mul3A_3606 = arith.mulf %add3A_3542, %rsqrt3A_3579 : vector<8x128xf32>
    %mul3A_3607 = arith.mulf %add3A_3473, %mul3A_3580 : vector<8x128xf32>
    %sub3A_3608 = arith.subf %mul3A_3606, %mul3A_3607 : vector<8x128xf32>
    %mul3A_3609 = arith.mulf %add3A_3542, %mul3A_3580 : vector<8x128xf32>
    %mul3A_3610 = arith.mulf %add3A_3473, %rsqrt3A_3579 : vector<8x128xf32>
    %add3A_3611 = arith.addf %mul3A_3609, %mul3A_3610 : vector<8x128xf32>
    %sub3A_3612 = arith.subf %add3A_3584, %sub3A_3513 : vector<8x128xf32>
    %mul3A_3613 = arith.constant 2.000000e+00 : f32
    %mul3A_3614 = vector.broadcast %mul3A_3613 : f32 to vector<8x128xf32>
    %mul3A_3615 = arith.mulf %mul3A_3614, %add3A_3593 : vector<8x128xf32>
    %div3A_3616 = arith.divf %sub3A_3612, %mul3A_3615 : vector<8x128xf32>
    %mul3A_3617 = arith.mulf %div3A_3616, %div3A_3616 : vector<8x128xf32>
    %add3A_3618 = arith.constant 1.000000e+00 : f32
    %add3A_3619 = vector.broadcast %add3A_3618 : f32 to vector<8x128xf32>
    %add3A_3620 = arith.addf %add3A_3619, %mul3A_3617 : vector<8x128xf32>
    %sqrt3A_3621 = math.sqrt %add3A_3620 : vector<8x128xf32>
    %ge3A_3622 = arith.constant 0.000000e+00 : f32
    %ge3A_3623 = vector.broadcast %ge3A_3622 : f32 to vector<8x128xf32>
    %ge3A_3624 = arith.cmpf oge, %div3A_3616, %ge3A_3623 : vector<8x128xf32>
    %neg3A_3625 = arith.constant 0.000000e+00 : f32
    %neg3A_3626 = vector.broadcast %neg3A_3625 : f32 to vector<8x128xf32>
    %neg3A_3627 = arith.subf %neg3A_3626, %sqrt3A_3621 : vector<8x128xf32>
    %select_n3A_3628 = arith.select %ge3A_3624, %sqrt3A_3621, %neg3A_3627 : vector<8x128xi1>, vector<8x128xf32>
    %add3A_3629 = arith.addf %div3A_3616, %select_n3A_3628 : vector<8x128xf32>
    %div3A_3630 = arith.constant 1.000000e+00 : f32
    %div3A_3631 = vector.broadcast %div3A_3630 : f32 to vector<8x128xf32>
    %div3A_3632 = arith.divf %div3A_3631, %add3A_3629 : vector<8x128xf32>
    %abs3A_3633 = math.absf %add3A_3593 : vector<8x128xf32>
    %abs3A_3634 = math.absf %sub3A_3513 : vector<8x128xf32>
    %abs3A_3635 = math.absf %add3A_3584 : vector<8x128xf32>
    %min3A_3636 = arith.minimumf %abs3A_3634, %abs3A_3635 : vector<8x128xf32>
    %mul3A_3637 = arith.constant 1.19209291E-8 : f32
    %mul3A_3638 = vector.broadcast %mul3A_3637 : f32 to vector<8x128xf32>
    %mul3A_3639 = arith.mulf %mul3A_3638, %min3A_3636 : vector<8x128xf32>
    %le3A_3640 = arith.cmpf ole, %abs3A_3633, %mul3A_3639 : vector<8x128xf32>
    %jit3A_3641 = arith.constant 0.000000e+00 : f32
    %broadcast_in_dim3A_3642 = vector.broadcast %jit3A_3641 : f32 to vector<8x128xf32>
    %select_n3A_3643 = arith.select %le3A_3640, %broadcast_in_dim3A_3642, %div3A_3632 : vector<8x128xi1>, vector<8x128xf32>
    %mul3A_3644 = arith.mulf %select_n3A_3643, %select_n3A_3643 : vector<8x128xf32>
    %add3A_3645 = arith.constant 1.000000e+00 : f32
    %add3A_3646 = vector.broadcast %add3A_3645 : f32 to vector<8x128xf32>
    %add3A_3647 = arith.addf %add3A_3646, %mul3A_3644 : vector<8x128xf32>
    %rsqrt3A_3648 = math.rsqrt %add3A_3647 : vector<8x128xf32>
    %mul3A_3649 = arith.mulf %select_n3A_3643, %rsqrt3A_3648 : vector<8x128xf32>
    %mul3A_3650 = arith.mulf %select_n3A_3643, %add3A_3593 : vector<8x128xf32>
    %sub3A_3651 = arith.subf %sub3A_3513, %mul3A_3650 : vector<8x128xf32>
    %mul3A_3652 = arith.mulf %select_n3A_3643, %add3A_3593 : vector<8x128xf32>
    %add3A_3653 = arith.addf %add3A_3584, %mul3A_3652 : vector<8x128xf32>
    %mul3A_3654 = arith.mulf %sub3A_3590, %rsqrt3A_3648 : vector<8x128xf32>
    %mul3A_3655 = arith.mulf %broadcast_in_dim3A_2231, %mul3A_3649 : vector<8x128xf32>
    %sub3A_3656 = arith.subf %mul3A_3654, %mul3A_3655 : vector<8x128xf32>
    %mul3A_3657 = arith.mulf %sub3A_3590, %mul3A_3649 : vector<8x128xf32>
    %mul3A_3658 = arith.mulf %broadcast_in_dim3A_2231, %rsqrt3A_3648 : vector<8x128xf32>
    %add3A_3659 = arith.addf %mul3A_3657, %mul3A_3658 : vector<8x128xf32>
    %mul3A_3660 = arith.mulf %sub3A_3587, %mul3A_3649 : vector<8x128xf32>
    %mul3A_3661 = arith.mulf %broadcast_in_dim3A_2231, %rsqrt3A_3648 : vector<8x128xf32>
    %add3A_3662 = arith.addf %mul3A_3660, %mul3A_3661 : vector<8x128xf32>
    %mul3A_3663 = arith.mulf %sub3A_3527, %rsqrt3A_3648 : vector<8x128xf32>
    %mul3A_3664 = arith.mulf %add3A_3599, %mul3A_3649 : vector<8x128xf32>
    %sub3A_3665 = arith.subf %mul3A_3663, %mul3A_3664 : vector<8x128xf32>
    %mul3A_3666 = arith.mulf %sub3A_3527, %mul3A_3649 : vector<8x128xf32>
    %mul3A_3667 = arith.mulf %add3A_3599, %rsqrt3A_3648 : vector<8x128xf32>
    %add3A_3668 = arith.addf %mul3A_3666, %mul3A_3667 : vector<8x128xf32>
    %mul3A_3669 = arith.mulf %sub3A_3533, %rsqrt3A_3648 : vector<8x128xf32>
    %mul3A_3670 = arith.mulf %add3A_3605, %mul3A_3649 : vector<8x128xf32>
    %sub3A_3671 = arith.subf %mul3A_3669, %mul3A_3670 : vector<8x128xf32>
    %mul3A_3672 = arith.mulf %sub3A_3533, %mul3A_3649 : vector<8x128xf32>
    %mul3A_3673 = arith.mulf %add3A_3605, %rsqrt3A_3648 : vector<8x128xf32>
    %add3A_3674 = arith.addf %mul3A_3672, %mul3A_3673 : vector<8x128xf32>
    %mul3A_3675 = arith.mulf %sub3A_3539, %rsqrt3A_3648 : vector<8x128xf32>
    %mul3A_3676 = arith.mulf %add3A_3611, %mul3A_3649 : vector<8x128xf32>
    %sub3A_3677 = arith.subf %mul3A_3675, %mul3A_3676 : vector<8x128xf32>
    %mul3A_3678 = arith.mulf %sub3A_3539, %mul3A_3649 : vector<8x128xf32>
    %mul3A_3679 = arith.mulf %add3A_3611, %rsqrt3A_3648 : vector<8x128xf32>
    %add3A_3680 = arith.addf %mul3A_3678, %mul3A_3679 : vector<8x128xf32>
    %sub3A_3681 = arith.subf %sub3A_3582, %sub3A_3651 : vector<8x128xf32>
    %mul3A_3682 = arith.constant 2.000000e+00 : f32
    %mul3A_3683 = vector.broadcast %mul3A_3682 : f32 to vector<8x128xf32>
    %mul3A_3684 = arith.mulf %mul3A_3683, %sub3A_3656 : vector<8x128xf32>
    %div3A_3685 = arith.divf %sub3A_3681, %mul3A_3684 : vector<8x128xf32>
    %mul3A_3686 = arith.mulf %div3A_3685, %div3A_3685 : vector<8x128xf32>
    %add3A_3687 = arith.constant 1.000000e+00 : f32
    %add3A_3688 = vector.broadcast %add3A_3687 : f32 to vector<8x128xf32>
    %add3A_3689 = arith.addf %add3A_3688, %mul3A_3686 : vector<8x128xf32>
    %sqrt3A_3690 = math.sqrt %add3A_3689 : vector<8x128xf32>
    %ge3A_3691 = arith.constant 0.000000e+00 : f32
    %ge3A_3692 = vector.broadcast %ge3A_3691 : f32 to vector<8x128xf32>
    %ge3A_3693 = arith.cmpf oge, %div3A_3685, %ge3A_3692 : vector<8x128xf32>
    %neg3A_3694 = arith.constant 0.000000e+00 : f32
    %neg3A_3695 = vector.broadcast %neg3A_3694 : f32 to vector<8x128xf32>
    %neg3A_3696 = arith.subf %neg3A_3695, %sqrt3A_3690 : vector<8x128xf32>
    %select_n3A_3697 = arith.select %ge3A_3693, %sqrt3A_3690, %neg3A_3696 : vector<8x128xi1>, vector<8x128xf32>
    %add3A_3698 = arith.addf %div3A_3685, %select_n3A_3697 : vector<8x128xf32>
    %div3A_3699 = arith.constant 1.000000e+00 : f32
    %div3A_3700 = vector.broadcast %div3A_3699 : f32 to vector<8x128xf32>
    %div3A_3701 = arith.divf %div3A_3700, %add3A_3698 : vector<8x128xf32>
    %abs3A_3702 = math.absf %sub3A_3656 : vector<8x128xf32>
    %abs3A_3703 = math.absf %sub3A_3651 : vector<8x128xf32>
    %abs3A_3704 = math.absf %sub3A_3582 : vector<8x128xf32>
    %min3A_3705 = arith.minimumf %abs3A_3703, %abs3A_3704 : vector<8x128xf32>
    %mul3A_3706 = arith.constant 1.19209291E-8 : f32
    %mul3A_3707 = vector.broadcast %mul3A_3706 : f32 to vector<8x128xf32>
    %mul3A_3708 = arith.mulf %mul3A_3707, %min3A_3705 : vector<8x128xf32>
    %le3A_3709 = arith.cmpf ole, %abs3A_3702, %mul3A_3708 : vector<8x128xf32>
    %jit3A_3710 = arith.constant 0.000000e+00 : f32
    %broadcast_in_dim3A_3711 = vector.broadcast %jit3A_3710 : f32 to vector<8x128xf32>
    %select_n3A_3712 = arith.select %le3A_3709, %broadcast_in_dim3A_3711, %div3A_3701 : vector<8x128xi1>, vector<8x128xf32>
    %mul3A_3713 = arith.mulf %select_n3A_3712, %select_n3A_3712 : vector<8x128xf32>
    %add3A_3714 = arith.constant 1.000000e+00 : f32
    %add3A_3715 = vector.broadcast %add3A_3714 : f32 to vector<8x128xf32>
    %add3A_3716 = arith.addf %add3A_3715, %mul3A_3713 : vector<8x128xf32>
    %rsqrt3A_3717 = math.rsqrt %add3A_3716 : vector<8x128xf32>
    %mul3A_3718 = arith.mulf %select_n3A_3712, %rsqrt3A_3717 : vector<8x128xf32>
    %mul3A_3719 = arith.mulf %select_n3A_3712, %sub3A_3656 : vector<8x128xf32>
    %sub3A_3720 = arith.subf %sub3A_3651, %mul3A_3719 : vector<8x128xf32>
    %mul3A_3721 = arith.mulf %select_n3A_3712, %sub3A_3656 : vector<8x128xf32>
    %add3A_3722 = arith.addf %sub3A_3582, %mul3A_3721 : vector<8x128xf32>
    %mul3A_3723 = arith.mulf %broadcast_in_dim3A_2231, %rsqrt3A_3717 : vector<8x128xf32>
    %mul3A_3724 = arith.mulf %add3A_3662, %mul3A_3718 : vector<8x128xf32>
    %sub3A_3725 = arith.subf %mul3A_3723, %mul3A_3724 : vector<8x128xf32>
    %mul3A_3726 = arith.mulf %broadcast_in_dim3A_2231, %mul3A_3718 : vector<8x128xf32>
    %mul3A_3727 = arith.mulf %add3A_3662, %rsqrt3A_3717 : vector<8x128xf32>
    %add3A_3728 = arith.addf %mul3A_3726, %mul3A_3727 : vector<8x128xf32>
    %mul3A_3729 = arith.mulf %broadcast_in_dim3A_2231, %rsqrt3A_3717 : vector<8x128xf32>
    %mul3A_3730 = arith.mulf %add3A_3659, %mul3A_3718 : vector<8x128xf32>
    %sub3A_3731 = arith.subf %mul3A_3729, %mul3A_3730 : vector<8x128xf32>
    %mul3A_3732 = arith.mulf %sub3A_3665, %rsqrt3A_3717 : vector<8x128xf32>
    %mul3A_3733 = arith.mulf %sub3A_3596, %mul3A_3718 : vector<8x128xf32>
    %sub3A_3734 = arith.subf %mul3A_3732, %mul3A_3733 : vector<8x128xf32>
    %mul3A_3735 = arith.mulf %sub3A_3665, %mul3A_3718 : vector<8x128xf32>
    %mul3A_3736 = arith.mulf %sub3A_3596, %rsqrt3A_3717 : vector<8x128xf32>
    %add3A_3737 = arith.addf %mul3A_3735, %mul3A_3736 : vector<8x128xf32>
    %mul3A_3738 = arith.mulf %sub3A_3671, %rsqrt3A_3717 : vector<8x128xf32>
    %mul3A_3739 = arith.mulf %sub3A_3602, %mul3A_3718 : vector<8x128xf32>
    %sub3A_3740 = arith.subf %mul3A_3738, %mul3A_3739 : vector<8x128xf32>
    %mul3A_3741 = arith.mulf %sub3A_3671, %mul3A_3718 : vector<8x128xf32>
    %mul3A_3742 = arith.mulf %sub3A_3602, %rsqrt3A_3717 : vector<8x128xf32>
    %add3A_3743 = arith.addf %mul3A_3741, %mul3A_3742 : vector<8x128xf32>
    %mul3A_3744 = arith.mulf %sub3A_3677, %rsqrt3A_3717 : vector<8x128xf32>
    %mul3A_3745 = arith.mulf %sub3A_3608, %mul3A_3718 : vector<8x128xf32>
    %sub3A_3746 = arith.subf %mul3A_3744, %mul3A_3745 : vector<8x128xf32>
    %mul3A_3747 = arith.mulf %sub3A_3677, %mul3A_3718 : vector<8x128xf32>
    %mul3A_3748 = arith.mulf %sub3A_3608, %rsqrt3A_3717 : vector<8x128xf32>
    %add3A_3749 = arith.addf %mul3A_3747, %mul3A_3748 : vector<8x128xf32>
    %sub3A_3750 = arith.subf %add3A_3653, %add3A_3722 : vector<8x128xf32>
    %mul3A_3751 = arith.constant 2.000000e+00 : f32
    %mul3A_3752 = vector.broadcast %mul3A_3751 : f32 to vector<8x128xf32>
    %mul3A_3753 = arith.mulf %mul3A_3752, %add3A_3728 : vector<8x128xf32>
    %div3A_3754 = arith.divf %sub3A_3750, %mul3A_3753 : vector<8x128xf32>
    %mul3A_3755 = arith.mulf %div3A_3754, %div3A_3754 : vector<8x128xf32>
    %add3A_3756 = arith.constant 1.000000e+00 : f32
    %add3A_3757 = vector.broadcast %add3A_3756 : f32 to vector<8x128xf32>
    %add3A_3758 = arith.addf %add3A_3757, %mul3A_3755 : vector<8x128xf32>
    %sqrt3A_3759 = math.sqrt %add3A_3758 : vector<8x128xf32>
    %ge3A_3760 = arith.constant 0.000000e+00 : f32
    %ge3A_3761 = vector.broadcast %ge3A_3760 : f32 to vector<8x128xf32>
    %ge3A_3762 = arith.cmpf oge, %div3A_3754, %ge3A_3761 : vector<8x128xf32>
    %neg3A_3763 = arith.constant 0.000000e+00 : f32
    %neg3A_3764 = vector.broadcast %neg3A_3763 : f32 to vector<8x128xf32>
    %neg3A_3765 = arith.subf %neg3A_3764, %sqrt3A_3759 : vector<8x128xf32>
    %select_n3A_3766 = arith.select %ge3A_3762, %sqrt3A_3759, %neg3A_3765 : vector<8x128xi1>, vector<8x128xf32>
    %add3A_3767 = arith.addf %div3A_3754, %select_n3A_3766 : vector<8x128xf32>
    %div3A_3768 = arith.constant 1.000000e+00 : f32
    %div3A_3769 = vector.broadcast %div3A_3768 : f32 to vector<8x128xf32>
    %div3A_3770 = arith.divf %div3A_3769, %add3A_3767 : vector<8x128xf32>
    %abs3A_3771 = math.absf %add3A_3728 : vector<8x128xf32>
    %abs3A_3772 = math.absf %add3A_3722 : vector<8x128xf32>
    %abs3A_3773 = math.absf %add3A_3653 : vector<8x128xf32>
    %min3A_3774 = arith.minimumf %abs3A_3772, %abs3A_3773 : vector<8x128xf32>
    %mul3A_3775 = arith.constant 1.19209291E-8 : f32
    %mul3A_3776 = vector.broadcast %mul3A_3775 : f32 to vector<8x128xf32>
    %mul3A_3777 = arith.mulf %mul3A_3776, %min3A_3774 : vector<8x128xf32>
    %le3A_3778 = arith.cmpf ole, %abs3A_3771, %mul3A_3777 : vector<8x128xf32>
    %jit3A_3779 = arith.constant 0.000000e+00 : f32
    %broadcast_in_dim3A_3780 = vector.broadcast %jit3A_3779 : f32 to vector<8x128xf32>
    %select_n3A_3781 = arith.select %le3A_3778, %broadcast_in_dim3A_3780, %div3A_3770 : vector<8x128xi1>, vector<8x128xf32>
    %mul3A_3782 = arith.mulf %select_n3A_3781, %select_n3A_3781 : vector<8x128xf32>
    %add3A_3783 = arith.constant 1.000000e+00 : f32
    %add3A_3784 = vector.broadcast %add3A_3783 : f32 to vector<8x128xf32>
    %add3A_3785 = arith.addf %add3A_3784, %mul3A_3782 : vector<8x128xf32>
    %rsqrt3A_3786 = math.rsqrt %add3A_3785 : vector<8x128xf32>
    %mul3A_3787 = arith.mulf %select_n3A_3781, %rsqrt3A_3786 : vector<8x128xf32>
    %mul3A_3788 = arith.mulf %select_n3A_3781, %add3A_3728 : vector<8x128xf32>
    %sub3A_3789 = arith.subf %add3A_3722, %mul3A_3788 : vector<8x128xf32>
    %mul3A_3790 = arith.mulf %select_n3A_3781, %add3A_3728 : vector<8x128xf32>
    %add3A_3791 = arith.addf %add3A_3653, %mul3A_3790 : vector<8x128xf32>
    %mul3A_3792 = arith.mulf %broadcast_in_dim3A_2231, %rsqrt3A_3786 : vector<8x128xf32>
    %mul3A_3793 = arith.mulf %sub3A_3731, %mul3A_3787 : vector<8x128xf32>
    %sub3A_3794 = arith.subf %mul3A_3792, %mul3A_3793 : vector<8x128xf32>
    %mul3A_3795 = arith.mulf %broadcast_in_dim3A_2231, %rsqrt3A_3786 : vector<8x128xf32>
    %mul3A_3796 = arith.mulf %sub3A_3725, %mul3A_3787 : vector<8x128xf32>
    %sub3A_3797 = arith.subf %mul3A_3795, %mul3A_3796 : vector<8x128xf32>
    %mul3A_3798 = arith.mulf %broadcast_in_dim3A_2231, %mul3A_3787 : vector<8x128xf32>
    %mul3A_3799 = arith.mulf %sub3A_3725, %rsqrt3A_3786 : vector<8x128xf32>
    %add3A_3800 = arith.addf %mul3A_3798, %mul3A_3799 : vector<8x128xf32>
    %mul3A_3801 = arith.mulf %add3A_3737, %rsqrt3A_3786 : vector<8x128xf32>
    %mul3A_3802 = arith.mulf %add3A_3668, %mul3A_3787 : vector<8x128xf32>
    %sub3A_3803 = arith.subf %mul3A_3801, %mul3A_3802 : vector<8x128xf32>
    %mul3A_3804 = arith.mulf %add3A_3737, %mul3A_3787 : vector<8x128xf32>
    %mul3A_3805 = arith.mulf %add3A_3668, %rsqrt3A_3786 : vector<8x128xf32>
    %add3A_3806 = arith.addf %mul3A_3804, %mul3A_3805 : vector<8x128xf32>
    %mul3A_3807 = arith.mulf %add3A_3743, %rsqrt3A_3786 : vector<8x128xf32>
    %mul3A_3808 = arith.mulf %add3A_3674, %mul3A_3787 : vector<8x128xf32>
    %sub3A_3809 = arith.subf %mul3A_3807, %mul3A_3808 : vector<8x128xf32>
    %mul3A_3810 = arith.mulf %add3A_3743, %mul3A_3787 : vector<8x128xf32>
    %mul3A_3811 = arith.mulf %add3A_3674, %rsqrt3A_3786 : vector<8x128xf32>
    %add3A_3812 = arith.addf %mul3A_3810, %mul3A_3811 : vector<8x128xf32>
    %mul3A_3813 = arith.mulf %add3A_3749, %rsqrt3A_3786 : vector<8x128xf32>
    %mul3A_3814 = arith.mulf %add3A_3680, %mul3A_3787 : vector<8x128xf32>
    %sub3A_3815 = arith.subf %mul3A_3813, %mul3A_3814 : vector<8x128xf32>
    %mul3A_3816 = arith.mulf %add3A_3749, %mul3A_3787 : vector<8x128xf32>
    %mul3A_3817 = arith.mulf %add3A_3680, %rsqrt3A_3786 : vector<8x128xf32>
    %add3A_3818 = arith.addf %mul3A_3816, %mul3A_3817 : vector<8x128xf32>
    %sub3A_3819 = arith.subf %add3A_3791, %sub3A_3720 : vector<8x128xf32>
    %mul3A_3820 = arith.constant 2.000000e+00 : f32
    %mul3A_3821 = vector.broadcast %mul3A_3820 : f32 to vector<8x128xf32>
    %mul3A_3822 = arith.mulf %mul3A_3821, %add3A_3800 : vector<8x128xf32>
    %div3A_3823 = arith.divf %sub3A_3819, %mul3A_3822 : vector<8x128xf32>
    %mul3A_3824 = arith.mulf %div3A_3823, %div3A_3823 : vector<8x128xf32>
    %add3A_3825 = arith.constant 1.000000e+00 : f32
    %add3A_3826 = vector.broadcast %add3A_3825 : f32 to vector<8x128xf32>
    %add3A_3827 = arith.addf %add3A_3826, %mul3A_3824 : vector<8x128xf32>
    %sqrt3A_3828 = math.sqrt %add3A_3827 : vector<8x128xf32>
    %ge3A_3829 = arith.constant 0.000000e+00 : f32
    %ge3A_3830 = vector.broadcast %ge3A_3829 : f32 to vector<8x128xf32>
    %ge3A_3831 = arith.cmpf oge, %div3A_3823, %ge3A_3830 : vector<8x128xf32>
    %neg3A_3832 = arith.constant 0.000000e+00 : f32
    %neg3A_3833 = vector.broadcast %neg3A_3832 : f32 to vector<8x128xf32>
    %neg3A_3834 = arith.subf %neg3A_3833, %sqrt3A_3828 : vector<8x128xf32>
    %select_n3A_3835 = arith.select %ge3A_3831, %sqrt3A_3828, %neg3A_3834 : vector<8x128xi1>, vector<8x128xf32>
    %add3A_3836 = arith.addf %div3A_3823, %select_n3A_3835 : vector<8x128xf32>
    %div3A_3837 = arith.constant 1.000000e+00 : f32
    %div3A_3838 = vector.broadcast %div3A_3837 : f32 to vector<8x128xf32>
    %div3A_3839 = arith.divf %div3A_3838, %add3A_3836 : vector<8x128xf32>
    %abs3A_3840 = math.absf %add3A_3800 : vector<8x128xf32>
    %abs3A_3841 = math.absf %sub3A_3720 : vector<8x128xf32>
    %abs3A_3842 = math.absf %add3A_3791 : vector<8x128xf32>
    %min3A_3843 = arith.minimumf %abs3A_3841, %abs3A_3842 : vector<8x128xf32>
    %mul3A_3844 = arith.constant 1.19209291E-8 : f32
    %mul3A_3845 = vector.broadcast %mul3A_3844 : f32 to vector<8x128xf32>
    %mul3A_3846 = arith.mulf %mul3A_3845, %min3A_3843 : vector<8x128xf32>
    %le3A_3847 = arith.cmpf ole, %abs3A_3840, %mul3A_3846 : vector<8x128xf32>
    %jit3A_3848 = arith.constant 0.000000e+00 : f32
    %broadcast_in_dim3A_3849 = vector.broadcast %jit3A_3848 : f32 to vector<8x128xf32>
    %select_n3A_3850 = arith.select %le3A_3847, %broadcast_in_dim3A_3849, %div3A_3839 : vector<8x128xi1>, vector<8x128xf32>
    %mul3A_3851 = arith.mulf %select_n3A_3850, %select_n3A_3850 : vector<8x128xf32>
    %add3A_3852 = arith.constant 1.000000e+00 : f32
    %add3A_3853 = vector.broadcast %add3A_3852 : f32 to vector<8x128xf32>
    %add3A_3854 = arith.addf %add3A_3853, %mul3A_3851 : vector<8x128xf32>
    %rsqrt3A_3855 = math.rsqrt %add3A_3854 : vector<8x128xf32>
    %mul3A_3856 = arith.mulf %select_n3A_3850, %rsqrt3A_3855 : vector<8x128xf32>
    %mul3A_3857 = arith.mulf %select_n3A_3850, %add3A_3800 : vector<8x128xf32>
    %sub3A_3858 = arith.subf %sub3A_3720, %mul3A_3857 : vector<8x128xf32>
    %mul3A_3859 = arith.mulf %select_n3A_3850, %add3A_3800 : vector<8x128xf32>
    %add3A_3860 = arith.addf %add3A_3791, %mul3A_3859 : vector<8x128xf32>
    %mul3A_3861 = arith.mulf %sub3A_3797, %rsqrt3A_3855 : vector<8x128xf32>
    %mul3A_3862 = arith.mulf %broadcast_in_dim3A_2231, %mul3A_3856 : vector<8x128xf32>
    %sub3A_3863 = arith.subf %mul3A_3861, %mul3A_3862 : vector<8x128xf32>
    %mul3A_3864 = arith.mulf %sub3A_3797, %mul3A_3856 : vector<8x128xf32>
    %mul3A_3865 = arith.mulf %broadcast_in_dim3A_2231, %rsqrt3A_3855 : vector<8x128xf32>
    %add3A_3866 = arith.addf %mul3A_3864, %mul3A_3865 : vector<8x128xf32>
    %mul3A_3867 = arith.mulf %sub3A_3794, %mul3A_3856 : vector<8x128xf32>
    %mul3A_3868 = arith.mulf %broadcast_in_dim3A_2231, %rsqrt3A_3855 : vector<8x128xf32>
    %add3A_3869 = arith.addf %mul3A_3867, %mul3A_3868 : vector<8x128xf32>
    %mul3A_3870 = arith.mulf %sub3A_3734, %rsqrt3A_3855 : vector<8x128xf32>
    %mul3A_3871 = arith.mulf %add3A_3806, %mul3A_3856 : vector<8x128xf32>
    %sub3A_3872 = arith.subf %mul3A_3870, %mul3A_3871 : vector<8x128xf32>
    %mul3A_3873 = arith.mulf %sub3A_3734, %mul3A_3856 : vector<8x128xf32>
    %mul3A_3874 = arith.mulf %add3A_3806, %rsqrt3A_3855 : vector<8x128xf32>
    %add3A_3875 = arith.addf %mul3A_3873, %mul3A_3874 : vector<8x128xf32>
    %mul3A_3876 = arith.mulf %sub3A_3740, %rsqrt3A_3855 : vector<8x128xf32>
    %mul3A_3877 = arith.mulf %add3A_3812, %mul3A_3856 : vector<8x128xf32>
    %sub3A_3878 = arith.subf %mul3A_3876, %mul3A_3877 : vector<8x128xf32>
    %mul3A_3879 = arith.mulf %sub3A_3740, %mul3A_3856 : vector<8x128xf32>
    %mul3A_3880 = arith.mulf %add3A_3812, %rsqrt3A_3855 : vector<8x128xf32>
    %add3A_3881 = arith.addf %mul3A_3879, %mul3A_3880 : vector<8x128xf32>
    %mul3A_3882 = arith.mulf %sub3A_3746, %rsqrt3A_3855 : vector<8x128xf32>
    %mul3A_3883 = arith.mulf %add3A_3818, %mul3A_3856 : vector<8x128xf32>
    %sub3A_3884 = arith.subf %mul3A_3882, %mul3A_3883 : vector<8x128xf32>
    %mul3A_3885 = arith.mulf %sub3A_3746, %mul3A_3856 : vector<8x128xf32>
    %mul3A_3886 = arith.mulf %add3A_3818, %rsqrt3A_3855 : vector<8x128xf32>
    %add3A_3887 = arith.addf %mul3A_3885, %mul3A_3886 : vector<8x128xf32>
    %sub3A_3888 = arith.subf %sub3A_3789, %sub3A_3858 : vector<8x128xf32>
    %mul3A_3889 = arith.constant 2.000000e+00 : f32
    %mul3A_3890 = vector.broadcast %mul3A_3889 : f32 to vector<8x128xf32>
    %mul3A_3891 = arith.mulf %mul3A_3890, %sub3A_3863 : vector<8x128xf32>
    %div3A_3892 = arith.divf %sub3A_3888, %mul3A_3891 : vector<8x128xf32>
    %mul3A_3893 = arith.mulf %div3A_3892, %div3A_3892 : vector<8x128xf32>
    %add3A_3894 = arith.constant 1.000000e+00 : f32
    %add3A_3895 = vector.broadcast %add3A_3894 : f32 to vector<8x128xf32>
    %add3A_3896 = arith.addf %add3A_3895, %mul3A_3893 : vector<8x128xf32>
    %sqrt3A_3897 = math.sqrt %add3A_3896 : vector<8x128xf32>
    %ge3A_3898 = arith.constant 0.000000e+00 : f32
    %ge3A_3899 = vector.broadcast %ge3A_3898 : f32 to vector<8x128xf32>
    %ge3A_3900 = arith.cmpf oge, %div3A_3892, %ge3A_3899 : vector<8x128xf32>
    %neg3A_3901 = arith.constant 0.000000e+00 : f32
    %neg3A_3902 = vector.broadcast %neg3A_3901 : f32 to vector<8x128xf32>
    %neg3A_3903 = arith.subf %neg3A_3902, %sqrt3A_3897 : vector<8x128xf32>
    %select_n3A_3904 = arith.select %ge3A_3900, %sqrt3A_3897, %neg3A_3903 : vector<8x128xi1>, vector<8x128xf32>
    %add3A_3905 = arith.addf %div3A_3892, %select_n3A_3904 : vector<8x128xf32>
    %div3A_3906 = arith.constant 1.000000e+00 : f32
    %div3A_3907 = vector.broadcast %div3A_3906 : f32 to vector<8x128xf32>
    %div3A_3908 = arith.divf %div3A_3907, %add3A_3905 : vector<8x128xf32>
    %abs3A_3909 = math.absf %sub3A_3863 : vector<8x128xf32>
    %abs3A_3910 = math.absf %sub3A_3858 : vector<8x128xf32>
    %abs3A_3911 = math.absf %sub3A_3789 : vector<8x128xf32>
    %min3A_3912 = arith.minimumf %abs3A_3910, %abs3A_3911 : vector<8x128xf32>
    %mul3A_3913 = arith.constant 1.19209291E-8 : f32
    %mul3A_3914 = vector.broadcast %mul3A_3913 : f32 to vector<8x128xf32>
    %mul3A_3915 = arith.mulf %mul3A_3914, %min3A_3912 : vector<8x128xf32>
    %le3A_3916 = arith.cmpf ole, %abs3A_3909, %mul3A_3915 : vector<8x128xf32>
    %jit3A_3917 = arith.constant 0.000000e+00 : f32
    %broadcast_in_dim3A_3918 = vector.broadcast %jit3A_3917 : f32 to vector<8x128xf32>
    %select_n3A_3919 = arith.select %le3A_3916, %broadcast_in_dim3A_3918, %div3A_3908 : vector<8x128xi1>, vector<8x128xf32>
    %mul3A_3920 = arith.mulf %select_n3A_3919, %select_n3A_3919 : vector<8x128xf32>
    %add3A_3921 = arith.constant 1.000000e+00 : f32
    %add3A_3922 = vector.broadcast %add3A_3921 : f32 to vector<8x128xf32>
    %add3A_3923 = arith.addf %add3A_3922, %mul3A_3920 : vector<8x128xf32>
    %rsqrt3A_3924 = math.rsqrt %add3A_3923 : vector<8x128xf32>
    %mul3A_3925 = arith.mulf %select_n3A_3919, %rsqrt3A_3924 : vector<8x128xf32>
    %mul3A_3926 = arith.mulf %select_n3A_3919, %sub3A_3863 : vector<8x128xf32>
    %sub3A_3927 = arith.subf %sub3A_3858, %mul3A_3926 : vector<8x128xf32>
    %mul3A_3928 = arith.mulf %select_n3A_3919, %sub3A_3863 : vector<8x128xf32>
    %add3A_3929 = arith.addf %sub3A_3789, %mul3A_3928 : vector<8x128xf32>
    %mul3A_3930 = arith.mulf %broadcast_in_dim3A_2231, %rsqrt3A_3924 : vector<8x128xf32>
    %mul3A_3931 = arith.mulf %add3A_3869, %mul3A_3925 : vector<8x128xf32>
    %sub3A_3932 = arith.subf %mul3A_3930, %mul3A_3931 : vector<8x128xf32>
    %mul3A_3933 = arith.mulf %broadcast_in_dim3A_2231, %mul3A_3925 : vector<8x128xf32>
    %mul3A_3934 = arith.mulf %add3A_3869, %rsqrt3A_3924 : vector<8x128xf32>
    %add3A_3935 = arith.addf %mul3A_3933, %mul3A_3934 : vector<8x128xf32>
    %mul3A_3936 = arith.mulf %broadcast_in_dim3A_2231, %rsqrt3A_3924 : vector<8x128xf32>
    %mul3A_3937 = arith.mulf %add3A_3866, %mul3A_3925 : vector<8x128xf32>
    %sub3A_3938 = arith.subf %mul3A_3936, %mul3A_3937 : vector<8x128xf32>
    %mul3A_3939 = arith.mulf %sub3A_3872, %rsqrt3A_3924 : vector<8x128xf32>
    %mul3A_3940 = arith.mulf %sub3A_3803, %mul3A_3925 : vector<8x128xf32>
    %sub3A_3941 = arith.subf %mul3A_3939, %mul3A_3940 : vector<8x128xf32>
    %mul3A_3942 = arith.mulf %sub3A_3872, %mul3A_3925 : vector<8x128xf32>
    %mul3A_3943 = arith.mulf %sub3A_3803, %rsqrt3A_3924 : vector<8x128xf32>
    %add3A_3944 = arith.addf %mul3A_3942, %mul3A_3943 : vector<8x128xf32>
    %mul3A_3945 = arith.mulf %sub3A_3878, %rsqrt3A_3924 : vector<8x128xf32>
    %mul3A_3946 = arith.mulf %sub3A_3809, %mul3A_3925 : vector<8x128xf32>
    %sub3A_3947 = arith.subf %mul3A_3945, %mul3A_3946 : vector<8x128xf32>
    %mul3A_3948 = arith.mulf %sub3A_3878, %mul3A_3925 : vector<8x128xf32>
    %mul3A_3949 = arith.mulf %sub3A_3809, %rsqrt3A_3924 : vector<8x128xf32>
    %add3A_3950 = arith.addf %mul3A_3948, %mul3A_3949 : vector<8x128xf32>
    %mul3A_3951 = arith.mulf %sub3A_3884, %rsqrt3A_3924 : vector<8x128xf32>
    %mul3A_3952 = arith.mulf %sub3A_3815, %mul3A_3925 : vector<8x128xf32>
    %sub3A_3953 = arith.subf %mul3A_3951, %mul3A_3952 : vector<8x128xf32>
    %mul3A_3954 = arith.mulf %sub3A_3884, %mul3A_3925 : vector<8x128xf32>
    %mul3A_3955 = arith.mulf %sub3A_3815, %rsqrt3A_3924 : vector<8x128xf32>
    %add3A_3956 = arith.addf %mul3A_3954, %mul3A_3955 : vector<8x128xf32>
    %sub3A_3957 = arith.subf %add3A_3860, %add3A_3929 : vector<8x128xf32>
    %mul3A_3958 = arith.constant 2.000000e+00 : f32
    %mul3A_3959 = vector.broadcast %mul3A_3958 : f32 to vector<8x128xf32>
    %mul3A_3960 = arith.mulf %mul3A_3959, %add3A_3935 : vector<8x128xf32>
    %div3A_3961 = arith.divf %sub3A_3957, %mul3A_3960 : vector<8x128xf32>
    %mul3A_3962 = arith.mulf %div3A_3961, %div3A_3961 : vector<8x128xf32>
    %add3A_3963 = arith.constant 1.000000e+00 : f32
    %add3A_3964 = vector.broadcast %add3A_3963 : f32 to vector<8x128xf32>
    %add3A_3965 = arith.addf %add3A_3964, %mul3A_3962 : vector<8x128xf32>
    %sqrt3A_3966 = math.sqrt %add3A_3965 : vector<8x128xf32>
    %ge3A_3967 = arith.constant 0.000000e+00 : f32
    %ge3A_3968 = vector.broadcast %ge3A_3967 : f32 to vector<8x128xf32>
    %ge3A_3969 = arith.cmpf oge, %div3A_3961, %ge3A_3968 : vector<8x128xf32>
    %neg3A_3970 = arith.constant 0.000000e+00 : f32
    %neg3A_3971 = vector.broadcast %neg3A_3970 : f32 to vector<8x128xf32>
    %neg3A_3972 = arith.subf %neg3A_3971, %sqrt3A_3966 : vector<8x128xf32>
    %select_n3A_3973 = arith.select %ge3A_3969, %sqrt3A_3966, %neg3A_3972 : vector<8x128xi1>, vector<8x128xf32>
    %add3A_3974 = arith.addf %div3A_3961, %select_n3A_3973 : vector<8x128xf32>
    %div3A_3975 = arith.constant 1.000000e+00 : f32
    %div3A_3976 = vector.broadcast %div3A_3975 : f32 to vector<8x128xf32>
    %div3A_3977 = arith.divf %div3A_3976, %add3A_3974 : vector<8x128xf32>
    %abs3A_3978 = math.absf %add3A_3935 : vector<8x128xf32>
    %abs3A_3979 = math.absf %add3A_3929 : vector<8x128xf32>
    %abs3A_3980 = math.absf %add3A_3860 : vector<8x128xf32>
    %min3A_3981 = arith.minimumf %abs3A_3979, %abs3A_3980 : vector<8x128xf32>
    %mul3A_3982 = arith.constant 1.19209291E-8 : f32
    %mul3A_3983 = vector.broadcast %mul3A_3982 : f32 to vector<8x128xf32>
    %mul3A_3984 = arith.mulf %mul3A_3983, %min3A_3981 : vector<8x128xf32>
    %le3A_3985 = arith.cmpf ole, %abs3A_3978, %mul3A_3984 : vector<8x128xf32>
    %jit3A_3986 = arith.constant 0.000000e+00 : f32
    %broadcast_in_dim3A_3987 = vector.broadcast %jit3A_3986 : f32 to vector<8x128xf32>
    %select_n3A_3988 = arith.select %le3A_3985, %broadcast_in_dim3A_3987, %div3A_3977 : vector<8x128xi1>, vector<8x128xf32>
    %mul3A_3989 = arith.mulf %select_n3A_3988, %select_n3A_3988 : vector<8x128xf32>
    %add3A_3990 = arith.constant 1.000000e+00 : f32
    %add3A_3991 = vector.broadcast %add3A_3990 : f32 to vector<8x128xf32>
    %add3A_3992 = arith.addf %add3A_3991, %mul3A_3989 : vector<8x128xf32>
    %rsqrt3A_3993 = math.rsqrt %add3A_3992 : vector<8x128xf32>
    %mul3A_3994 = arith.mulf %select_n3A_3988, %rsqrt3A_3993 : vector<8x128xf32>
    %mul3A_3995 = arith.mulf %select_n3A_3988, %add3A_3935 : vector<8x128xf32>
    %sub3A_3996 = arith.subf %add3A_3929, %mul3A_3995 : vector<8x128xf32>
    %mul3A_3997 = arith.mulf %select_n3A_3988, %add3A_3935 : vector<8x128xf32>
    %add3A_3998 = arith.addf %add3A_3860, %mul3A_3997 : vector<8x128xf32>
    %mul3A_3999 = arith.mulf %broadcast_in_dim3A_2231, %rsqrt3A_3993 : vector<8x128xf32>
    %mul3A_4000 = arith.mulf %sub3A_3938, %mul3A_3994 : vector<8x128xf32>
    %sub3A_4001 = arith.subf %mul3A_3999, %mul3A_4000 : vector<8x128xf32>
    %mul3A_4002 = arith.mulf %broadcast_in_dim3A_2231, %rsqrt3A_3993 : vector<8x128xf32>
    %mul3A_4003 = arith.mulf %sub3A_3932, %mul3A_3994 : vector<8x128xf32>
    %sub3A_4004 = arith.subf %mul3A_4002, %mul3A_4003 : vector<8x128xf32>
    %mul3A_4005 = arith.mulf %broadcast_in_dim3A_2231, %mul3A_3994 : vector<8x128xf32>
    %mul3A_4006 = arith.mulf %sub3A_3932, %rsqrt3A_3993 : vector<8x128xf32>
    %add3A_4007 = arith.addf %mul3A_4005, %mul3A_4006 : vector<8x128xf32>
    %mul3A_4008 = arith.mulf %add3A_3944, %rsqrt3A_3993 : vector<8x128xf32>
    %mul3A_4009 = arith.mulf %add3A_3875, %mul3A_3994 : vector<8x128xf32>
    %sub3A_4010 = arith.subf %mul3A_4008, %mul3A_4009 : vector<8x128xf32>
    %mul3A_4011 = arith.mulf %add3A_3944, %mul3A_3994 : vector<8x128xf32>
    %mul3A_4012 = arith.mulf %add3A_3875, %rsqrt3A_3993 : vector<8x128xf32>
    %add3A_4013 = arith.addf %mul3A_4011, %mul3A_4012 : vector<8x128xf32>
    %mul3A_4014 = arith.mulf %add3A_3950, %rsqrt3A_3993 : vector<8x128xf32>
    %mul3A_4015 = arith.mulf %add3A_3881, %mul3A_3994 : vector<8x128xf32>
    %sub3A_4016 = arith.subf %mul3A_4014, %mul3A_4015 : vector<8x128xf32>
    %mul3A_4017 = arith.mulf %add3A_3950, %mul3A_3994 : vector<8x128xf32>
    %mul3A_4018 = arith.mulf %add3A_3881, %rsqrt3A_3993 : vector<8x128xf32>
    %add3A_4019 = arith.addf %mul3A_4017, %mul3A_4018 : vector<8x128xf32>
    %mul3A_4020 = arith.mulf %add3A_3956, %rsqrt3A_3993 : vector<8x128xf32>
    %mul3A_4021 = arith.mulf %add3A_3887, %mul3A_3994 : vector<8x128xf32>
    %sub3A_4022 = arith.subf %mul3A_4020, %mul3A_4021 : vector<8x128xf32>
    %mul3A_4023 = arith.mulf %add3A_3956, %mul3A_3994 : vector<8x128xf32>
    %mul3A_4024 = arith.mulf %add3A_3887, %rsqrt3A_3993 : vector<8x128xf32>
    %add3A_4025 = arith.addf %mul3A_4023, %mul3A_4024 : vector<8x128xf32>
    %sub3A_4026 = arith.subf %add3A_3998, %sub3A_3927 : vector<8x128xf32>
    %mul3A_4027 = arith.constant 2.000000e+00 : f32
    %mul3A_4028 = vector.broadcast %mul3A_4027 : f32 to vector<8x128xf32>
    %mul3A_4029 = arith.mulf %mul3A_4028, %add3A_4007 : vector<8x128xf32>
    %div3A_4030 = arith.divf %sub3A_4026, %mul3A_4029 : vector<8x128xf32>
    %mul3A_4031 = arith.mulf %div3A_4030, %div3A_4030 : vector<8x128xf32>
    %add3A_4032 = arith.constant 1.000000e+00 : f32
    %add3A_4033 = vector.broadcast %add3A_4032 : f32 to vector<8x128xf32>
    %add3A_4034 = arith.addf %add3A_4033, %mul3A_4031 : vector<8x128xf32>
    %sqrt3A_4035 = math.sqrt %add3A_4034 : vector<8x128xf32>
    %ge3A_4036 = arith.constant 0.000000e+00 : f32
    %ge3A_4037 = vector.broadcast %ge3A_4036 : f32 to vector<8x128xf32>
    %ge3A_4038 = arith.cmpf oge, %div3A_4030, %ge3A_4037 : vector<8x128xf32>
    %neg3A_4039 = arith.constant 0.000000e+00 : f32
    %neg3A_4040 = vector.broadcast %neg3A_4039 : f32 to vector<8x128xf32>
    %neg3A_4041 = arith.subf %neg3A_4040, %sqrt3A_4035 : vector<8x128xf32>
    %select_n3A_4042 = arith.select %ge3A_4038, %sqrt3A_4035, %neg3A_4041 : vector<8x128xi1>, vector<8x128xf32>
    %add3A_4043 = arith.addf %div3A_4030, %select_n3A_4042 : vector<8x128xf32>
    %div3A_4044 = arith.constant 1.000000e+00 : f32
    %div3A_4045 = vector.broadcast %div3A_4044 : f32 to vector<8x128xf32>
    %div3A_4046 = arith.divf %div3A_4045, %add3A_4043 : vector<8x128xf32>
    %abs3A_4047 = math.absf %add3A_4007 : vector<8x128xf32>
    %abs3A_4048 = math.absf %sub3A_3927 : vector<8x128xf32>
    %abs3A_4049 = math.absf %add3A_3998 : vector<8x128xf32>
    %min3A_4050 = arith.minimumf %abs3A_4048, %abs3A_4049 : vector<8x128xf32>
    %mul3A_4051 = arith.constant 1.19209291E-8 : f32
    %mul3A_4052 = vector.broadcast %mul3A_4051 : f32 to vector<8x128xf32>
    %mul3A_4053 = arith.mulf %mul3A_4052, %min3A_4050 : vector<8x128xf32>
    %le3A_4054 = arith.cmpf ole, %abs3A_4047, %mul3A_4053 : vector<8x128xf32>
    %jit3A_4055 = arith.constant 0.000000e+00 : f32
    %broadcast_in_dim3A_4056 = vector.broadcast %jit3A_4055 : f32 to vector<8x128xf32>
    %select_n3A_4057 = arith.select %le3A_4054, %broadcast_in_dim3A_4056, %div3A_4046 : vector<8x128xi1>, vector<8x128xf32>
    %mul3A_4058 = arith.mulf %select_n3A_4057, %select_n3A_4057 : vector<8x128xf32>
    %add3A_4059 = arith.constant 1.000000e+00 : f32
    %add3A_4060 = vector.broadcast %add3A_4059 : f32 to vector<8x128xf32>
    %add3A_4061 = arith.addf %add3A_4060, %mul3A_4058 : vector<8x128xf32>
    %rsqrt3A_4062 = math.rsqrt %add3A_4061 : vector<8x128xf32>
    %mul3A_4063 = arith.mulf %select_n3A_4057, %rsqrt3A_4062 : vector<8x128xf32>
    %mul3A_4064 = arith.mulf %select_n3A_4057, %add3A_4007 : vector<8x128xf32>
    %sub3A_4065 = arith.subf %sub3A_3927, %mul3A_4064 : vector<8x128xf32>
    %mul3A_4066 = arith.mulf %select_n3A_4057, %add3A_4007 : vector<8x128xf32>
    %add3A_4067 = arith.addf %add3A_3998, %mul3A_4066 : vector<8x128xf32>
    %mul3A_4068 = arith.mulf %sub3A_4004, %rsqrt3A_4062 : vector<8x128xf32>
    %mul3A_4069 = arith.mulf %broadcast_in_dim3A_2231, %mul3A_4063 : vector<8x128xf32>
    %sub3A_4070 = arith.subf %mul3A_4068, %mul3A_4069 : vector<8x128xf32>
    %mul3A_4071 = arith.mulf %sub3A_4001, %mul3A_4063 : vector<8x128xf32>
    %mul3A_4072 = arith.mulf %broadcast_in_dim3A_2231, %rsqrt3A_4062 : vector<8x128xf32>
    %add3A_4073 = arith.addf %mul3A_4071, %mul3A_4072 : vector<8x128xf32>
    %mul3A_4074 = arith.mulf %sub3A_3941, %rsqrt3A_4062 : vector<8x128xf32>
    %mul3A_4075 = arith.mulf %add3A_4013, %mul3A_4063 : vector<8x128xf32>
    %sub3A_4076 = arith.subf %mul3A_4074, %mul3A_4075 : vector<8x128xf32>
    %mul3A_4077 = arith.mulf %sub3A_3941, %mul3A_4063 : vector<8x128xf32>
    %mul3A_4078 = arith.mulf %add3A_4013, %rsqrt3A_4062 : vector<8x128xf32>
    %add3A_4079 = arith.addf %mul3A_4077, %mul3A_4078 : vector<8x128xf32>
    %mul3A_4080 = arith.mulf %sub3A_3947, %rsqrt3A_4062 : vector<8x128xf32>
    %mul3A_4081 = arith.mulf %add3A_4019, %mul3A_4063 : vector<8x128xf32>
    %sub3A_4082 = arith.subf %mul3A_4080, %mul3A_4081 : vector<8x128xf32>
    %mul3A_4083 = arith.mulf %sub3A_3947, %mul3A_4063 : vector<8x128xf32>
    %mul3A_4084 = arith.mulf %add3A_4019, %rsqrt3A_4062 : vector<8x128xf32>
    %add3A_4085 = arith.addf %mul3A_4083, %mul3A_4084 : vector<8x128xf32>
    %mul3A_4086 = arith.mulf %sub3A_3953, %rsqrt3A_4062 : vector<8x128xf32>
    %mul3A_4087 = arith.mulf %add3A_4025, %mul3A_4063 : vector<8x128xf32>
    %sub3A_4088 = arith.subf %mul3A_4086, %mul3A_4087 : vector<8x128xf32>
    %mul3A_4089 = arith.mulf %sub3A_3953, %mul3A_4063 : vector<8x128xf32>
    %mul3A_4090 = arith.mulf %add3A_4025, %rsqrt3A_4062 : vector<8x128xf32>
    %add3A_4091 = arith.addf %mul3A_4089, %mul3A_4090 : vector<8x128xf32>
    %sub3A_4092 = arith.subf %sub3A_3996, %sub3A_4065 : vector<8x128xf32>
    %mul3A_4093 = arith.constant 2.000000e+00 : f32
    %mul3A_4094 = vector.broadcast %mul3A_4093 : f32 to vector<8x128xf32>
    %mul3A_4095 = arith.mulf %mul3A_4094, %sub3A_4070 : vector<8x128xf32>
    %div3A_4096 = arith.divf %sub3A_4092, %mul3A_4095 : vector<8x128xf32>
    %mul3A_4097 = arith.mulf %div3A_4096, %div3A_4096 : vector<8x128xf32>
    %add3A_4098 = arith.constant 1.000000e+00 : f32
    %add3A_4099 = vector.broadcast %add3A_4098 : f32 to vector<8x128xf32>
    %add3A_4100 = arith.addf %add3A_4099, %mul3A_4097 : vector<8x128xf32>
    %sqrt3A_4101 = math.sqrt %add3A_4100 : vector<8x128xf32>
    %ge3A_4102 = arith.constant 0.000000e+00 : f32
    %ge3A_4103 = vector.broadcast %ge3A_4102 : f32 to vector<8x128xf32>
    %ge3A_4104 = arith.cmpf oge, %div3A_4096, %ge3A_4103 : vector<8x128xf32>
    %neg3A_4105 = arith.constant 0.000000e+00 : f32
    %neg3A_4106 = vector.broadcast %neg3A_4105 : f32 to vector<8x128xf32>
    %neg3A_4107 = arith.subf %neg3A_4106, %sqrt3A_4101 : vector<8x128xf32>
    %select_n3A_4108 = arith.select %ge3A_4104, %sqrt3A_4101, %neg3A_4107 : vector<8x128xi1>, vector<8x128xf32>
    %add3A_4109 = arith.addf %div3A_4096, %select_n3A_4108 : vector<8x128xf32>
    %div3A_4110 = arith.constant 1.000000e+00 : f32
    %div3A_4111 = vector.broadcast %div3A_4110 : f32 to vector<8x128xf32>
    %div3A_4112 = arith.divf %div3A_4111, %add3A_4109 : vector<8x128xf32>
    %abs3A_4113 = math.absf %sub3A_4070 : vector<8x128xf32>
    %abs3A_4114 = math.absf %sub3A_4065 : vector<8x128xf32>
    %abs3A_4115 = math.absf %sub3A_3996 : vector<8x128xf32>
    %min3A_4116 = arith.minimumf %abs3A_4114, %abs3A_4115 : vector<8x128xf32>
    %mul3A_4117 = arith.constant 1.19209291E-8 : f32
    %mul3A_4118 = vector.broadcast %mul3A_4117 : f32 to vector<8x128xf32>
    %mul3A_4119 = arith.mulf %mul3A_4118, %min3A_4116 : vector<8x128xf32>
    %le3A_4120 = arith.cmpf ole, %abs3A_4113, %mul3A_4119 : vector<8x128xf32>
    %jit3A_4121 = arith.constant 0.000000e+00 : f32
    %broadcast_in_dim3A_4122 = vector.broadcast %jit3A_4121 : f32 to vector<8x128xf32>
    %select_n3A_4123 = arith.select %le3A_4120, %broadcast_in_dim3A_4122, %div3A_4112 : vector<8x128xi1>, vector<8x128xf32>
    %mul3A_4124 = arith.mulf %select_n3A_4123, %select_n3A_4123 : vector<8x128xf32>
    %add3A_4125 = arith.constant 1.000000e+00 : f32
    %add3A_4126 = vector.broadcast %add3A_4125 : f32 to vector<8x128xf32>
    %add3A_4127 = arith.addf %add3A_4126, %mul3A_4124 : vector<8x128xf32>
    %rsqrt3A_4128 = math.rsqrt %add3A_4127 : vector<8x128xf32>
    %mul3A_4129 = arith.mulf %select_n3A_4123, %rsqrt3A_4128 : vector<8x128xf32>
    %mul3A_4130 = arith.mulf %select_n3A_4123, %sub3A_4070 : vector<8x128xf32>
    %sub3A_4131 = arith.subf %sub3A_4065, %mul3A_4130 : vector<8x128xf32>
    %mul3A_4132 = arith.mulf %select_n3A_4123, %sub3A_4070 : vector<8x128xf32>
    %add3A_4133 = arith.addf %sub3A_3996, %mul3A_4132 : vector<8x128xf32>
    %mul3A_4134 = arith.mulf %broadcast_in_dim3A_2231, %rsqrt3A_4128 : vector<8x128xf32>
    %mul3A_4135 = arith.mulf %add3A_4073, %mul3A_4129 : vector<8x128xf32>
    %sub3A_4136 = arith.subf %mul3A_4134, %mul3A_4135 : vector<8x128xf32>
    %mul3A_4137 = arith.mulf %broadcast_in_dim3A_2231, %mul3A_4129 : vector<8x128xf32>
    %mul3A_4138 = arith.mulf %add3A_4073, %rsqrt3A_4128 : vector<8x128xf32>
    %add3A_4139 = arith.addf %mul3A_4137, %mul3A_4138 : vector<8x128xf32>
    %mul3A_4140 = arith.mulf %sub3A_4076, %rsqrt3A_4128 : vector<8x128xf32>
    %mul3A_4141 = arith.mulf %sub3A_4010, %mul3A_4129 : vector<8x128xf32>
    %sub3A_4142 = arith.subf %mul3A_4140, %mul3A_4141 : vector<8x128xf32>
    %mul3A_4143 = arith.mulf %sub3A_4076, %mul3A_4129 : vector<8x128xf32>
    %mul3A_4144 = arith.mulf %sub3A_4010, %rsqrt3A_4128 : vector<8x128xf32>
    %add3A_4145 = arith.addf %mul3A_4143, %mul3A_4144 : vector<8x128xf32>
    %mul3A_4146 = arith.mulf %sub3A_4082, %rsqrt3A_4128 : vector<8x128xf32>
    %mul3A_4147 = arith.mulf %sub3A_4016, %mul3A_4129 : vector<8x128xf32>
    %sub3A_4148 = arith.subf %mul3A_4146, %mul3A_4147 : vector<8x128xf32>
    %mul3A_4149 = arith.mulf %sub3A_4082, %mul3A_4129 : vector<8x128xf32>
    %mul3A_4150 = arith.mulf %sub3A_4016, %rsqrt3A_4128 : vector<8x128xf32>
    %add3A_4151 = arith.addf %mul3A_4149, %mul3A_4150 : vector<8x128xf32>
    %mul3A_4152 = arith.mulf %sub3A_4088, %rsqrt3A_4128 : vector<8x128xf32>
    %mul3A_4153 = arith.mulf %sub3A_4022, %mul3A_4129 : vector<8x128xf32>
    %sub3A_4154 = arith.subf %mul3A_4152, %mul3A_4153 : vector<8x128xf32>
    %mul3A_4155 = arith.mulf %sub3A_4088, %mul3A_4129 : vector<8x128xf32>
    %mul3A_4156 = arith.mulf %sub3A_4022, %rsqrt3A_4128 : vector<8x128xf32>
    %add3A_4157 = arith.addf %mul3A_4155, %mul3A_4156 : vector<8x128xf32>
    %sub3A_4158 = arith.subf %add3A_4067, %add3A_4133 : vector<8x128xf32>
    %mul3A_4159 = arith.constant 2.000000e+00 : f32
    %mul3A_4160 = vector.broadcast %mul3A_4159 : f32 to vector<8x128xf32>
    %mul3A_4161 = arith.mulf %mul3A_4160, %add3A_4139 : vector<8x128xf32>
    %div3A_4162 = arith.divf %sub3A_4158, %mul3A_4161 : vector<8x128xf32>
    %mul3A_4163 = arith.mulf %div3A_4162, %div3A_4162 : vector<8x128xf32>
    %add3A_4164 = arith.constant 1.000000e+00 : f32
    %add3A_4165 = vector.broadcast %add3A_4164 : f32 to vector<8x128xf32>
    %add3A_4166 = arith.addf %add3A_4165, %mul3A_4163 : vector<8x128xf32>
    %sqrt3A_4167 = math.sqrt %add3A_4166 : vector<8x128xf32>
    %ge3A_4168 = arith.constant 0.000000e+00 : f32
    %ge3A_4169 = vector.broadcast %ge3A_4168 : f32 to vector<8x128xf32>
    %ge3A_4170 = arith.cmpf oge, %div3A_4162, %ge3A_4169 : vector<8x128xf32>
    %neg3A_4171 = arith.constant 0.000000e+00 : f32
    %neg3A_4172 = vector.broadcast %neg3A_4171 : f32 to vector<8x128xf32>
    %neg3A_4173 = arith.subf %neg3A_4172, %sqrt3A_4167 : vector<8x128xf32>
    %select_n3A_4174 = arith.select %ge3A_4170, %sqrt3A_4167, %neg3A_4173 : vector<8x128xi1>, vector<8x128xf32>
    %add3A_4175 = arith.addf %div3A_4162, %select_n3A_4174 : vector<8x128xf32>
    %div3A_4176 = arith.constant 1.000000e+00 : f32
    %div3A_4177 = vector.broadcast %div3A_4176 : f32 to vector<8x128xf32>
    %div3A_4178 = arith.divf %div3A_4177, %add3A_4175 : vector<8x128xf32>
    %abs3A_4179 = math.absf %add3A_4139 : vector<8x128xf32>
    %abs3A_4180 = math.absf %add3A_4133 : vector<8x128xf32>
    %abs3A_4181 = math.absf %add3A_4067 : vector<8x128xf32>
    %min3A_4182 = arith.minimumf %abs3A_4180, %abs3A_4181 : vector<8x128xf32>
    %mul3A_4183 = arith.constant 1.19209291E-8 : f32
    %mul3A_4184 = vector.broadcast %mul3A_4183 : f32 to vector<8x128xf32>
    %mul3A_4185 = arith.mulf %mul3A_4184, %min3A_4182 : vector<8x128xf32>
    %le3A_4186 = arith.cmpf ole, %abs3A_4179, %mul3A_4185 : vector<8x128xf32>
    %jit3A_4187 = arith.constant 0.000000e+00 : f32
    %broadcast_in_dim3A_4188 = vector.broadcast %jit3A_4187 : f32 to vector<8x128xf32>
    %select_n3A_4189 = arith.select %le3A_4186, %broadcast_in_dim3A_4188, %div3A_4178 : vector<8x128xi1>, vector<8x128xf32>
    %mul3A_4190 = arith.mulf %select_n3A_4189, %select_n3A_4189 : vector<8x128xf32>
    %add3A_4191 = arith.constant 1.000000e+00 : f32
    %add3A_4192 = vector.broadcast %add3A_4191 : f32 to vector<8x128xf32>
    %add3A_4193 = arith.addf %add3A_4192, %mul3A_4190 : vector<8x128xf32>
    %rsqrt3A_4194 = math.rsqrt %add3A_4193 : vector<8x128xf32>
    %mul3A_4195 = arith.mulf %select_n3A_4189, %rsqrt3A_4194 : vector<8x128xf32>
    %mul3A_4196 = arith.mulf %select_n3A_4189, %add3A_4139 : vector<8x128xf32>
    %sub3A_4197 = arith.subf %add3A_4133, %mul3A_4196 : vector<8x128xf32>
    %mul3A_4198 = arith.mulf %select_n3A_4189, %add3A_4139 : vector<8x128xf32>
    %add3A_4199 = arith.addf %add3A_4067, %mul3A_4198 : vector<8x128xf32>
    %mul3A_4200 = arith.mulf %broadcast_in_dim3A_2231, %mul3A_4195 : vector<8x128xf32>
    %mul3A_4201 = arith.mulf %sub3A_4136, %rsqrt3A_4194 : vector<8x128xf32>
    %add3A_4202 = arith.addf %mul3A_4200, %mul3A_4201 : vector<8x128xf32>
    %mul3A_4203 = arith.mulf %add3A_4145, %rsqrt3A_4194 : vector<8x128xf32>
    %mul3A_4204 = arith.mulf %add3A_4079, %mul3A_4195 : vector<8x128xf32>
    %sub3A_4205 = arith.subf %mul3A_4203, %mul3A_4204 : vector<8x128xf32>
    %mul3A_4206 = arith.mulf %add3A_4145, %mul3A_4195 : vector<8x128xf32>
    %mul3A_4207 = arith.mulf %add3A_4079, %rsqrt3A_4194 : vector<8x128xf32>
    %add3A_4208 = arith.addf %mul3A_4206, %mul3A_4207 : vector<8x128xf32>
    %mul3A_4209 = arith.mulf %add3A_4151, %rsqrt3A_4194 : vector<8x128xf32>
    %mul3A_4210 = arith.mulf %add3A_4085, %mul3A_4195 : vector<8x128xf32>
    %sub3A_4211 = arith.subf %mul3A_4209, %mul3A_4210 : vector<8x128xf32>
    %mul3A_4212 = arith.mulf %add3A_4151, %mul3A_4195 : vector<8x128xf32>
    %mul3A_4213 = arith.mulf %add3A_4085, %rsqrt3A_4194 : vector<8x128xf32>
    %add3A_4214 = arith.addf %mul3A_4212, %mul3A_4213 : vector<8x128xf32>
    %mul3A_4215 = arith.mulf %add3A_4157, %rsqrt3A_4194 : vector<8x128xf32>
    %mul3A_4216 = arith.mulf %add3A_4091, %mul3A_4195 : vector<8x128xf32>
    %sub3A_4217 = arith.subf %mul3A_4215, %mul3A_4216 : vector<8x128xf32>
    %mul3A_4218 = arith.mulf %add3A_4157, %mul3A_4195 : vector<8x128xf32>
    %mul3A_4219 = arith.mulf %add3A_4091, %rsqrt3A_4194 : vector<8x128xf32>
    %add3A_4220 = arith.addf %mul3A_4218, %mul3A_4219 : vector<8x128xf32>
    %sub3A_4221 = arith.subf %add3A_4199, %sub3A_4131 : vector<8x128xf32>
    %mul3A_4222 = arith.constant 2.000000e+00 : f32
    %mul3A_4223 = vector.broadcast %mul3A_4222 : f32 to vector<8x128xf32>
    %mul3A_4224 = arith.mulf %mul3A_4223, %add3A_4202 : vector<8x128xf32>
    %div3A_4225 = arith.divf %sub3A_4221, %mul3A_4224 : vector<8x128xf32>
    %mul3A_4226 = arith.mulf %div3A_4225, %div3A_4225 : vector<8x128xf32>
    %add3A_4227 = arith.constant 1.000000e+00 : f32
    %add3A_4228 = vector.broadcast %add3A_4227 : f32 to vector<8x128xf32>
    %add3A_4229 = arith.addf %add3A_4228, %mul3A_4226 : vector<8x128xf32>
    %sqrt3A_4230 = math.sqrt %add3A_4229 : vector<8x128xf32>
    %ge3A_4231 = arith.constant 0.000000e+00 : f32
    %ge3A_4232 = vector.broadcast %ge3A_4231 : f32 to vector<8x128xf32>
    %ge3A_4233 = arith.cmpf oge, %div3A_4225, %ge3A_4232 : vector<8x128xf32>
    %neg3A_4234 = arith.constant 0.000000e+00 : f32
    %neg3A_4235 = vector.broadcast %neg3A_4234 : f32 to vector<8x128xf32>
    %neg3A_4236 = arith.subf %neg3A_4235, %sqrt3A_4230 : vector<8x128xf32>
    %select_n3A_4237 = arith.select %ge3A_4233, %sqrt3A_4230, %neg3A_4236 : vector<8x128xi1>, vector<8x128xf32>
    %add3A_4238 = arith.addf %div3A_4225, %select_n3A_4237 : vector<8x128xf32>
    %div3A_4239 = arith.constant 1.000000e+00 : f32
    %div3A_4240 = vector.broadcast %div3A_4239 : f32 to vector<8x128xf32>
    %div3A_4241 = arith.divf %div3A_4240, %add3A_4238 : vector<8x128xf32>
    %abs3A_4242 = math.absf %add3A_4202 : vector<8x128xf32>
    %abs3A_4243 = math.absf %sub3A_4131 : vector<8x128xf32>
    %abs3A_4244 = math.absf %add3A_4199 : vector<8x128xf32>
    %min3A_4245 = arith.minimumf %abs3A_4243, %abs3A_4244 : vector<8x128xf32>
    %mul3A_4246 = arith.constant 1.19209291E-8 : f32
    %mul3A_4247 = vector.broadcast %mul3A_4246 : f32 to vector<8x128xf32>
    %mul3A_4248 = arith.mulf %mul3A_4247, %min3A_4245 : vector<8x128xf32>
    %le3A_4249 = arith.cmpf ole, %abs3A_4242, %mul3A_4248 : vector<8x128xf32>
    %jit3A_4250 = arith.constant 0.000000e+00 : f32
    %broadcast_in_dim3A_4251 = vector.broadcast %jit3A_4250 : f32 to vector<8x128xf32>
    %select_n3A_4252 = arith.select %le3A_4249, %broadcast_in_dim3A_4251, %div3A_4241 : vector<8x128xi1>, vector<8x128xf32>
    %mul3A_4253 = arith.mulf %select_n3A_4252, %select_n3A_4252 : vector<8x128xf32>
    %add3A_4254 = arith.constant 1.000000e+00 : f32
    %add3A_4255 = vector.broadcast %add3A_4254 : f32 to vector<8x128xf32>
    %add3A_4256 = arith.addf %add3A_4255, %mul3A_4253 : vector<8x128xf32>
    %rsqrt3A_4257 = math.rsqrt %add3A_4256 : vector<8x128xf32>
    %mul3A_4258 = arith.mulf %select_n3A_4252, %rsqrt3A_4257 : vector<8x128xf32>
    %mul3A_4259 = arith.mulf %select_n3A_4252, %add3A_4202 : vector<8x128xf32>
    %sub3A_4260 = arith.subf %sub3A_4131, %mul3A_4259 : vector<8x128xf32>
    %mul3A_4261 = arith.mulf %select_n3A_4252, %add3A_4202 : vector<8x128xf32>
    %add3A_4262 = arith.addf %add3A_4199, %mul3A_4261 : vector<8x128xf32>
    %mul3A_4263 = arith.mulf %sub3A_4142, %rsqrt3A_4257 : vector<8x128xf32>
    %mul3A_4264 = arith.mulf %add3A_4208, %mul3A_4258 : vector<8x128xf32>
    %sub3A_4265 = arith.subf %mul3A_4263, %mul3A_4264 : vector<8x128xf32>
    %mul3A_4266 = arith.mulf %sub3A_4142, %mul3A_4258 : vector<8x128xf32>
    %mul3A_4267 = arith.mulf %add3A_4208, %rsqrt3A_4257 : vector<8x128xf32>
    %add3A_4268 = arith.addf %mul3A_4266, %mul3A_4267 : vector<8x128xf32>
    %mul3A_4269 = arith.mulf %sub3A_4148, %rsqrt3A_4257 : vector<8x128xf32>
    %mul3A_4270 = arith.mulf %add3A_4214, %mul3A_4258 : vector<8x128xf32>
    %sub3A_4271 = arith.subf %mul3A_4269, %mul3A_4270 : vector<8x128xf32>
    %mul3A_4272 = arith.mulf %sub3A_4148, %mul3A_4258 : vector<8x128xf32>
    %mul3A_4273 = arith.mulf %add3A_4214, %rsqrt3A_4257 : vector<8x128xf32>
    %add3A_4274 = arith.addf %mul3A_4272, %mul3A_4273 : vector<8x128xf32>
    %mul3A_4275 = arith.mulf %sub3A_4154, %rsqrt3A_4257 : vector<8x128xf32>
    %mul3A_4276 = arith.mulf %add3A_4220, %mul3A_4258 : vector<8x128xf32>
    %sub3A_4277 = arith.subf %mul3A_4275, %mul3A_4276 : vector<8x128xf32>
    %mul3A_4278 = arith.mulf %sub3A_4154, %mul3A_4258 : vector<8x128xf32>
    %mul3A_4279 = arith.mulf %add3A_4220, %rsqrt3A_4257 : vector<8x128xf32>
    %add3A_4280 = arith.addf %mul3A_4278, %mul3A_4279 : vector<8x128xf32>
    %lt3A_4281 = arith.cmpf olt, %add3A_4262, %sub3A_4260 : vector<8x128xf32>
    %jit3A_4282 = arith.constant 1 : i32
    %jit3A_4283 = arith.constant 0 : i32
    %broadcast_in_dim3A_4284 = vector.broadcast %jit3A_4282 : i32 to vector<8x128xi32>
    %broadcast_in_dim3A_4285 = vector.broadcast %jit3A_4283 : i32 to vector<8x128xi32>
    %select_n3A_4286 = arith.select %lt3A_4281, %broadcast_in_dim3A_4284, %broadcast_in_dim3A_4285 : vector<8x128xi1>, vector<8x128xi32>
    %lt3A_4287 = arith.cmpf olt, %add3A_4262, %sub3A_4260 : vector<8x128xf32>
    %select_n3A_4288 = arith.select %lt3A_4287, %add3A_4262, %sub3A_4260 : vector<8x128xi1>, vector<8x128xf32>
    %lt3A_4289 = arith.cmpf olt, %sub3A_4197, %select_n3A_4288 : vector<8x128xf32>
    %jit3A_4290 = arith.constant 2 : i32
    %broadcast_in_dim3A_4291 = vector.broadcast %jit3A_4290 : i32 to vector<8x128xi32>
    %select_n3A_4292 = arith.select %lt3A_4289, %broadcast_in_dim3A_4291, %select_n3A_4286 : vector<8x128xi1>, vector<8x128xi32>
    %eq3A_4293 = arith.constant 0 : i32
    %eq3A_4294 = vector.broadcast %eq3A_4293 : i32 to vector<8x128xi32>
    %eq3A_4295 = arith.cmpi eq, %select_n3A_4292, %eq3A_4294 : vector<8x128xi32>
    %eq3A_4296 = arith.constant 1 : i32
    %eq3A_4297 = vector.broadcast %eq3A_4296 : i32 to vector<8x128xi32>
    %eq3A_4298 = arith.cmpi eq, %select_n3A_4292, %eq3A_4297 : vector<8x128xi32>
    %select_n3A_4299 = arith.select %eq3A_4298, %add3A_4268, %sub3A_4205 : vector<8x128xi1>, vector<8x128xf32>
    %select_n3A_4300 = arith.select %eq3A_4295, %sub3A_4265, %select_n3A_4299 : vector<8x128xi1>, vector<8x128xf32>
    %select_n3A_4301 = arith.select %eq3A_4298, %add3A_4274, %sub3A_4211 : vector<8x128xi1>, vector<8x128xf32>
    %select_n3A_4302 = arith.select %eq3A_4295, %sub3A_4271, %select_n3A_4301 : vector<8x128xi1>, vector<8x128xf32>
    %select_n3A_4303 = arith.select %eq3A_4298, %add3A_4280, %sub3A_4217 : vector<8x128xi1>, vector<8x128xf32>
    %select_n3A_4304 = arith.select %eq3A_4295, %sub3A_4277, %select_n3A_4303 : vector<8x128xi1>, vector<8x128xf32>
    %mul3A_4305 = arith.mulf %select_n3A_4300, %select_n3A_2139 : vector<8x128xf32>
    %mul3A_4306 = arith.mulf %select_n3A_4302, %select_n3A_2141 : vector<8x128xf32>
    %add3A_4307 = arith.addf %mul3A_4305, %mul3A_4306 : vector<8x128xf32>
    %mul3A_4308 = arith.mulf %select_n3A_4304, %select_n3A_2143 : vector<8x128xf32>
    %add3A_4309 = arith.addf %add3A_4307, %mul3A_4308 : vector<8x128xf32>
    %mul3A_4310 = arith.mulf %select_n3A_4300, %select_n3A_4300 : vector<8x128xf32>
    %mul3A_4311 = arith.mulf %select_n3A_4302, %select_n3A_4302 : vector<8x128xf32>
    %add3A_4312 = arith.addf %mul3A_4310, %mul3A_4311 : vector<8x128xf32>
    %mul3A_4313 = arith.mulf %select_n3A_4304, %select_n3A_4304 : vector<8x128xf32>
    %add3A_4314 = arith.addf %add3A_4312, %mul3A_4313 : vector<8x128xf32>
    %sqrt3A_4315 = math.sqrt %add3A_4314 : vector<8x128xf32>
    %max3A = arith.constant 9.99999993E-9 : f32
    %max3A_4316 = vector.broadcast %max3A : f32 to vector<8x128xf32>
    %max3A_4317 = arith.maximumf %sqrt3A_4315, %max3A_4316 : vector<8x128xf32>
    %mul3A_4318 = arith.mulf %select_n3A_2139, %select_n3A_2139 : vector<8x128xf32>
    %mul3A_4319 = arith.mulf %select_n3A_2141, %select_n3A_2141 : vector<8x128xf32>
    %add3A_4320 = arith.addf %mul3A_4318, %mul3A_4319 : vector<8x128xf32>
    %mul3A_4321 = arith.mulf %select_n3A_2143, %select_n3A_2143 : vector<8x128xf32>
    %add3A_4322 = arith.addf %add3A_4320, %mul3A_4321 : vector<8x128xf32>
    %sqrt3A_4323 = math.sqrt %add3A_4322 : vector<8x128xf32>
    %max3A_4324 = arith.constant 9.99999993E-9 : f32
    %max3A_4325 = vector.broadcast %max3A_4324 : f32 to vector<8x128xf32>
    %max3A_4326 = arith.maximumf %sqrt3A_4323, %max3A_4325 : vector<8x128xf32>
    %mul3A_4327 = arith.mulf %max3A_4317, %max3A_4326 : vector<8x128xf32>
    %div3A_4328 = arith.divf %add3A_4309, %mul3A_4327 : vector<8x128xf32>
    %sub3A_4329 = arith.constant 1.000000e+00 : f32
    %sub3A_4330 = vector.broadcast %sub3A_4329 : f32 to vector<8x128xf32>
    %sub3A_4331 = arith.subf %sub3A_4330, %div3A_4328 : vector<8x128xf32>
    %reduce_sum3A = vector.shape_cast %sub3A_4331 : vector<8x128xf32> to vector<1x8x128xf32>
    %reduce_sum3A_4332 = arith.constant dense<0.000000e+00> : vector<1xf32>
    %reduce_sum3A_4333 = vector.multi_reduction <add>, %reduce_sum3A, %reduce_sum3A_4332 [1, 2] : vector<1x8x128xf32> to vector<1xf32>
    %reduce_sum3A_4334 = vector.shape_cast %reduce_sum3A_4333 : vector<1xf32> to vector<1x1x1xf32>
    %reduce_sum3A_4335 = vector.extract %reduce_sum3A_4334[0, 0, 0] : f32 from vector<1x1x1xf32>
    %reshape3A = vector.broadcast %reduce_sum3A_4335 : f32 to vector<1x1xf32>
    %swap3A = arith.constant 0 : index
    %swap3A_4336 = arith.constant 0 : index
    %swap3A_4337 = arith.constant 0 : index
    %swap3A_4338 = vector.load %arg5[%swap3A, %swap3A_4336, %swap3A_4337] : memref<1x1x1xf32, #tpu.memory_space<vmem>>, vector<1x1x1xf32>
    %swap3A_4339 = vector.shape_cast %swap3A_4338 : vector<1x1x1xf32> to vector<1x1xf32>
    %swap3A_4340 = vector.shape_cast %reshape3A : vector<1x1xf32> to vector<1x1x1xf32>
    tpu.vector_store %arg5[%swap3A, %swap3A_4336, %swap3A_4337], %swap3A_4340 {strides = array<i32>} : memref<1x1x1xf32, #tpu.memory_space<vmem>>, vector<1x1x1xf32>,
    return
  }
  func.func @transform_0(%arg0: i32) -> (i32, i32, i32) {
    %c0_i32 = arith.constant 0 : i32
    %c0_i32_0 = arith.constant 0 : i32
    %c0_i32_1 = arith.constant 0 : i32
    return %c0_i32, %arg0, %c0_i32_0 : i32, i32, i32
  }
  func.func @transform_1(%arg0: i32) -> (i32, i32, i32) {
    %c0_i32 = arith.constant 0 : i32
    %c0_i32_0 = arith.constant 0 : i32
    %c0_i32_1 = arith.constant 0 : i32
    return %c0_i32, %arg0, %c0_i32_0 : i32, i32, i32
  }
  func.func @transform_2(%arg0: i32) -> (i32, i32, i32) {
    %c0_i32 = arith.constant 0 : i32
    %c0_i32_0 = arith.constant 0 : i32
    %c0_i32_1 = arith.constant 0 : i32
    return %c0_i32, %arg0, %c0_i32_0 : i32, i32, i32
  }
  func.func @transform_3(%arg0: i32) -> (i32, i32, i32) {
    %c0_i32 = arith.constant 0 : i32
    %c0_i32_0 = arith.constant 0 : i32
    %c0_i32_1 = arith.constant 0 : i32
    return %c0_i32, %arg0, %c0_i32_0 : i32, i32, i32
  }
  func.func @transform_4(%arg0: i32) -> (i32, i32, i32) {
    %c0_i32 = arith.constant 0 : i32
    %c0_i32_0 = arith.constant 0 : i32
    %c0_i32_1 = arith.constant 0 : i32
    return %arg0, %c0_i32, %c0_i32_0 : i32, i32, i32
  }
}

</mosaic_0001>

<sc_bundles>
// kernel: kernel.5.cloned.1.call-start
scs
__scs_entry_jumppad:
0x0: {  	(pc) =	sbr.rel $0x88, $3  }
0x1: {  	(tag) =	ssettag $0x0;
	lr =	simm.s32 $0x1  }
0x2: {  	[smem:$0x3F9E] =	sst lr;
	_ =	strace $0xD0000000  }
0x3: {  	_ = 	snop  }
0x4: {  	_ = 	snop  }
0x5: {  	_ = 	snop  }
0x6: {  	_ = 	snop  }
0x7: {  	_ = 	snop  }
__scs_overlays_trampoline_lowered:
0x8: {  	[smem:$0x3FAD] =	sst s0  }
0x9: {  	[smem:$0x3FAE] =	sst s1  }
0xa: {  	[smem:$0x3FAF] =	sst s2  }
0xb: {  	[smem:$0x3FB0] =	sst s3  }
0xc: {  	[smem:$0x3FB1] =	sst s4  }
0xd: {  	[smem:$0x3FB2] =	sst s5  }
0xe: {  	[smem:$0x3FB3] =	sst s6  }
0xf: {  	[smem:$0x3FB4] =	sst s7  }
0x10: {  	[smem:$0x3FB5] =	sst s8  }
0x11: {  	[smem:$0x3FB6] =	sst s9;
	s0 =	simm.s32 @!p0 $0x0  }
0x12: {  	s1 =	sld [smem:$0x3F9C];
	s0 =	simm.s32 @p0 $0x1  }
0x13: {  	[smem:$0x3FB7] =	sst s0;
	s0 =	simm.s32 @!p1 $0x0  }
0x14: {  	s2 =	sld [smem:$0x3F9B];
	s0 =	simm.s32 @p1 $0x1  }
0x15: {  	[smem:$0x3FB8] =	sst s0;
	s0 =	simm.s32 @!p2 $0x0  }
0x16: {  	s3 =	sld [smem:$0x3FDB];
	s0 =	simm.s32 @p2 $0x1  }
0x17: {  	s4 =	simm.s32 $0x1BF5;
	[smem:$0x3FBA] =	sst s0  }
0x18: {  	s0 =	sld [smem:$0x3F9D];
	_ =	swait.ge [sflag:s4], $0x0  }
0x19: {  	s7 =	sld [smem:$0x3F9E]  }
0x1a: {  	s8 =	sadd.s32 $0xFFFFE003, lr  }
0x1b: {  	s9 =	sadd.s32 $0xFFFFFEF7, lr;
	s5 =	simm.s32 $0xFFFFFFFF;
	p2 =	slt.u32 s8, $0xFFFFF086  }
0x1c: {  	p1 =	slt.u32 s9, $0xF7A;
	s5 =	simm.s32 @!p2 $0x0  }
0x1d: {  	s5 =	simm.s32 @p1 $0x1;
	p0 =	seq.s32 s7, s2  }
0x1e: {  	s7 =	smul.u32 @!p0 $0xF7A, s2;
	p2 =	seq.s32 @!p0 s5, $0x0  }
0x1f: {  	s9 =	smul.u32 $0xF7A, s1;
	s8 =	simm.s32 @!p0 $0x1BF5;
	p2 =	por !p2, p0  }
0x20: {  	[sflag:s8] =	ssyncset.s32 @!p0 $0xFFFFF086;
	s6 =	sadd.s32 @!p0 s3, s7;
	s7 =	simm.s32 @!p0 $0x108  }
0x21: {  	s3 =	sadd.s32 s3, s9;
	s6 =	sadd.s32 @!p0 $0x88, s6;
	s7 =	simm.s32 @p2 $0x1082  }
0x22: {  	[simem:s7], [sflag:s8] =	dma.local @!p0 [hbm:s6], $0xF7A  }
0x23: {  	s9 =	sor.u32 $0xD0000000, s2;
	s6 =	simm.s32 $0x108;
	_ =	swait.ge @!p0 [sflag:s8], $0x0  }
0x24: {  	s3 =	sadd.s32 $0x88, s3;
	s6 =	simm.s32 @!p1 $0x1082;
	[sflag:s4] =	ssyncset.s32 $0xFFFFF086  }
0x25: {  	[simem:s6], [sflag:s4] =	dma.local [hbm:s3], $0xF7A  }
0x26: {  	[smem:$0x3F9E] =	sst s1;
	(tag) =	ssettag s2;
	_ =	strace s9  }
0x27: {  	s1 =	sld [smem:$0x3FAE]  }
0x28: {  	s2 =	sld [smem:$0x3FAF]  }
0x29: {  	s4 =	sld [smem:$0x3FB1]  }
0x2a: {  	p0 =	seq.s32 s5, $0x0;
	s5 =	sld [smem:$0x3FB2]  }
0x2b: {  	s6 =	sld [smem:$0x3FB3]  }
0x2c: {  	s7 =	sld [smem:$0x3FB4]  }
0x2d: {  	s3 =	simm.s32 $0x108;
	s8 =	sld [smem:$0x3FB5]  }
0x2e: {  	s3 =	simm.s32 @!p0 $0x1082;
	s9 =	sld [smem:$0x3FB6]  }
0x2f: {  	lr =	sadd.s32 s0, s3;
	s0 =	sld [smem:$0x3FAD]  }
0x30: {  	s3 =	sld [smem:$0x3FB0]  }
0x31: {  	[smem:$0x3FB9] =	sst s10  }
0x32: {  	s10 =	sld [smem:$0x3FB7];
	_ =	sdelay $0x3  }
0x33: {  	p0 =	seq.s32 s10, $0x1;
	s10 =	sld [smem:$0x3FB9];
	_ =	sdelay $0x3  }
0x34: {  	[smem:$0x3FB9] =	sst s10  }
0x35: {  	s10 =	sld [smem:$0x3FB8];
	_ =	sdelay $0x3  }
0x36: {  	p1 =	seq.s32 s10, $0x1;
	s10 =	sld [smem:$0x3FB9];
	_ =	sdelay $0x3  }
0x37: {  	[smem:$0x3FB9] =	sst s10  }
0x38: {  	s10 =	sld [smem:$0x3FBA]  }
0x39: {  	_ = 	snop;
	(pc) =	sbr.ind lr, $3  }
0x3a: {  	_ = 	snop  }
0x3b: {  	_ = 	snop  }
0x3c: {  	p2 =	seq.s32 s10, $0x1;
	s10 =	sld [smem:$0x3FB9]  }
0x3d: {  	_ =	shalt  }
0x3e: {  	_ =	shalt  }
0x3f: {  	_ =	shalt  }
0x40: {  	_ =	shalt  }
0x41: {  	_ =	shalt  }
0x42: {  	_ =	shalt  }
0x43: {  	_ =	shalt  }
0x44: {  	_ =	shalt  }
0x45: {  	_ =	shalt  }
0x46: {  	_ =	shalt  }
0x47: {  	_ =	shalt  }
0x48: {  	_ =	shalt  }
0x49: {  	_ =	shalt  }
0x4a: {  	_ =	shalt  }
0x4b: {  	_ =	shalt  }
0x4c: {  	_ =	shalt  }
0x4d: {  	_ =	shalt  }
0x4e: {  	_ =	shalt  }
0x4f: {  	_ =	shalt  }
0x50: {  	_ =	shalt  }
0x51: {  	_ =	shalt  }
0x52: {  	_ =	shalt  }
0x53: {  	_ =	shalt  }
0x54: {  	_ =	shalt  }
0x55: {  	_ =	shalt  }
0x56: {  	_ =	shalt  }
0x57: {  	_ =	shalt  }
0x58: {  	_ =	shalt  }
0x59: {  	_ =	shalt  }
0x5a: {  	_ =	shalt  }
0x5b: {  	_ =	shalt  }
0x5c: {  	_ =	shalt  }
0x5d: {  	_ =	shalt  }
0x5e: {  	_ =	shalt  }
0x5f: {  	_ =	shalt  }
0x60: {  	_ =	shalt  }
0x61: {  	_ =	shalt  }
0x62: {  	_ =	shalt  }
0x63: {  	_ =	shalt  }
0x64: {  	_ =	shalt  }
0x65: {  	_ =	shalt  }
0x66: {  	_ =	shalt  }
0x67: {  	_ =	shalt  }
0x68: {  	_ =	shalt  }
0x69: {  	_ =	shalt  }
0x6a: {  	_ =	shalt  }
0x6b: {  	_ =	shalt  }
0x6c: {  	_ =	shalt  }
0x6d: {  	_ =	shalt  }
0x6e: {  	_ =	shalt  }
0x6f: {  	_ =	shalt  }
0x70: {  	_ =	shalt  }
0x71: {  	_ =	shalt  }
0x72: {  	_ =	shalt  }
0x73: {  	_ =	shalt  }
0x74: {  	_ =	shalt  }
0x75: {  	_ =	shalt  }
0x76: {  	_ =	shalt  }
0x77: {  	_ =	shalt  }
0x78: {  	_ =	shalt  }
0x79: {  	_ =	shalt  }
0x7a: {  	_ =	shalt  }
0x7b: {  	_ =	shalt  }
0x7c: {  	_ =	shalt  }
0x7d: {  	_ =	shalt  }
0x7e: {  	_ =	shalt  }
0x7f: {  	_ =	shalt  }
0x80: {  	_ =	shalt  }
0x81: {  	_ =	shalt  }
0x82: {  	_ =	shalt  }
0x83: {  	_ =	shalt  }
0x84: {  	_ =	shalt  }
0x85: {  	_ =	shalt  }
0x86: {  	_ =	shalt  }
0x87: {  	_ =	shalt  }
.Lfunc_end0:
.L_simem_size_0:
called_computation_lowered:
.L_overlay_start_0:
0x88: {  	s2 =	sld [smem:$0x3FD9]  }
0x89: {  	s3 =	sld [smem:$0x3FFE];
	_ =	sdelay $0x1  }
0x8a: {  	s1 =	srdreg.scid  }
0x8b: {  	s0 =	sand.u32 $0x1, s1  }
0x8c: {  	s17 =	sshll.u32 s0, $0xA;
	s2 =	sadd.s32 s3, s2  }
0x8d: {  	s2 =	sadd.s32 s2, s17  }
0x8e: {  	[smem:$0x3FC5] =	sst s2  }
0x8f: {  	_ = 	snop  }
0x90: {  	s2 =	sld [smem:$0x3FC7];
	(tm) =	ssettm $0x1  }
0x91: {  	s18 =	sld [smem:$0x3FFB];
	_ =	sdelay $0x3  }
0x92: {  	_ =	strace s18  }
0x93: {  	s3 =	sld [smem:$0x3FFC];
	_ =	sdelay $0x3  }
0x94: {  	_ =	strace s3  }
0x95: {  	s3 =	sld [smem:$0x3FFD];
	_ =	sdelay $0x3  }
0x96: {  	_ =	strace s3  }
0x97: {  	_ =	strace $0x8FFFFFFF  }
0x98: {  	s19 =	sld [smem:$0x3FDB];
	_ =	sdelay $0x1  }
0x99: {  	s4 =	simm.s32 $_scs_section_size  }
0x9a: {  	s5 =	simm.s32 $_size__tile_overlayer_lowered;
	s6 =	simm.s32 $_tile_overlayer_lowered  }
0x9b: {  	s22 =	simm.s32 $0x1BFF;
	s21 =	sshll.u32 s6, $0x1;
	s3 =	sadd.s32 s4, s19  }
0x9c: {  	s7 =	simm.s32 $0x0;
	s20 =	sshll.u32 s5, $0x1;
	s5 =	sadd.s32 s21, s3  }
0x9d: {  	[timem:s7], [sflag:s22] =	dma.local [hbm:s5], s20  }
0x9e: {  	_ =	swait.ge [sflag:s22], s20  }
0x9f: {  	s4 =	ssub.s32 $0x0, s20;
	[sflag:s22] =	ssyncset.done $0x0  }
0xa0: {  	[sflag:s22] =	ssyncadd.s32 s4;
	_ =	sdelay $0x1  }
0xa1: {  	s23 =	simm.s32 $0x1B8B  }
0xa2: {  	_ =	swait.ge [sflag:s23], $0x1  }
0xa3: {  	[sflag:s23] =	ssyncset.done $0x0  }
0xa4: {  	s25 =	simm.s32 $0x1B8E;
	s24 =	sld [smem:$0x3FFE];
	[sflag:s23] =	ssyncadd.s32 $0xFFFFFFFF  }
0xa5: {  	s26 =	simm.s32 $execute0_lowered;
	[smem:$0x3FD2] =	sst s25  }
0xa6: {  	s5 =	sshll.u32 s26, $0x1;
	_ =	strace $0x80000046;
	[dreg:$0x1] =	wrdreg $0xFFFFFFFF  }
0xa7: {  	s28 =	simm.s32 $_size_execute0_lowered;
	s3 =	sadd.s32 s3, s5;
	[dreg:$0x0] =	wrdreg $0x0  }
0xa8: {  	s5 =	sshll.u32 s28, $0x1;
	[dreg:$0x2] =	wrdreg s3  }
0xa9: {  	[dreg:$0x3] =	wrdreg s5  }
0xaa: {  	[dreg:$0x4] =	wrdreg $0xC0  }
0xab: {  	_ =	task [dreg:s7], $0x5FFFF  }
0xac: {  	[dreg:$0x1] =	wrdreg $0xFFFFFFFF  }
0xad: {  	[dreg:$0x0] =	wrdreg $0x60  }
0xae: {  	[dreg:$0x2] =	wrdreg s24  }
0xaf: {  	[dreg:$0x3] =	wrdreg s2  }
0xb0: {  	[dreg:$0x4] =	wrdreg $0x9  }
0xb1: {  	_ =	task.clear_ibuf [dreg:s7], $0x5FFFF;
	_ =	strace $0x90000046  }
0xb2: {  	s29 =	simm.s32 $0x9;
	_ =	strace $0x80000048  }
0xb3: {  	_ =	swait.ge [sflag:s29], $0x1  }
0xb4: {  	[sflag:s29] =	ssyncadd.s32 $0xFFFFFFFF  }
0xb5: {  	_ =	strace $0x90000048  }
0xb6: {  	_ =	sfence  }
0xb7: {  	s30 =	sld [smem:$0x0];
	_ =	sdelay $0x2  }
0xb8: {  	s31 =	sshll.u32 s1, $0xD;
	s1 =	sshrl.u32 s1, $0x2  }
0xb9: {  	s3 =	sand.u32 $0x4000, s31;
	s1 =	sadd.s32 s1, s30  }
0xba: {  	s0 =	sor.u32 s3, s0;
	s1 =	sshll.u32 s1, $0x11  }
0xbb: {  	s0 =	sor.u32 s1, s0  }
0xbc: {  	s0 =	sadd.s32 $0x8F2B, s0  }
0xbd: {  	[sflag:s0] =	ssyncadd.remote.s32 $0x1  }
0xbe: {  	_ =	sfence.sel $0xFFFF  }
0xbf: {  	[dreg:$0x0] =	wrdreg $0xFFFFFFFF;
	(pc) =	sbr.abs _section_cstart, $3  }
0xc0: {  	[dreg:$0x1] =	wrdreg $0xFFFFFFFF  }
0xc1: {  	_ =	task.clear_ibuf [dreg:s7], $0x2FFFF;
	_ =	strace $0x9FFFFFFF  }
0xc2: {  	(tm) =	ssettm $0x7FFFFFFF  }
0xc3: {  	_ =	shalt  }
tec
execute0_lowered:
.L_overlay_start_1:
0x0: {  	(tag) =	ssettag $0x1  }
0x1: {  	s4 =	rddreg [dreg:$0x0]  }
0x2: {  	s1 =	srdreg.scid;
	s0 =	stileid.u32  }
0x3: {  	s14 =	rddreg [dreg:$0x1];
	s3 =	sand.u32 $0x1, s1;
	s2 =	sshll.u32 s0, $0x1  }
0x4: {  	s1 =	rddreg [dreg:$0x2];
	s5 =	sor.u32 s3, s2  }
0x5: {  	s2 =	simm.s32 $0x0;
	s3 =	ssub.s32 $0x2, s3;
	s6 =	smul.u32 $0x6, s5  }
0x6: {  	[smem:$0x7FF] =	sst s2;
	s19 =	sshrl.u32 s3, $0x1  }
0x7: {  	s16 =	ssub.s32 s3, s19;
	_ =	strace $0x80000047;
	s20 =	sshrl.u32 s6, $0x4  }
0x8: {  	s7 =	sand.u32 $0xE, s6;
	s12 =	sadd.s32 $0x2, s6;
	s26 =	sadd.s32 $0x3, s6  }
0x9: {  	s16 =	smax.u32 s16, $0x1;
	s21 =	sshll.u32 s7, $0x9;
	s8 =	sshll.u32 s20, $0x7  }
0xa: {  	s15 =	sshll.u32 s20, $0xB;
	s10 =	sshll.u32 s7, $0xA;
	s7 =	sor.u32 $0x1, s7  }
0xb: {  	s23 =	sshrl.u32 s12, $0x4;
	s12 =	sand.u32 $0xE, s12;
	s29 =	sshrl.u32 s26, $0x4  }
0xc: {  	s30 =	sand.u32 $0xF, s26;
	s22 =	sand.u32 $0x180, s8;
	s9 =	sand.u32 $0x4000, s15  }
0xd: {  	s8 =	sand.u32 $0x380, s8;
	s11 =	sshll.u32 s7, $0x9;
	s7 =	sshll.u32 s7, $0xA  }
0xe: {  	s13 =	sshll.u32 s23, $0x7;
	s24 =	sshll.u32 s12, $0x9;
	s25 =	sshll.u32 s12, $0xA  }
0xf: {  	s31 =	sshll.u32 s29, $0x7;
	s19 =	sshll.u32 s30, $0x9;
	s18 =	sshll.u32 s29, $0xB  }
0x10: {  	s5 =	sor.u32 s21, s22;
	s10 =	sor.u32 s10, s9;
	s11 =	sor.u32 s22, s11  }
0x11: {  	s7 =	sor.u32 s7, s9;
	s17 =	sand.u32 $0x180, s13;
	s28 =	sand.u32 $0x380, s13  }
0x12: {  	s20 =	sand.u32 $0x180, s31;
	s21 =	sand.u32 $0x7FFFC000, s18;
	s12 =	sand.u32 $0x380, s31  }
0x13: {  	s22 =	sadd.s32 $0x4, s6;
	s6 =	sadd.s32 $0x5, s6;
	v2 =	vmov s18;
	s18 =	simm.s32 $0x80  }
0x14: {  	s10 =	sor.u32 s8, s10;
	s7 =	sor.u32 s8, s7;
	s8 =	sor.u32 s24, s17  }
0x15: {  	s17 =	sshll.u32 s23, $0xB;
	s13 =	sor.u32 s19, s20;
	s23 =	sshrl.u32 s22, $0x4  }
0x16: {  	s19 =	sand.u32 $0xE, s22;
	s29 =	sshrl.u32 s6, $0x4;
	s6 =	sand.u32 $0xF, s6  }
0x17: {  	s11 =	sshrl.u32 s11, $0x3;
	s3 =	sand.u32 $0x7FFFC000, s17;
	s24 =	sshll.u32 s19, $0x9  }
0x18: {  	s22 =	sshll.u32 s23, $0xB;
	s19 =	sshll.u32 s19, $0xA;
	s10 =	sshrl.u32 s10, $0x3  }
0x19: {  	s7 =	sshrl.u32 s7, $0x3;
	s8 =	sshrl.u32 s8, $0x3;
	s13 =	sshrl.u32 s13, $0x3  }
0x1a: {  	v1 =	vmov s17;
	s17 =	simm.s32 $0x2;
	s3 =	sor.u32 s25, s3;
	s8 =	sadd.s32 s14, s8  }
0x1b: {  	s9 =	sor.u32 s28, s3;
	s3 =	sshll.u32 s30, $0xA;
	s30 =	sshll.u32 s6, $0x9  }
0x1c: {  	s6 =	sshll.u32 s6, $0xA;
	s3 =	sor.u32 s3, s21;
	s21 =	sshll.u32 s23, $0x7  }
0x1d: {  	s23 =	sand.u32 $0x7FFFC000, s22;
	s9 =	sshrl.u32 s9, $0x3;
	s12 =	sor.u32 s12, s3  }
0x1e: {  	s25 =	sand.u32 $0x180, s21;
	s26 =	sor.u32 s19, s23;
	s28 =	sand.u32 $0x380, s21  }
0x1f: {  	s23 =	sshll.u32 s29, $0xB;
	s21 =	sshll.u32 s29, $0x7;
	s3 =	sadd.s32 $0xA00, s4  }
0x20: {  	s20 =	sor.u32 s24, s25;
	s19 =	sor.u32 s28, s26;
	s24 =	sand.u32 $0x7FFFC000, s23  }
0x21: {  	s31 =	sand.u32 $0x180, s21;
	s21 =	sand.u32 $0x380, s21;
	s25 =	sadd.s32 $0x1600, s4  }
0x22: {  	s26 =	sshrl.u32 s12, $0x3;
	s6 =	sor.u32 s6, s24;
	s24 =	sor.u32 s30, s31  }
0x23: {  	s7 =	sadd.s32 s25, s7;
	s9 =	sadd.s32 s25, s9;
	s28 =	sshrl.u32 s20, $0x3  }
0x24: {  	s29 =	sshrl.u32 s19, $0x3;
	s19 =	simm.s32 $0x1;
	s21 =	sor.u32 s21, s6  }
0x25: {  	s6 =	sshrl.u32 s5, $0x3;
	s5 =	sadd.s32 s25, s10;
	s10 =	sadd.s32 s14, s13  }
0x26: {  	s12 =	sadd.s32 s14, s28;
	s13 =	sadd.s32 s25, s29;
	s30 =	sshrl.u32 s24, $0x3  }
0x27: {  	s4 =	sadd.s32 s14, s6;
	s6 =	sadd.s32 s14, s11;
	s31 =	sshrl.u32 s21, $0x3  }
0x28: {  	v0 =	vmov s15;
	v3 =	vmov s22;
	v4 =	vmov s23;
	s11 =	sadd.s32 s25, s26;
	s14 =	sadd.s32 s14, s30;
	s15 =	sadd.s32 s25, s31  }
.LBB2_1:
0x29: {  	[tilespmem:s2], [sflag:$0x2] =	stream.linear.gather [hbm4b:s4+s2], $0x80, $0x38;
	[tilespmem:$0x100] =	vst v63  }
0x2a: {  	_ =	swait.ge [sflag:s17], $0x80  }
0x2b: {  	[sflag:s17] =	ssyncset.done $0x0  }
0x2c: {  	[sflag:s17] =	ssyncadd.s32 $0xFFFFFF80  }
0x2d: {  	v5 =	vld [tilespmem:$0x0]  }
0x2e: {  	v6 =	vld [tilespmem:$0x10]  }
0x2f: {  	v7 =	vld [tilespmem:$0x20]  }
0x30: {  	v8 =	vld [tilespmem:$0x30]  }
0x31: {  	v9 =	vld [tilespmem:$0x40]  }
0x32: {  	v10 =	vld [tilespmem:$0x50];
	v5 =	vadd.s32 v0, v5  }
0x33: {  	[tilespmem:$0x0] =	vst v5;
	v5 =	vadd.s32 v0, v6;
	v6 =	vld [tilespmem:$0x60]  }
0x34: {  	[tilespmem:$0x10] =	vst v5;
	v5 =	vadd.s32 v0, v7;
	v7 =	vld [tilespmem:$0x70]  }
0x35: {  	[tilespmem:$0x20] =	vst v5;
	v5 =	vadd.s32 v0, v8  }
0x36: {  	[tilespmem:$0x30] =	vst v5;
	v5 =	vadd.s32 v0, v9  }
0x37: {  	[tilespmem:$0x40] =	vst v5;
	v5 =	vadd.s32 v0, v10  }
0x38: {  	[tilespmem:$0x50] =	vst v5;
	v5 =	vadd.s32 v0, v6  }
0x39: {  	[tilespmem:$0x60] =	vst v5;
	v5 =	vadd.s32 v0, v7  }
0x3a: {  	[tilespmem:$0x70] =	vst v5  }
0x3b: {  	[tilespmem:s18], [sflag:$0x1] =	stream.indirect.gather [hbm4b:s3+s18], $0x1, s2, s18, $0xb8;
	[tilespmem:$0x100] =	vst v63  }
0x3c: {  	_ =	swait.ge [sflag:s19], $0x80  }
0x3d: {  	[sflag:s19] =	ssyncset.done $0x0  }
0x3e: {  	[sflag:s19] =	ssyncadd.s32 $0xFFFFFF80  }
0x3f: {  	[hbm4b:s5+s2] =	stream.linear.scatter [tilespmem:s18], [sflag:$0x2], $0x80, $0x38;
	[tilespmem:$0x100] =	vst v63  }
0x40: {  	_ =	swait.ge [sflag:s17], $0x80  }
0x41: {  	[sflag:s17] =	ssyncset.done $0x0  }
0x42: {  	[sflag:s17] =	ssyncadd.s32 $0xFFFFFF80  }
0x43: {  	[tilespmem:s2], [sflag:$0x2] =	stream.linear.gather [hbm4b:s6+s2], $0x80, $0x38;
	[tilespmem:$0x100] =	vst v63  }
0x44: {  	_ =	swait.ge [sflag:s17], $0x80  }
0x45: {  	[sflag:s17] =	ssyncset.done $0x0  }
0x46: {  	[sflag:s17] =	ssyncadd.s32 $0xFFFFFF80  }
0x47: {  	v5 =	vld [tilespmem:$0x0]  }
0x48: {  	v6 =	vld [tilespmem:$0x10]  }
0x49: {  	v7 =	vld [tilespmem:$0x20]  }
0x4a: {  	v49 =	vld [tilespmem:$0x30]  }
0x4b: {  	v50 =	vld [tilespmem:$0x40]  }
0x4c: {  	v51 =	vld [tilespmem:$0x50];
	v5 =	vadd.s32 v0, v5  }
0x4d: {  	[tilespmem:$0x0] =	vst v5;
	v5 =	vadd.s32 v0, v6;
	v6 =	vld [tilespmem:$0x60]  }
0x4e: {  	[tilespmem:$0x10] =	vst v5;
	v5 =	vadd.s32 v0, v7;
	v7 =	vld [tilespmem:$0x70]  }
0x4f: {  	[tilespmem:$0x20] =	vst v5;
	v5 =	vadd.s32 v0, v49  }
0x50: {  	[tilespmem:$0x30] =	vst v5;
	v5 =	vadd.s32 v0, v50  }
0x51: {  	[tilespmem:$0x40] =	vst v5;
	v5 =	vadd.s32 v0, v51  }
0x52: {  	[tilespmem:$0x50] =	vst v5;
	v5 =	vadd.s32 v0, v6  }
0x53: {  	[tilespmem:$0x60] =	vst v5;
	v5 =	vadd.s32 v0, v7  }
0x54: {  	[tilespmem:$0x70] =	vst v5  }
0x55: {  	[tilespmem:s18], [sflag:$0x1] =	stream.indirect.gather [hbm4b:s3+s18], $0x1, s2, s18, $0xb8;
	[tilespmem:$0x100] =	vst v63  }
0x56: {  	_ =	swait.ge [sflag:s19], $0x80  }
0x57: {  	[sflag:s19] =	ssyncset.done $0x0  }
0x58: {  	[sflag:s19] =	ssyncadd.s32 $0xFFFFFF80  }
0x59: {  	[hbm4b:s7+s2] =	stream.linear.scatter [tilespmem:s18], [sflag:$0x2], $0x80, $0x38;
	[tilespmem:$0x100] =	vst v63  }
0x5a: {  	_ =	swait.ge [sflag:s17], $0x80  }
0x5b: {  	[sflag:s17] =	ssyncset.done $0x0  }
0x5c: {  	[sflag:s17] =	ssyncadd.s32 $0xFFFFFF80  }
0x5d: {  	[tilespmem:s2], [sflag:$0x2] =	stream.linear.gather [hbm4b:s8+s2], $0x80, $0x38;
	[tilespmem:$0x100] =	vst v63  }
0x5e: {  	_ =	swait.ge [sflag:s17], $0x80  }
0x5f: {  	[sflag:s17] =	ssyncset.done $0x0  }
0x60: {  	[sflag:s17] =	ssyncadd.s32 $0xFFFFFF80  }
0x61: {  	v5 =	vld [tilespmem:$0x0]  }
0x62: {  	v6 =	vld [tilespmem:$0x10]  }
0x63: {  	v7 =	vld [tilespmem:$0x20]  }
0x64: {  	v52 =	vld [tilespmem:$0x30]  }
0x65: {  	v53 =	vld [tilespmem:$0x40]  }
0x66: {  	v54 =	vld [tilespmem:$0x50];
	v5 =	vadd.s32 v1, v5  }
0x67: {  	[tilespmem:$0x0] =	vst v5;
	v5 =	vadd.s32 v1, v6;
	v6 =	vld [tilespmem:$0x60]  }
0x68: {  	[tilespmem:$0x10] =	vst v5;
	v5 =	vadd.s32 v1, v7;
	v7 =	vld [tilespmem:$0x70]  }
0x69: {  	[tilespmem:$0x20] =	vst v5;
	v5 =	vadd.s32 v1, v52  }
0x6a: {  	[tilespmem:$0x30] =	vst v5;
	v5 =	vadd.s32 v1, v53  }
0x6b: {  	[tilespmem:$0x40] =	vst v5;
	v5 =	vadd.s32 v1, v54  }
0x6c: {  	[tilespmem:$0x50] =	vst v5;
	v5 =	vadd.s32 v1, v6  }
0x6d: {  	[tilespmem:$0x60] =	vst v5;
	v5 =	vadd.s32 v1, v7  }
0x6e: {  	[tilespmem:$0x70] =	vst v5  }
0x6f: {  	[tilespmem:s18], [sflag:$0x1] =	stream.indirect.gather [hbm4b:s3+s18], $0x1, s2, s18, $0xb8;
	[tilespmem:$0x100] =	vst v63  }
0x70: {  	_ =	swait.ge [sflag:s19], $0x80  }
0x71: {  	[sflag:s19] =	ssyncset.done $0x0  }
0x72: {  	[sflag:s19] =	ssyncadd.s32 $0xFFFFFF80  }
0x73: {  	[hbm4b:s9+s2] =	stream.linear.scatter [tilespmem:s18], [sflag:$0x2], $0x80, $0x38;
	[tilespmem:$0x100] =	vst v63  }
0x74: {  	_ =	swait.ge [sflag:s17], $0x80  }
0x75: {  	[sflag:s17] =	ssyncset.done $0x0  }
0x76: {  	[sflag:s17] =	ssyncadd.s32 $0xFFFFFF80  }
0x77: {  	[tilespmem:s2], [sflag:$0x2] =	stream.linear.gather [hbm4b:s10+s2], $0x80, $0x38;
	[tilespmem:$0x100] =	vst v63  }
0x78: {  	_ =	swait.ge [sflag:s17], $0x80  }
0x79: {  	[sflag:s17] =	ssyncset.done $0x0  }
0x7a: {  	[sflag:s17] =	ssyncadd.s32 $0xFFFFFF80  }
0x7b: {  	v5 =	vld [tilespmem:$0x0]  }
0x7c: {  	v6 =	vld [tilespmem:$0x10]  }
0x7d: {  	v7 =	vld [tilespmem:$0x20]  }
0x7e: {  	v55 =	vld [tilespmem:$0x30]  }
0x7f: {  	v56 =	vld [tilespmem:$0x40]  }
0x80: {  	v57 =	vld [tilespmem:$0x50];
	v5 =	vadd.s32 v2, v5  }
0x81: {  	[tilespmem:$0x0] =	vst v5;
	v5 =	vadd.s32 v2, v6;
	v6 =	vld [tilespmem:$0x60]  }
0x82: {  	[tilespmem:$0x10] =	vst v5;
	v5 =	vadd.s32 v2, v7;
	v7 =	vld [tilespmem:$0x70]  }
0x83: {  	[tilespmem:$0x20] =	vst v5;
	v5 =	vadd.s32 v2, v55  }
0x84: {  	[tilespmem:$0x30] =	vst v5;
	v5 =	vadd.s32 v2, v56  }
0x85: {  	[tilespmem:$0x40] =	vst v5;
	v5 =	vadd.s32 v2, v57  }
0x86: {  	[tilespmem:$0x50] =	vst v5;
	v5 =	vadd.s32 v2, v6  }
0x87: {  	[tilespmem:$0x60] =	vst v5;
	v5 =	vadd.s32 v2, v7  }
0x88: {  	[tilespmem:$0x70] =	vst v5  }
0x89: {  	[tilespmem:s18], [sflag:$0x1] =	stream.indirect.gather [hbm4b:s3+s18], $0x1, s2, s18, $0xb8;
	[tilespmem:$0x100] =	vst v63  }
0x8a: {  	_ =	swait.ge [sflag:s19], $0x80  }
0x8b: {  	[sflag:s19] =	ssyncset.done $0x0  }
0x8c: {  	[sflag:s19] =	ssyncadd.s32 $0xFFFFFF80  }
0x8d: {  	[hbm4b:s11+s2] =	stream.linear.scatter [tilespmem:s18], [sflag:$0x2], $0x80, $0x38;
	[tilespmem:$0x100] =	vst v63  }
0x8e: {  	_ =	swait.ge [sflag:s17], $0x80  }
0x8f: {  	[sflag:s17] =	ssyncset.done $0x0  }
0x90: {  	[sflag:s17] =	ssyncadd.s32 $0xFFFFFF80  }
0x91: {  	[tilespmem:s2], [sflag:$0x2] =	stream.linear.gather [hbm4b:s12+s2], $0x80, $0x38;
	[tilespmem:$0x100] =	vst v63  }
0x92: {  	_ =	swait.ge [sflag:s17], $0x80  }
0x93: {  	[sflag:s17] =	ssyncset.done $0x0  }
0x94: {  	[sflag:s17] =	ssyncadd.s32 $0xFFFFFF80  }
0x95: {  	v5 =	vld [tilespmem:$0x0]  }
0x96: {  	v6 =	vld [tilespmem:$0x10]  }
0x97: {  	v7 =	vld [tilespmem:$0x20]  }
0x98: {  	v58 =	vld [tilespmem:$0x30]  }
0x99: {  	v59 =	vld [tilespmem:$0x40]  }
0x9a: {  	v60 =	vld [tilespmem:$0x50];
	v5 =	vadd.s32 v3, v5  }
0x9b: {  	[tilespmem:$0x0] =	vst v5;
	v5 =	vadd.s32 v3, v6;
	v6 =	vld [tilespmem:$0x60]  }
0x9c: {  	[tilespmem:$0x10] =	vst v5;
	v5 =	vadd.s32 v3, v7;
	v7 =	vld [tilespmem:$0x70]  }
0x9d: {  	[tilespmem:$0x20] =	vst v5;
	v5 =	vadd.s32 v3, v58  }
0x9e: {  	[tilespmem:$0x30] =	vst v5;
	v5 =	vadd.s32 v3, v59  }
0x9f: {  	[tilespmem:$0x40] =	vst v5;
	v5 =	vadd.s32 v3, v60  }
0xa0: {  	[tilespmem:$0x50] =	vst v5;
	v5 =	vadd.s32 v3, v6  }
0xa1: {  	[tilespmem:$0x60] =	vst v5;
	v5 =	vadd.s32 v3, v7  }
0xa2: {  	[tilespmem:$0x70] =	vst v5  }
0xa3: {  	[tilespmem:s18], [sflag:$0x1] =	stream.indirect.gather [hbm4b:s3+s18], $0x1, s2, s18, $0xb8;
	[tilespmem:$0x100] =	vst v63  }
0xa4: {  	_ =	swait.ge [sflag:s19], $0x80  }
0xa5: {  	[sflag:s19] =	ssyncset.done $0x0  }
0xa6: {  	[sflag:s19] =	ssyncadd.s32 $0xFFFFFF80  }
0xa7: {  	[hbm4b:s13+s2] =	stream.linear.scatter [tilespmem:s18], [sflag:$0x2], $0x80, $0x38;
	[tilespmem:$0x100] =	vst v63  }
0xa8: {  	_ =	swait.ge [sflag:s17], $0x80  }
0xa9: {  	[sflag:s17] =	ssyncset.done $0x0  }
0xaa: {  	[sflag:s17] =	ssyncadd.s32 $0xFFFFFF80  }
0xab: {  	[tilespmem:s2], [sflag:$0x2] =	stream.linear.gather [hbm4b:s14+s2], $0x80, $0x38;
	[tilespmem:$0x100] =	vst v63  }
0xac: {  	_ =	swait.ge [sflag:s17], $0x80  }
0xad: {  	[sflag:s17] =	ssyncset.done $0x0  }
0xae: {  	[sflag:s17] =	ssyncadd.s32 $0xFFFFFF80  }
0xaf: {  	v5 =	vld [tilespmem:$0x0]  }
0xb0: {  	v6 =	vld [tilespmem:$0x10]  }
0xb1: {  	v7 =	vld [tilespmem:$0x20]  }
0xb2: {  	v61 =	vld [tilespmem:$0x30]  }
0xb3: {  	v62 =	vld [tilespmem:$0x40]  }
0xb4: {  	v63 =	vld [tilespmem:$0x50];
	v5 =	vadd.s32 v4, v5  }
0xb5: {  	[tilespmem:$0x0] =	vst v5;
	v5 =	vadd.s32 v4, v6;
	v6 =	vld [tilespmem:$0x60]  }
0xb6: {  	[tilespmem:$0x10] =	vst v5;
	v5 =	vadd.s32 v4, v7;
	v7 =	vld [tilespmem:$0x70]  }
0xb7: {  	[tilespmem:$0x20] =	vst v5;
	v5 =	vadd.s32 v4, v61  }
0xb8: {  	[tilespmem:$0x30] =	vst v5;
	v5 =	vadd.s32 v4, v62  }
0xb9: {  	[tilespmem:$0x40] =	vst v5;
	v5 =	vadd.s32 v4, v63  }
0xba: {  	[tilespmem:$0x50] =	vst v5;
	v5 =	vadd.s32 v4, v6  }
0xbb: {  	[tilespmem:$0x60] =	vst v5;
	v5 =	vadd.s32 v4, v7  }
0xbc: {  	[tilespmem:$0x70] =	vst v5  }
0xbd: {  	[tilespmem:s18], [sflag:$0x1] =	stream.indirect.gather [hbm4b:s3+s18], $0x1, s2, s18, $0xb8;
	[tilespmem:$0x100] =	vst v63  }
0xbe: {  	_ =	swait.ge [sflag:s19], $0x80  }
0xbf: {  	p0 =	sne.s32 s16, $0x1;
	[sflag:s19] =	ssyncset.done $0x0  }
.Ltmp0:
0xc0: {  	[sflag:s19] =	ssyncadd.s32 $0xFFFFFF80;
	(pc) =	sbr.rel @p0 .LBB2_1-.Ltmp0, $4  }
0xc1: {  	[hbm4b:s15+s2] =	stream.linear.scatter [tilespmem:s18], [sflag:$0x2], $0x80, $0x38;
	[tilespmem:$0x100] =	vst v63  }
0xc2: {  	_ =	swait.ge [sflag:s17], $0x80  }
0xc3: {  	[sflag:s17] =	ssyncset.done $0x0  }
0xc4: {  	s16 =	sadd.s32 $0xFFFFFFFF, s16;
	[sflag:s17] =	ssyncadd.s32 $0xFFFFFF80  }
0xc5: {  	_ =	sfence.sel $0x180000  }
0xc6: {  	[bflag:$0x0] =	sbarrier.arrive $0xFFFF  }
0xc7: {  	p0 =	sne.s32 s0, $0x0;
	_ =	strace $0x90000047  }
0xc8: {  	s0 =	sadd.s32 @!p0 $0x100000, s1;
	[bflag:$0x2] =	sbarrier.arrive $0xFFFF  }
0xc9: {  	[sflag:s0] =	ssyncadd.tile.s32 @!p0 $0x1;
	_ =	shalt  }
.Lfunc_end2:
_tile_overlayer_lowered:
.L_overlay_start_2:
0xca: {  	(tag) =	ssettag $0x2  }
0xcb: {  	s0 =	rddreg [dreg:$0x0];
	s2 =	stileid.u32  }
0xcc: {  	s1 =	rddreg [dreg:$0x1];
	p0 =	sne.s32 s2, $0x0  }
0xcd: {  	s3 =	rddreg [dreg:$0x2];
	[bflag:$0x3] =	sbarrier.arrive $0xFFFF;
	s2 =	simm.s32 @!p0 $0x1C02  }
0xce: {  	[timem:s3], [sflag:s2] =	dma.local @!p0 [hbm:s0], s1  }
0xcf: {  	s0 =	simm.s32 @!p0 $0x2  }
0xd0: {  	_ =	swait.ge @!p0 [sflag:s0], s1  }
0xd1: {  	s1 =	ssub.s32 @!p0 $0x0, s1;
	[sflag:s0] =	ssyncset.done @!p0 $0x0  }
0xd2: {  	[sflag:s0] =	ssyncadd.s32 @!p0 s1  }
0xd3: {  	[bflag:$0x3] =	sbarrier.arrive $0xFFFF  }
0xd4: {  	_ =	shalt  }

</sc_bundles>
